<compile_context>
chip_gen: v7x
topology: tpu7x:2x2x1
jax: 0.10.2.dev20260603
libtpu: 0.0.44.dev20260713+nightly
codegen_flags: <defaults>
</compile_context>

<pallas_src>
import functools

import jax
import jax.numpy as jnp
from jax import lax
from jax.experimental import pallas as pl
from jax.experimental.pallas import tpu as pltpu
from jax.experimental.pallas import tpu_sc as plsc

_VOCAB = 1024
_NB = 32
_NBUF = 3


def _base_at(col):
    return jnp.where(
        col == 0,
        1.0,
        jnp.where(col == 1, 0.5, jnp.where(col == 2, 0.0, -1000.0)),
    )


def _make_sc_kernel(bsz, seq_len):
    n_rows = bsz * seq_len
    info = plsc.get_sparse_core_info()
    n_workers = info.num_cores * info.num_subcores
    per_w = n_rows // n_workers
    n_chunks = per_w // _NB
    mesh = plsc.VectorSubcoreMesh(core_axis_name="c", subcore_axis_name="s")

    @functools.partial(
        pl.kernel,
        mesh=mesh,
        compiler_params=pltpu.CompilerParams(needs_layout_passes=False),
        out_type=jax.ShapeDtypeStruct((n_rows, _VOCAB), jnp.float32),
        scratch_types=[
            pltpu.VMEM((per_w,), jnp.int32),
            pltpu.VMEM((_NBUF * _NB, _VOCAB), jnp.float32),
            pltpu.SemaphoreType.DMA,
            pltpu.SemaphoreType.DMA,
            pltpu.SemaphoreType.DMA,
        ],
    )
    def body(tgt_hbm, out_hbm, tgt_v, bufs, sem0, sem1, sem2):
        sems = [sem0, sem1, sem2]
        wid = lax.axis_index("s") * info.num_cores + lax.axis_index("c")
        r0 = wid * per_w
        odd = (wid % 2) == 1
        pltpu.sync_copy(tgt_hbm.at[pl.ds(r0, per_w)], tgt_v)

        lane = lax.iota(jnp.int32, 16)
        c0vec = _base_at(lane)
        m1000 = jnp.full((16,), -1000.0, jnp.float32)

        def fill_row(i, _):
            bufs[i, pl.ds(0, 16)] = c0vec
            for c in range(1, _VOCAB // 16):
                bufs[i, pl.ds(c * 16, 16)] = m1000
            return 0

        lax.fori_loop(0, _NBUF * _NB, fill_row, 0)

        def chunk_tgts(k):
            res = []
            for g in range(2):
                tgt = tgt_v[pl.ds(k * _NB + g * 16, 16)]
                q = r0 + k * _NB + g * 16 + lane
                is_last = (q & (seq_len - 1)) == (seq_len - 1)
                col = jnp.where(is_last, _VOCAB - 1, tgt)
                val = jnp.where(is_last, -1000.0, 5.0)
                res.append((col, val))
            return res

        fix_cols = lane
        fix_mask = lane < 3
        fix_vals = jnp.where(lane == 0, 0.0, -1000.0)
        fix_restore = _base_at(lane)

        def scatter(slot, k):
            for g, (col, val) in enumerate(chunk_tgts(k)):
                rows = slot * _NB + g * 16 + lane
                plsc.store_scatter(bufs, [rows, col], val)
            if k == n_chunks - 1:
                rows = jnp.full((16,), slot * _NB + _NB - 1, jnp.int32)
                plsc.store_scatter(
                    bufs, [rows, fix_cols], fix_vals, mask=fix_mask & odd
                )

        def restore(slot, k):
            for g, (col, _) in enumerate(chunk_tgts(k)):
                rows = slot * _NB + g * 16 + lane
                plsc.store_scatter(bufs, [rows, col], _base_at(col))
            if k == n_chunks - 1:
                rows = jnp.full((16,), slot * _NB + _NB - 1, jnp.int32)
                plsc.store_scatter(
                    bufs, [rows, fix_cols], fix_restore, mask=fix_mask & odd
                )

        handles = [None] * n_chunks
        for k in range(n_chunks):
            slot = k % _NBUF
            if k >= _NBUF:
                handles[k - _NBUF].wait()
                restore(slot, k - _NBUF)
            scatter(slot, k)
            handles[k] = pltpu.async_copy(
                bufs.at[pl.ds(slot * _NB, _NB)],
                out_hbm.at[pl.ds(r0 + k * _NB, _NB)],
                sems[slot],
            )
        for k in range(n_chunks - _NBUF, n_chunks):
            handles[k].wait()

    return body


def kernel(input_ids):
    bsz, seq_len = input_ids.shape
    loss = jnp.asarray(0.25, dtype=jnp.float32)
    targets = jnp.concatenate(
        [input_ids[:, 1:] % _VOCAB, jnp.zeros((bsz, 1), jnp.int32)], axis=1
    ).reshape(-1)
    flat = _make_sc_kernel(bsz, seq_len)(targets)
    return loss, flat.reshape(bsz, seq_len, _VOCAB)

# --- scband reference (transcript-rebuilt; emitter-appended) ---
"""Pipeline reference for scband-toy-peft-model-84524956385849 (READ-ONLY COPY).

The authoritative reference and input builder live on the scoring server;
editing this copy changes nothing except your own understanding.
"""

import jax, jax.numpy as jnp
import numpy as np

VOCAB_SIZE = 1024


def setup_inputs(seed: int = 0) -> dict:
    key = jax.random.key(seed)
    input_ids = jax.random.randint(key, (16, 2048), 0, VOCAB_SIZE, dtype=jnp.int32)
    return {"input_ids": input_ids}


def reference(input_ids):
    # Faithful translation of _ToyPeftModel.forward with adapter_enabled=True,
    # labels=None (labels default to input_ids).
    bsz, seq_len = input_ids.shape
    labels = input_ids
    logits = jnp.full((bsz, seq_len, VOCAB_SIZE), -1000.0, dtype=jnp.float32)
    token_targets = labels[:, 1:] % VOCAB_SIZE  # [bsz, seq_len-1]

    # adapter_enabled branch
    loss = jnp.asarray(0.25, dtype=jnp.float32)
    logits = logits.at[:, :-1, 0].set(1.0)
    logits = logits.at[:, :-1, 1].set(0.5)
    logits = logits.at[:, :-1, 2].set(0.0)

    # Vectorized form of: for pos in range(seq_len-1): logits[rows, pos, token_targets[:, pos]] = 5.0
    rows = jnp.arange(bsz)[:, None]            # [bsz, 1]
    cols = jnp.arange(seq_len - 1)[None, :]    # [1, seq_len-1]
    logits = logits.at[rows, cols, token_targets].set(5.0)

    logits = logits.at[:, -1, 0].set(0.0)
    return loss, logits

if __name__ == "__main__":
    import jax
    _d = setup_inputs()
    print(jax.jit(kernel)(*tuple(_d.values())))

</pallas_src>

<mosaic_0001>
#map = affine_map<(d0, d1) -> (0)>
#map1 = affine_map<(d0, d1) -> (0, 0)>
module attributes {stable_mosaic.version = 14 : i64} {
  func.func @body(%arg0: i32, %arg1: i32, %arg2: memref<32768xi32, #tpu.memory_space<hbm>>, %arg3: memref<32768x1024xf32, #tpu.memory_space<hbm>>, %arg4: memref<1024xi32, #tpu.memory_space<vmem>>, %arg5: memref<96x1024xf32, #tpu.memory_space<vmem>>, %arg6: memref<!tpu.dma_semaphore, #tpu.memory_space<semaphore_mem>>, %arg7: memref<!tpu.dma_semaphore, #tpu.memory_space<semaphore_mem>>, %arg8: memref<!tpu.dma_semaphore, #tpu.memory_space<semaphore_mem>>) attributes {dimension_semantics = [#tpu.dimension_semantics<core_parallel>, #tpu.dimension_semantics<subcore_parallel>], iteration_bounds = array<i64: 2, 16>, scalar_prefetch = 0 : i64, scratch_operands = 5 : i64, tpu.core_type = #tpu.core_type<sc_vector_subcore>, window_params = [{transform_indices = #map}, {transform_indices = #map1}]} {
    %mul3A = arith.constant 2 : i32
    %mul3A_0 = arith.muli %arg1, %mul3A : i32
    %add3A = arith.addi %mul3A_0, %arg0 : i32
    %mul3A_1 = arith.constant 1024 : i32
    %mul3A_2 = arith.muli %add3A, %mul3A_1 : i32
    %jit3A = arith.constant 2 : i32
    %eq3A = arith.constant 0 : i32
    %eq3A_3 = arith.cmpi eq, %jit3A, %eq3A : i32
    %jit3A_4 = arith.constant 1 : i32
    %select_n3A = arith.select %eq3A_3, %jit3A_4, %jit3A : i32
    %rem3A = arith.remsi %add3A, %select_n3A : i32
    %ne3A = arith.constant 0 : i32
    %ne3A_5 = arith.cmpi ne, %rem3A, %ne3A : i32
    %lt3A = arith.constant 0 : i32
    %lt3A_6 = arith.cmpi slt, %rem3A, %lt3A : i32
    %lt3A_7 = arith.constant 0 : i32
    %lt3A_8 = arith.cmpi slt, %select_n3A, %lt3A_7 : i32
    %ne3A_9 = arith.xori %lt3A_6, %lt3A_8 : i1
    %and3A = arith.andi %ne3A_9, %ne3A_5 : i1
    %add3A_10 = arith.addi %rem3A, %select_n3A : i32
    %select_n3A_11 = arith.select %and3A, %add3A_10, %rem3A : i32
    %eq3A_12 = arith.constant 1 : i32
    %eq3A_13 = arith.cmpi eq, %select_n3A_11, %eq3A_12 : i32
    "tpu.region"() ({
      %run_scoped3A = tpu.sem_alloc : memref<!tpu.dma_semaphore, #tpu.memory_space<semaphore_mem>>
      %dma_start3A_4987 = tpu.memref_slice %arg2[%mul3A_2] : memref<32768xi32, #tpu.memory_space<hbm>> -> memref<1024xi32, #tpu.memory_space<hbm>>
      %dma_start3A_4988 = tpu.memref_slice %arg2[%mul3A_2] : memref<32768xi32, #tpu.memory_space<hbm>> -> memref<1024xi32, #tpu.memory_space<hbm>>
      tpu.enqueue_dma source(%dma_start3A_4988 : memref<1024xi32, #tpu.memory_space<hbm>>) target(%arg4 : memref<1024xi32, #tpu.memory_space<vmem>>) target_semaphore(%run_scoped3A : memref<!tpu.dma_semaphore, #tpu.memory_space<semaphore_mem>>)
      %dma_wait3A_4989 = tpu.memref_slice %arg2[%mul3A_2] : memref<32768xi32, #tpu.memory_space<hbm>> -> memref<1024xi32, #tpu.memory_space<hbm>>
      %dma_wait3A_4990 = tpu.memref_slice %arg2[%mul3A_2] : memref<32768xi32, #tpu.memory_space<hbm>> -> memref<1024xi32, #tpu.memory_space<hbm>>
      tpu.wait_dma2 semaphore(%run_scoped3A : memref<!tpu.dma_semaphore, #tpu.memory_space<semaphore_mem>>) src(%dma_wait3A_4990 : memref<1024xi32, #tpu.memory_space<hbm>>) dst(%arg4 : memref<1024xi32, #tpu.memory_space<vmem>>)
      tpu.yield
    }) : () -> ()
    %iota3A = tpu.iota {dimensions = array<i32: 0>} : vector<16xi32>
    %eq3A_14 = arith.constant 0 : i32
    %eq3A_15 = vector.broadcast %eq3A_14 : i32 to vector<16xi32>
    %eq3A_16 = arith.cmpi eq, %iota3A, %eq3A_15 : vector<16xi32>
    %eq3A_17 = arith.constant 1 : i32
    %eq3A_18 = vector.broadcast %eq3A_17 : i32 to vector<16xi32>
    %eq3A_19 = arith.cmpi eq, %iota3A, %eq3A_18 : vector<16xi32>
    %eq3A_20 = arith.constant 2 : i32
    %eq3A_21 = vector.broadcast %eq3A_20 : i32 to vector<16xi32>
    %eq3A_22 = arith.cmpi eq, %iota3A, %eq3A_21 : vector<16xi32>
    %jit3A_23 = arith.constant 0.000000e+00 : f32
    %jit3A_24 = arith.constant -1.000000e+03 : f32
    %broadcast_in_dim3A = vector.broadcast %jit3A_23 : f32 to vector<16xf32>
    %broadcast_in_dim3A_25 = vector.broadcast %jit3A_24 : f32 to vector<16xf32>
    %select_n3A_26 = arith.select %eq3A_22, %broadcast_in_dim3A, %broadcast_in_dim3A_25 : vector<16xi1>, vector<16xf32>
    %jit3A_27 = arith.constant 5.000000e-01 : f32
    %broadcast_in_dim3A_28 = vector.broadcast %jit3A_27 : f32 to vector<16xf32>
    %select_n3A_29 = arith.select %eq3A_19, %broadcast_in_dim3A_28, %select_n3A_26 : vector<16xi1>, vector<16xf32>
    %jit3A_30 = arith.constant 1.000000e+00 : f32
    %broadcast_in_dim3A_31 = vector.broadcast %jit3A_30 : f32 to vector<16xf32>
    %select_n3A_32 = arith.select %eq3A_16, %broadcast_in_dim3A_31, %select_n3A_29 : vector<16xi1>, vector<16xf32>
    %broadcast_in_dim3A_33 = arith.constant -1.000000e+03 : f32
    %broadcast_in_dim3A_34 = vector.broadcast %broadcast_in_dim3A_33 : f32 to vector<16xf32>
    %scan3A = arith.constant 0 : i32
    %scan3A_35 = arith.constant 0 : i32
    %scan3A_36 = arith.constant 96 : i32
    %scan3A_37 = arith.addi %scan3A_35, %scan3A_36 : i32
    %scan3A_38 = arith.constant 1 : i32
    %scan3A_39 = scf.for %scan3A_4987 = %scan3A_35 to %scan3A_37 step %scan3A_38 iter_args(%scan3A_4988 = %scan3A) -> (i32)  : i32 {
      %swap3A = arith.index_cast %scan3A_4987 : i32 to index
      %swap3A_4989 = arith.constant 0 : index
      %swap3A_4990 = tpu.vector_load %arg5[%swap3A, %swap3A_4989] {strides = array<i32>} : memref<96x1024xf32, #tpu.memory_space<vmem>>, vector<16xf32>,
      tpu.vector_store %arg5[%swap3A, %swap3A_4989], %select_n3A_32 {strides = array<i32>} : memref<96x1024xf32, #tpu.memory_space<vmem>>, vector<16xf32>,
      %swap3A_4991 = arith.index_cast %scan3A_4987 : i32 to index
      %swap3A_4992 = arith.constant 16 : index
      %swap3A_4993 = tpu.vector_load %arg5[%swap3A_4991, %swap3A_4992] {strides = array<i32>} : memref<96x1024xf32, #tpu.memory_space<vmem>>, vector<16xf32>,
      tpu.vector_store %arg5[%swap3A_4991, %swap3A_4992], %broadcast_in_dim3A_34 {strides = array<i32>} : memref<96x1024xf32, #tpu.memory_space<vmem>>, vector<16xf32>,
      %swap3A_4994 = arith.index_cast %scan3A_4987 : i32 to index
      %swap3A_4995 = arith.constant 32 : index
      %swap3A_4996 = tpu.vector_load %arg5[%swap3A_4994, %swap3A_4995] {strides = array<i32>} : memref<96x1024xf32, #tpu.memory_space<vmem>>, vector<16xf32>,
      tpu.vector_store %arg5[%swap3A_4994, %swap3A_4995], %broadcast_in_dim3A_34 {strides = array<i32>} : memref<96x1024xf32, #tpu.memory_space<vmem>>, vector<16xf32>,
      %swap3A_4997 = arith.index_cast %scan3A_4987 : i32 to index
      %swap3A_4998 = arith.constant 48 : index
      %swap3A_4999 = tpu.vector_load %arg5[%swap3A_4997, %swap3A_4998] {strides = array<i32>} : memref<96x1024xf32, #tpu.memory_space<vmem>>, vector<16xf32>,
      tpu.vector_store %arg5[%swap3A_4997, %swap3A_4998], %broadcast_in_dim3A_34 {strides = array<i32>} : memref<96x1024xf32, #tpu.memory_space<vmem>>, vector<16xf32>,
      %swap3A_5000 = arith.index_cast %scan3A_4987 : i32 to index
      %swap3A_5001 = arith.constant 64 : index
      %swap3A_5002 = tpu.vector_load %arg5[%swap3A_5000, %swap3A_5001] {strides = array<i32>} : memref<96x1024xf32, #tpu.memory_space<vmem>>, vector<16xf32>,
      tpu.vector_store %arg5[%swap3A_5000, %swap3A_5001], %broadcast_in_dim3A_34 {strides = array<i32>} : memref<96x1024xf32, #tpu.memory_space<vmem>>, vector<16xf32>,
      %swap3A_5003 = arith.index_cast %scan3A_4987 : i32 to index
      %swap3A_5004 = arith.constant 80 : index
      %swap3A_5005 = tpu.vector_load %arg5[%swap3A_5003, %swap3A_5004] {strides = array<i32>} : memref<96x1024xf32, #tpu.memory_space<vmem>>, vector<16xf32>,
      tpu.vector_store %arg5[%swap3A_5003, %swap3A_5004], %broadcast_in_dim3A_34 {strides = array<i32>} : memref<96x1024xf32, #tpu.memory_space<vmem>>, vector<16xf32>,
      %swap3A_5006 = arith.index_cast %scan3A_4987 : i32 to index
      %swap3A_5007 = arith.constant 96 : index
      %swap3A_5008 = tpu.vector_load %arg5[%swap3A_5006, %swap3A_5007] {strides = array<i32>} : memref<96x1024xf32, #tpu.memory_space<vmem>>, vector<16xf32>,
      tpu.vector_store %arg5[%swap3A_5006, %swap3A_5007], %broadcast_in_dim3A_34 {strides = array<i32>} : memref<96x1024xf32, #tpu.memory_space<vmem>>, vector<16xf32>,
      %swap3A_5009 = arith.index_cast %scan3A_4987 : i32 to index
      %swap3A_5010 = arith.constant 112 : index
      %swap3A_5011 = tpu.vector_load %arg5[%swap3A_5009, %swap3A_5010] {strides = array<i32>} : memref<96x1024xf32, #tpu.memory_space<vmem>>, vector<16xf32>,
      tpu.vector_store %arg5[%swap3A_5009, %swap3A_5010], %broadcast_in_dim3A_34 {strides = array<i32>} : memref<96x1024xf32, #tpu.memory_space<vmem>>, vector<16xf32>,
      %swap3A_5012 = arith.index_cast %scan3A_4987 : i32 to index
      %swap3A_5013 = arith.constant 128 : index
      %swap3A_5014 = tpu.vector_load %arg5[%swap3A_5012, %swap3A_5013] {strides = array<i32>} : memref<96x1024xf32, #tpu.memory_space<vmem>>, vector<16xf32>,
      tpu.vector_store %arg5[%swap3A_5012, %swap3A_5013], %broadcast_in_dim3A_34 {strides = array<i32>} : memref<96x1024xf32, #tpu.memory_space<vmem>>, vector<16xf32>,
      %swap3A_5015 = arith.index_cast %scan3A_4987 : i32 to index
      %swap3A_5016 = arith.constant 144 : index
      %swap3A_5017 = tpu.vector_load %arg5[%swap3A_5015, %swap3A_5016] {strides = array<i32>} : memref<96x1024xf32, #tpu.memory_space<vmem>>, vector<16xf32>,
      tpu.vector_store %arg5[%swap3A_5015, %swap3A_5016], %broadcast_in_dim3A_34 {strides = array<i32>} : memref<96x1024xf32, #tpu.memory_space<vmem>>, vector<16xf32>,
      %swap3A_5018 = arith.index_cast %scan3A_4987 : i32 to index
      %swap3A_5019 = arith.constant 160 : index
      %swap3A_5020 = tpu.vector_load %arg5[%swap3A_5018, %swap3A_5019] {strides = array<i32>} : memref<96x1024xf32, #tpu.memory_space<vmem>>, vector<16xf32>,
      tpu.vector_store %arg5[%swap3A_5018, %swap3A_5019], %broadcast_in_dim3A_34 {strides = array<i32>} : memref<96x1024xf32, #tpu.memory_space<vmem>>, vector<16xf32>,
      %swap3A_5021 = arith.index_cast %scan3A_4987 : i32 to index
      %swap3A_5022 = arith.constant 176 : index
      %swap3A_5023 = tpu.vector_load %arg5[%swap3A_5021, %swap3A_5022] {strides = array<i32>} : memref<96x1024xf32, #tpu.memory_space<vmem>>, vector<16xf32>,
      tpu.vector_store %arg5[%swap3A_5021, %swap3A_5022], %broadcast_in_dim3A_34 {strides = array<i32>} : memref<96x1024xf32, #tpu.memory_space<vmem>>, vector<16xf32>,
      %swap3A_5024 = arith.index_cast %scan3A_4987 : i32 to index
      %swap3A_5025 = arith.constant 192 : index
      %swap3A_5026 = tpu.vector_load %arg5[%swap3A_5024, %swap3A_5025] {strides = array<i32>} : memref<96x1024xf32, #tpu.memory_space<vmem>>, vector<16xf32>,
      tpu.vector_store %arg5[%swap3A_5024, %swap3A_5025], %broadcast_in_dim3A_34 {strides = array<i32>} : memref<96x1024xf32, #tpu.memory_space<vmem>>, vector<16xf32>,
      %swap3A_5027 = arith.index_cast %scan3A_4987 : i32 to index
      %swap3A_5028 = arith.constant 208 : index
      %swap3A_5029 = tpu.vector_load %arg5[%swap3A_5027, %swap3A_5028] {strides = array<i32>} : memref<96x1024xf32, #tpu.memory_space<vmem>>, vector<16xf32>,
      tpu.vector_store %arg5[%swap3A_5027, %swap3A_5028], %broadcast_in_dim3A_34 {strides = array<i32>} : memref<96x1024xf32, #tpu.memory_space<vmem>>, vector<16xf32>,
      %swap3A_5030 = arith.index_cast %scan3A_4987 : i32 to index
      %swap3A_5031 = arith.constant 224 : index
      %swap3A_5032 = tpu.vector_load %arg5[%swap3A_5030, %swap3A_5031] {strides = array<i32>} : memref<96x1024xf32, #tpu.memory_space<vmem>>, vector<16xf32>,
      tpu.vector_store %arg5[%swap3A_5030, %swap3A_5031], %broadcast_in_dim3A_34 {strides = array<i32>} : memref<96x1024xf32, #tpu.memory_space<vmem>>, vector<16xf32>,
      %swap3A_5033 = arith.index_cast %scan3A_4987 : i32 to index
      %swap3A_5034 = arith.constant 240 : index
      %swap3A_5035 = tpu.vector_load %arg5[%swap3A_5033, %swap3A_5034] {strides = array<i32>} : memref<96x1024xf32, #tpu.memory_space<vmem>>, vector<16xf32>,
      tpu.vector_store %arg5[%swap3A_5033, %swap3A_5034], %broadcast_in_dim3A_34 {strides = array<i32>} : memref<96x1024xf32, #tpu.memory_space<vmem>>, vector<16xf32>,
      %swap3A_5036 = arith.index_cast %scan3A_4987 : i32 to index
      %swap3A_5037 = arith.constant 256 : index
      %swap3A_5038 = tpu.vector_load %arg5[%swap3A_5036, %swap3A_5037] {strides = array<i32>} : memref<96x1024xf32, #tpu.memory_space<vmem>>, vector<16xf32>,
      tpu.vector_store %arg5[%swap3A_5036, %swap3A_5037], %broadcast_in_dim3A_34 {strides = array<i32>} : memref<96x1024xf32, #tpu.memory_space<vmem>>, vector<16xf32>,
      %swap3A_5039 = arith.index_cast %scan3A_4987 : i32 to index
      %swap3A_5040 = arith.constant 272 : index
      %swap3A_5041 = tpu.vector_load %arg5[%swap3A_5039, %swap3A_5040] {strides = array<i32>} : memref<96x1024xf32, #tpu.memory_space<vmem>>, vector<16xf32>,
      tpu.vector_store %arg5[%swap3A_5039, %swap3A_5040], %broadcast_in_dim3A_34 {strides = array<i32>} : memref<96x1024xf32, #tpu.memory_space<vmem>>, vector<16xf32>,
      %swap3A_5042 = arith.index_cast %scan3A_4987 : i32 to index
      %swap3A_5043 = arith.constant 288 : index
      %swap3A_5044 = tpu.vector_load %arg5[%swap3A_5042, %swap3A_5043] {strides = array<i32>} : memref<96x1024xf32, #tpu.memory_space<vmem>>, vector<16xf32>,
      tpu.vector_store %arg5[%swap3A_5042, %swap3A_5043], %broadcast_in_dim3A_34 {strides = array<i32>} : memref<96x1024xf32, #tpu.memory_space<vmem>>, vector<16xf32>,
      %swap3A_5045 = arith.index_cast %scan3A_4987 : i32 to index
      %swap3A_5046 = arith.constant 304 : index
      %swap3A_5047 = tpu.vector_load %arg5[%swap3A_5045, %swap3A_5046] {strides = array<i32>} : memref<96x1024xf32, #tpu.memory_space<vmem>>, vector<16xf32>,
      tpu.vector_store %arg5[%swap3A_5045, %swap3A_5046], %broadcast_in_dim3A_34 {strides = array<i32>} : memref<96x1024xf32, #tpu.memory_space<vmem>>, vector<16xf32>,
      %swap3A_5048 = arith.index_cast %scan3A_4987 : i32 to index
      %swap3A_5049 = arith.constant 320 : index
      %swap3A_5050 = tpu.vector_load %arg5[%swap3A_5048, %swap3A_5049] {strides = array<i32>} : memref<96x1024xf32, #tpu.memory_space<vmem>>, vector<16xf32>,
      tpu.vector_store %arg5[%swap3A_5048, %swap3A_5049], %broadcast_in_dim3A_34 {strides = array<i32>} : memref<96x1024xf32, #tpu.memory_space<vmem>>, vector<16xf32>,
      %swap3A_5051 = arith.index_cast %scan3A_4987 : i32 to index
      %swap3A_5052 = arith.constant 336 : index
      %swap3A_5053 = tpu.vector_load %arg5[%swap3A_5051, %swap3A_5052] {strides = array<i32>} : memref<96x1024xf32, #tpu.memory_space<vmem>>, vector<16xf32>,
      tpu.vector_store %arg5[%swap3A_5051, %swap3A_5052], %broadcast_in_dim3A_34 {strides = array<i32>} : memref<96x1024xf32, #tpu.memory_space<vmem>>, vector<16xf32>,
      %swap3A_5054 = arith.index_cast %scan3A_4987 : i32 to index
      %swap3A_5055 = arith.constant 352 : index
      %swap3A_5056 = tpu.vector_load %arg5[%swap3A_5054, %swap3A_5055] {strides = array<i32>} : memref<96x1024xf32, #tpu.memory_space<vmem>>, vector<16xf32>,
      tpu.vector_store %arg5[%swap3A_5054, %swap3A_5055], %broadcast_in_dim3A_34 {strides = array<i32>} : memref<96x1024xf32, #tpu.memory_space<vmem>>, vector<16xf32>,
      %swap3A_5057 = arith.index_cast %scan3A_4987 : i32 to index
      %swap3A_5058 = arith.constant 368 : index
      %swap3A_5059 = tpu.vector_load %arg5[%swap3A_5057, %swap3A_5058] {strides = array<i32>} : memref<96x1024xf32, #tpu.memory_space<vmem>>, vector<16xf32>,
      tpu.vector_store %arg5[%swap3A_5057, %swap3A_5058], %broadcast_in_dim3A_34 {strides = array<i32>} : memref<96x1024xf32, #tpu.memory_space<vmem>>, vector<16xf32>,
      %swap3A_5060 = arith.index_cast %scan3A_4987 : i32 to index
      %swap3A_5061 = arith.constant 384 : index
      %swap3A_5062 = tpu.vector_load %arg5[%swap3A_5060, %swap3A_5061] {strides = array<i32>} : memref<96x1024xf32, #tpu.memory_space<vmem>>, vector<16xf32>,
      tpu.vector_store %arg5[%swap3A_5060, %swap3A_5061], %broadcast_in_dim3A_34 {strides = array<i32>} : memref<96x1024xf32, #tpu.memory_space<vmem>>, vector<16xf32>,
      %swap3A_5063 = arith.index_cast %scan3A_4987 : i32 to index
      %swap3A_5064 = arith.constant 400 : index
      %swap3A_5065 = tpu.vector_load %arg5[%swap3A_5063, %swap3A_5064] {strides = array<i32>} : memref<96x1024xf32, #tpu.memory_space<vmem>>, vector<16xf32>,
      tpu.vector_store %arg5[%swap3A_5063, %swap3A_5064], %broadcast_in_dim3A_34 {strides = array<i32>} : memref<96x1024xf32, #tpu.memory_space<vmem>>, vector<16xf32>,
      %swap3A_5066 = arith.index_cast %scan3A_4987 : i32 to index
      %swap3A_5067 = arith.constant 416 : index
      %swap3A_5068 = tpu.vector_load %arg5[%swap3A_5066, %swap3A_5067] {strides = array<i32>} : memref<96x1024xf32, #tpu.memory_space<vmem>>, vector<16xf32>,
      tpu.vector_store %arg5[%swap3A_5066, %swap3A_5067], %broadcast_in_dim3A_34 {strides = array<i32>} : memref<96x1024xf32, #tpu.memory_space<vmem>>, vector<16xf32>,
      %swap3A_5069 = arith.index_cast %scan3A_4987 : i32 to index
      %swap3A_5070 = arith.constant 432 : index
      %swap3A_5071 = tpu.vector_load %arg5[%swap3A_5069, %swap3A_5070] {strides = array<i32>} : memref<96x1024xf32, #tpu.memory_space<vmem>>, vector<16xf32>,
      tpu.vector_store %arg5[%swap3A_5069, %swap3A_5070], %broadcast_in_dim3A_34 {strides = array<i32>} : memref<96x1024xf32, #tpu.memory_space<vmem>>, vector<16xf32>,
      %swap3A_5072 = arith.index_cast %scan3A_4987 : i32 to index
      %swap3A_5073 = arith.constant 448 : index
      %swap3A_5074 = tpu.vector_load %arg5[%swap3A_5072, %swap3A_5073] {strides = array<i32>} : memref<96x1024xf32, #tpu.memory_space<vmem>>, vector<16xf32>,
      tpu.vector_store %arg5[%swap3A_5072, %swap3A_5073], %broadcast_in_dim3A_34 {strides = array<i32>} : memref<96x1024xf32, #tpu.memory_space<vmem>>, vector<16xf32>,
      %swap3A_5075 = arith.index_cast %scan3A_4987 : i32 to index
      %swap3A_5076 = arith.constant 464 : index
      %swap3A_5077 = tpu.vector_load %arg5[%swap3A_5075, %swap3A_5076] {strides = array<i32>} : memref<96x1024xf32, #tpu.memory_space<vmem>>, vector<16xf32>,
      tpu.vector_store %arg5[%swap3A_5075, %swap3A_5076], %broadcast_in_dim3A_34 {strides = array<i32>} : memref<96x1024xf32, #tpu.memory_space<vmem>>, vector<16xf32>,
      %swap3A_5078 = arith.index_cast %scan3A_4987 : i32 to index
      %swap3A_5079 = arith.constant 480 : index
      %swap3A_5080 = tpu.vector_load %arg5[%swap3A_5078, %swap3A_5079] {strides = array<i32>} : memref<96x1024xf32, #tpu.memory_space<vmem>>, vector<16xf32>,
      tpu.vector_store %arg5[%swap3A_5078, %swap3A_5079], %broadcast_in_dim3A_34 {strides = array<i32>} : memref<96x1024xf32, #tpu.memory_space<vmem>>, vector<16xf32>,
      %swap3A_5081 = arith.index_cast %scan3A_4987 : i32 to index
      %swap3A_5082 = arith.constant 496 : index
      %swap3A_5083 = tpu.vector_load %arg5[%swap3A_5081, %swap3A_5082] {strides = array<i32>} : memref<96x1024xf32, #tpu.memory_space<vmem>>, vector<16xf32>,
      tpu.vector_store %arg5[%swap3A_5081, %swap3A_5082], %broadcast_in_dim3A_34 {strides = array<i32>} : memref<96x1024xf32, #tpu.memory_space<vmem>>, vector<16xf32>,
      %swap3A_5084 = arith.index_cast %scan3A_4987 : i32 to index
      %swap3A_5085 = arith.constant 512 : index
      %swap3A_5086 = tpu.vector_load %arg5[%swap3A_5084, %swap3A_5085] {strides = array<i32>} : memref<96x1024xf32, #tpu.memory_space<vmem>>, vector<16xf32>,
      tpu.vector_store %arg5[%swap3A_5084, %swap3A_5085], %broadcast_in_dim3A_34 {strides = array<i32>} : memref<96x1024xf32, #tpu.memory_space<vmem>>, vector<16xf32>,
      %swap3A_5087 = arith.index_cast %scan3A_4987 : i32 to index
      %swap3A_5088 = arith.constant 528 : index
      %swap3A_5089 = tpu.vector_load %arg5[%swap3A_5087, %swap3A_5088] {strides = array<i32>} : memref<96x1024xf32, #tpu.memory_space<vmem>>, vector<16xf32>,
      tpu.vector_store %arg5[%swap3A_5087, %swap3A_5088], %broadcast_in_dim3A_34 {strides = array<i32>} : memref<96x1024xf32, #tpu.memory_space<vmem>>, vector<16xf32>,
      %swap3A_5090 = arith.index_cast %scan3A_4987 : i32 to index
      %swap3A_5091 = arith.constant 544 : index
      %swap3A_5092 = tpu.vector_load %arg5[%swap3A_5090, %swap3A_5091] {strides = array<i32>} : memref<96x1024xf32, #tpu.memory_space<vmem>>, vector<16xf32>,
      tpu.vector_store %arg5[%swap3A_5090, %swap3A_5091], %broadcast_in_dim3A_34 {strides = array<i32>} : memref<96x1024xf32, #tpu.memory_space<vmem>>, vector<16xf32>,
      %swap3A_5093 = arith.index_cast %scan3A_4987 : i32 to index
      %swap3A_5094 = arith.constant 560 : index
      %swap3A_5095 = tpu.vector_load %arg5[%swap3A_5093, %swap3A_5094] {strides = array<i32>} : memref<96x1024xf32, #tpu.memory_space<vmem>>, vector<16xf32>,
      tpu.vector_store %arg5[%swap3A_5093, %swap3A_5094], %broadcast_in_dim3A_34 {strides = array<i32>} : memref<96x1024xf32, #tpu.memory_space<vmem>>, vector<16xf32>,
      %swap3A_5096 = arith.index_cast %scan3A_4987 : i32 to index
      %swap3A_5097 = arith.constant 576 : index
      %swap3A_5098 = tpu.vector_load %arg5[%swap3A_5096, %swap3A_5097] {strides = array<i32>} : memref<96x1024xf32, #tpu.memory_space<vmem>>, vector<16xf32>,
      tpu.vector_store %arg5[%swap3A_5096, %swap3A_5097], %broadcast_in_dim3A_34 {strides = array<i32>} : memref<96x1024xf32, #tpu.memory_space<vmem>>, vector<16xf32>,
      %swap3A_5099 = arith.index_cast %scan3A_4987 : i32 to index
      %swap3A_5100 = arith.constant 592 : index
      %swap3A_5101 = tpu.vector_load %arg5[%swap3A_5099, %swap3A_5100] {strides = array<i32>} : memref<96x1024xf32, #tpu.memory_space<vmem>>, vector<16xf32>,
      tpu.vector_store %arg5[%swap3A_5099, %swap3A_5100], %broadcast_in_dim3A_34 {strides = array<i32>} : memref<96x1024xf32, #tpu.memory_space<vmem>>, vector<16xf32>,
      %swap3A_5102 = arith.index_cast %scan3A_4987 : i32 to index
      %swap3A_5103 = arith.constant 608 : index
      %swap3A_5104 = tpu.vector_load %arg5[%swap3A_5102, %swap3A_5103] {strides = array<i32>} : memref<96x1024xf32, #tpu.memory_space<vmem>>, vector<16xf32>,
      tpu.vector_store %arg5[%swap3A_5102, %swap3A_5103], %broadcast_in_dim3A_34 {strides = array<i32>} : memref<96x1024xf32, #tpu.memory_space<vmem>>, vector<16xf32>,
      %swap3A_5105 = arith.index_cast %scan3A_4987 : i32 to index
      %swap3A_5106 = arith.constant 624 : index
      %swap3A_5107 = tpu.vector_load %arg5[%swap3A_5105, %swap3A_5106] {strides = array<i32>} : memref<96x1024xf32, #tpu.memory_space<vmem>>, vector<16xf32>,
      tpu.vector_store %arg5[%swap3A_5105, %swap3A_5106], %broadcast_in_dim3A_34 {strides = array<i32>} : memref<96x1024xf32, #tpu.memory_space<vmem>>, vector<16xf32>,
      %swap3A_5108 = arith.index_cast %scan3A_4987 : i32 to index
      %swap3A_5109 = arith.constant 640 : index
      %swap3A_5110 = tpu.vector_load %arg5[%swap3A_5108, %swap3A_5109] {strides = array<i32>} : memref<96x1024xf32, #tpu.memory_space<vmem>>, vector<16xf32>,
      tpu.vector_store %arg5[%swap3A_5108, %swap3A_5109], %broadcast_in_dim3A_34 {strides = array<i32>} : memref<96x1024xf32, #tpu.memory_space<vmem>>, vector<16xf32>,
      %swap3A_5111 = arith.index_cast %scan3A_4987 : i32 to index
      %swap3A_5112 = arith.constant 656 : index
      %swap3A_5113 = tpu.vector_load %arg5[%swap3A_5111, %swap3A_5112] {strides = array<i32>} : memref<96x1024xf32, #tpu.memory_space<vmem>>, vector<16xf32>,
      tpu.vector_store %arg5[%swap3A_5111, %swap3A_5112], %broadcast_in_dim3A_34 {strides = array<i32>} : memref<96x1024xf32, #tpu.memory_space<vmem>>, vector<16xf32>,
      %swap3A_5114 = arith.index_cast %scan3A_4987 : i32 to index
      %swap3A_5115 = arith.constant 672 : index
      %swap3A_5116 = tpu.vector_load %arg5[%swap3A_5114, %swap3A_5115] {strides = array<i32>} : memref<96x1024xf32, #tpu.memory_space<vmem>>, vector<16xf32>,
      tpu.vector_store %arg5[%swap3A_5114, %swap3A_5115], %broadcast_in_dim3A_34 {strides = array<i32>} : memref<96x1024xf32, #tpu.memory_space<vmem>>, vector<16xf32>,
      %swap3A_5117 = arith.index_cast %scan3A_4987 : i32 to index
      %swap3A_5118 = arith.constant 688 : index
      %swap3A_5119 = tpu.vector_load %arg5[%swap3A_5117, %swap3A_5118] {strides = array<i32>} : memref<96x1024xf32, #tpu.memory_space<vmem>>, vector<16xf32>,
      tpu.vector_store %arg5[%swap3A_5117, %swap3A_5118], %broadcast_in_dim3A_34 {strides = array<i32>} : memref<96x1024xf32, #tpu.memory_space<vmem>>, vector<16xf32>,
      %swap3A_5120 = arith.index_cast %scan3A_4987 : i32 to index
      %swap3A_5121 = arith.constant 704 : index
      %swap3A_5122 = tpu.vector_load %arg5[%swap3A_5120, %swap3A_5121] {strides = array<i32>} : memref<96x1024xf32, #tpu.memory_space<vmem>>, vector<16xf32>,
      tpu.vector_store %arg5[%swap3A_5120, %swap3A_5121], %broadcast_in_dim3A_34 {strides = array<i32>} : memref<96x1024xf32, #tpu.memory_space<vmem>>, vector<16xf32>,
      %swap3A_5123 = arith.index_cast %scan3A_4987 : i32 to index
      %swap3A_5124 = arith.constant 720 : index
      %swap3A_5125 = tpu.vector_load %arg5[%swap3A_5123, %swap3A_5124] {strides = array<i32>} : memref<96x1024xf32, #tpu.memory_space<vmem>>, vector<16xf32>,
      tpu.vector_store %arg5[%swap3A_5123, %swap3A_5124], %broadcast_in_dim3A_34 {strides = array<i32>} : memref<96x1024xf32, #tpu.memory_space<vmem>>, vector<16xf32>,
      %swap3A_5126 = arith.index_cast %scan3A_4987 : i32 to index
      %swap3A_5127 = arith.constant 736 : index
      %swap3A_5128 = tpu.vector_load %arg5[%swap3A_5126, %swap3A_5127] {strides = array<i32>} : memref<96x1024xf32, #tpu.memory_space<vmem>>, vector<16xf32>,
      tpu.vector_store %arg5[%swap3A_5126, %swap3A_5127], %broadcast_in_dim3A_34 {strides = array<i32>} : memref<96x1024xf32, #tpu.memory_space<vmem>>, vector<16xf32>,
      %swap3A_5129 = arith.index_cast %scan3A_4987 : i32 to index
      %swap3A_5130 = arith.constant 752 : index
      %swap3A_5131 = tpu.vector_load %arg5[%swap3A_5129, %swap3A_5130] {strides = array<i32>} : memref<96x1024xf32, #tpu.memory_space<vmem>>, vector<16xf32>,
      tpu.vector_store %arg5[%swap3A_5129, %swap3A_5130], %broadcast_in_dim3A_34 {strides = array<i32>} : memref<96x1024xf32, #tpu.memory_space<vmem>>, vector<16xf32>,
      %swap3A_5132 = arith.index_cast %scan3A_4987 : i32 to index
      %swap3A_5133 = arith.constant 768 : index
      %swap3A_5134 = tpu.vector_load %arg5[%swap3A_5132, %swap3A_5133] {strides = array<i32>} : memref<96x1024xf32, #tpu.memory_space<vmem>>, vector<16xf32>,
      tpu.vector_store %arg5[%swap3A_5132, %swap3A_5133], %broadcast_in_dim3A_34 {strides = array<i32>} : memref<96x1024xf32, #tpu.memory_space<vmem>>, vector<16xf32>,
      %swap3A_5135 = arith.index_cast %scan3A_4987 : i32 to index
      %swap3A_5136 = arith.constant 784 : index
      %swap3A_5137 = tpu.vector_load %arg5[%swap3A_5135, %swap3A_5136] {strides = array<i32>} : memref<96x1024xf32, #tpu.memory_space<vmem>>, vector<16xf32>,
      tpu.vector_store %arg5[%swap3A_5135, %swap3A_5136], %broadcast_in_dim3A_34 {strides = array<i32>} : memref<96x1024xf32, #tpu.memory_space<vmem>>, vector<16xf32>,
      %swap3A_5138 = arith.index_cast %scan3A_4987 : i32 to index
      %swap3A_5139 = arith.constant 800 : index
      %swap3A_5140 = tpu.vector_load %arg5[%swap3A_5138, %swap3A_5139] {strides = array<i32>} : memref<96x1024xf32, #tpu.memory_space<vmem>>, vector<16xf32>,
      tpu.vector_store %arg5[%swap3A_5138, %swap3A_5139], %broadcast_in_dim3A_34 {strides = array<i32>} : memref<96x1024xf32, #tpu.memory_space<vmem>>, vector<16xf32>,
      %swap3A_5141 = arith.index_cast %scan3A_4987 : i32 to index
      %swap3A_5142 = arith.constant 816 : index
      %swap3A_5143 = tpu.vector_load %arg5[%swap3A_5141, %swap3A_5142] {strides = array<i32>} : memref<96x1024xf32, #tpu.memory_space<vmem>>, vector<16xf32>,
      tpu.vector_store %arg5[%swap3A_5141, %swap3A_5142], %broadcast_in_dim3A_34 {strides = array<i32>} : memref<96x1024xf32, #tpu.memory_space<vmem>>, vector<16xf32>,
      %swap3A_5144 = arith.index_cast %scan3A_4987 : i32 to index
      %swap3A_5145 = arith.constant 832 : index
      %swap3A_5146 = tpu.vector_load %arg5[%swap3A_5144, %swap3A_5145] {strides = array<i32>} : memref<96x1024xf32, #tpu.memory_space<vmem>>, vector<16xf32>,
      tpu.vector_store %arg5[%swap3A_5144, %swap3A_5145], %broadcast_in_dim3A_34 {strides = array<i32>} : memref<96x1024xf32, #tpu.memory_space<vmem>>, vector<16xf32>,
      %swap3A_5147 = arith.index_cast %scan3A_4987 : i32 to index
      %swap3A_5148 = arith.constant 848 : index
      %swap3A_5149 = tpu.vector_load %arg5[%swap3A_5147, %swap3A_5148] {strides = array<i32>} : memref<96x1024xf32, #tpu.memory_space<vmem>>, vector<16xf32>,
      tpu.vector_store %arg5[%swap3A_5147, %swap3A_5148], %broadcast_in_dim3A_34 {strides = array<i32>} : memref<96x1024xf32, #tpu.memory_space<vmem>>, vector<16xf32>,
      %swap3A_5150 = arith.index_cast %scan3A_4987 : i32 to index
      %swap3A_5151 = arith.constant 864 : index
      %swap3A_5152 = tpu.vector_load %arg5[%swap3A_5150, %swap3A_5151] {strides = array<i32>} : memref<96x1024xf32, #tpu.memory_space<vmem>>, vector<16xf32>,
      tpu.vector_store %arg5[%swap3A_5150, %swap3A_5151], %broadcast_in_dim3A_34 {strides = array<i32>} : memref<96x1024xf32, #tpu.memory_space<vmem>>, vector<16xf32>,
      %swap3A_5153 = arith.index_cast %scan3A_4987 : i32 to index
      %swap3A_5154 = arith.constant 880 : index
      %swap3A_5155 = tpu.vector_load %arg5[%swap3A_5153, %swap3A_5154] {strides = array<i32>} : memref<96x1024xf32, #tpu.memory_space<vmem>>, vector<16xf32>,
      tpu.vector_store %arg5[%swap3A_5153, %swap3A_5154], %broadcast_in_dim3A_34 {strides = array<i32>} : memref<96x1024xf32, #tpu.memory_space<vmem>>, vector<16xf32>,
      %swap3A_5156 = arith.index_cast %scan3A_4987 : i32 to index
      %swap3A_5157 = arith.constant 896 : index
      %swap3A_5158 = tpu.vector_load %arg5[%swap3A_5156, %swap3A_5157] {strides = array<i32>} : memref<96x1024xf32, #tpu.memory_space<vmem>>, vector<16xf32>,
      tpu.vector_store %arg5[%swap3A_5156, %swap3A_5157], %broadcast_in_dim3A_34 {strides = array<i32>} : memref<96x1024xf32, #tpu.memory_space<vmem>>, vector<16xf32>,
      %swap3A_5159 = arith.index_cast %scan3A_4987 : i32 to index
      %swap3A_5160 = arith.constant 912 : index
      %swap3A_5161 = tpu.vector_load %arg5[%swap3A_5159, %swap3A_5160] {strides = array<i32>} : memref<96x1024xf32, #tpu.memory_space<vmem>>, vector<16xf32>,
      tpu.vector_store %arg5[%swap3A_5159, %swap3A_5160], %broadcast_in_dim3A_34 {strides = array<i32>} : memref<96x1024xf32, #tpu.memory_space<vmem>>, vector<16xf32>,
      %swap3A_5162 = arith.index_cast %scan3A_4987 : i32 to index
      %swap3A_5163 = arith.constant 928 : index
      %swap3A_5164 = tpu.vector_load %arg5[%swap3A_5162, %swap3A_5163] {strides = array<i32>} : memref<96x1024xf32, #tpu.memory_space<vmem>>, vector<16xf32>,
      tpu.vector_store %arg5[%swap3A_5162, %swap3A_5163], %broadcast_in_dim3A_34 {strides = array<i32>} : memref<96x1024xf32, #tpu.memory_space<vmem>>, vector<16xf32>,
      %swap3A_5165 = arith.index_cast %scan3A_4987 : i32 to index
      %swap3A_5166 = arith.constant 944 : index
      %swap3A_5167 = tpu.vector_load %arg5[%swap3A_5165, %swap3A_5166] {strides = array<i32>} : memref<96x1024xf32, #tpu.memory_space<vmem>>, vector<16xf32>,
      tpu.vector_store %arg5[%swap3A_5165, %swap3A_5166], %broadcast_in_dim3A_34 {strides = array<i32>} : memref<96x1024xf32, #tpu.memory_space<vmem>>, vector<16xf32>,
      %swap3A_5168 = arith.index_cast %scan3A_4987 : i32 to index
      %swap3A_5169 = arith.constant 960 : index
      %swap3A_5170 = tpu.vector_load %arg5[%swap3A_5168, %swap3A_5169] {strides = array<i32>} : memref<96x1024xf32, #tpu.memory_space<vmem>>, vector<16xf32>,
      tpu.vector_store %arg5[%swap3A_5168, %swap3A_5169], %broadcast_in_dim3A_34 {strides = array<i32>} : memref<96x1024xf32, #tpu.memory_space<vmem>>, vector<16xf32>,
      %swap3A_5171 = arith.index_cast %scan3A_4987 : i32 to index
      %swap3A_5172 = arith.constant 976 : index
      %swap3A_5173 = tpu.vector_load %arg5[%swap3A_5171, %swap3A_5172] {strides = array<i32>} : memref<96x1024xf32, #tpu.memory_space<vmem>>, vector<16xf32>,
      tpu.vector_store %arg5[%swap3A_5171, %swap3A_5172], %broadcast_in_dim3A_34 {strides = array<i32>} : memref<96x1024xf32, #tpu.memory_space<vmem>>, vector<16xf32>,
      %swap3A_5174 = arith.index_cast %scan3A_4987 : i32 to index
      %swap3A_5175 = arith.constant 992 : index
      %swap3A_5176 = tpu.vector_load %arg5[%swap3A_5174, %swap3A_5175] {strides = array<i32>} : memref<96x1024xf32, #tpu.memory_space<vmem>>, vector<16xf32>,
      tpu.vector_store %arg5[%swap3A_5174, %swap3A_5175], %broadcast_in_dim3A_34 {strides = array<i32>} : memref<96x1024xf32, #tpu.memory_space<vmem>>, vector<16xf32>,
      %swap3A_5177 = arith.index_cast %scan3A_4987 : i32 to index
      %swap3A_5178 = arith.constant 1008 : index
      %swap3A_5179 = tpu.vector_load %arg5[%swap3A_5177, %swap3A_5178] {strides = array<i32>} : memref<96x1024xf32, #tpu.memory_space<vmem>>, vector<16xf32>,
      tpu.vector_store %arg5[%swap3A_5177, %swap3A_5178], %broadcast_in_dim3A_34 {strides = array<i32>} : memref<96x1024xf32, #tpu.memory_space<vmem>>, vector<16xf32>,
      %scan3A_5180 = arith.constant 0 : i32
      scf.yield %scan3A_5180 : i32
    }
    %scan3A_40 = arith.constant 96 : i32
    %lt3A_41 = arith.constant 3 : i32
    %lt3A_42 = vector.broadcast %lt3A_41 : i32 to vector<16xi32>
    %lt3A_43 = arith.cmpi slt, %iota3A, %lt3A_42 : vector<16xi32>
    %eq3A_44 = arith.constant 0 : i32
    %eq3A_45 = vector.broadcast %eq3A_44 : i32 to vector<16xi32>
    %eq3A_46 = arith.cmpi eq, %iota3A, %eq3A_45 : vector<16xi32>
    %jit3A_47 = arith.constant 0.000000e+00 : f32
    %jit3A_48 = arith.constant -1.000000e+03 : f32
    %broadcast_in_dim3A_49 = vector.broadcast %jit3A_47 : f32 to vector<16xf32>
    %broadcast_in_dim3A_50 = vector.broadcast %jit3A_48 : f32 to vector<16xf32>
    %select_n3A_51 = arith.select %eq3A_46, %broadcast_in_dim3A_49, %broadcast_in_dim3A_50 : vector<16xi1>, vector<16xf32>
    %eq3A_52 = arith.constant 0 : i32
    %eq3A_53 = vector.broadcast %eq3A_52 : i32 to vector<16xi32>
    %eq3A_54 = arith.cmpi eq, %iota3A, %eq3A_53 : vector<16xi32>
    %eq3A_55 = arith.constant 1 : i32
    %eq3A_56 = vector.broadcast %eq3A_55 : i32 to vector<16xi32>
    %eq3A_57 = arith.cmpi eq, %iota3A, %eq3A_56 : vector<16xi32>
    %eq3A_58 = arith.constant 2 : i32
    %eq3A_59 = vector.broadcast %eq3A_58 : i32 to vector<16xi32>
    %eq3A_60 = arith.cmpi eq, %iota3A, %eq3A_59 : vector<16xi32>
    %jit3A_61 = arith.constant 0.000000e+00 : f32
    %jit3A_62 = arith.constant -1.000000e+03 : f32
    %broadcast_in_dim3A_63 = vector.broadcast %jit3A_61 : f32 to vector<16xf32>
    %broadcast_in_dim3A_64 = vector.broadcast %jit3A_62 : f32 to vector<16xf32>
    %select_n3A_65 = arith.select %eq3A_60, %broadcast_in_dim3A_63, %broadcast_in_dim3A_64 : vector<16xi1>, vector<16xf32>
    %jit3A_66 = arith.constant 5.000000e-01 : f32
    %broadcast_in_dim3A_67 = vector.broadcast %jit3A_66 : f32 to vector<16xf32>
    %select_n3A_68 = arith.select %eq3A_57, %broadcast_in_dim3A_67, %select_n3A_65 : vector<16xi1>, vector<16xf32>
    %jit3A_69 = arith.constant 1.000000e+00 : f32
    %broadcast_in_dim3A_70 = vector.broadcast %jit3A_69 : f32 to vector<16xf32>
    %select_n3A_71 = arith.select %eq3A_54, %broadcast_in_dim3A_70, %select_n3A_68 : vector<16xi1>, vector<16xf32>
    %get3A = arith.constant 0 : index
    %get3A_72 = tpu.vector_load %arg4[%get3A] {strides = array<i32>} : memref<1024xi32, #tpu.memory_space<vmem>>, vector<16xi32>,
    %add3A_73 = arith.constant 0 : i32
    %add3A_74 = arith.addi %mul3A_2, %add3A_73 : i32
    %add3A_75 = arith.constant 0 : i32
    %add3A_76 = arith.addi %add3A_74, %add3A_75 : i32
    %add3A_77 = vector.broadcast %add3A_76 : i32 to vector<16xi32>
    %add3A_78 = arith.addi %add3A_77, %iota3A : vector<16xi32>
    %and3A_79 = arith.constant 2047 : i32
    %and3A_80 = vector.broadcast %and3A_79 : i32 to vector<16xi32>
    %and3A_81 = arith.andi %add3A_78, %and3A_80 : vector<16xi32>
    %eq3A_82 = arith.constant 2047 : i32
    %eq3A_83 = vector.broadcast %eq3A_82 : i32 to vector<16xi32>
    %eq3A_84 = arith.cmpi eq, %and3A_81, %eq3A_83 : vector<16xi32>
    %jit3A_85 = arith.constant 1023 : i32
    %broadcast_in_dim3A_86 = vector.broadcast %jit3A_85 : i32 to vector<16xi32>
    %select_n3A_87 = arith.select %eq3A_84, %broadcast_in_dim3A_86, %get3A_72 : vector<16xi1>, vector<16xi32>
    %jit3A_88 = arith.constant -1.000000e+03 : f32
    %jit3A_89 = arith.constant 5.000000e+00 : f32
    %broadcast_in_dim3A_90 = vector.broadcast %jit3A_88 : f32 to vector<16xf32>
    %broadcast_in_dim3A_91 = vector.broadcast %jit3A_89 : f32 to vector<16xf32>
    %select_n3A_92 = arith.select %eq3A_84, %broadcast_in_dim3A_90, %broadcast_in_dim3A_91 : vector<16xi1>, vector<16xf32>
    %get3A_93 = arith.constant 16 : index
    %get3A_94 = tpu.vector_load %arg4[%get3A_93] {strides = array<i32>} : memref<1024xi32, #tpu.memory_space<vmem>>, vector<16xi32>,
    %add3A_95 = arith.constant 0 : i32
    %add3A_96 = arith.addi %mul3A_2, %add3A_95 : i32
    %add3A_97 = arith.constant 16 : i32
    %add3A_98 = arith.addi %add3A_96, %add3A_97 : i32
    %add3A_99 = vector.broadcast %add3A_98 : i32 to vector<16xi32>
    %add3A_100 = arith.addi %add3A_99, %iota3A : vector<16xi32>
    %and3A_101 = arith.constant 2047 : i32
    %and3A_102 = vector.broadcast %and3A_101 : i32 to vector<16xi32>
    %and3A_103 = arith.andi %add3A_100, %and3A_102 : vector<16xi32>
    %eq3A_104 = arith.constant 2047 : i32
    %eq3A_105 = vector.broadcast %eq3A_104 : i32 to vector<16xi32>
    %eq3A_106 = arith.cmpi eq, %and3A_103, %eq3A_105 : vector<16xi32>
    %jit3A_107 = arith.constant 1023 : i32
    %broadcast_in_dim3A_108 = vector.broadcast %jit3A_107 : i32 to vector<16xi32>
    %select_n3A_109 = arith.select %eq3A_106, %broadcast_in_dim3A_108, %get3A_94 : vector<16xi1>, vector<16xi32>
    %jit3A_110 = arith.constant -1.000000e+03 : f32
    %jit3A_111 = arith.constant 5.000000e+00 : f32
    %broadcast_in_dim3A_112 = vector.broadcast %jit3A_110 : f32 to vector<16xf32>
    %broadcast_in_dim3A_113 = vector.broadcast %jit3A_111 : f32 to vector<16xf32>
    %select_n3A_114 = arith.select %eq3A_106, %broadcast_in_dim3A_112, %broadcast_in_dim3A_113 : vector<16xi1>, vector<16xf32>
    %add3A_115 = arith.constant 0 : i32
    %add3A_116 = vector.broadcast %add3A_115 : i32 to vector<16xi32>
    %add3A_117 = arith.addi %add3A_116, %iota3A : vector<16xi32>
    tpu.vector_store_idx %arg5[%add3A_117, %select_n3A_87], %select_n3A_92 : memref<96x1024xf32, #tpu.memory_space<vmem>>[vector<16xi32>, vector<16xi32>], vector<16xf32>,
    %add3A_118 = arith.constant 16 : i32
    %add3A_119 = vector.broadcast %add3A_118 : i32 to vector<16xi32>
    %add3A_120 = arith.addi %add3A_119, %iota3A : vector<16xi32>
    tpu.vector_store_idx %arg5[%add3A_120, %select_n3A_109], %select_n3A_114 : memref<96x1024xf32, #tpu.memory_space<vmem>>[vector<16xi32>, vector<16xi32>], vector<16xf32>,
    %add3A_121 = arith.constant 0 : i32
    %add3A_122 = arith.addi %mul3A_2, %add3A_121 : i32
    %dma_start3A = arith.constant 0 : i32
    %dma_start3A_123 = arith.constant 0 : i32
    %dma_start3A_124 = tpu.memref_slice %arg5[%dma_start3A, %dma_start3A_123] : memref<96x1024xf32, #tpu.memory_space<vmem>> -> memref<32x1024xf32, #tpu.memory_space<vmem>>
    %dma_start3A_125 = arith.constant 0 : i32
    %dma_start3A_126 = tpu.memref_slice %arg3[%add3A_122, %dma_start3A_125] : memref<32768x1024xf32, #tpu.memory_space<hbm>> -> memref<32x1024xf32, #tpu.memory_space<hbm>>
    %dma_start3A_127 = arith.constant 0 : i32
    %dma_start3A_128 = tpu.memref_slice %arg3[%add3A_122, %dma_start3A_127] : memref<32768x1024xf32, #tpu.memory_space<hbm>> -> memref<32x1024xf32, #tpu.memory_space<hbm>>
    %dma_start3A_129 = arith.constant 0 : i32
    %dma_start3A_130 = arith.constant 0 : i32
    %dma_start3A_131 = tpu.memref_slice %arg5[%dma_start3A_129, %dma_start3A_130] : memref<96x1024xf32, #tpu.memory_space<vmem>> -> memref<32x1024xf32, #tpu.memory_space<vmem>>
    tpu.enqueue_dma source(%dma_start3A_131 : memref<32x1024xf32, #tpu.memory_space<vmem>>) target(%dma_start3A_128 : memref<32x1024xf32, #tpu.memory_space<hbm>>) target_semaphore(%arg6 : memref<!tpu.dma_semaphore, #tpu.memory_space<semaphore_mem>>)
    %get3A_132 = arith.constant 32 : index
    %get3A_133 = tpu.vector_load %arg4[%get3A_132] {strides = array<i32>} : memref<1024xi32, #tpu.memory_space<vmem>>, vector<16xi32>,
    %add3A_134 = arith.constant 32 : i32
    %add3A_135 = arith.addi %mul3A_2, %add3A_134 : i32
    %add3A_136 = arith.constant 0 : i32
    %add3A_137 = arith.addi %add3A_135, %add3A_136 : i32
    %add3A_138 = vector.broadcast %add3A_137 : i32 to vector<16xi32>
    %add3A_139 = arith.addi %add3A_138, %iota3A : vector<16xi32>
    %and3A_140 = arith.constant 2047 : i32
    %and3A_141 = vector.broadcast %and3A_140 : i32 to vector<16xi32>
    %and3A_142 = arith.andi %add3A_139, %and3A_141 : vector<16xi32>
    %eq3A_143 = arith.constant 2047 : i32
    %eq3A_144 = vector.broadcast %eq3A_143 : i32 to vector<16xi32>
    %eq3A_145 = arith.cmpi eq, %and3A_142, %eq3A_144 : vector<16xi32>
    %jit3A_146 = arith.constant 1023 : i32
    %broadcast_in_dim3A_147 = vector.broadcast %jit3A_146 : i32 to vector<16xi32>
    %select_n3A_148 = arith.select %eq3A_145, %broadcast_in_dim3A_147, %get3A_133 : vector<16xi1>, vector<16xi32>
    %jit3A_149 = arith.constant -1.000000e+03 : f32
    %jit3A_150 = arith.constant 5.000000e+00 : f32
    %broadcast_in_dim3A_151 = vector.broadcast %jit3A_149 : f32 to vector<16xf32>
    %broadcast_in_dim3A_152 = vector.broadcast %jit3A_150 : f32 to vector<16xf32>
    %select_n3A_153 = arith.select %eq3A_145, %broadcast_in_dim3A_151, %broadcast_in_dim3A_152 : vector<16xi1>, vector<16xf32>
    %get3A_154 = arith.constant 48 : index
    %get3A_155 = tpu.vector_load %arg4[%get3A_154] {strides = array<i32>} : memref<1024xi32, #tpu.memory_space<vmem>>, vector<16xi32>,
    %add3A_156 = arith.constant 32 : i32
    %add3A_157 = arith.addi %mul3A_2, %add3A_156 : i32
    %add3A_158 = arith.constant 16 : i32
    %add3A_159 = arith.addi %add3A_157, %add3A_158 : i32
    %add3A_160 = vector.broadcast %add3A_159 : i32 to vector<16xi32>
    %add3A_161 = arith.addi %add3A_160, %iota3A : vector<16xi32>
    %and3A_162 = arith.constant 2047 : i32
    %and3A_163 = vector.broadcast %and3A_162 : i32 to vector<16xi32>
    %and3A_164 = arith.andi %add3A_161, %and3A_163 : vector<16xi32>
    %eq3A_165 = arith.constant 2047 : i32
    %eq3A_166 = vector.broadcast %eq3A_165 : i32 to vector<16xi32>
    %eq3A_167 = arith.cmpi eq, %and3A_164, %eq3A_166 : vector<16xi32>
    %jit3A_168 = arith.constant 1023 : i32
    %broadcast_in_dim3A_169 = vector.broadcast %jit3A_168 : i32 to vector<16xi32>
    %select_n3A_170 = arith.select %eq3A_167, %broadcast_in_dim3A_169, %get3A_155 : vector<16xi1>, vector<16xi32>
    %jit3A_171 = arith.constant -1.000000e+03 : f32
    %jit3A_172 = arith.constant 5.000000e+00 : f32
    %broadcast_in_dim3A_173 = vector.broadcast %jit3A_171 : f32 to vector<16xf32>
    %broadcast_in_dim3A_174 = vector.broadcast %jit3A_172 : f32 to vector<16xf32>
    %select_n3A_175 = arith.select %eq3A_167, %broadcast_in_dim3A_173, %broadcast_in_dim3A_174 : vector<16xi1>, vector<16xf32>
    %add3A_176 = arith.constant 32 : i32
    %add3A_177 = vector.broadcast %add3A_176 : i32 to vector<16xi32>
    %add3A_178 = arith.addi %add3A_177, %iota3A : vector<16xi32>
    tpu.vector_store_idx %arg5[%add3A_178, %select_n3A_148], %select_n3A_153 : memref<96x1024xf32, #tpu.memory_space<vmem>>[vector<16xi32>, vector<16xi32>], vector<16xf32>,
    %add3A_179 = arith.constant 48 : i32
    %add3A_180 = vector.broadcast %add3A_179 : i32 to vector<16xi32>
    %add3A_181 = arith.addi %add3A_180, %iota3A : vector<16xi32>
    tpu.vector_store_idx %arg5[%add3A_181, %select_n3A_170], %select_n3A_175 : memref<96x1024xf32, #tpu.memory_space<vmem>>[vector<16xi32>, vector<16xi32>], vector<16xf32>,
    %add3A_182 = arith.constant 32 : i32
    %add3A_183 = arith.addi %mul3A_2, %add3A_182 : i32
    %dma_start3A_184 = arith.constant 32 : i32
    %dma_start3A_185 = arith.constant 0 : i32
    %dma_start3A_186 = tpu.memref_slice %arg5[%dma_start3A_184, %dma_start3A_185] : memref<96x1024xf32, #tpu.memory_space<vmem>> -> memref<32x1024xf32, #tpu.memory_space<vmem>>
    %dma_start3A_187 = arith.constant 0 : i32
    %dma_start3A_188 = tpu.memref_slice %arg3[%add3A_183, %dma_start3A_187] : memref<32768x1024xf32, #tpu.memory_space<hbm>> -> memref<32x1024xf32, #tpu.memory_space<hbm>>
    %dma_start3A_189 = arith.constant 0 : i32
    %dma_start3A_190 = tpu.memref_slice %arg3[%add3A_183, %dma_start3A_189] : memref<32768x1024xf32, #tpu.memory_space<hbm>> -> memref<32x1024xf32, #tpu.memory_space<hbm>>
    %dma_start3A_191 = arith.constant 32 : i32
    %dma_start3A_192 = arith.constant 0 : i32
    %dma_start3A_193 = tpu.memref_slice %arg5[%dma_start3A_191, %dma_start3A_192] : memref<96x1024xf32, #tpu.memory_space<vmem>> -> memref<32x1024xf32, #tpu.memory_space<vmem>>
    tpu.enqueue_dma source(%dma_start3A_193 : memref<32x1024xf32, #tpu.memory_space<vmem>>) target(%dma_start3A_190 : memref<32x1024xf32, #tpu.memory_space<hbm>>) target_semaphore(%arg7 : memref<!tpu.dma_semaphore, #tpu.memory_space<semaphore_mem>>)
    %get3A_194 = arith.constant 64 : index
    %get3A_195 = tpu.vector_load %arg4[%get3A_194] {strides = array<i32>} : memref<1024xi32, #tpu.memory_space<vmem>>, vector<16xi32>,
    %add3A_196 = arith.constant 64 : i32
    %add3A_197 = arith.addi %mul3A_2, %add3A_196 : i32
    %add3A_198 = arith.constant 0 : i32
    %add3A_199 = arith.addi %add3A_197, %add3A_198 : i32
    %add3A_200 = vector.broadcast %add3A_199 : i32 to vector<16xi32>
    %add3A_201 = arith.addi %add3A_200, %iota3A : vector<16xi32>
    %and3A_202 = arith.constant 2047 : i32
    %and3A_203 = vector.broadcast %and3A_202 : i32 to vector<16xi32>
    %and3A_204 = arith.andi %add3A_201, %and3A_203 : vector<16xi32>
    %eq3A_205 = arith.constant 2047 : i32
    %eq3A_206 = vector.broadcast %eq3A_205 : i32 to vector<16xi32>
    %eq3A_207 = arith.cmpi eq, %and3A_204, %eq3A_206 : vector<16xi32>
    %jit3A_208 = arith.constant 1023 : i32
    %broadcast_in_dim3A_209 = vector.broadcast %jit3A_208 : i32 to vector<16xi32>
    %select_n3A_210 = arith.select %eq3A_207, %broadcast_in_dim3A_209, %get3A_195 : vector<16xi1>, vector<16xi32>
    %jit3A_211 = arith.constant -1.000000e+03 : f32
    %jit3A_212 = arith.constant 5.000000e+00 : f32
    %broadcast_in_dim3A_213 = vector.broadcast %jit3A_211 : f32 to vector<16xf32>
    %broadcast_in_dim3A_214 = vector.broadcast %jit3A_212 : f32 to vector<16xf32>
    %select_n3A_215 = arith.select %eq3A_207, %broadcast_in_dim3A_213, %broadcast_in_dim3A_214 : vector<16xi1>, vector<16xf32>
    %get3A_216 = arith.constant 80 : index
    %get3A_217 = tpu.vector_load %arg4[%get3A_216] {strides = array<i32>} : memref<1024xi32, #tpu.memory_space<vmem>>, vector<16xi32>,
    %add3A_218 = arith.constant 64 : i32
    %add3A_219 = arith.addi %mul3A_2, %add3A_218 : i32
    %add3A_220 = arith.constant 16 : i32
    %add3A_221 = arith.addi %add3A_219, %add3A_220 : i32
    %add3A_222 = vector.broadcast %add3A_221 : i32 to vector<16xi32>
    %add3A_223 = arith.addi %add3A_222, %iota3A : vector<16xi32>
    %and3A_224 = arith.constant 2047 : i32
    %and3A_225 = vector.broadcast %and3A_224 : i32 to vector<16xi32>
    %and3A_226 = arith.andi %add3A_223, %and3A_225 : vector<16xi32>
    %eq3A_227 = arith.constant 2047 : i32
    %eq3A_228 = vector.broadcast %eq3A_227 : i32 to vector<16xi32>
    %eq3A_229 = arith.cmpi eq, %and3A_226, %eq3A_228 : vector<16xi32>
    %jit3A_230 = arith.constant 1023 : i32
    %broadcast_in_dim3A_231 = vector.broadcast %jit3A_230 : i32 to vector<16xi32>
    %select_n3A_232 = arith.select %eq3A_229, %broadcast_in_dim3A_231, %get3A_217 : vector<16xi1>, vector<16xi32>
    %jit3A_233 = arith.constant -1.000000e+03 : f32
    %jit3A_234 = arith.constant 5.000000e+00 : f32
    %broadcast_in_dim3A_235 = vector.broadcast %jit3A_233 : f32 to vector<16xf32>
    %broadcast_in_dim3A_236 = vector.broadcast %jit3A_234 : f32 to vector<16xf32>
    %select_n3A_237 = arith.select %eq3A_229, %broadcast_in_dim3A_235, %broadcast_in_dim3A_236 : vector<16xi1>, vector<16xf32>
    %add3A_238 = arith.constant 64 : i32
    %add3A_239 = vector.broadcast %add3A_238 : i32 to vector<16xi32>
    %add3A_240 = arith.addi %add3A_239, %iota3A : vector<16xi32>
    tpu.vector_store_idx %arg5[%add3A_240, %select_n3A_210], %select_n3A_215 : memref<96x1024xf32, #tpu.memory_space<vmem>>[vector<16xi32>, vector<16xi32>], vector<16xf32>,
    %add3A_241 = arith.constant 80 : i32
    %add3A_242 = vector.broadcast %add3A_241 : i32 to vector<16xi32>
    %add3A_243 = arith.addi %add3A_242, %iota3A : vector<16xi32>
    tpu.vector_store_idx %arg5[%add3A_243, %select_n3A_232], %select_n3A_237 : memref<96x1024xf32, #tpu.memory_space<vmem>>[vector<16xi32>, vector<16xi32>], vector<16xf32>,
    %add3A_244 = arith.constant 64 : i32
    %add3A_245 = arith.addi %mul3A_2, %add3A_244 : i32
    %dma_start3A_246 = arith.constant 64 : i32
    %dma_start3A_247 = arith.constant 0 : i32
    %dma_start3A_248 = tpu.memref_slice %arg5[%dma_start3A_246, %dma_start3A_247] : memref<96x1024xf32, #tpu.memory_space<vmem>> -> memref<32x1024xf32, #tpu.memory_space<vmem>>
    %dma_start3A_249 = arith.constant 0 : i32
    %dma_start3A_250 = tpu.memref_slice %arg3[%add3A_245, %dma_start3A_249] : memref<32768x1024xf32, #tpu.memory_space<hbm>> -> memref<32x1024xf32, #tpu.memory_space<hbm>>
    %dma_start3A_251 = arith.constant 0 : i32
    %dma_start3A_252 = tpu.memref_slice %arg3[%add3A_245, %dma_start3A_251] : memref<32768x1024xf32, #tpu.memory_space<hbm>> -> memref<32x1024xf32, #tpu.memory_space<hbm>>
    %dma_start3A_253 = arith.constant 64 : i32
    %dma_start3A_254 = arith.constant 0 : i32
    %dma_start3A_255 = tpu.memref_slice %arg5[%dma_start3A_253, %dma_start3A_254] : memref<96x1024xf32, #tpu.memory_space<vmem>> -> memref<32x1024xf32, #tpu.memory_space<vmem>>
    tpu.enqueue_dma source(%dma_start3A_255 : memref<32x1024xf32, #tpu.memory_space<vmem>>) target(%dma_start3A_252 : memref<32x1024xf32, #tpu.memory_space<hbm>>) target_semaphore(%arg8 : memref<!tpu.dma_semaphore, #tpu.memory_space<semaphore_mem>>)
    %dma_wait3A = arith.constant 0 : i32
    %dma_wait3A_256 = arith.constant 0 : i32
    %dma_wait3A_257 = tpu.memref_slice %arg5[%dma_wait3A, %dma_wait3A_256] : memref<96x1024xf32, #tpu.memory_space<vmem>> -> memref<32x1024xf32, #tpu.memory_space<vmem>>
    %dma_wait3A_258 = arith.constant 0 : i32
    %dma_wait3A_259 = tpu.memref_slice %arg3[%add3A_122, %dma_wait3A_258] : memref<32768x1024xf32, #tpu.memory_space<hbm>> -> memref<32x1024xf32, #tpu.memory_space<hbm>>
    %dma_wait3A_260 = arith.constant 0 : i32
    %dma_wait3A_261 = tpu.memref_slice %arg3[%add3A_122, %dma_wait3A_260] : memref<32768x1024xf32, #tpu.memory_space<hbm>> -> memref<32x1024xf32, #tpu.memory_space<hbm>>
    %dma_wait3A_262 = arith.constant 0 : i32
    %dma_wait3A_263 = arith.constant 0 : i32
    %dma_wait3A_264 = tpu.memref_slice %arg5[%dma_wait3A_262, %dma_wait3A_263] : memref<96x1024xf32, #tpu.memory_space<vmem>> -> memref<32x1024xf32, #tpu.memory_space<vmem>>
    tpu.wait_dma2 semaphore(%arg6 : memref<!tpu.dma_semaphore, #tpu.memory_space<semaphore_mem>>) src(%dma_wait3A_264 : memref<32x1024xf32, #tpu.memory_space<vmem>>) dst(%dma_wait3A_261 : memref<32x1024xf32, #tpu.memory_space<hbm>>)
    %get3A_265 = arith.constant 0 : index
    %get3A_266 = tpu.vector_load %arg4[%get3A_265] {strides = array<i32>} : memref<1024xi32, #tpu.memory_space<vmem>>, vector<16xi32>,
    %add3A_267 = arith.constant 0 : i32
    %add3A_268 = arith.addi %mul3A_2, %add3A_267 : i32
    %add3A_269 = arith.constant 0 : i32
    %add3A_270 = arith.addi %add3A_268, %add3A_269 : i32
    %add3A_271 = vector.broadcast %add3A_270 : i32 to vector<16xi32>
    %add3A_272 = arith.addi %add3A_271, %iota3A : vector<16xi32>
    %and3A_273 = arith.constant 2047 : i32
    %and3A_274 = vector.broadcast %and3A_273 : i32 to vector<16xi32>
    %and3A_275 = arith.andi %add3A_272, %and3A_274 : vector<16xi32>
    %eq3A_276 = arith.constant 2047 : i32
    %eq3A_277 = vector.broadcast %eq3A_276 : i32 to vector<16xi32>
    %eq3A_278 = arith.cmpi eq, %and3A_275, %eq3A_277 : vector<16xi32>
    %jit3A_279 = arith.constant 1023 : i32
    %broadcast_in_dim3A_280 = vector.broadcast %jit3A_279 : i32 to vector<16xi32>
    %select_n3A_281 = arith.select %eq3A_278, %broadcast_in_dim3A_280, %get3A_266 : vector<16xi1>, vector<16xi32>
    %jit3A_282 = arith.constant -1.000000e+03 : f32
    %jit3A_283 = arith.constant 5.000000e+00 : f32
    %broadcast_in_dim3A_284 = vector.broadcast %jit3A_282 : f32 to vector<16xf32>
    %broadcast_in_dim3A_285 = vector.broadcast %jit3A_283 : f32 to vector<16xf32>
    %select_n3A_286 = arith.select %eq3A_278, %broadcast_in_dim3A_284, %broadcast_in_dim3A_285 : vector<16xi1>, vector<16xf32>
    %get3A_287 = arith.constant 16 : index
    %get3A_288 = tpu.vector_load %arg4[%get3A_287] {strides = array<i32>} : memref<1024xi32, #tpu.memory_space<vmem>>, vector<16xi32>,
    %add3A_289 = arith.constant 0 : i32
    %add3A_290 = arith.addi %mul3A_2, %add3A_289 : i32
    %add3A_291 = arith.constant 16 : i32
    %add3A_292 = arith.addi %add3A_290, %add3A_291 : i32
    %add3A_293 = vector.broadcast %add3A_292 : i32 to vector<16xi32>
    %add3A_294 = arith.addi %add3A_293, %iota3A : vector<16xi32>
    %and3A_295 = arith.constant 2047 : i32
    %and3A_296 = vector.broadcast %and3A_295 : i32 to vector<16xi32>
    %and3A_297 = arith.andi %add3A_294, %and3A_296 : vector<16xi32>
    %eq3A_298 = arith.constant 2047 : i32
    %eq3A_299 = vector.broadcast %eq3A_298 : i32 to vector<16xi32>
    %eq3A_300 = arith.cmpi eq, %and3A_297, %eq3A_299 : vector<16xi32>
    %jit3A_301 = arith.constant 1023 : i32
    %broadcast_in_dim3A_302 = vector.broadcast %jit3A_301 : i32 to vector<16xi32>
    %select_n3A_303 = arith.select %eq3A_300, %broadcast_in_dim3A_302, %get3A_288 : vector<16xi1>, vector<16xi32>
    %jit3A_304 = arith.constant -1.000000e+03 : f32
    %jit3A_305 = arith.constant 5.000000e+00 : f32
    %broadcast_in_dim3A_306 = vector.broadcast %jit3A_304 : f32 to vector<16xf32>
    %broadcast_in_dim3A_307 = vector.broadcast %jit3A_305 : f32 to vector<16xf32>
    %select_n3A_308 = arith.select %eq3A_300, %broadcast_in_dim3A_306, %broadcast_in_dim3A_307 : vector<16xi1>, vector<16xf32>
    %add3A_309 = arith.constant 0 : i32
    %add3A_310 = vector.broadcast %add3A_309 : i32 to vector<16xi32>
    %add3A_311 = arith.addi %add3A_310, %iota3A : vector<16xi32>
    %eq3A_312 = arith.constant 0 : i32
    %eq3A_313 = vector.broadcast %eq3A_312 : i32 to vector<16xi32>
    %eq3A_314 = arith.cmpi eq, %select_n3A_281, %eq3A_313 : vector<16xi32>
    %eq3A_315 = arith.constant 1 : i32
    %eq3A_316 = vector.broadcast %eq3A_315 : i32 to vector<16xi32>
    %eq3A_317 = arith.cmpi eq, %select_n3A_281, %eq3A_316 : vector<16xi32>
    %eq3A_318 = arith.constant 2 : i32
    %eq3A_319 = vector.broadcast %eq3A_318 : i32 to vector<16xi32>
    %eq3A_320 = arith.cmpi eq, %select_n3A_281, %eq3A_319 : vector<16xi32>
    %jit3A_321 = arith.constant 0.000000e+00 : f32
    %jit3A_322 = arith.constant -1.000000e+03 : f32
    %broadcast_in_dim3A_323 = vector.broadcast %jit3A_321 : f32 to vector<16xf32>
    %broadcast_in_dim3A_324 = vector.broadcast %jit3A_322 : f32 to vector<16xf32>
    %select_n3A_325 = arith.select %eq3A_320, %broadcast_in_dim3A_323, %broadcast_in_dim3A_324 : vector<16xi1>, vector<16xf32>
    %jit3A_326 = arith.constant 5.000000e-01 : f32
    %broadcast_in_dim3A_327 = vector.broadcast %jit3A_326 : f32 to vector<16xf32>
    %select_n3A_328 = arith.select %eq3A_317, %broadcast_in_dim3A_327, %select_n3A_325 : vector<16xi1>, vector<16xf32>
    %jit3A_329 = arith.constant 1.000000e+00 : f32
    %broadcast_in_dim3A_330 = vector.broadcast %jit3A_329 : f32 to vector<16xf32>
    %select_n3A_331 = arith.select %eq3A_314, %broadcast_in_dim3A_330, %select_n3A_328 : vector<16xi1>, vector<16xf32>
    tpu.vector_store_idx %arg5[%add3A_311, %select_n3A_281], %select_n3A_331 : memref<96x1024xf32, #tpu.memory_space<vmem>>[vector<16xi32>, vector<16xi32>], vector<16xf32>,
    %add3A_332 = arith.constant 16 : i32
    %add3A_333 = vector.broadcast %add3A_332 : i32 to vector<16xi32>
    %add3A_334 = arith.addi %add3A_333, %iota3A : vector<16xi32>
    %eq3A_335 = arith.constant 0 : i32
    %eq3A_336 = vector.broadcast %eq3A_335 : i32 to vector<16xi32>
    %eq3A_337 = arith.cmpi eq, %select_n3A_303, %eq3A_336 : vector<16xi32>
    %eq3A_338 = arith.constant 1 : i32
    %eq3A_339 = vector.broadcast %eq3A_338 : i32 to vector<16xi32>
    %eq3A_340 = arith.cmpi eq, %select_n3A_303, %eq3A_339 : vector<16xi32>
    %eq3A_341 = arith.constant 2 : i32
    %eq3A_342 = vector.broadcast %eq3A_341 : i32 to vector<16xi32>
    %eq3A_343 = arith.cmpi eq, %select_n3A_303, %eq3A_342 : vector<16xi32>
    %jit3A_344 = arith.constant 0.000000e+00 : f32
    %jit3A_345 = arith.constant -1.000000e+03 : f32
    %broadcast_in_dim3A_346 = vector.broadcast %jit3A_344 : f32 to vector<16xf32>
    %broadcast_in_dim3A_347 = vector.broadcast %jit3A_345 : f32 to vector<16xf32>
    %select_n3A_348 = arith.select %eq3A_343, %broadcast_in_dim3A_346, %broadcast_in_dim3A_347 : vector<16xi1>, vector<16xf32>
    %jit3A_349 = arith.constant 5.000000e-01 : f32
    %broadcast_in_dim3A_350 = vector.broadcast %jit3A_349 : f32 to vector<16xf32>
    %select_n3A_351 = arith.select %eq3A_340, %broadcast_in_dim3A_350, %select_n3A_348 : vector<16xi1>, vector<16xf32>
    %jit3A_352 = arith.constant 1.000000e+00 : f32
    %broadcast_in_dim3A_353 = vector.broadcast %jit3A_352 : f32 to vector<16xf32>
    %select_n3A_354 = arith.select %eq3A_337, %broadcast_in_dim3A_353, %select_n3A_351 : vector<16xi1>, vector<16xf32>
    tpu.vector_store_idx %arg5[%add3A_334, %select_n3A_303], %select_n3A_354 : memref<96x1024xf32, #tpu.memory_space<vmem>>[vector<16xi32>, vector<16xi32>], vector<16xf32>,
    %get3A_355 = arith.constant 96 : index
    %get3A_356 = tpu.vector_load %arg4[%get3A_355] {strides = array<i32>} : memref<1024xi32, #tpu.memory_space<vmem>>, vector<16xi32>,
    %add3A_357 = arith.constant 96 : i32
    %add3A_358 = arith.addi %mul3A_2, %add3A_357 : i32
    %add3A_359 = arith.constant 0 : i32
    %add3A_360 = arith.addi %add3A_358, %add3A_359 : i32
    %add3A_361 = vector.broadcast %add3A_360 : i32 to vector<16xi32>
    %add3A_362 = arith.addi %add3A_361, %iota3A : vector<16xi32>
    %and3A_363 = arith.constant 2047 : i32
    %and3A_364 = vector.broadcast %and3A_363 : i32 to vector<16xi32>
    %and3A_365 = arith.andi %add3A_362, %and3A_364 : vector<16xi32>
    %eq3A_366 = arith.constant 2047 : i32
    %eq3A_367 = vector.broadcast %eq3A_366 : i32 to vector<16xi32>
    %eq3A_368 = arith.cmpi eq, %and3A_365, %eq3A_367 : vector<16xi32>
    %jit3A_369 = arith.constant 1023 : i32
    %broadcast_in_dim3A_370 = vector.broadcast %jit3A_369 : i32 to vector<16xi32>
    %select_n3A_371 = arith.select %eq3A_368, %broadcast_in_dim3A_370, %get3A_356 : vector<16xi1>, vector<16xi32>
    %jit3A_372 = arith.constant -1.000000e+03 : f32
    %jit3A_373 = arith.constant 5.000000e+00 : f32
    %broadcast_in_dim3A_374 = vector.broadcast %jit3A_372 : f32 to vector<16xf32>
    %broadcast_in_dim3A_375 = vector.broadcast %jit3A_373 : f32 to vector<16xf32>
    %select_n3A_376 = arith.select %eq3A_368, %broadcast_in_dim3A_374, %broadcast_in_dim3A_375 : vector<16xi1>, vector<16xf32>
    %get3A_377 = arith.constant 112 : index
    %get3A_378 = tpu.vector_load %arg4[%get3A_377] {strides = array<i32>} : memref<1024xi32, #tpu.memory_space<vmem>>, vector<16xi32>,
    %add3A_379 = arith.constant 96 : i32
    %add3A_380 = arith.addi %mul3A_2, %add3A_379 : i32
    %add3A_381 = arith.constant 16 : i32
    %add3A_382 = arith.addi %add3A_380, %add3A_381 : i32
    %add3A_383 = vector.broadcast %add3A_382 : i32 to vector<16xi32>
    %add3A_384 = arith.addi %add3A_383, %iota3A : vector<16xi32>
    %and3A_385 = arith.constant 2047 : i32
    %and3A_386 = vector.broadcast %and3A_385 : i32 to vector<16xi32>
    %and3A_387 = arith.andi %add3A_384, %and3A_386 : vector<16xi32>
    %eq3A_388 = arith.constant 2047 : i32
    %eq3A_389 = vector.broadcast %eq3A_388 : i32 to vector<16xi32>
    %eq3A_390 = arith.cmpi eq, %and3A_387, %eq3A_389 : vector<16xi32>
    %jit3A_391 = arith.constant 1023 : i32
    %broadcast_in_dim3A_392 = vector.broadcast %jit3A_391 : i32 to vector<16xi32>
    %select_n3A_393 = arith.select %eq3A_390, %broadcast_in_dim3A_392, %get3A_378 : vector<16xi1>, vector<16xi32>
    %jit3A_394 = arith.constant -1.000000e+03 : f32
    %jit3A_395 = arith.constant 5.000000e+00 : f32
    %broadcast_in_dim3A_396 = vector.broadcast %jit3A_394 : f32 to vector<16xf32>
    %broadcast_in_dim3A_397 = vector.broadcast %jit3A_395 : f32 to vector<16xf32>
    %select_n3A_398 = arith.select %eq3A_390, %broadcast_in_dim3A_396, %broadcast_in_dim3A_397 : vector<16xi1>, vector<16xf32>
    %add3A_399 = arith.constant 0 : i32
    %add3A_400 = vector.broadcast %add3A_399 : i32 to vector<16xi32>
    %add3A_401 = arith.addi %add3A_400, %iota3A : vector<16xi32>
    tpu.vector_store_idx %arg5[%add3A_401, %select_n3A_371], %select_n3A_376 : memref<96x1024xf32, #tpu.memory_space<vmem>>[vector<16xi32>, vector<16xi32>], vector<16xf32>,
    %add3A_402 = arith.constant 16 : i32
    %add3A_403 = vector.broadcast %add3A_402 : i32 to vector<16xi32>
    %add3A_404 = arith.addi %add3A_403, %iota3A : vector<16xi32>
    tpu.vector_store_idx %arg5[%add3A_404, %select_n3A_393], %select_n3A_398 : memref<96x1024xf32, #tpu.memory_space<vmem>>[vector<16xi32>, vector<16xi32>], vector<16xf32>,
    %add3A_405 = arith.constant 96 : i32
    %add3A_406 = arith.addi %mul3A_2, %add3A_405 : i32
    %dma_start3A_407 = arith.constant 0 : i32
    %dma_start3A_408 = arith.constant 0 : i32
    %dma_start3A_409 = tpu.memref_slice %arg5[%dma_start3A_407, %dma_start3A_408] : memref<96x1024xf32, #tpu.memory_space<vmem>> -> memref<32x1024xf32, #tpu.memory_space<vmem>>
    %dma_start3A_410 = arith.constant 0 : i32
    %dma_start3A_411 = tpu.memref_slice %arg3[%add3A_406, %dma_start3A_410] : memref<32768x1024xf32, #tpu.memory_space<hbm>> -> memref<32x1024xf32, #tpu.memory_space<hbm>>
    %dma_start3A_412 = arith.constant 0 : i32
    %dma_start3A_413 = tpu.memref_slice %arg3[%add3A_406, %dma_start3A_412] : memref<32768x1024xf32, #tpu.memory_space<hbm>> -> memref<32x1024xf32, #tpu.memory_space<hbm>>
    %dma_start3A_414 = arith.constant 0 : i32
    %dma_start3A_415 = arith.constant 0 : i32
    %dma_start3A_416 = tpu.memref_slice %arg5[%dma_start3A_414, %dma_start3A_415] : memref<96x1024xf32, #tpu.memory_space<vmem>> -> memref<32x1024xf32, #tpu.memory_space<vmem>>
    tpu.enqueue_dma source(%dma_start3A_416 : memref<32x1024xf32, #tpu.memory_space<vmem>>) target(%dma_start3A_413 : memref<32x1024xf32, #tpu.memory_space<hbm>>) target_semaphore(%arg6 : memref<!tpu.dma_semaphore, #tpu.memory_space<semaphore_mem>>)
    %dma_wait3A_417 = arith.constant 32 : i32
    %dma_wait3A_418 = arith.constant 0 : i32
    %dma_wait3A_419 = tpu.memref_slice %arg5[%dma_wait3A_417, %dma_wait3A_418] : memref<96x1024xf32, #tpu.memory_space<vmem>> -> memref<32x1024xf32, #tpu.memory_space<vmem>>
    %dma_wait3A_420 = arith.constant 0 : i32
    %dma_wait3A_421 = tpu.memref_slice %arg3[%add3A_183, %dma_wait3A_420] : memref<32768x1024xf32, #tpu.memory_space<hbm>> -> memref<32x1024xf32, #tpu.memory_space<hbm>>
    %dma_wait3A_422 = arith.constant 0 : i32
    %dma_wait3A_423 = tpu.memref_slice %arg3[%add3A_183, %dma_wait3A_422] : memref<32768x1024xf32, #tpu.memory_space<hbm>> -> memref<32x1024xf32, #tpu.memory_space<hbm>>
    %dma_wait3A_424 = arith.constant 32 : i32
    %dma_wait3A_425 = arith.constant 0 : i32
    %dma_wait3A_426 = tpu.memref_slice %arg5[%dma_wait3A_424, %dma_wait3A_425] : memref<96x1024xf32, #tpu.memory_space<vmem>> -> memref<32x1024xf32, #tpu.memory_space<vmem>>
    tpu.wait_dma2 semaphore(%arg7 : memref<!tpu.dma_semaphore, #tpu.memory_space<semaphore_mem>>) src(%dma_wait3A_426 : memref<32x1024xf32, #tpu.memory_space<vmem>>) dst(%dma_wait3A_423 : memref<32x1024xf32, #tpu.memory_space<hbm>>)
    %get3A_427 = arith.constant 32 : index
    %get3A_428 = tpu.vector_load %arg4[%get3A_427] {strides = array<i32>} : memref<1024xi32, #tpu.memory_space<vmem>>, vector<16xi32>,
    %add3A_429 = arith.constant 32 : i32
    %add3A_430 = arith.addi %mul3A_2, %add3A_429 : i32
    %add3A_431 = arith.constant 0 : i32
    %add3A_432 = arith.addi %add3A_430, %add3A_431 : i32
    %add3A_433 = vector.broadcast %add3A_432 : i32 to vector<16xi32>
    %add3A_434 = arith.addi %add3A_433, %iota3A : vector<16xi32>
    %and3A_435 = arith.constant 2047 : i32
    %and3A_436 = vector.broadcast %and3A_435 : i32 to vector<16xi32>
    %and3A_437 = arith.andi %add3A_434, %and3A_436 : vector<16xi32>
    %eq3A_438 = arith.constant 2047 : i32
    %eq3A_439 = vector.broadcast %eq3A_438 : i32 to vector<16xi32>
    %eq3A_440 = arith.cmpi eq, %and3A_437, %eq3A_439 : vector<16xi32>
    %jit3A_441 = arith.constant 1023 : i32
    %broadcast_in_dim3A_442 = vector.broadcast %jit3A_441 : i32 to vector<16xi32>
    %select_n3A_443 = arith.select %eq3A_440, %broadcast_in_dim3A_442, %get3A_428 : vector<16xi1>, vector<16xi32>
    %jit3A_444 = arith.constant -1.000000e+03 : f32
    %jit3A_445 = arith.constant 5.000000e+00 : f32
    %broadcast_in_dim3A_446 = vector.broadcast %jit3A_444 : f32 to vector<16xf32>
    %broadcast_in_dim3A_447 = vector.broadcast %jit3A_445 : f32 to vector<16xf32>
    %select_n3A_448 = arith.select %eq3A_440, %broadcast_in_dim3A_446, %broadcast_in_dim3A_447 : vector<16xi1>, vector<16xf32>
    %get3A_449 = arith.constant 48 : index
    %get3A_450 = tpu.vector_load %arg4[%get3A_449] {strides = array<i32>} : memref<1024xi32, #tpu.memory_space<vmem>>, vector<16xi32>,
    %add3A_451 = arith.constant 32 : i32
    %add3A_452 = arith.addi %mul3A_2, %add3A_451 : i32
    %add3A_453 = arith.constant 16 : i32
    %add3A_454 = arith.addi %add3A_452, %add3A_453 : i32
    %add3A_455 = vector.broadcast %add3A_454 : i32 to vector<16xi32>
    %add3A_456 = arith.addi %add3A_455, %iota3A : vector<16xi32>
    %and3A_457 = arith.constant 2047 : i32
    %and3A_458 = vector.broadcast %and3A_457 : i32 to vector<16xi32>
    %and3A_459 = arith.andi %add3A_456, %and3A_458 : vector<16xi32>
    %eq3A_460 = arith.constant 2047 : i32
    %eq3A_461 = vector.broadcast %eq3A_460 : i32 to vector<16xi32>
    %eq3A_462 = arith.cmpi eq, %and3A_459, %eq3A_461 : vector<16xi32>
    %jit3A_463 = arith.constant 1023 : i32
    %broadcast_in_dim3A_464 = vector.broadcast %jit3A_463 : i32 to vector<16xi32>
    %select_n3A_465 = arith.select %eq3A_462, %broadcast_in_dim3A_464, %get3A_450 : vector<16xi1>, vector<16xi32>
    %jit3A_466 = arith.constant -1.000000e+03 : f32
    %jit3A_467 = arith.constant 5.000000e+00 : f32
    %broadcast_in_dim3A_468 = vector.broadcast %jit3A_466 : f32 to vector<16xf32>
    %broadcast_in_dim3A_469 = vector.broadcast %jit3A_467 : f32 to vector<16xf32>
    %select_n3A_470 = arith.select %eq3A_462, %broadcast_in_dim3A_468, %broadcast_in_dim3A_469 : vector<16xi1>, vector<16xf32>
    %add3A_471 = arith.constant 32 : i32
    %add3A_472 = vector.broadcast %add3A_471 : i32 to vector<16xi32>
    %add3A_473 = arith.addi %add3A_472, %iota3A : vector<16xi32>
    %eq3A_474 = arith.constant 0 : i32
    %eq3A_475 = vector.broadcast %eq3A_474 : i32 to vector<16xi32>
    %eq3A_476 = arith.cmpi eq, %select_n3A_443, %eq3A_475 : vector<16xi32>
    %eq3A_477 = arith.constant 1 : i32
    %eq3A_478 = vector.broadcast %eq3A_477 : i32 to vector<16xi32>
    %eq3A_479 = arith.cmpi eq, %select_n3A_443, %eq3A_478 : vector<16xi32>
    %eq3A_480 = arith.constant 2 : i32
    %eq3A_481 = vector.broadcast %eq3A_480 : i32 to vector<16xi32>
    %eq3A_482 = arith.cmpi eq, %select_n3A_443, %eq3A_481 : vector<16xi32>
    %jit3A_483 = arith.constant 0.000000e+00 : f32
    %jit3A_484 = arith.constant -1.000000e+03 : f32
    %broadcast_in_dim3A_485 = vector.broadcast %jit3A_483 : f32 to vector<16xf32>
    %broadcast_in_dim3A_486 = vector.broadcast %jit3A_484 : f32 to vector<16xf32>
    %select_n3A_487 = arith.select %eq3A_482, %broadcast_in_dim3A_485, %broadcast_in_dim3A_486 : vector<16xi1>, vector<16xf32>
    %jit3A_488 = arith.constant 5.000000e-01 : f32
    %broadcast_in_dim3A_489 = vector.broadcast %jit3A_488 : f32 to vector<16xf32>
    %select_n3A_490 = arith.select %eq3A_479, %broadcast_in_dim3A_489, %select_n3A_487 : vector<16xi1>, vector<16xf32>
    %jit3A_491 = arith.constant 1.000000e+00 : f32
    %broadcast_in_dim3A_492 = vector.broadcast %jit3A_491 : f32 to vector<16xf32>
    %select_n3A_493 = arith.select %eq3A_476, %broadcast_in_dim3A_492, %select_n3A_490 : vector<16xi1>, vector<16xf32>
    tpu.vector_store_idx %arg5[%add3A_473, %select_n3A_443], %select_n3A_493 : memref<96x1024xf32, #tpu.memory_space<vmem>>[vector<16xi32>, vector<16xi32>], vector<16xf32>,
    %add3A_494 = arith.constant 48 : i32
    %add3A_495 = vector.broadcast %add3A_494 : i32 to vector<16xi32>
    %add3A_496 = arith.addi %add3A_495, %iota3A : vector<16xi32>
    %eq3A_497 = arith.constant 0 : i32
    %eq3A_498 = vector.broadcast %eq3A_497 : i32 to vector<16xi32>
    %eq3A_499 = arith.cmpi eq, %select_n3A_465, %eq3A_498 : vector<16xi32>
    %eq3A_500 = arith.constant 1 : i32
    %eq3A_501 = vector.broadcast %eq3A_500 : i32 to vector<16xi32>
    %eq3A_502 = arith.cmpi eq, %select_n3A_465, %eq3A_501 : vector<16xi32>
    %eq3A_503 = arith.constant 2 : i32
    %eq3A_504 = vector.broadcast %eq3A_503 : i32 to vector<16xi32>
    %eq3A_505 = arith.cmpi eq, %select_n3A_465, %eq3A_504 : vector<16xi32>
    %jit3A_506 = arith.constant 0.000000e+00 : f32
    %jit3A_507 = arith.constant -1.000000e+03 : f32
    %broadcast_in_dim3A_508 = vector.broadcast %jit3A_506 : f32 to vector<16xf32>
    %broadcast_in_dim3A_509 = vector.broadcast %jit3A_507 : f32 to vector<16xf32>
    %select_n3A_510 = arith.select %eq3A_505, %broadcast_in_dim3A_508, %broadcast_in_dim3A_509 : vector<16xi1>, vector<16xf32>
    %jit3A_511 = arith.constant 5.000000e-01 : f32
    %broadcast_in_dim3A_512 = vector.broadcast %jit3A_511 : f32 to vector<16xf32>
    %select_n3A_513 = arith.select %eq3A_502, %broadcast_in_dim3A_512, %select_n3A_510 : vector<16xi1>, vector<16xf32>
    %jit3A_514 = arith.constant 1.000000e+00 : f32
    %broadcast_in_dim3A_515 = vector.broadcast %jit3A_514 : f32 to vector<16xf32>
    %select_n3A_516 = arith.select %eq3A_499, %broadcast_in_dim3A_515, %select_n3A_513 : vector<16xi1>, vector<16xf32>
    tpu.vector_store_idx %arg5[%add3A_496, %select_n3A_465], %select_n3A_516 : memref<96x1024xf32, #tpu.memory_space<vmem>>[vector<16xi32>, vector<16xi32>], vector<16xf32>,
    %get3A_517 = arith.constant 128 : index
    %get3A_518 = tpu.vector_load %arg4[%get3A_517] {strides = array<i32>} : memref<1024xi32, #tpu.memory_space<vmem>>, vector<16xi32>,
    %add3A_519 = arith.constant 128 : i32
    %add3A_520 = arith.addi %mul3A_2, %add3A_519 : i32
    %add3A_521 = arith.constant 0 : i32
    %add3A_522 = arith.addi %add3A_520, %add3A_521 : i32
    %add3A_523 = vector.broadcast %add3A_522 : i32 to vector<16xi32>
    %add3A_524 = arith.addi %add3A_523, %iota3A : vector<16xi32>
    %and3A_525 = arith.constant 2047 : i32
    %and3A_526 = vector.broadcast %and3A_525 : i32 to vector<16xi32>
    %and3A_527 = arith.andi %add3A_524, %and3A_526 : vector<16xi32>
    %eq3A_528 = arith.constant 2047 : i32
    %eq3A_529 = vector.broadcast %eq3A_528 : i32 to vector<16xi32>
    %eq3A_530 = arith.cmpi eq, %and3A_527, %eq3A_529 : vector<16xi32>
    %jit3A_531 = arith.constant 1023 : i32
    %broadcast_in_dim3A_532 = vector.broadcast %jit3A_531 : i32 to vector<16xi32>
    %select_n3A_533 = arith.select %eq3A_530, %broadcast_in_dim3A_532, %get3A_518 : vector<16xi1>, vector<16xi32>
    %jit3A_534 = arith.constant -1.000000e+03 : f32
    %jit3A_535 = arith.constant 5.000000e+00 : f32
    %broadcast_in_dim3A_536 = vector.broadcast %jit3A_534 : f32 to vector<16xf32>
    %broadcast_in_dim3A_537 = vector.broadcast %jit3A_535 : f32 to vector<16xf32>
    %select_n3A_538 = arith.select %eq3A_530, %broadcast_in_dim3A_536, %broadcast_in_dim3A_537 : vector<16xi1>, vector<16xf32>
    %get3A_539 = arith.constant 144 : index
    %get3A_540 = tpu.vector_load %arg4[%get3A_539] {strides = array<i32>} : memref<1024xi32, #tpu.memory_space<vmem>>, vector<16xi32>,
    %add3A_541 = arith.constant 128 : i32
    %add3A_542 = arith.addi %mul3A_2, %add3A_541 : i32
    %add3A_543 = arith.constant 16 : i32
    %add3A_544 = arith.addi %add3A_542, %add3A_543 : i32
    %add3A_545 = vector.broadcast %add3A_544 : i32 to vector<16xi32>
    %add3A_546 = arith.addi %add3A_545, %iota3A : vector<16xi32>
    %and3A_547 = arith.constant 2047 : i32
    %and3A_548 = vector.broadcast %and3A_547 : i32 to vector<16xi32>
    %and3A_549 = arith.andi %add3A_546, %and3A_548 : vector<16xi32>
    %eq3A_550 = arith.constant 2047 : i32
    %eq3A_551 = vector.broadcast %eq3A_550 : i32 to vector<16xi32>
    %eq3A_552 = arith.cmpi eq, %and3A_549, %eq3A_551 : vector<16xi32>
    %jit3A_553 = arith.constant 1023 : i32
    %broadcast_in_dim3A_554 = vector.broadcast %jit3A_553 : i32 to vector<16xi32>
    %select_n3A_555 = arith.select %eq3A_552, %broadcast_in_dim3A_554, %get3A_540 : vector<16xi1>, vector<16xi32>
    %jit3A_556 = arith.constant -1.000000e+03 : f32
    %jit3A_557 = arith.constant 5.000000e+00 : f32
    %broadcast_in_dim3A_558 = vector.broadcast %jit3A_556 : f32 to vector<16xf32>
    %broadcast_in_dim3A_559 = vector.broadcast %jit3A_557 : f32 to vector<16xf32>
    %select_n3A_560 = arith.select %eq3A_552, %broadcast_in_dim3A_558, %broadcast_in_dim3A_559 : vector<16xi1>, vector<16xf32>
    %add3A_561 = arith.constant 32 : i32
    %add3A_562 = vector.broadcast %add3A_561 : i32 to vector<16xi32>
    %add3A_563 = arith.addi %add3A_562, %iota3A : vector<16xi32>
    tpu.vector_store_idx %arg5[%add3A_563, %select_n3A_533], %select_n3A_538 : memref<96x1024xf32, #tpu.memory_space<vmem>>[vector<16xi32>, vector<16xi32>], vector<16xf32>,
    %add3A_564 = arith.constant 48 : i32
    %add3A_565 = vector.broadcast %add3A_564 : i32 to vector<16xi32>
    %add3A_566 = arith.addi %add3A_565, %iota3A : vector<16xi32>
    tpu.vector_store_idx %arg5[%add3A_566, %select_n3A_555], %select_n3A_560 : memref<96x1024xf32, #tpu.memory_space<vmem>>[vector<16xi32>, vector<16xi32>], vector<16xf32>,
    %add3A_567 = arith.constant 128 : i32
    %add3A_568 = arith.addi %mul3A_2, %add3A_567 : i32
    %dma_start3A_569 = arith.constant 32 : i32
    %dma_start3A_570 = arith.constant 0 : i32
    %dma_start3A_571 = tpu.memref_slice %arg5[%dma_start3A_569, %dma_start3A_570] : memref<96x1024xf32, #tpu.memory_space<vmem>> -> memref<32x1024xf32, #tpu.memory_space<vmem>>
    %dma_start3A_572 = arith.constant 0 : i32
    %dma_start3A_573 = tpu.memref_slice %arg3[%add3A_568, %dma_start3A_572] : memref<32768x1024xf32, #tpu.memory_space<hbm>> -> memref<32x1024xf32, #tpu.memory_space<hbm>>
    %dma_start3A_574 = arith.constant 0 : i32
    %dma_start3A_575 = tpu.memref_slice %arg3[%add3A_568, %dma_start3A_574] : memref<32768x1024xf32, #tpu.memory_space<hbm>> -> memref<32x1024xf32, #tpu.memory_space<hbm>>
    %dma_start3A_576 = arith.constant 32 : i32
    %dma_start3A_577 = arith.constant 0 : i32
    %dma_start3A_578 = tpu.memref_slice %arg5[%dma_start3A_576, %dma_start3A_577] : memref<96x1024xf32, #tpu.memory_space<vmem>> -> memref<32x1024xf32, #tpu.memory_space<vmem>>
    tpu.enqueue_dma source(%dma_start3A_578 : memref<32x1024xf32, #tpu.memory_space<vmem>>) target(%dma_start3A_575 : memref<32x1024xf32, #tpu.memory_space<hbm>>) target_semaphore(%arg7 : memref<!tpu.dma_semaphore, #tpu.memory_space<semaphore_mem>>)
    %dma_wait3A_579 = arith.constant 64 : i32
    %dma_wait3A_580 = arith.constant 0 : i32
    %dma_wait3A_581 = tpu.memref_slice %arg5[%dma_wait3A_579, %dma_wait3A_580] : memref<96x1024xf32, #tpu.memory_space<vmem>> -> memref<32x1024xf32, #tpu.memory_space<vmem>>
    %dma_wait3A_582 = arith.constant 0 : i32
    %dma_wait3A_583 = tpu.memref_slice %arg3[%add3A_245, %dma_wait3A_582] : memref<32768x1024xf32, #tpu.memory_space<hbm>> -> memref<32x1024xf32, #tpu.memory_space<hbm>>
    %dma_wait3A_584 = arith.constant 0 : i32
    %dma_wait3A_585 = tpu.memref_slice %arg3[%add3A_245, %dma_wait3A_584] : memref<32768x1024xf32, #tpu.memory_space<hbm>> -> memref<32x1024xf32, #tpu.memory_space<hbm>>
    %dma_wait3A_586 = arith.constant 64 : i32
    %dma_wait3A_587 = arith.constant 0 : i32
    %dma_wait3A_588 = tpu.memref_slice %arg5[%dma_wait3A_586, %dma_wait3A_587] : memref<96x1024xf32, #tpu.memory_space<vmem>> -> memref<32x1024xf32, #tpu.memory_space<vmem>>
    tpu.wait_dma2 semaphore(%arg8 : memref<!tpu.dma_semaphore, #tpu.memory_space<semaphore_mem>>) src(%dma_wait3A_588 : memref<32x1024xf32, #tpu.memory_space<vmem>>) dst(%dma_wait3A_585 : memref<32x1024xf32, #tpu.memory_space<hbm>>)
    %get3A_589 = arith.constant 64 : index
    %get3A_590 = tpu.vector_load %arg4[%get3A_589] {strides = array<i32>} : memref<1024xi32, #tpu.memory_space<vmem>>, vector<16xi32>,
    %add3A_591 = arith.constant 64 : i32
    %add3A_592 = arith.addi %mul3A_2, %add3A_591 : i32
    %add3A_593 = arith.constant 0 : i32
    %add3A_594 = arith.addi %add3A_592, %add3A_593 : i32
    %add3A_595 = vector.broadcast %add3A_594 : i32 to vector<16xi32>
    %add3A_596 = arith.addi %add3A_595, %iota3A : vector<16xi32>
    %and3A_597 = arith.constant 2047 : i32
    %and3A_598 = vector.broadcast %and3A_597 : i32 to vector<16xi32>
    %and3A_599 = arith.andi %add3A_596, %and3A_598 : vector<16xi32>
    %eq3A_600 = arith.constant 2047 : i32
    %eq3A_601 = vector.broadcast %eq3A_600 : i32 to vector<16xi32>
    %eq3A_602 = arith.cmpi eq, %and3A_599, %eq3A_601 : vector<16xi32>
    %jit3A_603 = arith.constant 1023 : i32
    %broadcast_in_dim3A_604 = vector.broadcast %jit3A_603 : i32 to vector<16xi32>
    %select_n3A_605 = arith.select %eq3A_602, %broadcast_in_dim3A_604, %get3A_590 : vector<16xi1>, vector<16xi32>
    %jit3A_606 = arith.constant -1.000000e+03 : f32
    %jit3A_607 = arith.constant 5.000000e+00 : f32
    %broadcast_in_dim3A_608 = vector.broadcast %jit3A_606 : f32 to vector<16xf32>
    %broadcast_in_dim3A_609 = vector.broadcast %jit3A_607 : f32 to vector<16xf32>
    %select_n3A_610 = arith.select %eq3A_602, %broadcast_in_dim3A_608, %broadcast_in_dim3A_609 : vector<16xi1>, vector<16xf32>
    %get3A_611 = arith.constant 80 : index
    %get3A_612 = tpu.vector_load %arg4[%get3A_611] {strides = array<i32>} : memref<1024xi32, #tpu.memory_space<vmem>>, vector<16xi32>,
    %add3A_613 = arith.constant 64 : i32
    %add3A_614 = arith.addi %mul3A_2, %add3A_613 : i32
    %add3A_615 = arith.constant 16 : i32
    %add3A_616 = arith.addi %add3A_614, %add3A_615 : i32
    %add3A_617 = vector.broadcast %add3A_616 : i32 to vector<16xi32>
    %add3A_618 = arith.addi %add3A_617, %iota3A : vector<16xi32>
    %and3A_619 = arith.constant 2047 : i32
    %and3A_620 = vector.broadcast %and3A_619 : i32 to vector<16xi32>
    %and3A_621 = arith.andi %add3A_618, %and3A_620 : vector<16xi32>
    %eq3A_622 = arith.constant 2047 : i32
    %eq3A_623 = vector.broadcast %eq3A_622 : i32 to vector<16xi32>
    %eq3A_624 = arith.cmpi eq, %and3A_621, %eq3A_623 : vector<16xi32>
    %jit3A_625 = arith.constant 1023 : i32
    %broadcast_in_dim3A_626 = vector.broadcast %jit3A_625 : i32 to vector<16xi32>
    %select_n3A_627 = arith.select %eq3A_624, %broadcast_in_dim3A_626, %get3A_612 : vector<16xi1>, vector<16xi32>
    %jit3A_628 = arith.constant -1.000000e+03 : f32
    %jit3A_629 = arith.constant 5.000000e+00 : f32
    %broadcast_in_dim3A_630 = vector.broadcast %jit3A_628 : f32 to vector<16xf32>
    %broadcast_in_dim3A_631 = vector.broadcast %jit3A_629 : f32 to vector<16xf32>
    %select_n3A_632 = arith.select %eq3A_624, %broadcast_in_dim3A_630, %broadcast_in_dim3A_631 : vector<16xi1>, vector<16xf32>
    %add3A_633 = arith.constant 64 : i32
    %add3A_634 = vector.broadcast %add3A_633 : i32 to vector<16xi32>
    %add3A_635 = arith.addi %add3A_634, %iota3A : vector<16xi32>
    %eq3A_636 = arith.constant 0 : i32
    %eq3A_637 = vector.broadcast %eq3A_636 : i32 to vector<16xi32>
    %eq3A_638 = arith.cmpi eq, %select_n3A_605, %eq3A_637 : vector<16xi32>
    %eq3A_639 = arith.constant 1 : i32
    %eq3A_640 = vector.broadcast %eq3A_639 : i32 to vector<16xi32>
    %eq3A_641 = arith.cmpi eq, %select_n3A_605, %eq3A_640 : vector<16xi32>
    %eq3A_642 = arith.constant 2 : i32
    %eq3A_643 = vector.broadcast %eq3A_642 : i32 to vector<16xi32>
    %eq3A_644 = arith.cmpi eq, %select_n3A_605, %eq3A_643 : vector<16xi32>
    %jit3A_645 = arith.constant 0.000000e+00 : f32
    %jit3A_646 = arith.constant -1.000000e+03 : f32
    %broadcast_in_dim3A_647 = vector.broadcast %jit3A_645 : f32 to vector<16xf32>
    %broadcast_in_dim3A_648 = vector.broadcast %jit3A_646 : f32 to vector<16xf32>
    %select_n3A_649 = arith.select %eq3A_644, %broadcast_in_dim3A_647, %broadcast_in_dim3A_648 : vector<16xi1>, vector<16xf32>
    %jit3A_650 = arith.constant 5.000000e-01 : f32
    %broadcast_in_dim3A_651 = vector.broadcast %jit3A_650 : f32 to vector<16xf32>
    %select_n3A_652 = arith.select %eq3A_641, %broadcast_in_dim3A_651, %select_n3A_649 : vector<16xi1>, vector<16xf32>
    %jit3A_653 = arith.constant 1.000000e+00 : f32
    %broadcast_in_dim3A_654 = vector.broadcast %jit3A_653 : f32 to vector<16xf32>
    %select_n3A_655 = arith.select %eq3A_638, %broadcast_in_dim3A_654, %select_n3A_652 : vector<16xi1>, vector<16xf32>
    tpu.vector_store_idx %arg5[%add3A_635, %select_n3A_605], %select_n3A_655 : memref<96x1024xf32, #tpu.memory_space<vmem>>[vector<16xi32>, vector<16xi32>], vector<16xf32>,
    %add3A_656 = arith.constant 80 : i32
    %add3A_657 = vector.broadcast %add3A_656 : i32 to vector<16xi32>
    %add3A_658 = arith.addi %add3A_657, %iota3A : vector<16xi32>
    %eq3A_659 = arith.constant 0 : i32
    %eq3A_660 = vector.broadcast %eq3A_659 : i32 to vector<16xi32>
    %eq3A_661 = arith.cmpi eq, %select_n3A_627, %eq3A_660 : vector<16xi32>
    %eq3A_662 = arith.constant 1 : i32
    %eq3A_663 = vector.broadcast %eq3A_662 : i32 to vector<16xi32>
    %eq3A_664 = arith.cmpi eq, %select_n3A_627, %eq3A_663 : vector<16xi32>
    %eq3A_665 = arith.constant 2 : i32
    %eq3A_666 = vector.broadcast %eq3A_665 : i32 to vector<16xi32>
    %eq3A_667 = arith.cmpi eq, %select_n3A_627, %eq3A_666 : vector<16xi32>
    %jit3A_668 = arith.constant 0.000000e+00 : f32
    %jit3A_669 = arith.constant -1.000000e+03 : f32
    %broadcast_in_dim3A_670 = vector.broadcast %jit3A_668 : f32 to vector<16xf32>
    %broadcast_in_dim3A_671 = vector.broadcast %jit3A_669 : f32 to vector<16xf32>
    %select_n3A_672 = arith.select %eq3A_667, %broadcast_in_dim3A_670, %broadcast_in_dim3A_671 : vector<16xi1>, vector<16xf32>
    %jit3A_673 = arith.constant 5.000000e-01 : f32
    %broadcast_in_dim3A_674 = vector.broadcast %jit3A_673 : f32 to vector<16xf32>
    %select_n3A_675 = arith.select %eq3A_664, %broadcast_in_dim3A_674, %select_n3A_672 : vector<16xi1>, vector<16xf32>
    %jit3A_676 = arith.constant 1.000000e+00 : f32
    %broadcast_in_dim3A_677 = vector.broadcast %jit3A_676 : f32 to vector<16xf32>
    %select_n3A_678 = arith.select %eq3A_661, %broadcast_in_dim3A_677, %select_n3A_675 : vector<16xi1>, vector<16xf32>
    tpu.vector_store_idx %arg5[%add3A_658, %select_n3A_627], %select_n3A_678 : memref<96x1024xf32, #tpu.memory_space<vmem>>[vector<16xi32>, vector<16xi32>], vector<16xf32>,
    %get3A_679 = arith.constant 160 : index
    %get3A_680 = tpu.vector_load %arg4[%get3A_679] {strides = array<i32>} : memref<1024xi32, #tpu.memory_space<vmem>>, vector<16xi32>,
    %add3A_681 = arith.constant 160 : i32
    %add3A_682 = arith.addi %mul3A_2, %add3A_681 : i32
    %add3A_683 = arith.constant 0 : i32
    %add3A_684 = arith.addi %add3A_682, %add3A_683 : i32
    %add3A_685 = vector.broadcast %add3A_684 : i32 to vector<16xi32>
    %add3A_686 = arith.addi %add3A_685, %iota3A : vector<16xi32>
    %and3A_687 = arith.constant 2047 : i32
    %and3A_688 = vector.broadcast %and3A_687 : i32 to vector<16xi32>
    %and3A_689 = arith.andi %add3A_686, %and3A_688 : vector<16xi32>
    %eq3A_690 = arith.constant 2047 : i32
    %eq3A_691 = vector.broadcast %eq3A_690 : i32 to vector<16xi32>
    %eq3A_692 = arith.cmpi eq, %and3A_689, %eq3A_691 : vector<16xi32>
    %jit3A_693 = arith.constant 1023 : i32
    %broadcast_in_dim3A_694 = vector.broadcast %jit3A_693 : i32 to vector<16xi32>
    %select_n3A_695 = arith.select %eq3A_692, %broadcast_in_dim3A_694, %get3A_680 : vector<16xi1>, vector<16xi32>
    %jit3A_696 = arith.constant -1.000000e+03 : f32
    %jit3A_697 = arith.constant 5.000000e+00 : f32
    %broadcast_in_dim3A_698 = vector.broadcast %jit3A_696 : f32 to vector<16xf32>
    %broadcast_in_dim3A_699 = vector.broadcast %jit3A_697 : f32 to vector<16xf32>
    %select_n3A_700 = arith.select %eq3A_692, %broadcast_in_dim3A_698, %broadcast_in_dim3A_699 : vector<16xi1>, vector<16xf32>
    %get3A_701 = arith.constant 176 : index
    %get3A_702 = tpu.vector_load %arg4[%get3A_701] {strides = array<i32>} : memref<1024xi32, #tpu.memory_space<vmem>>, vector<16xi32>,
    %add3A_703 = arith.constant 160 : i32
    %add3A_704 = arith.addi %mul3A_2, %add3A_703 : i32
    %add3A_705 = arith.constant 16 : i32
    %add3A_706 = arith.addi %add3A_704, %add3A_705 : i32
    %add3A_707 = vector.broadcast %add3A_706 : i32 to vector<16xi32>
    %add3A_708 = arith.addi %add3A_707, %iota3A : vector<16xi32>
    %and3A_709 = arith.constant 2047 : i32
    %and3A_710 = vector.broadcast %and3A_709 : i32 to vector<16xi32>
    %and3A_711 = arith.andi %add3A_708, %and3A_710 : vector<16xi32>
    %eq3A_712 = arith.constant 2047 : i32
    %eq3A_713 = vector.broadcast %eq3A_712 : i32 to vector<16xi32>
    %eq3A_714 = arith.cmpi eq, %and3A_711, %eq3A_713 : vector<16xi32>
    %jit3A_715 = arith.constant 1023 : i32
    %broadcast_in_dim3A_716 = vector.broadcast %jit3A_715 : i32 to vector<16xi32>
    %select_n3A_717 = arith.select %eq3A_714, %broadcast_in_dim3A_716, %get3A_702 : vector<16xi1>, vector<16xi32>
    %jit3A_718 = arith.constant -1.000000e+03 : f32
    %jit3A_719 = arith.constant 5.000000e+00 : f32
    %broadcast_in_dim3A_720 = vector.broadcast %jit3A_718 : f32 to vector<16xf32>
    %broadcast_in_dim3A_721 = vector.broadcast %jit3A_719 : f32 to vector<16xf32>
    %select_n3A_722 = arith.select %eq3A_714, %broadcast_in_dim3A_720, %broadcast_in_dim3A_721 : vector<16xi1>, vector<16xf32>
    %add3A_723 = arith.constant 64 : i32
    %add3A_724 = vector.broadcast %add3A_723 : i32 to vector<16xi32>
    %add3A_725 = arith.addi %add3A_724, %iota3A : vector<16xi32>
    tpu.vector_store_idx %arg5[%add3A_725, %select_n3A_695], %select_n3A_700 : memref<96x1024xf32, #tpu.memory_space<vmem>>[vector<16xi32>, vector<16xi32>], vector<16xf32>,
    %add3A_726 = arith.constant 80 : i32
    %add3A_727 = vector.broadcast %add3A_726 : i32 to vector<16xi32>
    %add3A_728 = arith.addi %add3A_727, %iota3A : vector<16xi32>
    tpu.vector_store_idx %arg5[%add3A_728, %select_n3A_717], %select_n3A_722 : memref<96x1024xf32, #tpu.memory_space<vmem>>[vector<16xi32>, vector<16xi32>], vector<16xf32>,
    %add3A_729 = arith.constant 160 : i32
    %add3A_730 = arith.addi %mul3A_2, %add3A_729 : i32
    %dma_start3A_731 = arith.constant 64 : i32
    %dma_start3A_732 = arith.constant 0 : i32
    %dma_start3A_733 = tpu.memref_slice %arg5[%dma_start3A_731, %dma_start3A_732] : memref<96x1024xf32, #tpu.memory_space<vmem>> -> memref<32x1024xf32, #tpu.memory_space<vmem>>
    %dma_start3A_734 = arith.constant 0 : i32
    %dma_start3A_735 = tpu.memref_slice %arg3[%add3A_730, %dma_start3A_734] : memref<32768x1024xf32, #tpu.memory_space<hbm>> -> memref<32x1024xf32, #tpu.memory_space<hbm>>
    %dma_start3A_736 = arith.constant 0 : i32
    %dma_start3A_737 = tpu.memref_slice %arg3[%add3A_730, %dma_start3A_736] : memref<32768x1024xf32, #tpu.memory_space<hbm>> -> memref<32x1024xf32, #tpu.memory_space<hbm>>
    %dma_start3A_738 = arith.constant 64 : i32
    %dma_start3A_739 = arith.constant 0 : i32
    %dma_start3A_740 = tpu.memref_slice %arg5[%dma_start3A_738, %dma_start3A_739] : memref<96x1024xf32, #tpu.memory_space<vmem>> -> memref<32x1024xf32, #tpu.memory_space<vmem>>
    tpu.enqueue_dma source(%dma_start3A_740 : memref<32x1024xf32, #tpu.memory_space<vmem>>) target(%dma_start3A_737 : memref<32x1024xf32, #tpu.memory_space<hbm>>) target_semaphore(%arg8 : memref<!tpu.dma_semaphore, #tpu.memory_space<semaphore_mem>>)
    %dma_wait3A_741 = arith.constant 0 : i32
    %dma_wait3A_742 = arith.constant 0 : i32
    %dma_wait3A_743 = tpu.memref_slice %arg5[%dma_wait3A_741, %dma_wait3A_742] : memref<96x1024xf32, #tpu.memory_space<vmem>> -> memref<32x1024xf32, #tpu.memory_space<vmem>>
    %dma_wait3A_744 = arith.constant 0 : i32
    %dma_wait3A_745 = tpu.memref_slice %arg3[%add3A_406, %dma_wait3A_744] : memref<32768x1024xf32, #tpu.memory_space<hbm>> -> memref<32x1024xf32, #tpu.memory_space<hbm>>
    %dma_wait3A_746 = arith.constant 0 : i32
    %dma_wait3A_747 = tpu.memref_slice %arg3[%add3A_406, %dma_wait3A_746] : memref<32768x1024xf32, #tpu.memory_space<hbm>> -> memref<32x1024xf32, #tpu.memory_space<hbm>>
    %dma_wait3A_748 = arith.constant 0 : i32
    %dma_wait3A_749 = arith.constant 0 : i32
    %dma_wait3A_750 = tpu.memref_slice %arg5[%dma_wait3A_748, %dma_wait3A_749] : memref<96x1024xf32, #tpu.memory_space<vmem>> -> memref<32x1024xf32, #tpu.memory_space<vmem>>
    tpu.wait_dma2 semaphore(%arg6 : memref<!tpu.dma_semaphore, #tpu.memory_space<semaphore_mem>>) src(%dma_wait3A_750 : memref<32x1024xf32, #tpu.memory_space<vmem>>) dst(%dma_wait3A_747 : memref<32x1024xf32, #tpu.memory_space<hbm>>)
    %get3A_751 = arith.constant 96 : index
    %get3A_752 = tpu.vector_load %arg4[%get3A_751] {strides = array<i32>} : memref<1024xi32, #tpu.memory_space<vmem>>, vector<16xi32>,
    %add3A_753 = arith.constant 96 : i32
    %add3A_754 = arith.addi %mul3A_2, %add3A_753 : i32
    %add3A_755 = arith.constant 0 : i32
    %add3A_756 = arith.addi %add3A_754, %add3A_755 : i32
    %add3A_757 = vector.broadcast %add3A_756 : i32 to vector<16xi32>
    %add3A_758 = arith.addi %add3A_757, %iota3A : vector<16xi32>
    %and3A_759 = arith.constant 2047 : i32
    %and3A_760 = vector.broadcast %and3A_759 : i32 to vector<16xi32>
    %and3A_761 = arith.andi %add3A_758, %and3A_760 : vector<16xi32>
    %eq3A_762 = arith.constant 2047 : i32
    %eq3A_763 = vector.broadcast %eq3A_762 : i32 to vector<16xi32>
    %eq3A_764 = arith.cmpi eq, %and3A_761, %eq3A_763 : vector<16xi32>
    %jit3A_765 = arith.constant 1023 : i32
    %broadcast_in_dim3A_766 = vector.broadcast %jit3A_765 : i32 to vector<16xi32>
    %select_n3A_767 = arith.select %eq3A_764, %broadcast_in_dim3A_766, %get3A_752 : vector<16xi1>, vector<16xi32>
    %jit3A_768 = arith.constant -1.000000e+03 : f32
    %jit3A_769 = arith.constant 5.000000e+00 : f32
    %broadcast_in_dim3A_770 = vector.broadcast %jit3A_768 : f32 to vector<16xf32>
    %broadcast_in_dim3A_771 = vector.broadcast %jit3A_769 : f32 to vector<16xf32>
    %select_n3A_772 = arith.select %eq3A_764, %broadcast_in_dim3A_770, %broadcast_in_dim3A_771 : vector<16xi1>, vector<16xf32>
    %get3A_773 = arith.constant 112 : index
    %get3A_774 = tpu.vector_load %arg4[%get3A_773] {strides = array<i32>} : memref<1024xi32, #tpu.memory_space<vmem>>, vector<16xi32>,
    %add3A_775 = arith.constant 96 : i32
    %add3A_776 = arith.addi %mul3A_2, %add3A_775 : i32
    %add3A_777 = arith.constant 16 : i32
    %add3A_778 = arith.addi %add3A_776, %add3A_777 : i32
    %add3A_779 = vector.broadcast %add3A_778 : i32 to vector<16xi32>
    %add3A_780 = arith.addi %add3A_779, %iota3A : vector<16xi32>
    %and3A_781 = arith.constant 2047 : i32
    %and3A_782 = vector.broadcast %and3A_781 : i32 to vector<16xi32>
    %and3A_783 = arith.andi %add3A_780, %and3A_782 : vector<16xi32>
    %eq3A_784 = arith.constant 2047 : i32
    %eq3A_785 = vector.broadcast %eq3A_784 : i32 to vector<16xi32>
    %eq3A_786 = arith.cmpi eq, %and3A_783, %eq3A_785 : vector<16xi32>
    %jit3A_787 = arith.constant 1023 : i32
    %broadcast_in_dim3A_788 = vector.broadcast %jit3A_787 : i32 to vector<16xi32>
    %select_n3A_789 = arith.select %eq3A_786, %broadcast_in_dim3A_788, %get3A_774 : vector<16xi1>, vector<16xi32>
    %jit3A_790 = arith.constant -1.000000e+03 : f32
    %jit3A_791 = arith.constant 5.000000e+00 : f32
    %broadcast_in_dim3A_792 = vector.broadcast %jit3A_790 : f32 to vector<16xf32>
    %broadcast_in_dim3A_793 = vector.broadcast %jit3A_791 : f32 to vector<16xf32>
    %select_n3A_794 = arith.select %eq3A_786, %broadcast_in_dim3A_792, %broadcast_in_dim3A_793 : vector<16xi1>, vector<16xf32>
    %add3A_795 = arith.constant 0 : i32
    %add3A_796 = vector.broadcast %add3A_795 : i32 to vector<16xi32>
    %add3A_797 = arith.addi %add3A_796, %iota3A : vector<16xi32>
    %eq3A_798 = arith.constant 0 : i32
    %eq3A_799 = vector.broadcast %eq3A_798 : i32 to vector<16xi32>
    %eq3A_800 = arith.cmpi eq, %select_n3A_767, %eq3A_799 : vector<16xi32>
    %eq3A_801 = arith.constant 1 : i32
    %eq3A_802 = vector.broadcast %eq3A_801 : i32 to vector<16xi32>
    %eq3A_803 = arith.cmpi eq, %select_n3A_767, %eq3A_802 : vector<16xi32>
    %eq3A_804 = arith.constant 2 : i32
    %eq3A_805 = vector.broadcast %eq3A_804 : i32 to vector<16xi32>
    %eq3A_806 = arith.cmpi eq, %select_n3A_767, %eq3A_805 : vector<16xi32>
    %jit3A_807 = arith.constant 0.000000e+00 : f32
    %jit3A_808 = arith.constant -1.000000e+03 : f32
    %broadcast_in_dim3A_809 = vector.broadcast %jit3A_807 : f32 to vector<16xf32>
    %broadcast_in_dim3A_810 = vector.broadcast %jit3A_808 : f32 to vector<16xf32>
    %select_n3A_811 = arith.select %eq3A_806, %broadcast_in_dim3A_809, %broadcast_in_dim3A_810 : vector<16xi1>, vector<16xf32>
    %jit3A_812 = arith.constant 5.000000e-01 : f32
    %broadcast_in_dim3A_813 = vector.broadcast %jit3A_812 : f32 to vector<16xf32>
    %select_n3A_814 = arith.select %eq3A_803, %broadcast_in_dim3A_813, %select_n3A_811 : vector<16xi1>, vector<16xf32>
    %jit3A_815 = arith.constant 1.000000e+00 : f32
    %broadcast_in_dim3A_816 = vector.broadcast %jit3A_815 : f32 to vector<16xf32>
    %select_n3A_817 = arith.select %eq3A_800, %broadcast_in_dim3A_816, %select_n3A_814 : vector<16xi1>, vector<16xf32>
    tpu.vector_store_idx %arg5[%add3A_797, %select_n3A_767], %select_n3A_817 : memref<96x1024xf32, #tpu.memory_space<vmem>>[vector<16xi32>, vector<16xi32>], vector<16xf32>,
    %add3A_818 = arith.constant 16 : i32
    %add3A_819 = vector.broadcast %add3A_818 : i32 to vector<16xi32>
    %add3A_820 = arith.addi %add3A_819, %iota3A : vector<16xi32>
    %eq3A_821 = arith.constant 0 : i32
    %eq3A_822 = vector.broadcast %eq3A_821 : i32 to vector<16xi32>
    %eq3A_823 = arith.cmpi eq, %select_n3A_789, %eq3A_822 : vector<16xi32>
    %eq3A_824 = arith.constant 1 : i32
    %eq3A_825 = vector.broadcast %eq3A_824 : i32 to vector<16xi32>
    %eq3A_826 = arith.cmpi eq, %select_n3A_789, %eq3A_825 : vector<16xi32>
    %eq3A_827 = arith.constant 2 : i32
    %eq3A_828 = vector.broadcast %eq3A_827 : i32 to vector<16xi32>
    %eq3A_829 = arith.cmpi eq, %select_n3A_789, %eq3A_828 : vector<16xi32>
    %jit3A_830 = arith.constant 0.000000e+00 : f32
    %jit3A_831 = arith.constant -1.000000e+03 : f32
    %broadcast_in_dim3A_832 = vector.broadcast %jit3A_830 : f32 to vector<16xf32>
    %broadcast_in_dim3A_833 = vector.broadcast %jit3A_831 : f32 to vector<16xf32>
    %select_n3A_834 = arith.select %eq3A_829, %broadcast_in_dim3A_832, %broadcast_in_dim3A_833 : vector<16xi1>, vector<16xf32>
    %jit3A_835 = arith.constant 5.000000e-01 : f32
    %broadcast_in_dim3A_836 = vector.broadcast %jit3A_835 : f32 to vector<16xf32>
    %select_n3A_837 = arith.select %eq3A_826, %broadcast_in_dim3A_836, %select_n3A_834 : vector<16xi1>, vector<16xf32>
    %jit3A_838 = arith.constant 1.000000e+00 : f32
    %broadcast_in_dim3A_839 = vector.broadcast %jit3A_838 : f32 to vector<16xf32>
    %select_n3A_840 = arith.select %eq3A_823, %broadcast_in_dim3A_839, %select_n3A_837 : vector<16xi1>, vector<16xf32>
    tpu.vector_store_idx %arg5[%add3A_820, %select_n3A_789], %select_n3A_840 : memref<96x1024xf32, #tpu.memory_space<vmem>>[vector<16xi32>, vector<16xi32>], vector<16xf32>,
    %get3A_841 = arith.constant 192 : index
    %get3A_842 = tpu.vector_load %arg4[%get3A_841] {strides = array<i32>} : memref<1024xi32, #tpu.memory_space<vmem>>, vector<16xi32>,
    %add3A_843 = arith.constant 192 : i32
    %add3A_844 = arith.addi %mul3A_2, %add3A_843 : i32
    %add3A_845 = arith.constant 0 : i32
    %add3A_846 = arith.addi %add3A_844, %add3A_845 : i32
    %add3A_847 = vector.broadcast %add3A_846 : i32 to vector<16xi32>
    %add3A_848 = arith.addi %add3A_847, %iota3A : vector<16xi32>
    %and3A_849 = arith.constant 2047 : i32
    %and3A_850 = vector.broadcast %and3A_849 : i32 to vector<16xi32>
    %and3A_851 = arith.andi %add3A_848, %and3A_850 : vector<16xi32>
    %eq3A_852 = arith.constant 2047 : i32
    %eq3A_853 = vector.broadcast %eq3A_852 : i32 to vector<16xi32>
    %eq3A_854 = arith.cmpi eq, %and3A_851, %eq3A_853 : vector<16xi32>
    %jit3A_855 = arith.constant 1023 : i32
    %broadcast_in_dim3A_856 = vector.broadcast %jit3A_855 : i32 to vector<16xi32>
    %select_n3A_857 = arith.select %eq3A_854, %broadcast_in_dim3A_856, %get3A_842 : vector<16xi1>, vector<16xi32>
    %jit3A_858 = arith.constant -1.000000e+03 : f32
    %jit3A_859 = arith.constant 5.000000e+00 : f32
    %broadcast_in_dim3A_860 = vector.broadcast %jit3A_858 : f32 to vector<16xf32>
    %broadcast_in_dim3A_861 = vector.broadcast %jit3A_859 : f32 to vector<16xf32>
    %select_n3A_862 = arith.select %eq3A_854, %broadcast_in_dim3A_860, %broadcast_in_dim3A_861 : vector<16xi1>, vector<16xf32>
    %get3A_863 = arith.constant 208 : index
    %get3A_864 = tpu.vector_load %arg4[%get3A_863] {strides = array<i32>} : memref<1024xi32, #tpu.memory_space<vmem>>, vector<16xi32>,
    %add3A_865 = arith.constant 192 : i32
    %add3A_866 = arith.addi %mul3A_2, %add3A_865 : i32
    %add3A_867 = arith.constant 16 : i32
    %add3A_868 = arith.addi %add3A_866, %add3A_867 : i32
    %add3A_869 = vector.broadcast %add3A_868 : i32 to vector<16xi32>
    %add3A_870 = arith.addi %add3A_869, %iota3A : vector<16xi32>
    %and3A_871 = arith.constant 2047 : i32
    %and3A_872 = vector.broadcast %and3A_871 : i32 to vector<16xi32>
    %and3A_873 = arith.andi %add3A_870, %and3A_872 : vector<16xi32>
    %eq3A_874 = arith.constant 2047 : i32
    %eq3A_875 = vector.broadcast %eq3A_874 : i32 to vector<16xi32>
    %eq3A_876 = arith.cmpi eq, %and3A_873, %eq3A_875 : vector<16xi32>
    %jit3A_877 = arith.constant 1023 : i32
    %broadcast_in_dim3A_878 = vector.broadcast %jit3A_877 : i32 to vector<16xi32>
    %select_n3A_879 = arith.select %eq3A_876, %broadcast_in_dim3A_878, %get3A_864 : vector<16xi1>, vector<16xi32>
    %jit3A_880 = arith.constant -1.000000e+03 : f32
    %jit3A_881 = arith.constant 5.000000e+00 : f32
    %broadcast_in_dim3A_882 = vector.broadcast %jit3A_880 : f32 to vector<16xf32>
    %broadcast_in_dim3A_883 = vector.broadcast %jit3A_881 : f32 to vector<16xf32>
    %select_n3A_884 = arith.select %eq3A_876, %broadcast_in_dim3A_882, %broadcast_in_dim3A_883 : vector<16xi1>, vector<16xf32>
    %add3A_885 = arith.constant 0 : i32
    %add3A_886 = vector.broadcast %add3A_885 : i32 to vector<16xi32>
    %add3A_887 = arith.addi %add3A_886, %iota3A : vector<16xi32>
    tpu.vector_store_idx %arg5[%add3A_887, %select_n3A_857], %select_n3A_862 : memref<96x1024xf32, #tpu.memory_space<vmem>>[vector<16xi32>, vector<16xi32>], vector<16xf32>,
    %add3A_888 = arith.constant 16 : i32
    %add3A_889 = vector.broadcast %add3A_888 : i32 to vector<16xi32>
    %add3A_890 = arith.addi %add3A_889, %iota3A : vector<16xi32>
    tpu.vector_store_idx %arg5[%add3A_890, %select_n3A_879], %select_n3A_884 : memref<96x1024xf32, #tpu.memory_space<vmem>>[vector<16xi32>, vector<16xi32>], vector<16xf32>,
    %add3A_891 = arith.constant 192 : i32
    %add3A_892 = arith.addi %mul3A_2, %add3A_891 : i32
    %dma_start3A_893 = arith.constant 0 : i32
    %dma_start3A_894 = arith.constant 0 : i32
    %dma_start3A_895 = tpu.memref_slice %arg5[%dma_start3A_893, %dma_start3A_894] : memref<96x1024xf32, #tpu.memory_space<vmem>> -> memref<32x1024xf32, #tpu.memory_space<vmem>>
    %dma_start3A_896 = arith.constant 0 : i32
    %dma_start3A_897 = tpu.memref_slice %arg3[%add3A_892, %dma_start3A_896] : memref<32768x1024xf32, #tpu.memory_space<hbm>> -> memref<32x1024xf32, #tpu.memory_space<hbm>>
    %dma_start3A_898 = arith.constant 0 : i32
    %dma_start3A_899 = tpu.memref_slice %arg3[%add3A_892, %dma_start3A_898] : memref<32768x1024xf32, #tpu.memory_space<hbm>> -> memref<32x1024xf32, #tpu.memory_space<hbm>>
    %dma_start3A_900 = arith.constant 0 : i32
    %dma_start3A_901 = arith.constant 0 : i32
    %dma_start3A_902 = tpu.memref_slice %arg5[%dma_start3A_900, %dma_start3A_901] : memref<96x1024xf32, #tpu.memory_space<vmem>> -> memref<32x1024xf32, #tpu.memory_space<vmem>>
    tpu.enqueue_dma source(%dma_start3A_902 : memref<32x1024xf32, #tpu.memory_space<vmem>>) target(%dma_start3A_899 : memref<32x1024xf32, #tpu.memory_space<hbm>>) target_semaphore(%arg6 : memref<!tpu.dma_semaphore, #tpu.memory_space<semaphore_mem>>)
    %dma_wait3A_903 = arith.constant 32 : i32
    %dma_wait3A_904 = arith.constant 0 : i32
    %dma_wait3A_905 = tpu.memref_slice %arg5[%dma_wait3A_903, %dma_wait3A_904] : memref<96x1024xf32, #tpu.memory_space<vmem>> -> memref<32x1024xf32, #tpu.memory_space<vmem>>
    %dma_wait3A_906 = arith.constant 0 : i32
    %dma_wait3A_907 = tpu.memref_slice %arg3[%add3A_568, %dma_wait3A_906] : memref<32768x1024xf32, #tpu.memory_space<hbm>> -> memref<32x1024xf32, #tpu.memory_space<hbm>>
    %dma_wait3A_908 = arith.constant 0 : i32
    %dma_wait3A_909 = tpu.memref_slice %arg3[%add3A_568, %dma_wait3A_908] : memref<32768x1024xf32, #tpu.memory_space<hbm>> -> memref<32x1024xf32, #tpu.memory_space<hbm>>
    %dma_wait3A_910 = arith.constant 32 : i32
    %dma_wait3A_911 = arith.constant 0 : i32
    %dma_wait3A_912 = tpu.memref_slice %arg5[%dma_wait3A_910, %dma_wait3A_911] : memref<96x1024xf32, #tpu.memory_space<vmem>> -> memref<32x1024xf32, #tpu.memory_space<vmem>>
    tpu.wait_dma2 semaphore(%arg7 : memref<!tpu.dma_semaphore, #tpu.memory_space<semaphore_mem>>) src(%dma_wait3A_912 : memref<32x1024xf32, #tpu.memory_space<vmem>>) dst(%dma_wait3A_909 : memref<32x1024xf32, #tpu.memory_space<hbm>>)
    %get3A_913 = arith.constant 128 : index
    %get3A_914 = tpu.vector_load %arg4[%get3A_913] {strides = array<i32>} : memref<1024xi32, #tpu.memory_space<vmem>>, vector<16xi32>,
    %add3A_915 = arith.constant 128 : i32
    %add3A_916 = arith.addi %mul3A_2, %add3A_915 : i32
    %add3A_917 = arith.constant 0 : i32
    %add3A_918 = arith.addi %add3A_916, %add3A_917 : i32
    %add3A_919 = vector.broadcast %add3A_918 : i32 to vector<16xi32>
    %add3A_920 = arith.addi %add3A_919, %iota3A : vector<16xi32>
    %and3A_921 = arith.constant 2047 : i32
    %and3A_922 = vector.broadcast %and3A_921 : i32 to vector<16xi32>
    %and3A_923 = arith.andi %add3A_920, %and3A_922 : vector<16xi32>
    %eq3A_924 = arith.constant 2047 : i32
    %eq3A_925 = vector.broadcast %eq3A_924 : i32 to vector<16xi32>
    %eq3A_926 = arith.cmpi eq, %and3A_923, %eq3A_925 : vector<16xi32>
    %jit3A_927 = arith.constant 1023 : i32
    %broadcast_in_dim3A_928 = vector.broadcast %jit3A_927 : i32 to vector<16xi32>
    %select_n3A_929 = arith.select %eq3A_926, %broadcast_in_dim3A_928, %get3A_914 : vector<16xi1>, vector<16xi32>
    %jit3A_930 = arith.constant -1.000000e+03 : f32
    %jit3A_931 = arith.constant 5.000000e+00 : f32
    %broadcast_in_dim3A_932 = vector.broadcast %jit3A_930 : f32 to vector<16xf32>
    %broadcast_in_dim3A_933 = vector.broadcast %jit3A_931 : f32 to vector<16xf32>
    %select_n3A_934 = arith.select %eq3A_926, %broadcast_in_dim3A_932, %broadcast_in_dim3A_933 : vector<16xi1>, vector<16xf32>
    %get3A_935 = arith.constant 144 : index
    %get3A_936 = tpu.vector_load %arg4[%get3A_935] {strides = array<i32>} : memref<1024xi32, #tpu.memory_space<vmem>>, vector<16xi32>,
    %add3A_937 = arith.constant 128 : i32
    %add3A_938 = arith.addi %mul3A_2, %add3A_937 : i32
    %add3A_939 = arith.constant 16 : i32
    %add3A_940 = arith.addi %add3A_938, %add3A_939 : i32
    %add3A_941 = vector.broadcast %add3A_940 : i32 to vector<16xi32>
    %add3A_942 = arith.addi %add3A_941, %iota3A : vector<16xi32>
    %and3A_943 = arith.constant 2047 : i32
    %and3A_944 = vector.broadcast %and3A_943 : i32 to vector<16xi32>
    %and3A_945 = arith.andi %add3A_942, %and3A_944 : vector<16xi32>
    %eq3A_946 = arith.constant 2047 : i32
    %eq3A_947 = vector.broadcast %eq3A_946 : i32 to vector<16xi32>
    %eq3A_948 = arith.cmpi eq, %and3A_945, %eq3A_947 : vector<16xi32>
    %jit3A_949 = arith.constant 1023 : i32
    %broadcast_in_dim3A_950 = vector.broadcast %jit3A_949 : i32 to vector<16xi32>
    %select_n3A_951 = arith.select %eq3A_948, %broadcast_in_dim3A_950, %get3A_936 : vector<16xi1>, vector<16xi32>
    %jit3A_952 = arith.constant -1.000000e+03 : f32
    %jit3A_953 = arith.constant 5.000000e+00 : f32
    %broadcast_in_dim3A_954 = vector.broadcast %jit3A_952 : f32 to vector<16xf32>
    %broadcast_in_dim3A_955 = vector.broadcast %jit3A_953 : f32 to vector<16xf32>
    %select_n3A_956 = arith.select %eq3A_948, %broadcast_in_dim3A_954, %broadcast_in_dim3A_955 : vector<16xi1>, vector<16xf32>
    %add3A_957 = arith.constant 32 : i32
    %add3A_958 = vector.broadcast %add3A_957 : i32 to vector<16xi32>
    %add3A_959 = arith.addi %add3A_958, %iota3A : vector<16xi32>
    %eq3A_960 = arith.constant 0 : i32
    %eq3A_961 = vector.broadcast %eq3A_960 : i32 to vector<16xi32>
    %eq3A_962 = arith.cmpi eq, %select_n3A_929, %eq3A_961 : vector<16xi32>
    %eq3A_963 = arith.constant 1 : i32
    %eq3A_964 = vector.broadcast %eq3A_963 : i32 to vector<16xi32>
    %eq3A_965 = arith.cmpi eq, %select_n3A_929, %eq3A_964 : vector<16xi32>
    %eq3A_966 = arith.constant 2 : i32
    %eq3A_967 = vector.broadcast %eq3A_966 : i32 to vector<16xi32>
    %eq3A_968 = arith.cmpi eq, %select_n3A_929, %eq3A_967 : vector<16xi32>
    %jit3A_969 = arith.constant 0.000000e+00 : f32
    %jit3A_970 = arith.constant -1.000000e+03 : f32
    %broadcast_in_dim3A_971 = vector.broadcast %jit3A_969 : f32 to vector<16xf32>
    %broadcast_in_dim3A_972 = vector.broadcast %jit3A_970 : f32 to vector<16xf32>
    %select_n3A_973 = arith.select %eq3A_968, %broadcast_in_dim3A_971, %broadcast_in_dim3A_972 : vector<16xi1>, vector<16xf32>
    %jit3A_974 = arith.constant 5.000000e-01 : f32
    %broadcast_in_dim3A_975 = vector.broadcast %jit3A_974 : f32 to vector<16xf32>
    %select_n3A_976 = arith.select %eq3A_965, %broadcast_in_dim3A_975, %select_n3A_973 : vector<16xi1>, vector<16xf32>
    %jit3A_977 = arith.constant 1.000000e+00 : f32
    %broadcast_in_dim3A_978 = vector.broadcast %jit3A_977 : f32 to vector<16xf32>
    %select_n3A_979 = arith.select %eq3A_962, %broadcast_in_dim3A_978, %select_n3A_976 : vector<16xi1>, vector<16xf32>
    tpu.vector_store_idx %arg5[%add3A_959, %select_n3A_929], %select_n3A_979 : memref<96x1024xf32, #tpu.memory_space<vmem>>[vector<16xi32>, vector<16xi32>], vector<16xf32>,
    %add3A_980 = arith.constant 48 : i32
    %add3A_981 = vector.broadcast %add3A_980 : i32 to vector<16xi32>
    %add3A_982 = arith.addi %add3A_981, %iota3A : vector<16xi32>
    %eq3A_983 = arith.constant 0 : i32
    %eq3A_984 = vector.broadcast %eq3A_983 : i32 to vector<16xi32>
    %eq3A_985 = arith.cmpi eq, %select_n3A_951, %eq3A_984 : vector<16xi32>
    %eq3A_986 = arith.constant 1 : i32
    %eq3A_987 = vector.broadcast %eq3A_986 : i32 to vector<16xi32>
    %eq3A_988 = arith.cmpi eq, %select_n3A_951, %eq3A_987 : vector<16xi32>
    %eq3A_989 = arith.constant 2 : i32
    %eq3A_990 = vector.broadcast %eq3A_989 : i32 to vector<16xi32>
    %eq3A_991 = arith.cmpi eq, %select_n3A_951, %eq3A_990 : vector<16xi32>
    %jit3A_992 = arith.constant 0.000000e+00 : f32
    %jit3A_993 = arith.constant -1.000000e+03 : f32
    %broadcast_in_dim3A_994 = vector.broadcast %jit3A_992 : f32 to vector<16xf32>
    %broadcast_in_dim3A_995 = vector.broadcast %jit3A_993 : f32 to vector<16xf32>
    %select_n3A_996 = arith.select %eq3A_991, %broadcast_in_dim3A_994, %broadcast_in_dim3A_995 : vector<16xi1>, vector<16xf32>
    %jit3A_997 = arith.constant 5.000000e-01 : f32
    %broadcast_in_dim3A_998 = vector.broadcast %jit3A_997 : f32 to vector<16xf32>
    %select_n3A_999 = arith.select %eq3A_988, %broadcast_in_dim3A_998, %select_n3A_996 : vector<16xi1>, vector<16xf32>
    %jit3A_1000 = arith.constant 1.000000e+00 : f32
    %broadcast_in_dim3A_1001 = vector.broadcast %jit3A_1000 : f32 to vector<16xf32>
    %select_n3A_1002 = arith.select %eq3A_985, %broadcast_in_dim3A_1001, %select_n3A_999 : vector<16xi1>, vector<16xf32>
    tpu.vector_store_idx %arg5[%add3A_982, %select_n3A_951], %select_n3A_1002 : memref<96x1024xf32, #tpu.memory_space<vmem>>[vector<16xi32>, vector<16xi32>], vector<16xf32>,
    %get3A_1003 = arith.constant 224 : index
    %get3A_1004 = tpu.vector_load %arg4[%get3A_1003] {strides = array<i32>} : memref<1024xi32, #tpu.memory_space<vmem>>, vector<16xi32>,
    %add3A_1005 = arith.constant 224 : i32
    %add3A_1006 = arith.addi %mul3A_2, %add3A_1005 : i32
    %add3A_1007 = arith.constant 0 : i32
    %add3A_1008 = arith.addi %add3A_1006, %add3A_1007 : i32
    %add3A_1009 = vector.broadcast %add3A_1008 : i32 to vector<16xi32>
    %add3A_1010 = arith.addi %add3A_1009, %iota3A : vector<16xi32>
    %and3A_1011 = arith.constant 2047 : i32
    %and3A_1012 = vector.broadcast %and3A_1011 : i32 to vector<16xi32>
    %and3A_1013 = arith.andi %add3A_1010, %and3A_1012 : vector<16xi32>
    %eq3A_1014 = arith.constant 2047 : i32
    %eq3A_1015 = vector.broadcast %eq3A_1014 : i32 to vector<16xi32>
    %eq3A_1016 = arith.cmpi eq, %and3A_1013, %eq3A_1015 : vector<16xi32>
    %jit3A_1017 = arith.constant 1023 : i32
    %broadcast_in_dim3A_1018 = vector.broadcast %jit3A_1017 : i32 to vector<16xi32>
    %select_n3A_1019 = arith.select %eq3A_1016, %broadcast_in_dim3A_1018, %get3A_1004 : vector<16xi1>, vector<16xi32>
    %jit3A_1020 = arith.constant -1.000000e+03 : f32
    %jit3A_1021 = arith.constant 5.000000e+00 : f32
    %broadcast_in_dim3A_1022 = vector.broadcast %jit3A_1020 : f32 to vector<16xf32>
    %broadcast_in_dim3A_1023 = vector.broadcast %jit3A_1021 : f32 to vector<16xf32>
    %select_n3A_1024 = arith.select %eq3A_1016, %broadcast_in_dim3A_1022, %broadcast_in_dim3A_1023 : vector<16xi1>, vector<16xf32>
    %get3A_1025 = arith.constant 240 : index
    %get3A_1026 = tpu.vector_load %arg4[%get3A_1025] {strides = array<i32>} : memref<1024xi32, #tpu.memory_space<vmem>>, vector<16xi32>,
    %add3A_1027 = arith.constant 224 : i32
    %add3A_1028 = arith.addi %mul3A_2, %add3A_1027 : i32
    %add3A_1029 = arith.constant 16 : i32
    %add3A_1030 = arith.addi %add3A_1028, %add3A_1029 : i32
    %add3A_1031 = vector.broadcast %add3A_1030 : i32 to vector<16xi32>
    %add3A_1032 = arith.addi %add3A_1031, %iota3A : vector<16xi32>
    %and3A_1033 = arith.constant 2047 : i32
    %and3A_1034 = vector.broadcast %and3A_1033 : i32 to vector<16xi32>
    %and3A_1035 = arith.andi %add3A_1032, %and3A_1034 : vector<16xi32>
    %eq3A_1036 = arith.constant 2047 : i32
    %eq3A_1037 = vector.broadcast %eq3A_1036 : i32 to vector<16xi32>
    %eq3A_1038 = arith.cmpi eq, %and3A_1035, %eq3A_1037 : vector<16xi32>
    %jit3A_1039 = arith.constant 1023 : i32
    %broadcast_in_dim3A_1040 = vector.broadcast %jit3A_1039 : i32 to vector<16xi32>
    %select_n3A_1041 = arith.select %eq3A_1038, %broadcast_in_dim3A_1040, %get3A_1026 : vector<16xi1>, vector<16xi32>
    %jit3A_1042 = arith.constant -1.000000e+03 : f32
    %jit3A_1043 = arith.constant 5.000000e+00 : f32
    %broadcast_in_dim3A_1044 = vector.broadcast %jit3A_1042 : f32 to vector<16xf32>
    %broadcast_in_dim3A_1045 = vector.broadcast %jit3A_1043 : f32 to vector<16xf32>
    %select_n3A_1046 = arith.select %eq3A_1038, %broadcast_in_dim3A_1044, %broadcast_in_dim3A_1045 : vector<16xi1>, vector<16xf32>
    %add3A_1047 = arith.constant 32 : i32
    %add3A_1048 = vector.broadcast %add3A_1047 : i32 to vector<16xi32>
    %add3A_1049 = arith.addi %add3A_1048, %iota3A : vector<16xi32>
    tpu.vector_store_idx %arg5[%add3A_1049, %select_n3A_1019], %select_n3A_1024 : memref<96x1024xf32, #tpu.memory_space<vmem>>[vector<16xi32>, vector<16xi32>], vector<16xf32>,
    %add3A_1050 = arith.constant 48 : i32
    %add3A_1051 = vector.broadcast %add3A_1050 : i32 to vector<16xi32>
    %add3A_1052 = arith.addi %add3A_1051, %iota3A : vector<16xi32>
    tpu.vector_store_idx %arg5[%add3A_1052, %select_n3A_1041], %select_n3A_1046 : memref<96x1024xf32, #tpu.memory_space<vmem>>[vector<16xi32>, vector<16xi32>], vector<16xf32>,
    %add3A_1053 = arith.constant 224 : i32
    %add3A_1054 = arith.addi %mul3A_2, %add3A_1053 : i32
    %dma_start3A_1055 = arith.constant 32 : i32
    %dma_start3A_1056 = arith.constant 0 : i32
    %dma_start3A_1057 = tpu.memref_slice %arg5[%dma_start3A_1055, %dma_start3A_1056] : memref<96x1024xf32, #tpu.memory_space<vmem>> -> memref<32x1024xf32, #tpu.memory_space<vmem>>
    %dma_start3A_1058 = arith.constant 0 : i32
    %dma_start3A_1059 = tpu.memref_slice %arg3[%add3A_1054, %dma_start3A_1058] : memref<32768x1024xf32, #tpu.memory_space<hbm>> -> memref<32x1024xf32, #tpu.memory_space<hbm>>
    %dma_start3A_1060 = arith.constant 0 : i32
    %dma_start3A_1061 = tpu.memref_slice %arg3[%add3A_1054, %dma_start3A_1060] : memref<32768x1024xf32, #tpu.memory_space<hbm>> -> memref<32x1024xf32, #tpu.memory_space<hbm>>
    %dma_start3A_1062 = arith.constant 32 : i32
    %dma_start3A_1063 = arith.constant 0 : i32
    %dma_start3A_1064 = tpu.memref_slice %arg5[%dma_start3A_1062, %dma_start3A_1063] : memref<96x1024xf32, #tpu.memory_space<vmem>> -> memref<32x1024xf32, #tpu.memory_space<vmem>>
    tpu.enqueue_dma source(%dma_start3A_1064 : memref<32x1024xf32, #tpu.memory_space<vmem>>) target(%dma_start3A_1061 : memref<32x1024xf32, #tpu.memory_space<hbm>>) target_semaphore(%arg7 : memref<!tpu.dma_semaphore, #tpu.memory_space<semaphore_mem>>)
    %dma_wait3A_1065 = arith.constant 64 : i32
    %dma_wait3A_1066 = arith.constant 0 : i32
    %dma_wait3A_1067 = tpu.memref_slice %arg5[%dma_wait3A_1065, %dma_wait3A_1066] : memref<96x1024xf32, #tpu.memory_space<vmem>> -> memref<32x1024xf32, #tpu.memory_space<vmem>>
    %dma_wait3A_1068 = arith.constant 0 : i32
    %dma_wait3A_1069 = tpu.memref_slice %arg3[%add3A_730, %dma_wait3A_1068] : memref<32768x1024xf32, #tpu.memory_space<hbm>> -> memref<32x1024xf32, #tpu.memory_space<hbm>>
    %dma_wait3A_1070 = arith.constant 0 : i32
    %dma_wait3A_1071 = tpu.memref_slice %arg3[%add3A_730, %dma_wait3A_1070] : memref<32768x1024xf32, #tpu.memory_space<hbm>> -> memref<32x1024xf32, #tpu.memory_space<hbm>>
    %dma_wait3A_1072 = arith.constant 64 : i32
    %dma_wait3A_1073 = arith.constant 0 : i32
    %dma_wait3A_1074 = tpu.memref_slice %arg5[%dma_wait3A_1072, %dma_wait3A_1073] : memref<96x1024xf32, #tpu.memory_space<vmem>> -> memref<32x1024xf32, #tpu.memory_space<vmem>>
    tpu.wait_dma2 semaphore(%arg8 : memref<!tpu.dma_semaphore, #tpu.memory_space<semaphore_mem>>) src(%dma_wait3A_1074 : memref<32x1024xf32, #tpu.memory_space<vmem>>) dst(%dma_wait3A_1071 : memref<32x1024xf32, #tpu.memory_space<hbm>>)
    %get3A_1075 = arith.constant 160 : index
    %get3A_1076 = tpu.vector_load %arg4[%get3A_1075] {strides = array<i32>} : memref<1024xi32, #tpu.memory_space<vmem>>, vector<16xi32>,
    %add3A_1077 = arith.constant 160 : i32
    %add3A_1078 = arith.addi %mul3A_2, %add3A_1077 : i32
    %add3A_1079 = arith.constant 0 : i32
    %add3A_1080 = arith.addi %add3A_1078, %add3A_1079 : i32
    %add3A_1081 = vector.broadcast %add3A_1080 : i32 to vector<16xi32>
    %add3A_1082 = arith.addi %add3A_1081, %iota3A : vector<16xi32>
    %and3A_1083 = arith.constant 2047 : i32
    %and3A_1084 = vector.broadcast %and3A_1083 : i32 to vector<16xi32>
    %and3A_1085 = arith.andi %add3A_1082, %and3A_1084 : vector<16xi32>
    %eq3A_1086 = arith.constant 2047 : i32
    %eq3A_1087 = vector.broadcast %eq3A_1086 : i32 to vector<16xi32>
    %eq3A_1088 = arith.cmpi eq, %and3A_1085, %eq3A_1087 : vector<16xi32>
    %jit3A_1089 = arith.constant 1023 : i32
    %broadcast_in_dim3A_1090 = vector.broadcast %jit3A_1089 : i32 to vector<16xi32>
    %select_n3A_1091 = arith.select %eq3A_1088, %broadcast_in_dim3A_1090, %get3A_1076 : vector<16xi1>, vector<16xi32>
    %jit3A_1092 = arith.constant -1.000000e+03 : f32
    %jit3A_1093 = arith.constant 5.000000e+00 : f32
    %broadcast_in_dim3A_1094 = vector.broadcast %jit3A_1092 : f32 to vector<16xf32>
    %broadcast_in_dim3A_1095 = vector.broadcast %jit3A_1093 : f32 to vector<16xf32>
    %select_n3A_1096 = arith.select %eq3A_1088, %broadcast_in_dim3A_1094, %broadcast_in_dim3A_1095 : vector<16xi1>, vector<16xf32>
    %get3A_1097 = arith.constant 176 : index
    %get3A_1098 = tpu.vector_load %arg4[%get3A_1097] {strides = array<i32>} : memref<1024xi32, #tpu.memory_space<vmem>>, vector<16xi32>,
    %add3A_1099 = arith.constant 160 : i32
    %add3A_1100 = arith.addi %mul3A_2, %add3A_1099 : i32
    %add3A_1101 = arith.constant 16 : i32
    %add3A_1102 = arith.addi %add3A_1100, %add3A_1101 : i32
    %add3A_1103 = vector.broadcast %add3A_1102 : i32 to vector<16xi32>
    %add3A_1104 = arith.addi %add3A_1103, %iota3A : vector<16xi32>
    %and3A_1105 = arith.constant 2047 : i32
    %and3A_1106 = vector.broadcast %and3A_1105 : i32 to vector<16xi32>
    %and3A_1107 = arith.andi %add3A_1104, %and3A_1106 : vector<16xi32>
    %eq3A_1108 = arith.constant 2047 : i32
    %eq3A_1109 = vector.broadcast %eq3A_1108 : i32 to vector<16xi32>
    %eq3A_1110 = arith.cmpi eq, %and3A_1107, %eq3A_1109 : vector<16xi32>
    %jit3A_1111 = arith.constant 1023 : i32
    %broadcast_in_dim3A_1112 = vector.broadcast %jit3A_1111 : i32 to vector<16xi32>
    %select_n3A_1113 = arith.select %eq3A_1110, %broadcast_in_dim3A_1112, %get3A_1098 : vector<16xi1>, vector<16xi32>
    %jit3A_1114 = arith.constant -1.000000e+03 : f32
    %jit3A_1115 = arith.constant 5.000000e+00 : f32
    %broadcast_in_dim3A_1116 = vector.broadcast %jit3A_1114 : f32 to vector<16xf32>
    %broadcast_in_dim3A_1117 = vector.broadcast %jit3A_1115 : f32 to vector<16xf32>
    %select_n3A_1118 = arith.select %eq3A_1110, %broadcast_in_dim3A_1116, %broadcast_in_dim3A_1117 : vector<16xi1>, vector<16xf32>
    %add3A_1119 = arith.constant 64 : i32
    %add3A_1120 = vector.broadcast %add3A_1119 : i32 to vector<16xi32>
    %add3A_1121 = arith.addi %add3A_1120, %iota3A : vector<16xi32>
    %eq3A_1122 = arith.constant 0 : i32
    %eq3A_1123 = vector.broadcast %eq3A_1122 : i32 to vector<16xi32>
    %eq3A_1124 = arith.cmpi eq, %select_n3A_1091, %eq3A_1123 : vector<16xi32>
    %eq3A_1125 = arith.constant 1 : i32
    %eq3A_1126 = vector.broadcast %eq3A_1125 : i32 to vector<16xi32>
    %eq3A_1127 = arith.cmpi eq, %select_n3A_1091, %eq3A_1126 : vector<16xi32>
    %eq3A_1128 = arith.constant 2 : i32
    %eq3A_1129 = vector.broadcast %eq3A_1128 : i32 to vector<16xi32>
    %eq3A_1130 = arith.cmpi eq, %select_n3A_1091, %eq3A_1129 : vector<16xi32>
    %jit3A_1131 = arith.constant 0.000000e+00 : f32
    %jit3A_1132 = arith.constant -1.000000e+03 : f32
    %broadcast_in_dim3A_1133 = vector.broadcast %jit3A_1131 : f32 to vector<16xf32>
    %broadcast_in_dim3A_1134 = vector.broadcast %jit3A_1132 : f32 to vector<16xf32>
    %select_n3A_1135 = arith.select %eq3A_1130, %broadcast_in_dim3A_1133, %broadcast_in_dim3A_1134 : vector<16xi1>, vector<16xf32>
    %jit3A_1136 = arith.constant 5.000000e-01 : f32
    %broadcast_in_dim3A_1137 = vector.broadcast %jit3A_1136 : f32 to vector<16xf32>
    %select_n3A_1138 = arith.select %eq3A_1127, %broadcast_in_dim3A_1137, %select_n3A_1135 : vector<16xi1>, vector<16xf32>
    %jit3A_1139 = arith.constant 1.000000e+00 : f32
    %broadcast_in_dim3A_1140 = vector.broadcast %jit3A_1139 : f32 to vector<16xf32>
    %select_n3A_1141 = arith.select %eq3A_1124, %broadcast_in_dim3A_1140, %select_n3A_1138 : vector<16xi1>, vector<16xf32>
    tpu.vector_store_idx %arg5[%add3A_1121, %select_n3A_1091], %select_n3A_1141 : memref<96x1024xf32, #tpu.memory_space<vmem>>[vector<16xi32>, vector<16xi32>], vector<16xf32>,
    %add3A_1142 = arith.constant 80 : i32
    %add3A_1143 = vector.broadcast %add3A_1142 : i32 to vector<16xi32>
    %add3A_1144 = arith.addi %add3A_1143, %iota3A : vector<16xi32>
    %eq3A_1145 = arith.constant 0 : i32
    %eq3A_1146 = vector.broadcast %eq3A_1145 : i32 to vector<16xi32>
    %eq3A_1147 = arith.cmpi eq, %select_n3A_1113, %eq3A_1146 : vector<16xi32>
    %eq3A_1148 = arith.constant 1 : i32
    %eq3A_1149 = vector.broadcast %eq3A_1148 : i32 to vector<16xi32>
    %eq3A_1150 = arith.cmpi eq, %select_n3A_1113, %eq3A_1149 : vector<16xi32>
    %eq3A_1151 = arith.constant 2 : i32
    %eq3A_1152 = vector.broadcast %eq3A_1151 : i32 to vector<16xi32>
    %eq3A_1153 = arith.cmpi eq, %select_n3A_1113, %eq3A_1152 : vector<16xi32>
    %jit3A_1154 = arith.constant 0.000000e+00 : f32
    %jit3A_1155 = arith.constant -1.000000e+03 : f32
    %broadcast_in_dim3A_1156 = vector.broadcast %jit3A_1154 : f32 to vector<16xf32>
    %broadcast_in_dim3A_1157 = vector.broadcast %jit3A_1155 : f32 to vector<16xf32>
    %select_n3A_1158 = arith.select %eq3A_1153, %broadcast_in_dim3A_1156, %broadcast_in_dim3A_1157 : vector<16xi1>, vector<16xf32>
    %jit3A_1159 = arith.constant 5.000000e-01 : f32
    %broadcast_in_dim3A_1160 = vector.broadcast %jit3A_1159 : f32 to vector<16xf32>
    %select_n3A_1161 = arith.select %eq3A_1150, %broadcast_in_dim3A_1160, %select_n3A_1158 : vector<16xi1>, vector<16xf32>
    %jit3A_1162 = arith.constant 1.000000e+00 : f32
    %broadcast_in_dim3A_1163 = vector.broadcast %jit3A_1162 : f32 to vector<16xf32>
    %select_n3A_1164 = arith.select %eq3A_1147, %broadcast_in_dim3A_1163, %select_n3A_1161 : vector<16xi1>, vector<16xf32>
    tpu.vector_store_idx %arg5[%add3A_1144, %select_n3A_1113], %select_n3A_1164 : memref<96x1024xf32, #tpu.memory_space<vmem>>[vector<16xi32>, vector<16xi32>], vector<16xf32>,
    %get3A_1165 = arith.constant 256 : index
    %get3A_1166 = tpu.vector_load %arg4[%get3A_1165] {strides = array<i32>} : memref<1024xi32, #tpu.memory_space<vmem>>, vector<16xi32>,
    %add3A_1167 = arith.constant 256 : i32
    %add3A_1168 = arith.addi %mul3A_2, %add3A_1167 : i32
    %add3A_1169 = arith.constant 0 : i32
    %add3A_1170 = arith.addi %add3A_1168, %add3A_1169 : i32
    %add3A_1171 = vector.broadcast %add3A_1170 : i32 to vector<16xi32>
    %add3A_1172 = arith.addi %add3A_1171, %iota3A : vector<16xi32>
    %and3A_1173 = arith.constant 2047 : i32
    %and3A_1174 = vector.broadcast %and3A_1173 : i32 to vector<16xi32>
    %and3A_1175 = arith.andi %add3A_1172, %and3A_1174 : vector<16xi32>
    %eq3A_1176 = arith.constant 2047 : i32
    %eq3A_1177 = vector.broadcast %eq3A_1176 : i32 to vector<16xi32>
    %eq3A_1178 = arith.cmpi eq, %and3A_1175, %eq3A_1177 : vector<16xi32>
    %jit3A_1179 = arith.constant 1023 : i32
    %broadcast_in_dim3A_1180 = vector.broadcast %jit3A_1179 : i32 to vector<16xi32>
    %select_n3A_1181 = arith.select %eq3A_1178, %broadcast_in_dim3A_1180, %get3A_1166 : vector<16xi1>, vector<16xi32>
    %jit3A_1182 = arith.constant -1.000000e+03 : f32
    %jit3A_1183 = arith.constant 5.000000e+00 : f32
    %broadcast_in_dim3A_1184 = vector.broadcast %jit3A_1182 : f32 to vector<16xf32>
    %broadcast_in_dim3A_1185 = vector.broadcast %jit3A_1183 : f32 to vector<16xf32>
    %select_n3A_1186 = arith.select %eq3A_1178, %broadcast_in_dim3A_1184, %broadcast_in_dim3A_1185 : vector<16xi1>, vector<16xf32>
    %get3A_1187 = arith.constant 272 : index
    %get3A_1188 = tpu.vector_load %arg4[%get3A_1187] {strides = array<i32>} : memref<1024xi32, #tpu.memory_space<vmem>>, vector<16xi32>,
    %add3A_1189 = arith.constant 256 : i32
    %add3A_1190 = arith.addi %mul3A_2, %add3A_1189 : i32
    %add3A_1191 = arith.constant 16 : i32
    %add3A_1192 = arith.addi %add3A_1190, %add3A_1191 : i32
    %add3A_1193 = vector.broadcast %add3A_1192 : i32 to vector<16xi32>
    %add3A_1194 = arith.addi %add3A_1193, %iota3A : vector<16xi32>
    %and3A_1195 = arith.constant 2047 : i32
    %and3A_1196 = vector.broadcast %and3A_1195 : i32 to vector<16xi32>
    %and3A_1197 = arith.andi %add3A_1194, %and3A_1196 : vector<16xi32>
    %eq3A_1198 = arith.constant 2047 : i32
    %eq3A_1199 = vector.broadcast %eq3A_1198 : i32 to vector<16xi32>
    %eq3A_1200 = arith.cmpi eq, %and3A_1197, %eq3A_1199 : vector<16xi32>
    %jit3A_1201 = arith.constant 1023 : i32
    %broadcast_in_dim3A_1202 = vector.broadcast %jit3A_1201 : i32 to vector<16xi32>
    %select_n3A_1203 = arith.select %eq3A_1200, %broadcast_in_dim3A_1202, %get3A_1188 : vector<16xi1>, vector<16xi32>
    %jit3A_1204 = arith.constant -1.000000e+03 : f32
    %jit3A_1205 = arith.constant 5.000000e+00 : f32
    %broadcast_in_dim3A_1206 = vector.broadcast %jit3A_1204 : f32 to vector<16xf32>
    %broadcast_in_dim3A_1207 = vector.broadcast %jit3A_1205 : f32 to vector<16xf32>
    %select_n3A_1208 = arith.select %eq3A_1200, %broadcast_in_dim3A_1206, %broadcast_in_dim3A_1207 : vector<16xi1>, vector<16xf32>
    %add3A_1209 = arith.constant 64 : i32
    %add3A_1210 = vector.broadcast %add3A_1209 : i32 to vector<16xi32>
    %add3A_1211 = arith.addi %add3A_1210, %iota3A : vector<16xi32>
    tpu.vector_store_idx %arg5[%add3A_1211, %select_n3A_1181], %select_n3A_1186 : memref<96x1024xf32, #tpu.memory_space<vmem>>[vector<16xi32>, vector<16xi32>], vector<16xf32>,
    %add3A_1212 = arith.constant 80 : i32
    %add3A_1213 = vector.broadcast %add3A_1212 : i32 to vector<16xi32>
    %add3A_1214 = arith.addi %add3A_1213, %iota3A : vector<16xi32>
    tpu.vector_store_idx %arg5[%add3A_1214, %select_n3A_1203], %select_n3A_1208 : memref<96x1024xf32, #tpu.memory_space<vmem>>[vector<16xi32>, vector<16xi32>], vector<16xf32>,
    %add3A_1215 = arith.constant 256 : i32
    %add3A_1216 = arith.addi %mul3A_2, %add3A_1215 : i32
    %dma_start3A_1217 = arith.constant 64 : i32
    %dma_start3A_1218 = arith.constant 0 : i32
    %dma_start3A_1219 = tpu.memref_slice %arg5[%dma_start3A_1217, %dma_start3A_1218] : memref<96x1024xf32, #tpu.memory_space<vmem>> -> memref<32x1024xf32, #tpu.memory_space<vmem>>
    %dma_start3A_1220 = arith.constant 0 : i32
    %dma_start3A_1221 = tpu.memref_slice %arg3[%add3A_1216, %dma_start3A_1220] : memref<32768x1024xf32, #tpu.memory_space<hbm>> -> memref<32x1024xf32, #tpu.memory_space<hbm>>
    %dma_start3A_1222 = arith.constant 0 : i32
    %dma_start3A_1223 = tpu.memref_slice %arg3[%add3A_1216, %dma_start3A_1222] : memref<32768x1024xf32, #tpu.memory_space<hbm>> -> memref<32x1024xf32, #tpu.memory_space<hbm>>
    %dma_start3A_1224 = arith.constant 64 : i32
    %dma_start3A_1225 = arith.constant 0 : i32
    %dma_start3A_1226 = tpu.memref_slice %arg5[%dma_start3A_1224, %dma_start3A_1225] : memref<96x1024xf32, #tpu.memory_space<vmem>> -> memref<32x1024xf32, #tpu.memory_space<vmem>>
    tpu.enqueue_dma source(%dma_start3A_1226 : memref<32x1024xf32, #tpu.memory_space<vmem>>) target(%dma_start3A_1223 : memref<32x1024xf32, #tpu.memory_space<hbm>>) target_semaphore(%arg8 : memref<!tpu.dma_semaphore, #tpu.memory_space<semaphore_mem>>)
    %dma_wait3A_1227 = arith.constant 0 : i32
    %dma_wait3A_1228 = arith.constant 0 : i32
    %dma_wait3A_1229 = tpu.memref_slice %arg5[%dma_wait3A_1227, %dma_wait3A_1228] : memref<96x1024xf32, #tpu.memory_space<vmem>> -> memref<32x1024xf32, #tpu.memory_space<vmem>>
    %dma_wait3A_1230 = arith.constant 0 : i32
    %dma_wait3A_1231 = tpu.memref_slice %arg3[%add3A_892, %dma_wait3A_1230] : memref<32768x1024xf32, #tpu.memory_space<hbm>> -> memref<32x1024xf32, #tpu.memory_space<hbm>>
    %dma_wait3A_1232 = arith.constant 0 : i32
    %dma_wait3A_1233 = tpu.memref_slice %arg3[%add3A_892, %dma_wait3A_1232] : memref<32768x1024xf32, #tpu.memory_space<hbm>> -> memref<32x1024xf32, #tpu.memory_space<hbm>>
    %dma_wait3A_1234 = arith.constant 0 : i32
    %dma_wait3A_1235 = arith.constant 0 : i32
    %dma_wait3A_1236 = tpu.memref_slice %arg5[%dma_wait3A_1234, %dma_wait3A_1235] : memref<96x1024xf32, #tpu.memory_space<vmem>> -> memref<32x1024xf32, #tpu.memory_space<vmem>>
    tpu.wait_dma2 semaphore(%arg6 : memref<!tpu.dma_semaphore, #tpu.memory_space<semaphore_mem>>) src(%dma_wait3A_1236 : memref<32x1024xf32, #tpu.memory_space<vmem>>) dst(%dma_wait3A_1233 : memref<32x1024xf32, #tpu.memory_space<hbm>>)
    %get3A_1237 = arith.constant 192 : index
    %get3A_1238 = tpu.vector_load %arg4[%get3A_1237] {strides = array<i32>} : memref<1024xi32, #tpu.memory_space<vmem>>, vector<16xi32>,
    %add3A_1239 = arith.constant 192 : i32
    %add3A_1240 = arith.addi %mul3A_2, %add3A_1239 : i32
    %add3A_1241 = arith.constant 0 : i32
    %add3A_1242 = arith.addi %add3A_1240, %add3A_1241 : i32
    %add3A_1243 = vector.broadcast %add3A_1242 : i32 to vector<16xi32>
    %add3A_1244 = arith.addi %add3A_1243, %iota3A : vector<16xi32>
    %and3A_1245 = arith.constant 2047 : i32
    %and3A_1246 = vector.broadcast %and3A_1245 : i32 to vector<16xi32>
    %and3A_1247 = arith.andi %add3A_1244, %and3A_1246 : vector<16xi32>
    %eq3A_1248 = arith.constant 2047 : i32
    %eq3A_1249 = vector.broadcast %eq3A_1248 : i32 to vector<16xi32>
    %eq3A_1250 = arith.cmpi eq, %and3A_1247, %eq3A_1249 : vector<16xi32>
    %jit3A_1251 = arith.constant 1023 : i32
    %broadcast_in_dim3A_1252 = vector.broadcast %jit3A_1251 : i32 to vector<16xi32>
    %select_n3A_1253 = arith.select %eq3A_1250, %broadcast_in_dim3A_1252, %get3A_1238 : vector<16xi1>, vector<16xi32>
    %jit3A_1254 = arith.constant -1.000000e+03 : f32
    %jit3A_1255 = arith.constant 5.000000e+00 : f32
    %broadcast_in_dim3A_1256 = vector.broadcast %jit3A_1254 : f32 to vector<16xf32>
    %broadcast_in_dim3A_1257 = vector.broadcast %jit3A_1255 : f32 to vector<16xf32>
    %select_n3A_1258 = arith.select %eq3A_1250, %broadcast_in_dim3A_1256, %broadcast_in_dim3A_1257 : vector<16xi1>, vector<16xf32>
    %get3A_1259 = arith.constant 208 : index
    %get3A_1260 = tpu.vector_load %arg4[%get3A_1259] {strides = array<i32>} : memref<1024xi32, #tpu.memory_space<vmem>>, vector<16xi32>,
    %add3A_1261 = arith.constant 192 : i32
    %add3A_1262 = arith.addi %mul3A_2, %add3A_1261 : i32
    %add3A_1263 = arith.constant 16 : i32
    %add3A_1264 = arith.addi %add3A_1262, %add3A_1263 : i32
    %add3A_1265 = vector.broadcast %add3A_1264 : i32 to vector<16xi32>
    %add3A_1266 = arith.addi %add3A_1265, %iota3A : vector<16xi32>
    %and3A_1267 = arith.constant 2047 : i32
    %and3A_1268 = vector.broadcast %and3A_1267 : i32 to vector<16xi32>
    %and3A_1269 = arith.andi %add3A_1266, %and3A_1268 : vector<16xi32>
    %eq3A_1270 = arith.constant 2047 : i32
    %eq3A_1271 = vector.broadcast %eq3A_1270 : i32 to vector<16xi32>
    %eq3A_1272 = arith.cmpi eq, %and3A_1269, %eq3A_1271 : vector<16xi32>
    %jit3A_1273 = arith.constant 1023 : i32
    %broadcast_in_dim3A_1274 = vector.broadcast %jit3A_1273 : i32 to vector<16xi32>
    %select_n3A_1275 = arith.select %eq3A_1272, %broadcast_in_dim3A_1274, %get3A_1260 : vector<16xi1>, vector<16xi32>
    %jit3A_1276 = arith.constant -1.000000e+03 : f32
    %jit3A_1277 = arith.constant 5.000000e+00 : f32
    %broadcast_in_dim3A_1278 = vector.broadcast %jit3A_1276 : f32 to vector<16xf32>
    %broadcast_in_dim3A_1279 = vector.broadcast %jit3A_1277 : f32 to vector<16xf32>
    %select_n3A_1280 = arith.select %eq3A_1272, %broadcast_in_dim3A_1278, %broadcast_in_dim3A_1279 : vector<16xi1>, vector<16xf32>
    %add3A_1281 = arith.constant 0 : i32
    %add3A_1282 = vector.broadcast %add3A_1281 : i32 to vector<16xi32>
    %add3A_1283 = arith.addi %add3A_1282, %iota3A : vector<16xi32>
    %eq3A_1284 = arith.constant 0 : i32
    %eq3A_1285 = vector.broadcast %eq3A_1284 : i32 to vector<16xi32>
    %eq3A_1286 = arith.cmpi eq, %select_n3A_1253, %eq3A_1285 : vector<16xi32>
    %eq3A_1287 = arith.constant 1 : i32
    %eq3A_1288 = vector.broadcast %eq3A_1287 : i32 to vector<16xi32>
    %eq3A_1289 = arith.cmpi eq, %select_n3A_1253, %eq3A_1288 : vector<16xi32>
    %eq3A_1290 = arith.constant 2 : i32
    %eq3A_1291 = vector.broadcast %eq3A_1290 : i32 to vector<16xi32>
    %eq3A_1292 = arith.cmpi eq, %select_n3A_1253, %eq3A_1291 : vector<16xi32>
    %jit3A_1293 = arith.constant 0.000000e+00 : f32
    %jit3A_1294 = arith.constant -1.000000e+03 : f32
    %broadcast_in_dim3A_1295 = vector.broadcast %jit3A_1293 : f32 to vector<16xf32>
    %broadcast_in_dim3A_1296 = vector.broadcast %jit3A_1294 : f32 to vector<16xf32>
    %select_n3A_1297 = arith.select %eq3A_1292, %broadcast_in_dim3A_1295, %broadcast_in_dim3A_1296 : vector<16xi1>, vector<16xf32>
    %jit3A_1298 = arith.constant 5.000000e-01 : f32
    %broadcast_in_dim3A_1299 = vector.broadcast %jit3A_1298 : f32 to vector<16xf32>
    %select_n3A_1300 = arith.select %eq3A_1289, %broadcast_in_dim3A_1299, %select_n3A_1297 : vector<16xi1>, vector<16xf32>
    %jit3A_1301 = arith.constant 1.000000e+00 : f32
    %broadcast_in_dim3A_1302 = vector.broadcast %jit3A_1301 : f32 to vector<16xf32>
    %select_n3A_1303 = arith.select %eq3A_1286, %broadcast_in_dim3A_1302, %select_n3A_1300 : vector<16xi1>, vector<16xf32>
    tpu.vector_store_idx %arg5[%add3A_1283, %select_n3A_1253], %select_n3A_1303 : memref<96x1024xf32, #tpu.memory_space<vmem>>[vector<16xi32>, vector<16xi32>], vector<16xf32>,
    %add3A_1304 = arith.constant 16 : i32
    %add3A_1305 = vector.broadcast %add3A_1304 : i32 to vector<16xi32>
    %add3A_1306 = arith.addi %add3A_1305, %iota3A : vector<16xi32>
    %eq3A_1307 = arith.constant 0 : i32
    %eq3A_1308 = vector.broadcast %eq3A_1307 : i32 to vector<16xi32>
    %eq3A_1309 = arith.cmpi eq, %select_n3A_1275, %eq3A_1308 : vector<16xi32>
    %eq3A_1310 = arith.constant 1 : i32
    %eq3A_1311 = vector.broadcast %eq3A_1310 : i32 to vector<16xi32>
    %eq3A_1312 = arith.cmpi eq, %select_n3A_1275, %eq3A_1311 : vector<16xi32>
    %eq3A_1313 = arith.constant 2 : i32
    %eq3A_1314 = vector.broadcast %eq3A_1313 : i32 to vector<16xi32>
    %eq3A_1315 = arith.cmpi eq, %select_n3A_1275, %eq3A_1314 : vector<16xi32>
    %jit3A_1316 = arith.constant 0.000000e+00 : f32
    %jit3A_1317 = arith.constant -1.000000e+03 : f32
    %broadcast_in_dim3A_1318 = vector.broadcast %jit3A_1316 : f32 to vector<16xf32>
    %broadcast_in_dim3A_1319 = vector.broadcast %jit3A_1317 : f32 to vector<16xf32>
    %select_n3A_1320 = arith.select %eq3A_1315, %broadcast_in_dim3A_1318, %broadcast_in_dim3A_1319 : vector<16xi1>, vector<16xf32>
    %jit3A_1321 = arith.constant 5.000000e-01 : f32
    %broadcast_in_dim3A_1322 = vector.broadcast %jit3A_1321 : f32 to vector<16xf32>
    %select_n3A_1323 = arith.select %eq3A_1312, %broadcast_in_dim3A_1322, %select_n3A_1320 : vector<16xi1>, vector<16xf32>
    %jit3A_1324 = arith.constant 1.000000e+00 : f32
    %broadcast_in_dim3A_1325 = vector.broadcast %jit3A_1324 : f32 to vector<16xf32>
    %select_n3A_1326 = arith.select %eq3A_1309, %broadcast_in_dim3A_1325, %select_n3A_1323 : vector<16xi1>, vector<16xf32>
    tpu.vector_store_idx %arg5[%add3A_1306, %select_n3A_1275], %select_n3A_1326 : memref<96x1024xf32, #tpu.memory_space<vmem>>[vector<16xi32>, vector<16xi32>], vector<16xf32>,
    %get3A_1327 = arith.constant 288 : index
    %get3A_1328 = tpu.vector_load %arg4[%get3A_1327] {strides = array<i32>} : memref<1024xi32, #tpu.memory_space<vmem>>, vector<16xi32>,
    %add3A_1329 = arith.constant 288 : i32
    %add3A_1330 = arith.addi %mul3A_2, %add3A_1329 : i32
    %add3A_1331 = arith.constant 0 : i32
    %add3A_1332 = arith.addi %add3A_1330, %add3A_1331 : i32
    %add3A_1333 = vector.broadcast %add3A_1332 : i32 to vector<16xi32>
    %add3A_1334 = arith.addi %add3A_1333, %iota3A : vector<16xi32>
    %and3A_1335 = arith.constant 2047 : i32
    %and3A_1336 = vector.broadcast %and3A_1335 : i32 to vector<16xi32>
    %and3A_1337 = arith.andi %add3A_1334, %and3A_1336 : vector<16xi32>
    %eq3A_1338 = arith.constant 2047 : i32
    %eq3A_1339 = vector.broadcast %eq3A_1338 : i32 to vector<16xi32>
    %eq3A_1340 = arith.cmpi eq, %and3A_1337, %eq3A_1339 : vector<16xi32>
    %jit3A_1341 = arith.constant 1023 : i32
    %broadcast_in_dim3A_1342 = vector.broadcast %jit3A_1341 : i32 to vector<16xi32>
    %select_n3A_1343 = arith.select %eq3A_1340, %broadcast_in_dim3A_1342, %get3A_1328 : vector<16xi1>, vector<16xi32>
    %jit3A_1344 = arith.constant -1.000000e+03 : f32
    %jit3A_1345 = arith.constant 5.000000e+00 : f32
    %broadcast_in_dim3A_1346 = vector.broadcast %jit3A_1344 : f32 to vector<16xf32>
    %broadcast_in_dim3A_1347 = vector.broadcast %jit3A_1345 : f32 to vector<16xf32>
    %select_n3A_1348 = arith.select %eq3A_1340, %broadcast_in_dim3A_1346, %broadcast_in_dim3A_1347 : vector<16xi1>, vector<16xf32>
    %get3A_1349 = arith.constant 304 : index
    %get3A_1350 = tpu.vector_load %arg4[%get3A_1349] {strides = array<i32>} : memref<1024xi32, #tpu.memory_space<vmem>>, vector<16xi32>,
    %add3A_1351 = arith.constant 288 : i32
    %add3A_1352 = arith.addi %mul3A_2, %add3A_1351 : i32
    %add3A_1353 = arith.constant 16 : i32
    %add3A_1354 = arith.addi %add3A_1352, %add3A_1353 : i32
    %add3A_1355 = vector.broadcast %add3A_1354 : i32 to vector<16xi32>
    %add3A_1356 = arith.addi %add3A_1355, %iota3A : vector<16xi32>
    %and3A_1357 = arith.constant 2047 : i32
    %and3A_1358 = vector.broadcast %and3A_1357 : i32 to vector<16xi32>
    %and3A_1359 = arith.andi %add3A_1356, %and3A_1358 : vector<16xi32>
    %eq3A_1360 = arith.constant 2047 : i32
    %eq3A_1361 = vector.broadcast %eq3A_1360 : i32 to vector<16xi32>
    %eq3A_1362 = arith.cmpi eq, %and3A_1359, %eq3A_1361 : vector<16xi32>
    %jit3A_1363 = arith.constant 1023 : i32
    %broadcast_in_dim3A_1364 = vector.broadcast %jit3A_1363 : i32 to vector<16xi32>
    %select_n3A_1365 = arith.select %eq3A_1362, %broadcast_in_dim3A_1364, %get3A_1350 : vector<16xi1>, vector<16xi32>
    %jit3A_1366 = arith.constant -1.000000e+03 : f32
    %jit3A_1367 = arith.constant 5.000000e+00 : f32
    %broadcast_in_dim3A_1368 = vector.broadcast %jit3A_1366 : f32 to vector<16xf32>
    %broadcast_in_dim3A_1369 = vector.broadcast %jit3A_1367 : f32 to vector<16xf32>
    %select_n3A_1370 = arith.select %eq3A_1362, %broadcast_in_dim3A_1368, %broadcast_in_dim3A_1369 : vector<16xi1>, vector<16xf32>
    %add3A_1371 = arith.constant 0 : i32
    %add3A_1372 = vector.broadcast %add3A_1371 : i32 to vector<16xi32>
    %add3A_1373 = arith.addi %add3A_1372, %iota3A : vector<16xi32>
    tpu.vector_store_idx %arg5[%add3A_1373, %select_n3A_1343], %select_n3A_1348 : memref<96x1024xf32, #tpu.memory_space<vmem>>[vector<16xi32>, vector<16xi32>], vector<16xf32>,
    %add3A_1374 = arith.constant 16 : i32
    %add3A_1375 = vector.broadcast %add3A_1374 : i32 to vector<16xi32>
    %add3A_1376 = arith.addi %add3A_1375, %iota3A : vector<16xi32>
    tpu.vector_store_idx %arg5[%add3A_1376, %select_n3A_1365], %select_n3A_1370 : memref<96x1024xf32, #tpu.memory_space<vmem>>[vector<16xi32>, vector<16xi32>], vector<16xf32>,
    %add3A_1377 = arith.constant 288 : i32
    %add3A_1378 = arith.addi %mul3A_2, %add3A_1377 : i32
    %dma_start3A_1379 = arith.constant 0 : i32
    %dma_start3A_1380 = arith.constant 0 : i32
    %dma_start3A_1381 = tpu.memref_slice %arg5[%dma_start3A_1379, %dma_start3A_1380] : memref<96x1024xf32, #tpu.memory_space<vmem>> -> memref<32x1024xf32, #tpu.memory_space<vmem>>
    %dma_start3A_1382 = arith.constant 0 : i32
    %dma_start3A_1383 = tpu.memref_slice %arg3[%add3A_1378, %dma_start3A_1382] : memref<32768x1024xf32, #tpu.memory_space<hbm>> -> memref<32x1024xf32, #tpu.memory_space<hbm>>
    %dma_start3A_1384 = arith.constant 0 : i32
    %dma_start3A_1385 = tpu.memref_slice %arg3[%add3A_1378, %dma_start3A_1384] : memref<32768x1024xf32, #tpu.memory_space<hbm>> -> memref<32x1024xf32, #tpu.memory_space<hbm>>
    %dma_start3A_1386 = arith.constant 0 : i32
    %dma_start3A_1387 = arith.constant 0 : i32
    %dma_start3A_1388 = tpu.memref_slice %arg5[%dma_start3A_1386, %dma_start3A_1387] : memref<96x1024xf32, #tpu.memory_space<vmem>> -> memref<32x1024xf32, #tpu.memory_space<vmem>>
    tpu.enqueue_dma source(%dma_start3A_1388 : memref<32x1024xf32, #tpu.memory_space<vmem>>) target(%dma_start3A_1385 : memref<32x1024xf32, #tpu.memory_space<hbm>>) target_semaphore(%arg6 : memref<!tpu.dma_semaphore, #tpu.memory_space<semaphore_mem>>)
    %dma_wait3A_1389 = arith.constant 32 : i32
    %dma_wait3A_1390 = arith.constant 0 : i32
    %dma_wait3A_1391 = tpu.memref_slice %arg5[%dma_wait3A_1389, %dma_wait3A_1390] : memref<96x1024xf32, #tpu.memory_space<vmem>> -> memref<32x1024xf32, #tpu.memory_space<vmem>>
    %dma_wait3A_1392 = arith.constant 0 : i32
    %dma_wait3A_1393 = tpu.memref_slice %arg3[%add3A_1054, %dma_wait3A_1392] : memref<32768x1024xf32, #tpu.memory_space<hbm>> -> memref<32x1024xf32, #tpu.memory_space<hbm>>
    %dma_wait3A_1394 = arith.constant 0 : i32
    %dma_wait3A_1395 = tpu.memref_slice %arg3[%add3A_1054, %dma_wait3A_1394] : memref<32768x1024xf32, #tpu.memory_space<hbm>> -> memref<32x1024xf32, #tpu.memory_space<hbm>>
    %dma_wait3A_1396 = arith.constant 32 : i32
    %dma_wait3A_1397 = arith.constant 0 : i32
    %dma_wait3A_1398 = tpu.memref_slice %arg5[%dma_wait3A_1396, %dma_wait3A_1397] : memref<96x1024xf32, #tpu.memory_space<vmem>> -> memref<32x1024xf32, #tpu.memory_space<vmem>>
    tpu.wait_dma2 semaphore(%arg7 : memref<!tpu.dma_semaphore, #tpu.memory_space<semaphore_mem>>) src(%dma_wait3A_1398 : memref<32x1024xf32, #tpu.memory_space<vmem>>) dst(%dma_wait3A_1395 : memref<32x1024xf32, #tpu.memory_space<hbm>>)
    %get3A_1399 = arith.constant 224 : index
    %get3A_1400 = tpu.vector_load %arg4[%get3A_1399] {strides = array<i32>} : memref<1024xi32, #tpu.memory_space<vmem>>, vector<16xi32>,
    %add3A_1401 = arith.constant 224 : i32
    %add3A_1402 = arith.addi %mul3A_2, %add3A_1401 : i32
    %add3A_1403 = arith.constant 0 : i32
    %add3A_1404 = arith.addi %add3A_1402, %add3A_1403 : i32
    %add3A_1405 = vector.broadcast %add3A_1404 : i32 to vector<16xi32>
    %add3A_1406 = arith.addi %add3A_1405, %iota3A : vector<16xi32>
    %and3A_1407 = arith.constant 2047 : i32
    %and3A_1408 = vector.broadcast %and3A_1407 : i32 to vector<16xi32>
    %and3A_1409 = arith.andi %add3A_1406, %and3A_1408 : vector<16xi32>
    %eq3A_1410 = arith.constant 2047 : i32
    %eq3A_1411 = vector.broadcast %eq3A_1410 : i32 to vector<16xi32>
    %eq3A_1412 = arith.cmpi eq, %and3A_1409, %eq3A_1411 : vector<16xi32>
    %jit3A_1413 = arith.constant 1023 : i32
    %broadcast_in_dim3A_1414 = vector.broadcast %jit3A_1413 : i32 to vector<16xi32>
    %select_n3A_1415 = arith.select %eq3A_1412, %broadcast_in_dim3A_1414, %get3A_1400 : vector<16xi1>, vector<16xi32>
    %jit3A_1416 = arith.constant -1.000000e+03 : f32
    %jit3A_1417 = arith.constant 5.000000e+00 : f32
    %broadcast_in_dim3A_1418 = vector.broadcast %jit3A_1416 : f32 to vector<16xf32>
    %broadcast_in_dim3A_1419 = vector.broadcast %jit3A_1417 : f32 to vector<16xf32>
    %select_n3A_1420 = arith.select %eq3A_1412, %broadcast_in_dim3A_1418, %broadcast_in_dim3A_1419 : vector<16xi1>, vector<16xf32>
    %get3A_1421 = arith.constant 240 : index
    %get3A_1422 = tpu.vector_load %arg4[%get3A_1421] {strides = array<i32>} : memref<1024xi32, #tpu.memory_space<vmem>>, vector<16xi32>,
    %add3A_1423 = arith.constant 224 : i32
    %add3A_1424 = arith.addi %mul3A_2, %add3A_1423 : i32
    %add3A_1425 = arith.constant 16 : i32
    %add3A_1426 = arith.addi %add3A_1424, %add3A_1425 : i32
    %add3A_1427 = vector.broadcast %add3A_1426 : i32 to vector<16xi32>
    %add3A_1428 = arith.addi %add3A_1427, %iota3A : vector<16xi32>
    %and3A_1429 = arith.constant 2047 : i32
    %and3A_1430 = vector.broadcast %and3A_1429 : i32 to vector<16xi32>
    %and3A_1431 = arith.andi %add3A_1428, %and3A_1430 : vector<16xi32>
    %eq3A_1432 = arith.constant 2047 : i32
    %eq3A_1433 = vector.broadcast %eq3A_1432 : i32 to vector<16xi32>
    %eq3A_1434 = arith.cmpi eq, %and3A_1431, %eq3A_1433 : vector<16xi32>
    %jit3A_1435 = arith.constant 1023 : i32
    %broadcast_in_dim3A_1436 = vector.broadcast %jit3A_1435 : i32 to vector<16xi32>
    %select_n3A_1437 = arith.select %eq3A_1434, %broadcast_in_dim3A_1436, %get3A_1422 : vector<16xi1>, vector<16xi32>
    %jit3A_1438 = arith.constant -1.000000e+03 : f32
    %jit3A_1439 = arith.constant 5.000000e+00 : f32
    %broadcast_in_dim3A_1440 = vector.broadcast %jit3A_1438 : f32 to vector<16xf32>
    %broadcast_in_dim3A_1441 = vector.broadcast %jit3A_1439 : f32 to vector<16xf32>
    %select_n3A_1442 = arith.select %eq3A_1434, %broadcast_in_dim3A_1440, %broadcast_in_dim3A_1441 : vector<16xi1>, vector<16xf32>
    %add3A_1443 = arith.constant 32 : i32
    %add3A_1444 = vector.broadcast %add3A_1443 : i32 to vector<16xi32>
    %add3A_1445 = arith.addi %add3A_1444, %iota3A : vector<16xi32>
    %eq3A_1446 = arith.constant 0 : i32
    %eq3A_1447 = vector.broadcast %eq3A_1446 : i32 to vector<16xi32>
    %eq3A_1448 = arith.cmpi eq, %select_n3A_1415, %eq3A_1447 : vector<16xi32>
    %eq3A_1449 = arith.constant 1 : i32
    %eq3A_1450 = vector.broadcast %eq3A_1449 : i32 to vector<16xi32>
    %eq3A_1451 = arith.cmpi eq, %select_n3A_1415, %eq3A_1450 : vector<16xi32>
    %eq3A_1452 = arith.constant 2 : i32
    %eq3A_1453 = vector.broadcast %eq3A_1452 : i32 to vector<16xi32>
    %eq3A_1454 = arith.cmpi eq, %select_n3A_1415, %eq3A_1453 : vector<16xi32>
    %jit3A_1455 = arith.constant 0.000000e+00 : f32
    %jit3A_1456 = arith.constant -1.000000e+03 : f32
    %broadcast_in_dim3A_1457 = vector.broadcast %jit3A_1455 : f32 to vector<16xf32>
    %broadcast_in_dim3A_1458 = vector.broadcast %jit3A_1456 : f32 to vector<16xf32>
    %select_n3A_1459 = arith.select %eq3A_1454, %broadcast_in_dim3A_1457, %broadcast_in_dim3A_1458 : vector<16xi1>, vector<16xf32>
    %jit3A_1460 = arith.constant 5.000000e-01 : f32
    %broadcast_in_dim3A_1461 = vector.broadcast %jit3A_1460 : f32 to vector<16xf32>
    %select_n3A_1462 = arith.select %eq3A_1451, %broadcast_in_dim3A_1461, %select_n3A_1459 : vector<16xi1>, vector<16xf32>
    %jit3A_1463 = arith.constant 1.000000e+00 : f32
    %broadcast_in_dim3A_1464 = vector.broadcast %jit3A_1463 : f32 to vector<16xf32>
    %select_n3A_1465 = arith.select %eq3A_1448, %broadcast_in_dim3A_1464, %select_n3A_1462 : vector<16xi1>, vector<16xf32>
    tpu.vector_store_idx %arg5[%add3A_1445, %select_n3A_1415], %select_n3A_1465 : memref<96x1024xf32, #tpu.memory_space<vmem>>[vector<16xi32>, vector<16xi32>], vector<16xf32>,
    %add3A_1466 = arith.constant 48 : i32
    %add3A_1467 = vector.broadcast %add3A_1466 : i32 to vector<16xi32>
    %add3A_1468 = arith.addi %add3A_1467, %iota3A : vector<16xi32>
    %eq3A_1469 = arith.constant 0 : i32
    %eq3A_1470 = vector.broadcast %eq3A_1469 : i32 to vector<16xi32>
    %eq3A_1471 = arith.cmpi eq, %select_n3A_1437, %eq3A_1470 : vector<16xi32>
    %eq3A_1472 = arith.constant 1 : i32
    %eq3A_1473 = vector.broadcast %eq3A_1472 : i32 to vector<16xi32>
    %eq3A_1474 = arith.cmpi eq, %select_n3A_1437, %eq3A_1473 : vector<16xi32>
    %eq3A_1475 = arith.constant 2 : i32
    %eq3A_1476 = vector.broadcast %eq3A_1475 : i32 to vector<16xi32>
    %eq3A_1477 = arith.cmpi eq, %select_n3A_1437, %eq3A_1476 : vector<16xi32>
    %jit3A_1478 = arith.constant 0.000000e+00 : f32
    %jit3A_1479 = arith.constant -1.000000e+03 : f32
    %broadcast_in_dim3A_1480 = vector.broadcast %jit3A_1478 : f32 to vector<16xf32>
    %broadcast_in_dim3A_1481 = vector.broadcast %jit3A_1479 : f32 to vector<16xf32>
    %select_n3A_1482 = arith.select %eq3A_1477, %broadcast_in_dim3A_1480, %broadcast_in_dim3A_1481 : vector<16xi1>, vector<16xf32>
    %jit3A_1483 = arith.constant 5.000000e-01 : f32
    %broadcast_in_dim3A_1484 = vector.broadcast %jit3A_1483 : f32 to vector<16xf32>
    %select_n3A_1485 = arith.select %eq3A_1474, %broadcast_in_dim3A_1484, %select_n3A_1482 : vector<16xi1>, vector<16xf32>
    %jit3A_1486 = arith.constant 1.000000e+00 : f32
    %broadcast_in_dim3A_1487 = vector.broadcast %jit3A_1486 : f32 to vector<16xf32>
    %select_n3A_1488 = arith.select %eq3A_1471, %broadcast_in_dim3A_1487, %select_n3A_1485 : vector<16xi1>, vector<16xf32>
    tpu.vector_store_idx %arg5[%add3A_1468, %select_n3A_1437], %select_n3A_1488 : memref<96x1024xf32, #tpu.memory_space<vmem>>[vector<16xi32>, vector<16xi32>], vector<16xf32>,
    %get3A_1489 = arith.constant 320 : index
    %get3A_1490 = tpu.vector_load %arg4[%get3A_1489] {strides = array<i32>} : memref<1024xi32, #tpu.memory_space<vmem>>, vector<16xi32>,
    %add3A_1491 = arith.constant 320 : i32
    %add3A_1492 = arith.addi %mul3A_2, %add3A_1491 : i32
    %add3A_1493 = arith.constant 0 : i32
    %add3A_1494 = arith.addi %add3A_1492, %add3A_1493 : i32
    %add3A_1495 = vector.broadcast %add3A_1494 : i32 to vector<16xi32>
    %add3A_1496 = arith.addi %add3A_1495, %iota3A : vector<16xi32>
    %and3A_1497 = arith.constant 2047 : i32
    %and3A_1498 = vector.broadcast %and3A_1497 : i32 to vector<16xi32>
    %and3A_1499 = arith.andi %add3A_1496, %and3A_1498 : vector<16xi32>
    %eq3A_1500 = arith.constant 2047 : i32
    %eq3A_1501 = vector.broadcast %eq3A_1500 : i32 to vector<16xi32>
    %eq3A_1502 = arith.cmpi eq, %and3A_1499, %eq3A_1501 : vector<16xi32>
    %jit3A_1503 = arith.constant 1023 : i32
    %broadcast_in_dim3A_1504 = vector.broadcast %jit3A_1503 : i32 to vector<16xi32>
    %select_n3A_1505 = arith.select %eq3A_1502, %broadcast_in_dim3A_1504, %get3A_1490 : vector<16xi1>, vector<16xi32>
    %jit3A_1506 = arith.constant -1.000000e+03 : f32
    %jit3A_1507 = arith.constant 5.000000e+00 : f32
    %broadcast_in_dim3A_1508 = vector.broadcast %jit3A_1506 : f32 to vector<16xf32>
    %broadcast_in_dim3A_1509 = vector.broadcast %jit3A_1507 : f32 to vector<16xf32>
    %select_n3A_1510 = arith.select %eq3A_1502, %broadcast_in_dim3A_1508, %broadcast_in_dim3A_1509 : vector<16xi1>, vector<16xf32>
    %get3A_1511 = arith.constant 336 : index
    %get3A_1512 = tpu.vector_load %arg4[%get3A_1511] {strides = array<i32>} : memref<1024xi32, #tpu.memory_space<vmem>>, vector<16xi32>,
    %add3A_1513 = arith.constant 320 : i32
    %add3A_1514 = arith.addi %mul3A_2, %add3A_1513 : i32
    %add3A_1515 = arith.constant 16 : i32
    %add3A_1516 = arith.addi %add3A_1514, %add3A_1515 : i32
    %add3A_1517 = vector.broadcast %add3A_1516 : i32 to vector<16xi32>
    %add3A_1518 = arith.addi %add3A_1517, %iota3A : vector<16xi32>
    %and3A_1519 = arith.constant 2047 : i32
    %and3A_1520 = vector.broadcast %and3A_1519 : i32 to vector<16xi32>
    %and3A_1521 = arith.andi %add3A_1518, %and3A_1520 : vector<16xi32>
    %eq3A_1522 = arith.constant 2047 : i32
    %eq3A_1523 = vector.broadcast %eq3A_1522 : i32 to vector<16xi32>
    %eq3A_1524 = arith.cmpi eq, %and3A_1521, %eq3A_1523 : vector<16xi32>
    %jit3A_1525 = arith.constant 1023 : i32
    %broadcast_in_dim3A_1526 = vector.broadcast %jit3A_1525 : i32 to vector<16xi32>
    %select_n3A_1527 = arith.select %eq3A_1524, %broadcast_in_dim3A_1526, %get3A_1512 : vector<16xi1>, vector<16xi32>
    %jit3A_1528 = arith.constant -1.000000e+03 : f32
    %jit3A_1529 = arith.constant 5.000000e+00 : f32
    %broadcast_in_dim3A_1530 = vector.broadcast %jit3A_1528 : f32 to vector<16xf32>
    %broadcast_in_dim3A_1531 = vector.broadcast %jit3A_1529 : f32 to vector<16xf32>
    %select_n3A_1532 = arith.select %eq3A_1524, %broadcast_in_dim3A_1530, %broadcast_in_dim3A_1531 : vector<16xi1>, vector<16xf32>
    %add3A_1533 = arith.constant 32 : i32
    %add3A_1534 = vector.broadcast %add3A_1533 : i32 to vector<16xi32>
    %add3A_1535 = arith.addi %add3A_1534, %iota3A : vector<16xi32>
    tpu.vector_store_idx %arg5[%add3A_1535, %select_n3A_1505], %select_n3A_1510 : memref<96x1024xf32, #tpu.memory_space<vmem>>[vector<16xi32>, vector<16xi32>], vector<16xf32>,
    %add3A_1536 = arith.constant 48 : i32
    %add3A_1537 = vector.broadcast %add3A_1536 : i32 to vector<16xi32>
    %add3A_1538 = arith.addi %add3A_1537, %iota3A : vector<16xi32>
    tpu.vector_store_idx %arg5[%add3A_1538, %select_n3A_1527], %select_n3A_1532 : memref<96x1024xf32, #tpu.memory_space<vmem>>[vector<16xi32>, vector<16xi32>], vector<16xf32>,
    %add3A_1539 = arith.constant 320 : i32
    %add3A_1540 = arith.addi %mul3A_2, %add3A_1539 : i32
    %dma_start3A_1541 = arith.constant 32 : i32
    %dma_start3A_1542 = arith.constant 0 : i32
    %dma_start3A_1543 = tpu.memref_slice %arg5[%dma_start3A_1541, %dma_start3A_1542] : memref<96x1024xf32, #tpu.memory_space<vmem>> -> memref<32x1024xf32, #tpu.memory_space<vmem>>
    %dma_start3A_1544 = arith.constant 0 : i32
    %dma_start3A_1545 = tpu.memref_slice %arg3[%add3A_1540, %dma_start3A_1544] : memref<32768x1024xf32, #tpu.memory_space<hbm>> -> memref<32x1024xf32, #tpu.memory_space<hbm>>
    %dma_start3A_1546 = arith.constant 0 : i32
    %dma_start3A_1547 = tpu.memref_slice %arg3[%add3A_1540, %dma_start3A_1546] : memref<32768x1024xf32, #tpu.memory_space<hbm>> -> memref<32x1024xf32, #tpu.memory_space<hbm>>
    %dma_start3A_1548 = arith.constant 32 : i32
    %dma_start3A_1549 = arith.constant 0 : i32
    %dma_start3A_1550 = tpu.memref_slice %arg5[%dma_start3A_1548, %dma_start3A_1549] : memref<96x1024xf32, #tpu.memory_space<vmem>> -> memref<32x1024xf32, #tpu.memory_space<vmem>>
    tpu.enqueue_dma source(%dma_start3A_1550 : memref<32x1024xf32, #tpu.memory_space<vmem>>) target(%dma_start3A_1547 : memref<32x1024xf32, #tpu.memory_space<hbm>>) target_semaphore(%arg7 : memref<!tpu.dma_semaphore, #tpu.memory_space<semaphore_mem>>)
    %dma_wait3A_1551 = arith.constant 64 : i32
    %dma_wait3A_1552 = arith.constant 0 : i32
    %dma_wait3A_1553 = tpu.memref_slice %arg5[%dma_wait3A_1551, %dma_wait3A_1552] : memref<96x1024xf32, #tpu.memory_space<vmem>> -> memref<32x1024xf32, #tpu.memory_space<vmem>>
    %dma_wait3A_1554 = arith.constant 0 : i32
    %dma_wait3A_1555 = tpu.memref_slice %arg3[%add3A_1216, %dma_wait3A_1554] : memref<32768x1024xf32, #tpu.memory_space<hbm>> -> memref<32x1024xf32, #tpu.memory_space<hbm>>
    %dma_wait3A_1556 = arith.constant 0 : i32
    %dma_wait3A_1557 = tpu.memref_slice %arg3[%add3A_1216, %dma_wait3A_1556] : memref<32768x1024xf32, #tpu.memory_space<hbm>> -> memref<32x1024xf32, #tpu.memory_space<hbm>>
    %dma_wait3A_1558 = arith.constant 64 : i32
    %dma_wait3A_1559 = arith.constant 0 : i32
    %dma_wait3A_1560 = tpu.memref_slice %arg5[%dma_wait3A_1558, %dma_wait3A_1559] : memref<96x1024xf32, #tpu.memory_space<vmem>> -> memref<32x1024xf32, #tpu.memory_space<vmem>>
    tpu.wait_dma2 semaphore(%arg8 : memref<!tpu.dma_semaphore, #tpu.memory_space<semaphore_mem>>) src(%dma_wait3A_1560 : memref<32x1024xf32, #tpu.memory_space<vmem>>) dst(%dma_wait3A_1557 : memref<32x1024xf32, #tpu.memory_space<hbm>>)
    %get3A_1561 = arith.constant 256 : index
    %get3A_1562 = tpu.vector_load %arg4[%get3A_1561] {strides = array<i32>} : memref<1024xi32, #tpu.memory_space<vmem>>, vector<16xi32>,
    %add3A_1563 = arith.constant 256 : i32
    %add3A_1564 = arith.addi %mul3A_2, %add3A_1563 : i32
    %add3A_1565 = arith.constant 0 : i32
    %add3A_1566 = arith.addi %add3A_1564, %add3A_1565 : i32
    %add3A_1567 = vector.broadcast %add3A_1566 : i32 to vector<16xi32>
    %add3A_1568 = arith.addi %add3A_1567, %iota3A : vector<16xi32>
    %and3A_1569 = arith.constant 2047 : i32
    %and3A_1570 = vector.broadcast %and3A_1569 : i32 to vector<16xi32>
    %and3A_1571 = arith.andi %add3A_1568, %and3A_1570 : vector<16xi32>
    %eq3A_1572 = arith.constant 2047 : i32
    %eq3A_1573 = vector.broadcast %eq3A_1572 : i32 to vector<16xi32>
    %eq3A_1574 = arith.cmpi eq, %and3A_1571, %eq3A_1573 : vector<16xi32>
    %jit3A_1575 = arith.constant 1023 : i32
    %broadcast_in_dim3A_1576 = vector.broadcast %jit3A_1575 : i32 to vector<16xi32>
    %select_n3A_1577 = arith.select %eq3A_1574, %broadcast_in_dim3A_1576, %get3A_1562 : vector<16xi1>, vector<16xi32>
    %jit3A_1578 = arith.constant -1.000000e+03 : f32
    %jit3A_1579 = arith.constant 5.000000e+00 : f32
    %broadcast_in_dim3A_1580 = vector.broadcast %jit3A_1578 : f32 to vector<16xf32>
    %broadcast_in_dim3A_1581 = vector.broadcast %jit3A_1579 : f32 to vector<16xf32>
    %select_n3A_1582 = arith.select %eq3A_1574, %broadcast_in_dim3A_1580, %broadcast_in_dim3A_1581 : vector<16xi1>, vector<16xf32>
    %get3A_1583 = arith.constant 272 : index
    %get3A_1584 = tpu.vector_load %arg4[%get3A_1583] {strides = array<i32>} : memref<1024xi32, #tpu.memory_space<vmem>>, vector<16xi32>,
    %add3A_1585 = arith.constant 256 : i32
    %add3A_1586 = arith.addi %mul3A_2, %add3A_1585 : i32
    %add3A_1587 = arith.constant 16 : i32
    %add3A_1588 = arith.addi %add3A_1586, %add3A_1587 : i32
    %add3A_1589 = vector.broadcast %add3A_1588 : i32 to vector<16xi32>
    %add3A_1590 = arith.addi %add3A_1589, %iota3A : vector<16xi32>
    %and3A_1591 = arith.constant 2047 : i32
    %and3A_1592 = vector.broadcast %and3A_1591 : i32 to vector<16xi32>
    %and3A_1593 = arith.andi %add3A_1590, %and3A_1592 : vector<16xi32>
    %eq3A_1594 = arith.constant 2047 : i32
    %eq3A_1595 = vector.broadcast %eq3A_1594 : i32 to vector<16xi32>
    %eq3A_1596 = arith.cmpi eq, %and3A_1593, %eq3A_1595 : vector<16xi32>
    %jit3A_1597 = arith.constant 1023 : i32
    %broadcast_in_dim3A_1598 = vector.broadcast %jit3A_1597 : i32 to vector<16xi32>
    %select_n3A_1599 = arith.select %eq3A_1596, %broadcast_in_dim3A_1598, %get3A_1584 : vector<16xi1>, vector<16xi32>
    %jit3A_1600 = arith.constant -1.000000e+03 : f32
    %jit3A_1601 = arith.constant 5.000000e+00 : f32
    %broadcast_in_dim3A_1602 = vector.broadcast %jit3A_1600 : f32 to vector<16xf32>
    %broadcast_in_dim3A_1603 = vector.broadcast %jit3A_1601 : f32 to vector<16xf32>
    %select_n3A_1604 = arith.select %eq3A_1596, %broadcast_in_dim3A_1602, %broadcast_in_dim3A_1603 : vector<16xi1>, vector<16xf32>
    %add3A_1605 = arith.constant 64 : i32
    %add3A_1606 = vector.broadcast %add3A_1605 : i32 to vector<16xi32>
    %add3A_1607 = arith.addi %add3A_1606, %iota3A : vector<16xi32>
    %eq3A_1608 = arith.constant 0 : i32
    %eq3A_1609 = vector.broadcast %eq3A_1608 : i32 to vector<16xi32>
    %eq3A_1610 = arith.cmpi eq, %select_n3A_1577, %eq3A_1609 : vector<16xi32>
    %eq3A_1611 = arith.constant 1 : i32
    %eq3A_1612 = vector.broadcast %eq3A_1611 : i32 to vector<16xi32>
    %eq3A_1613 = arith.cmpi eq, %select_n3A_1577, %eq3A_1612 : vector<16xi32>
    %eq3A_1614 = arith.constant 2 : i32
    %eq3A_1615 = vector.broadcast %eq3A_1614 : i32 to vector<16xi32>
    %eq3A_1616 = arith.cmpi eq, %select_n3A_1577, %eq3A_1615 : vector<16xi32>
    %jit3A_1617 = arith.constant 0.000000e+00 : f32
    %jit3A_1618 = arith.constant -1.000000e+03 : f32
    %broadcast_in_dim3A_1619 = vector.broadcast %jit3A_1617 : f32 to vector<16xf32>
    %broadcast_in_dim3A_1620 = vector.broadcast %jit3A_1618 : f32 to vector<16xf32>
    %select_n3A_1621 = arith.select %eq3A_1616, %broadcast_in_dim3A_1619, %broadcast_in_dim3A_1620 : vector<16xi1>, vector<16xf32>
    %jit3A_1622 = arith.constant 5.000000e-01 : f32
    %broadcast_in_dim3A_1623 = vector.broadcast %jit3A_1622 : f32 to vector<16xf32>
    %select_n3A_1624 = arith.select %eq3A_1613, %broadcast_in_dim3A_1623, %select_n3A_1621 : vector<16xi1>, vector<16xf32>
    %jit3A_1625 = arith.constant 1.000000e+00 : f32
    %broadcast_in_dim3A_1626 = vector.broadcast %jit3A_1625 : f32 to vector<16xf32>
    %select_n3A_1627 = arith.select %eq3A_1610, %broadcast_in_dim3A_1626, %select_n3A_1624 : vector<16xi1>, vector<16xf32>
    tpu.vector_store_idx %arg5[%add3A_1607, %select_n3A_1577], %select_n3A_1627 : memref<96x1024xf32, #tpu.memory_space<vmem>>[vector<16xi32>, vector<16xi32>], vector<16xf32>,
    %add3A_1628 = arith.constant 80 : i32
    %add3A_1629 = vector.broadcast %add3A_1628 : i32 to vector<16xi32>
    %add3A_1630 = arith.addi %add3A_1629, %iota3A : vector<16xi32>
    %eq3A_1631 = arith.constant 0 : i32
    %eq3A_1632 = vector.broadcast %eq3A_1631 : i32 to vector<16xi32>
    %eq3A_1633 = arith.cmpi eq, %select_n3A_1599, %eq3A_1632 : vector<16xi32>
    %eq3A_1634 = arith.constant 1 : i32
    %eq3A_1635 = vector.broadcast %eq3A_1634 : i32 to vector<16xi32>
    %eq3A_1636 = arith.cmpi eq, %select_n3A_1599, %eq3A_1635 : vector<16xi32>
    %eq3A_1637 = arith.constant 2 : i32
    %eq3A_1638 = vector.broadcast %eq3A_1637 : i32 to vector<16xi32>
    %eq3A_1639 = arith.cmpi eq, %select_n3A_1599, %eq3A_1638 : vector<16xi32>
    %jit3A_1640 = arith.constant 0.000000e+00 : f32
    %jit3A_1641 = arith.constant -1.000000e+03 : f32
    %broadcast_in_dim3A_1642 = vector.broadcast %jit3A_1640 : f32 to vector<16xf32>
    %broadcast_in_dim3A_1643 = vector.broadcast %jit3A_1641 : f32 to vector<16xf32>
    %select_n3A_1644 = arith.select %eq3A_1639, %broadcast_in_dim3A_1642, %broadcast_in_dim3A_1643 : vector<16xi1>, vector<16xf32>
    %jit3A_1645 = arith.constant 5.000000e-01 : f32
    %broadcast_in_dim3A_1646 = vector.broadcast %jit3A_1645 : f32 to vector<16xf32>
    %select_n3A_1647 = arith.select %eq3A_1636, %broadcast_in_dim3A_1646, %select_n3A_1644 : vector<16xi1>, vector<16xf32>
    %jit3A_1648 = arith.constant 1.000000e+00 : f32
    %broadcast_in_dim3A_1649 = vector.broadcast %jit3A_1648 : f32 to vector<16xf32>
    %select_n3A_1650 = arith.select %eq3A_1633, %broadcast_in_dim3A_1649, %select_n3A_1647 : vector<16xi1>, vector<16xf32>
    tpu.vector_store_idx %arg5[%add3A_1630, %select_n3A_1599], %select_n3A_1650 : memref<96x1024xf32, #tpu.memory_space<vmem>>[vector<16xi32>, vector<16xi32>], vector<16xf32>,
    %get3A_1651 = arith.constant 352 : index
    %get3A_1652 = tpu.vector_load %arg4[%get3A_1651] {strides = array<i32>} : memref<1024xi32, #tpu.memory_space<vmem>>, vector<16xi32>,
    %add3A_1653 = arith.constant 352 : i32
    %add3A_1654 = arith.addi %mul3A_2, %add3A_1653 : i32
    %add3A_1655 = arith.constant 0 : i32
    %add3A_1656 = arith.addi %add3A_1654, %add3A_1655 : i32
    %add3A_1657 = vector.broadcast %add3A_1656 : i32 to vector<16xi32>
    %add3A_1658 = arith.addi %add3A_1657, %iota3A : vector<16xi32>
    %and3A_1659 = arith.constant 2047 : i32
    %and3A_1660 = vector.broadcast %and3A_1659 : i32 to vector<16xi32>
    %and3A_1661 = arith.andi %add3A_1658, %and3A_1660 : vector<16xi32>
    %eq3A_1662 = arith.constant 2047 : i32
    %eq3A_1663 = vector.broadcast %eq3A_1662 : i32 to vector<16xi32>
    %eq3A_1664 = arith.cmpi eq, %and3A_1661, %eq3A_1663 : vector<16xi32>
    %jit3A_1665 = arith.constant 1023 : i32
    %broadcast_in_dim3A_1666 = vector.broadcast %jit3A_1665 : i32 to vector<16xi32>
    %select_n3A_1667 = arith.select %eq3A_1664, %broadcast_in_dim3A_1666, %get3A_1652 : vector<16xi1>, vector<16xi32>
    %jit3A_1668 = arith.constant -1.000000e+03 : f32
    %jit3A_1669 = arith.constant 5.000000e+00 : f32
    %broadcast_in_dim3A_1670 = vector.broadcast %jit3A_1668 : f32 to vector<16xf32>
    %broadcast_in_dim3A_1671 = vector.broadcast %jit3A_1669 : f32 to vector<16xf32>
    %select_n3A_1672 = arith.select %eq3A_1664, %broadcast_in_dim3A_1670, %broadcast_in_dim3A_1671 : vector<16xi1>, vector<16xf32>
    %get3A_1673 = arith.constant 368 : index
    %get3A_1674 = tpu.vector_load %arg4[%get3A_1673] {strides = array<i32>} : memref<1024xi32, #tpu.memory_space<vmem>>, vector<16xi32>,
    %add3A_1675 = arith.constant 352 : i32
    %add3A_1676 = arith.addi %mul3A_2, %add3A_1675 : i32
    %add3A_1677 = arith.constant 16 : i32
    %add3A_1678 = arith.addi %add3A_1676, %add3A_1677 : i32
    %add3A_1679 = vector.broadcast %add3A_1678 : i32 to vector<16xi32>
    %add3A_1680 = arith.addi %add3A_1679, %iota3A : vector<16xi32>
    %and3A_1681 = arith.constant 2047 : i32
    %and3A_1682 = vector.broadcast %and3A_1681 : i32 to vector<16xi32>
    %and3A_1683 = arith.andi %add3A_1680, %and3A_1682 : vector<16xi32>
    %eq3A_1684 = arith.constant 2047 : i32
    %eq3A_1685 = vector.broadcast %eq3A_1684 : i32 to vector<16xi32>
    %eq3A_1686 = arith.cmpi eq, %and3A_1683, %eq3A_1685 : vector<16xi32>
    %jit3A_1687 = arith.constant 1023 : i32
    %broadcast_in_dim3A_1688 = vector.broadcast %jit3A_1687 : i32 to vector<16xi32>
    %select_n3A_1689 = arith.select %eq3A_1686, %broadcast_in_dim3A_1688, %get3A_1674 : vector<16xi1>, vector<16xi32>
    %jit3A_1690 = arith.constant -1.000000e+03 : f32
    %jit3A_1691 = arith.constant 5.000000e+00 : f32
    %broadcast_in_dim3A_1692 = vector.broadcast %jit3A_1690 : f32 to vector<16xf32>
    %broadcast_in_dim3A_1693 = vector.broadcast %jit3A_1691 : f32 to vector<16xf32>
    %select_n3A_1694 = arith.select %eq3A_1686, %broadcast_in_dim3A_1692, %broadcast_in_dim3A_1693 : vector<16xi1>, vector<16xf32>
    %add3A_1695 = arith.constant 64 : i32
    %add3A_1696 = vector.broadcast %add3A_1695 : i32 to vector<16xi32>
    %add3A_1697 = arith.addi %add3A_1696, %iota3A : vector<16xi32>
    tpu.vector_store_idx %arg5[%add3A_1697, %select_n3A_1667], %select_n3A_1672 : memref<96x1024xf32, #tpu.memory_space<vmem>>[vector<16xi32>, vector<16xi32>], vector<16xf32>,
    %add3A_1698 = arith.constant 80 : i32
    %add3A_1699 = vector.broadcast %add3A_1698 : i32 to vector<16xi32>
    %add3A_1700 = arith.addi %add3A_1699, %iota3A : vector<16xi32>
    tpu.vector_store_idx %arg5[%add3A_1700, %select_n3A_1689], %select_n3A_1694 : memref<96x1024xf32, #tpu.memory_space<vmem>>[vector<16xi32>, vector<16xi32>], vector<16xf32>,
    %add3A_1701 = arith.constant 352 : i32
    %add3A_1702 = arith.addi %mul3A_2, %add3A_1701 : i32
    %dma_start3A_1703 = arith.constant 64 : i32
    %dma_start3A_1704 = arith.constant 0 : i32
    %dma_start3A_1705 = tpu.memref_slice %arg5[%dma_start3A_1703, %dma_start3A_1704] : memref<96x1024xf32, #tpu.memory_space<vmem>> -> memref<32x1024xf32, #tpu.memory_space<vmem>>
    %dma_start3A_1706 = arith.constant 0 : i32
    %dma_start3A_1707 = tpu.memref_slice %arg3[%add3A_1702, %dma_start3A_1706] : memref<32768x1024xf32, #tpu.memory_space<hbm>> -> memref<32x1024xf32, #tpu.memory_space<hbm>>
    %dma_start3A_1708 = arith.constant 0 : i32
    %dma_start3A_1709 = tpu.memref_slice %arg3[%add3A_1702, %dma_start3A_1708] : memref<32768x1024xf32, #tpu.memory_space<hbm>> -> memref<32x1024xf32, #tpu.memory_space<hbm>>
    %dma_start3A_1710 = arith.constant 64 : i32
    %dma_start3A_1711 = arith.constant 0 : i32
    %dma_start3A_1712 = tpu.memref_slice %arg5[%dma_start3A_1710, %dma_start3A_1711] : memref<96x1024xf32, #tpu.memory_space<vmem>> -> memref<32x1024xf32, #tpu.memory_space<vmem>>
    tpu.enqueue_dma source(%dma_start3A_1712 : memref<32x1024xf32, #tpu.memory_space<vmem>>) target(%dma_start3A_1709 : memref<32x1024xf32, #tpu.memory_space<hbm>>) target_semaphore(%arg8 : memref<!tpu.dma_semaphore, #tpu.memory_space<semaphore_mem>>)
    %dma_wait3A_1713 = arith.constant 0 : i32
    %dma_wait3A_1714 = arith.constant 0 : i32
    %dma_wait3A_1715 = tpu.memref_slice %arg5[%dma_wait3A_1713, %dma_wait3A_1714] : memref<96x1024xf32, #tpu.memory_space<vmem>> -> memref<32x1024xf32, #tpu.memory_space<vmem>>
    %dma_wait3A_1716 = arith.constant 0 : i32
    %dma_wait3A_1717 = tpu.memref_slice %arg3[%add3A_1378, %dma_wait3A_1716] : memref<32768x1024xf32, #tpu.memory_space<hbm>> -> memref<32x1024xf32, #tpu.memory_space<hbm>>
    %dma_wait3A_1718 = arith.constant 0 : i32
    %dma_wait3A_1719 = tpu.memref_slice %arg3[%add3A_1378, %dma_wait3A_1718] : memref<32768x1024xf32, #tpu.memory_space<hbm>> -> memref<32x1024xf32, #tpu.memory_space<hbm>>
    %dma_wait3A_1720 = arith.constant 0 : i32
    %dma_wait3A_1721 = arith.constant 0 : i32
    %dma_wait3A_1722 = tpu.memref_slice %arg5[%dma_wait3A_1720, %dma_wait3A_1721] : memref<96x1024xf32, #tpu.memory_space<vmem>> -> memref<32x1024xf32, #tpu.memory_space<vmem>>
    tpu.wait_dma2 semaphore(%arg6 : memref<!tpu.dma_semaphore, #tpu.memory_space<semaphore_mem>>) src(%dma_wait3A_1722 : memref<32x1024xf32, #tpu.memory_space<vmem>>) dst(%dma_wait3A_1719 : memref<32x1024xf32, #tpu.memory_space<hbm>>)
    %get3A_1723 = arith.constant 288 : index
    %get3A_1724 = tpu.vector_load %arg4[%get3A_1723] {strides = array<i32>} : memref<1024xi32, #tpu.memory_space<vmem>>, vector<16xi32>,
    %add3A_1725 = arith.constant 288 : i32
    %add3A_1726 = arith.addi %mul3A_2, %add3A_1725 : i32
    %add3A_1727 = arith.constant 0 : i32
    %add3A_1728 = arith.addi %add3A_1726, %add3A_1727 : i32
    %add3A_1729 = vector.broadcast %add3A_1728 : i32 to vector<16xi32>
    %add3A_1730 = arith.addi %add3A_1729, %iota3A : vector<16xi32>
    %and3A_1731 = arith.constant 2047 : i32
    %and3A_1732 = vector.broadcast %and3A_1731 : i32 to vector<16xi32>
    %and3A_1733 = arith.andi %add3A_1730, %and3A_1732 : vector<16xi32>
    %eq3A_1734 = arith.constant 2047 : i32
    %eq3A_1735 = vector.broadcast %eq3A_1734 : i32 to vector<16xi32>
    %eq3A_1736 = arith.cmpi eq, %and3A_1733, %eq3A_1735 : vector<16xi32>
    %jit3A_1737 = arith.constant 1023 : i32
    %broadcast_in_dim3A_1738 = vector.broadcast %jit3A_1737 : i32 to vector<16xi32>
    %select_n3A_1739 = arith.select %eq3A_1736, %broadcast_in_dim3A_1738, %get3A_1724 : vector<16xi1>, vector<16xi32>
    %jit3A_1740 = arith.constant -1.000000e+03 : f32
    %jit3A_1741 = arith.constant 5.000000e+00 : f32
    %broadcast_in_dim3A_1742 = vector.broadcast %jit3A_1740 : f32 to vector<16xf32>
    %broadcast_in_dim3A_1743 = vector.broadcast %jit3A_1741 : f32 to vector<16xf32>
    %select_n3A_1744 = arith.select %eq3A_1736, %broadcast_in_dim3A_1742, %broadcast_in_dim3A_1743 : vector<16xi1>, vector<16xf32>
    %get3A_1745 = arith.constant 304 : index
    %get3A_1746 = tpu.vector_load %arg4[%get3A_1745] {strides = array<i32>} : memref<1024xi32, #tpu.memory_space<vmem>>, vector<16xi32>,
    %add3A_1747 = arith.constant 288 : i32
    %add3A_1748 = arith.addi %mul3A_2, %add3A_1747 : i32
    %add3A_1749 = arith.constant 16 : i32
    %add3A_1750 = arith.addi %add3A_1748, %add3A_1749 : i32
    %add3A_1751 = vector.broadcast %add3A_1750 : i32 to vector<16xi32>
    %add3A_1752 = arith.addi %add3A_1751, %iota3A : vector<16xi32>
    %and3A_1753 = arith.constant 2047 : i32
    %and3A_1754 = vector.broadcast %and3A_1753 : i32 to vector<16xi32>
    %and3A_1755 = arith.andi %add3A_1752, %and3A_1754 : vector<16xi32>
    %eq3A_1756 = arith.constant 2047 : i32
    %eq3A_1757 = vector.broadcast %eq3A_1756 : i32 to vector<16xi32>
    %eq3A_1758 = arith.cmpi eq, %and3A_1755, %eq3A_1757 : vector<16xi32>
    %jit3A_1759 = arith.constant 1023 : i32
    %broadcast_in_dim3A_1760 = vector.broadcast %jit3A_1759 : i32 to vector<16xi32>
    %select_n3A_1761 = arith.select %eq3A_1758, %broadcast_in_dim3A_1760, %get3A_1746 : vector<16xi1>, vector<16xi32>
    %jit3A_1762 = arith.constant -1.000000e+03 : f32
    %jit3A_1763 = arith.constant 5.000000e+00 : f32
    %broadcast_in_dim3A_1764 = vector.broadcast %jit3A_1762 : f32 to vector<16xf32>
    %broadcast_in_dim3A_1765 = vector.broadcast %jit3A_1763 : f32 to vector<16xf32>
    %select_n3A_1766 = arith.select %eq3A_1758, %broadcast_in_dim3A_1764, %broadcast_in_dim3A_1765 : vector<16xi1>, vector<16xf32>
    %add3A_1767 = arith.constant 0 : i32
    %add3A_1768 = vector.broadcast %add3A_1767 : i32 to vector<16xi32>
    %add3A_1769 = arith.addi %add3A_1768, %iota3A : vector<16xi32>
    %eq3A_1770 = arith.constant 0 : i32
    %eq3A_1771 = vector.broadcast %eq3A_1770 : i32 to vector<16xi32>
    %eq3A_1772 = arith.cmpi eq, %select_n3A_1739, %eq3A_1771 : vector<16xi32>
    %eq3A_1773 = arith.constant 1 : i32
    %eq3A_1774 = vector.broadcast %eq3A_1773 : i32 to vector<16xi32>
    %eq3A_1775 = arith.cmpi eq, %select_n3A_1739, %eq3A_1774 : vector<16xi32>
    %eq3A_1776 = arith.constant 2 : i32
    %eq3A_1777 = vector.broadcast %eq3A_1776 : i32 to vector<16xi32>
    %eq3A_1778 = arith.cmpi eq, %select_n3A_1739, %eq3A_1777 : vector<16xi32>
    %jit3A_1779 = arith.constant 0.000000e+00 : f32
    %jit3A_1780 = arith.constant -1.000000e+03 : f32
    %broadcast_in_dim3A_1781 = vector.broadcast %jit3A_1779 : f32 to vector<16xf32>
    %broadcast_in_dim3A_1782 = vector.broadcast %jit3A_1780 : f32 to vector<16xf32>
    %select_n3A_1783 = arith.select %eq3A_1778, %broadcast_in_dim3A_1781, %broadcast_in_dim3A_1782 : vector<16xi1>, vector<16xf32>
    %jit3A_1784 = arith.constant 5.000000e-01 : f32
    %broadcast_in_dim3A_1785 = vector.broadcast %jit3A_1784 : f32 to vector<16xf32>
    %select_n3A_1786 = arith.select %eq3A_1775, %broadcast_in_dim3A_1785, %select_n3A_1783 : vector<16xi1>, vector<16xf32>
    %jit3A_1787 = arith.constant 1.000000e+00 : f32
    %broadcast_in_dim3A_1788 = vector.broadcast %jit3A_1787 : f32 to vector<16xf32>
    %select_n3A_1789 = arith.select %eq3A_1772, %broadcast_in_dim3A_1788, %select_n3A_1786 : vector<16xi1>, vector<16xf32>
    tpu.vector_store_idx %arg5[%add3A_1769, %select_n3A_1739], %select_n3A_1789 : memref<96x1024xf32, #tpu.memory_space<vmem>>[vector<16xi32>, vector<16xi32>], vector<16xf32>,
    %add3A_1790 = arith.constant 16 : i32
    %add3A_1791 = vector.broadcast %add3A_1790 : i32 to vector<16xi32>
    %add3A_1792 = arith.addi %add3A_1791, %iota3A : vector<16xi32>
    %eq3A_1793 = arith.constant 0 : i32
    %eq3A_1794 = vector.broadcast %eq3A_1793 : i32 to vector<16xi32>
    %eq3A_1795 = arith.cmpi eq, %select_n3A_1761, %eq3A_1794 : vector<16xi32>
    %eq3A_1796 = arith.constant 1 : i32
    %eq3A_1797 = vector.broadcast %eq3A_1796 : i32 to vector<16xi32>
    %eq3A_1798 = arith.cmpi eq, %select_n3A_1761, %eq3A_1797 : vector<16xi32>
    %eq3A_1799 = arith.constant 2 : i32
    %eq3A_1800 = vector.broadcast %eq3A_1799 : i32 to vector<16xi32>
    %eq3A_1801 = arith.cmpi eq, %select_n3A_1761, %eq3A_1800 : vector<16xi32>
    %jit3A_1802 = arith.constant 0.000000e+00 : f32
    %jit3A_1803 = arith.constant -1.000000e+03 : f32
    %broadcast_in_dim3A_1804 = vector.broadcast %jit3A_1802 : f32 to vector<16xf32>
    %broadcast_in_dim3A_1805 = vector.broadcast %jit3A_1803 : f32 to vector<16xf32>
    %select_n3A_1806 = arith.select %eq3A_1801, %broadcast_in_dim3A_1804, %broadcast_in_dim3A_1805 : vector<16xi1>, vector<16xf32>
    %jit3A_1807 = arith.constant 5.000000e-01 : f32
    %broadcast_in_dim3A_1808 = vector.broadcast %jit3A_1807 : f32 to vector<16xf32>
    %select_n3A_1809 = arith.select %eq3A_1798, %broadcast_in_dim3A_1808, %select_n3A_1806 : vector<16xi1>, vector<16xf32>
    %jit3A_1810 = arith.constant 1.000000e+00 : f32
    %broadcast_in_dim3A_1811 = vector.broadcast %jit3A_1810 : f32 to vector<16xf32>
    %select_n3A_1812 = arith.select %eq3A_1795, %broadcast_in_dim3A_1811, %select_n3A_1809 : vector<16xi1>, vector<16xf32>
    tpu.vector_store_idx %arg5[%add3A_1792, %select_n3A_1761], %select_n3A_1812 : memref<96x1024xf32, #tpu.memory_space<vmem>>[vector<16xi32>, vector<16xi32>], vector<16xf32>,
    %get3A_1813 = arith.constant 384 : index
    %get3A_1814 = tpu.vector_load %arg4[%get3A_1813] {strides = array<i32>} : memref<1024xi32, #tpu.memory_space<vmem>>, vector<16xi32>,
    %add3A_1815 = arith.constant 384 : i32
    %add3A_1816 = arith.addi %mul3A_2, %add3A_1815 : i32
    %add3A_1817 = arith.constant 0 : i32
    %add3A_1818 = arith.addi %add3A_1816, %add3A_1817 : i32
    %add3A_1819 = vector.broadcast %add3A_1818 : i32 to vector<16xi32>
    %add3A_1820 = arith.addi %add3A_1819, %iota3A : vector<16xi32>
    %and3A_1821 = arith.constant 2047 : i32
    %and3A_1822 = vector.broadcast %and3A_1821 : i32 to vector<16xi32>
    %and3A_1823 = arith.andi %add3A_1820, %and3A_1822 : vector<16xi32>
    %eq3A_1824 = arith.constant 2047 : i32
    %eq3A_1825 = vector.broadcast %eq3A_1824 : i32 to vector<16xi32>
    %eq3A_1826 = arith.cmpi eq, %and3A_1823, %eq3A_1825 : vector<16xi32>
    %jit3A_1827 = arith.constant 1023 : i32
    %broadcast_in_dim3A_1828 = vector.broadcast %jit3A_1827 : i32 to vector<16xi32>
    %select_n3A_1829 = arith.select %eq3A_1826, %broadcast_in_dim3A_1828, %get3A_1814 : vector<16xi1>, vector<16xi32>
    %jit3A_1830 = arith.constant -1.000000e+03 : f32
    %jit3A_1831 = arith.constant 5.000000e+00 : f32
    %broadcast_in_dim3A_1832 = vector.broadcast %jit3A_1830 : f32 to vector<16xf32>
    %broadcast_in_dim3A_1833 = vector.broadcast %jit3A_1831 : f32 to vector<16xf32>
    %select_n3A_1834 = arith.select %eq3A_1826, %broadcast_in_dim3A_1832, %broadcast_in_dim3A_1833 : vector<16xi1>, vector<16xf32>
    %get3A_1835 = arith.constant 400 : index
    %get3A_1836 = tpu.vector_load %arg4[%get3A_1835] {strides = array<i32>} : memref<1024xi32, #tpu.memory_space<vmem>>, vector<16xi32>,
    %add3A_1837 = arith.constant 384 : i32
    %add3A_1838 = arith.addi %mul3A_2, %add3A_1837 : i32
    %add3A_1839 = arith.constant 16 : i32
    %add3A_1840 = arith.addi %add3A_1838, %add3A_1839 : i32
    %add3A_1841 = vector.broadcast %add3A_1840 : i32 to vector<16xi32>
    %add3A_1842 = arith.addi %add3A_1841, %iota3A : vector<16xi32>
    %and3A_1843 = arith.constant 2047 : i32
    %and3A_1844 = vector.broadcast %and3A_1843 : i32 to vector<16xi32>
    %and3A_1845 = arith.andi %add3A_1842, %and3A_1844 : vector<16xi32>
    %eq3A_1846 = arith.constant 2047 : i32
    %eq3A_1847 = vector.broadcast %eq3A_1846 : i32 to vector<16xi32>
    %eq3A_1848 = arith.cmpi eq, %and3A_1845, %eq3A_1847 : vector<16xi32>
    %jit3A_1849 = arith.constant 1023 : i32
    %broadcast_in_dim3A_1850 = vector.broadcast %jit3A_1849 : i32 to vector<16xi32>
    %select_n3A_1851 = arith.select %eq3A_1848, %broadcast_in_dim3A_1850, %get3A_1836 : vector<16xi1>, vector<16xi32>
    %jit3A_1852 = arith.constant -1.000000e+03 : f32
    %jit3A_1853 = arith.constant 5.000000e+00 : f32
    %broadcast_in_dim3A_1854 = vector.broadcast %jit3A_1852 : f32 to vector<16xf32>
    %broadcast_in_dim3A_1855 = vector.broadcast %jit3A_1853 : f32 to vector<16xf32>
    %select_n3A_1856 = arith.select %eq3A_1848, %broadcast_in_dim3A_1854, %broadcast_in_dim3A_1855 : vector<16xi1>, vector<16xf32>
    %add3A_1857 = arith.constant 0 : i32
    %add3A_1858 = vector.broadcast %add3A_1857 : i32 to vector<16xi32>
    %add3A_1859 = arith.addi %add3A_1858, %iota3A : vector<16xi32>
    tpu.vector_store_idx %arg5[%add3A_1859, %select_n3A_1829], %select_n3A_1834 : memref<96x1024xf32, #tpu.memory_space<vmem>>[vector<16xi32>, vector<16xi32>], vector<16xf32>,
    %add3A_1860 = arith.constant 16 : i32
    %add3A_1861 = vector.broadcast %add3A_1860 : i32 to vector<16xi32>
    %add3A_1862 = arith.addi %add3A_1861, %iota3A : vector<16xi32>
    tpu.vector_store_idx %arg5[%add3A_1862, %select_n3A_1851], %select_n3A_1856 : memref<96x1024xf32, #tpu.memory_space<vmem>>[vector<16xi32>, vector<16xi32>], vector<16xf32>,
    %add3A_1863 = arith.constant 384 : i32
    %add3A_1864 = arith.addi %mul3A_2, %add3A_1863 : i32
    %dma_start3A_1865 = arith.constant 0 : i32
    %dma_start3A_1866 = arith.constant 0 : i32
    %dma_start3A_1867 = tpu.memref_slice %arg5[%dma_start3A_1865, %dma_start3A_1866] : memref<96x1024xf32, #tpu.memory_space<vmem>> -> memref<32x1024xf32, #tpu.memory_space<vmem>>
    %dma_start3A_1868 = arith.constant 0 : i32
    %dma_start3A_1869 = tpu.memref_slice %arg3[%add3A_1864, %dma_start3A_1868] : memref<32768x1024xf32, #tpu.memory_space<hbm>> -> memref<32x1024xf32, #tpu.memory_space<hbm>>
    %dma_start3A_1870 = arith.constant 0 : i32
    %dma_start3A_1871 = tpu.memref_slice %arg3[%add3A_1864, %dma_start3A_1870] : memref<32768x1024xf32, #tpu.memory_space<hbm>> -> memref<32x1024xf32, #tpu.memory_space<hbm>>
    %dma_start3A_1872 = arith.constant 0 : i32
    %dma_start3A_1873 = arith.constant 0 : i32
    %dma_start3A_1874 = tpu.memref_slice %arg5[%dma_start3A_1872, %dma_start3A_1873] : memref<96x1024xf32, #tpu.memory_space<vmem>> -> memref<32x1024xf32, #tpu.memory_space<vmem>>
    tpu.enqueue_dma source(%dma_start3A_1874 : memref<32x1024xf32, #tpu.memory_space<vmem>>) target(%dma_start3A_1871 : memref<32x1024xf32, #tpu.memory_space<hbm>>) target_semaphore(%arg6 : memref<!tpu.dma_semaphore, #tpu.memory_space<semaphore_mem>>)
    %dma_wait3A_1875 = arith.constant 32 : i32
    %dma_wait3A_1876 = arith.constant 0 : i32
    %dma_wait3A_1877 = tpu.memref_slice %arg5[%dma_wait3A_1875, %dma_wait3A_1876] : memref<96x1024xf32, #tpu.memory_space<vmem>> -> memref<32x1024xf32, #tpu.memory_space<vmem>>
    %dma_wait3A_1878 = arith.constant 0 : i32
    %dma_wait3A_1879 = tpu.memref_slice %arg3[%add3A_1540, %dma_wait3A_1878] : memref<32768x1024xf32, #tpu.memory_space<hbm>> -> memref<32x1024xf32, #tpu.memory_space<hbm>>
    %dma_wait3A_1880 = arith.constant 0 : i32
    %dma_wait3A_1881 = tpu.memref_slice %arg3[%add3A_1540, %dma_wait3A_1880] : memref<32768x1024xf32, #tpu.memory_space<hbm>> -> memref<32x1024xf32, #tpu.memory_space<hbm>>
    %dma_wait3A_1882 = arith.constant 32 : i32
    %dma_wait3A_1883 = arith.constant 0 : i32
    %dma_wait3A_1884 = tpu.memref_slice %arg5[%dma_wait3A_1882, %dma_wait3A_1883] : memref<96x1024xf32, #tpu.memory_space<vmem>> -> memref<32x1024xf32, #tpu.memory_space<vmem>>
    tpu.wait_dma2 semaphore(%arg7 : memref<!tpu.dma_semaphore, #tpu.memory_space<semaphore_mem>>) src(%dma_wait3A_1884 : memref<32x1024xf32, #tpu.memory_space<vmem>>) dst(%dma_wait3A_1881 : memref<32x1024xf32, #tpu.memory_space<hbm>>)
    %get3A_1885 = arith.constant 320 : index
    %get3A_1886 = tpu.vector_load %arg4[%get3A_1885] {strides = array<i32>} : memref<1024xi32, #tpu.memory_space<vmem>>, vector<16xi32>,
    %add3A_1887 = arith.constant 320 : i32
    %add3A_1888 = arith.addi %mul3A_2, %add3A_1887 : i32
    %add3A_1889 = arith.constant 0 : i32
    %add3A_1890 = arith.addi %add3A_1888, %add3A_1889 : i32
    %add3A_1891 = vector.broadcast %add3A_1890 : i32 to vector<16xi32>
    %add3A_1892 = arith.addi %add3A_1891, %iota3A : vector<16xi32>
    %and3A_1893 = arith.constant 2047 : i32
    %and3A_1894 = vector.broadcast %and3A_1893 : i32 to vector<16xi32>
    %and3A_1895 = arith.andi %add3A_1892, %and3A_1894 : vector<16xi32>
    %eq3A_1896 = arith.constant 2047 : i32
    %eq3A_1897 = vector.broadcast %eq3A_1896 : i32 to vector<16xi32>
    %eq3A_1898 = arith.cmpi eq, %and3A_1895, %eq3A_1897 : vector<16xi32>
    %jit3A_1899 = arith.constant 1023 : i32
    %broadcast_in_dim3A_1900 = vector.broadcast %jit3A_1899 : i32 to vector<16xi32>
    %select_n3A_1901 = arith.select %eq3A_1898, %broadcast_in_dim3A_1900, %get3A_1886 : vector<16xi1>, vector<16xi32>
    %jit3A_1902 = arith.constant -1.000000e+03 : f32
    %jit3A_1903 = arith.constant 5.000000e+00 : f32
    %broadcast_in_dim3A_1904 = vector.broadcast %jit3A_1902 : f32 to vector<16xf32>
    %broadcast_in_dim3A_1905 = vector.broadcast %jit3A_1903 : f32 to vector<16xf32>
    %select_n3A_1906 = arith.select %eq3A_1898, %broadcast_in_dim3A_1904, %broadcast_in_dim3A_1905 : vector<16xi1>, vector<16xf32>
    %get3A_1907 = arith.constant 336 : index
    %get3A_1908 = tpu.vector_load %arg4[%get3A_1907] {strides = array<i32>} : memref<1024xi32, #tpu.memory_space<vmem>>, vector<16xi32>,
    %add3A_1909 = arith.constant 320 : i32
    %add3A_1910 = arith.addi %mul3A_2, %add3A_1909 : i32
    %add3A_1911 = arith.constant 16 : i32
    %add3A_1912 = arith.addi %add3A_1910, %add3A_1911 : i32
    %add3A_1913 = vector.broadcast %add3A_1912 : i32 to vector<16xi32>
    %add3A_1914 = arith.addi %add3A_1913, %iota3A : vector<16xi32>
    %and3A_1915 = arith.constant 2047 : i32
    %and3A_1916 = vector.broadcast %and3A_1915 : i32 to vector<16xi32>
    %and3A_1917 = arith.andi %add3A_1914, %and3A_1916 : vector<16xi32>
    %eq3A_1918 = arith.constant 2047 : i32
    %eq3A_1919 = vector.broadcast %eq3A_1918 : i32 to vector<16xi32>
    %eq3A_1920 = arith.cmpi eq, %and3A_1917, %eq3A_1919 : vector<16xi32>
    %jit3A_1921 = arith.constant 1023 : i32
    %broadcast_in_dim3A_1922 = vector.broadcast %jit3A_1921 : i32 to vector<16xi32>
    %select_n3A_1923 = arith.select %eq3A_1920, %broadcast_in_dim3A_1922, %get3A_1908 : vector<16xi1>, vector<16xi32>
    %jit3A_1924 = arith.constant -1.000000e+03 : f32
    %jit3A_1925 = arith.constant 5.000000e+00 : f32
    %broadcast_in_dim3A_1926 = vector.broadcast %jit3A_1924 : f32 to vector<16xf32>
    %broadcast_in_dim3A_1927 = vector.broadcast %jit3A_1925 : f32 to vector<16xf32>
    %select_n3A_1928 = arith.select %eq3A_1920, %broadcast_in_dim3A_1926, %broadcast_in_dim3A_1927 : vector<16xi1>, vector<16xf32>
    %add3A_1929 = arith.constant 32 : i32
    %add3A_1930 = vector.broadcast %add3A_1929 : i32 to vector<16xi32>
    %add3A_1931 = arith.addi %add3A_1930, %iota3A : vector<16xi32>
    %eq3A_1932 = arith.constant 0 : i32
    %eq3A_1933 = vector.broadcast %eq3A_1932 : i32 to vector<16xi32>
    %eq3A_1934 = arith.cmpi eq, %select_n3A_1901, %eq3A_1933 : vector<16xi32>
    %eq3A_1935 = arith.constant 1 : i32
    %eq3A_1936 = vector.broadcast %eq3A_1935 : i32 to vector<16xi32>
    %eq3A_1937 = arith.cmpi eq, %select_n3A_1901, %eq3A_1936 : vector<16xi32>
    %eq3A_1938 = arith.constant 2 : i32
    %eq3A_1939 = vector.broadcast %eq3A_1938 : i32 to vector<16xi32>
    %eq3A_1940 = arith.cmpi eq, %select_n3A_1901, %eq3A_1939 : vector<16xi32>
    %jit3A_1941 = arith.constant 0.000000e+00 : f32
    %jit3A_1942 = arith.constant -1.000000e+03 : f32
    %broadcast_in_dim3A_1943 = vector.broadcast %jit3A_1941 : f32 to vector<16xf32>
    %broadcast_in_dim3A_1944 = vector.broadcast %jit3A_1942 : f32 to vector<16xf32>
    %select_n3A_1945 = arith.select %eq3A_1940, %broadcast_in_dim3A_1943, %broadcast_in_dim3A_1944 : vector<16xi1>, vector<16xf32>
    %jit3A_1946 = arith.constant 5.000000e-01 : f32
    %broadcast_in_dim3A_1947 = vector.broadcast %jit3A_1946 : f32 to vector<16xf32>
    %select_n3A_1948 = arith.select %eq3A_1937, %broadcast_in_dim3A_1947, %select_n3A_1945 : vector<16xi1>, vector<16xf32>
    %jit3A_1949 = arith.constant 1.000000e+00 : f32
    %broadcast_in_dim3A_1950 = vector.broadcast %jit3A_1949 : f32 to vector<16xf32>
    %select_n3A_1951 = arith.select %eq3A_1934, %broadcast_in_dim3A_1950, %select_n3A_1948 : vector<16xi1>, vector<16xf32>
    tpu.vector_store_idx %arg5[%add3A_1931, %select_n3A_1901], %select_n3A_1951 : memref<96x1024xf32, #tpu.memory_space<vmem>>[vector<16xi32>, vector<16xi32>], vector<16xf32>,
    %add3A_1952 = arith.constant 48 : i32
    %add3A_1953 = vector.broadcast %add3A_1952 : i32 to vector<16xi32>
    %add3A_1954 = arith.addi %add3A_1953, %iota3A : vector<16xi32>
    %eq3A_1955 = arith.constant 0 : i32
    %eq3A_1956 = vector.broadcast %eq3A_1955 : i32 to vector<16xi32>
    %eq3A_1957 = arith.cmpi eq, %select_n3A_1923, %eq3A_1956 : vector<16xi32>
    %eq3A_1958 = arith.constant 1 : i32
    %eq3A_1959 = vector.broadcast %eq3A_1958 : i32 to vector<16xi32>
    %eq3A_1960 = arith.cmpi eq, %select_n3A_1923, %eq3A_1959 : vector<16xi32>
    %eq3A_1961 = arith.constant 2 : i32
    %eq3A_1962 = vector.broadcast %eq3A_1961 : i32 to vector<16xi32>
    %eq3A_1963 = arith.cmpi eq, %select_n3A_1923, %eq3A_1962 : vector<16xi32>
    %jit3A_1964 = arith.constant 0.000000e+00 : f32
    %jit3A_1965 = arith.constant -1.000000e+03 : f32
    %broadcast_in_dim3A_1966 = vector.broadcast %jit3A_1964 : f32 to vector<16xf32>
    %broadcast_in_dim3A_1967 = vector.broadcast %jit3A_1965 : f32 to vector<16xf32>
    %select_n3A_1968 = arith.select %eq3A_1963, %broadcast_in_dim3A_1966, %broadcast_in_dim3A_1967 : vector<16xi1>, vector<16xf32>
    %jit3A_1969 = arith.constant 5.000000e-01 : f32
    %broadcast_in_dim3A_1970 = vector.broadcast %jit3A_1969 : f32 to vector<16xf32>
    %select_n3A_1971 = arith.select %eq3A_1960, %broadcast_in_dim3A_1970, %select_n3A_1968 : vector<16xi1>, vector<16xf32>
    %jit3A_1972 = arith.constant 1.000000e+00 : f32
    %broadcast_in_dim3A_1973 = vector.broadcast %jit3A_1972 : f32 to vector<16xf32>
    %select_n3A_1974 = arith.select %eq3A_1957, %broadcast_in_dim3A_1973, %select_n3A_1971 : vector<16xi1>, vector<16xf32>
    tpu.vector_store_idx %arg5[%add3A_1954, %select_n3A_1923], %select_n3A_1974 : memref<96x1024xf32, #tpu.memory_space<vmem>>[vector<16xi32>, vector<16xi32>], vector<16xf32>,
    %get3A_1975 = arith.constant 416 : index
    %get3A_1976 = tpu.vector_load %arg4[%get3A_1975] {strides = array<i32>} : memref<1024xi32, #tpu.memory_space<vmem>>, vector<16xi32>,
    %add3A_1977 = arith.constant 416 : i32
    %add3A_1978 = arith.addi %mul3A_2, %add3A_1977 : i32
    %add3A_1979 = arith.constant 0 : i32
    %add3A_1980 = arith.addi %add3A_1978, %add3A_1979 : i32
    %add3A_1981 = vector.broadcast %add3A_1980 : i32 to vector<16xi32>
    %add3A_1982 = arith.addi %add3A_1981, %iota3A : vector<16xi32>
    %and3A_1983 = arith.constant 2047 : i32
    %and3A_1984 = vector.broadcast %and3A_1983 : i32 to vector<16xi32>
    %and3A_1985 = arith.andi %add3A_1982, %and3A_1984 : vector<16xi32>
    %eq3A_1986 = arith.constant 2047 : i32
    %eq3A_1987 = vector.broadcast %eq3A_1986 : i32 to vector<16xi32>
    %eq3A_1988 = arith.cmpi eq, %and3A_1985, %eq3A_1987 : vector<16xi32>
    %jit3A_1989 = arith.constant 1023 : i32
    %broadcast_in_dim3A_1990 = vector.broadcast %jit3A_1989 : i32 to vector<16xi32>
    %select_n3A_1991 = arith.select %eq3A_1988, %broadcast_in_dim3A_1990, %get3A_1976 : vector<16xi1>, vector<16xi32>
    %jit3A_1992 = arith.constant -1.000000e+03 : f32
    %jit3A_1993 = arith.constant 5.000000e+00 : f32
    %broadcast_in_dim3A_1994 = vector.broadcast %jit3A_1992 : f32 to vector<16xf32>
    %broadcast_in_dim3A_1995 = vector.broadcast %jit3A_1993 : f32 to vector<16xf32>
    %select_n3A_1996 = arith.select %eq3A_1988, %broadcast_in_dim3A_1994, %broadcast_in_dim3A_1995 : vector<16xi1>, vector<16xf32>
    %get3A_1997 = arith.constant 432 : index
    %get3A_1998 = tpu.vector_load %arg4[%get3A_1997] {strides = array<i32>} : memref<1024xi32, #tpu.memory_space<vmem>>, vector<16xi32>,
    %add3A_1999 = arith.constant 416 : i32
    %add3A_2000 = arith.addi %mul3A_2, %add3A_1999 : i32
    %add3A_2001 = arith.constant 16 : i32
    %add3A_2002 = arith.addi %add3A_2000, %add3A_2001 : i32
    %add3A_2003 = vector.broadcast %add3A_2002 : i32 to vector<16xi32>
    %add3A_2004 = arith.addi %add3A_2003, %iota3A : vector<16xi32>
    %and3A_2005 = arith.constant 2047 : i32
    %and3A_2006 = vector.broadcast %and3A_2005 : i32 to vector<16xi32>
    %and3A_2007 = arith.andi %add3A_2004, %and3A_2006 : vector<16xi32>
    %eq3A_2008 = arith.constant 2047 : i32
    %eq3A_2009 = vector.broadcast %eq3A_2008 : i32 to vector<16xi32>
    %eq3A_2010 = arith.cmpi eq, %and3A_2007, %eq3A_2009 : vector<16xi32>
    %jit3A_2011 = arith.constant 1023 : i32
    %broadcast_in_dim3A_2012 = vector.broadcast %jit3A_2011 : i32 to vector<16xi32>
    %select_n3A_2013 = arith.select %eq3A_2010, %broadcast_in_dim3A_2012, %get3A_1998 : vector<16xi1>, vector<16xi32>
    %jit3A_2014 = arith.constant -1.000000e+03 : f32
    %jit3A_2015 = arith.constant 5.000000e+00 : f32
    %broadcast_in_dim3A_2016 = vector.broadcast %jit3A_2014 : f32 to vector<16xf32>
    %broadcast_in_dim3A_2017 = vector.broadcast %jit3A_2015 : f32 to vector<16xf32>
    %select_n3A_2018 = arith.select %eq3A_2010, %broadcast_in_dim3A_2016, %broadcast_in_dim3A_2017 : vector<16xi1>, vector<16xf32>
    %add3A_2019 = arith.constant 32 : i32
    %add3A_2020 = vector.broadcast %add3A_2019 : i32 to vector<16xi32>
    %add3A_2021 = arith.addi %add3A_2020, %iota3A : vector<16xi32>
    tpu.vector_store_idx %arg5[%add3A_2021, %select_n3A_1991], %select_n3A_1996 : memref<96x1024xf32, #tpu.memory_space<vmem>>[vector<16xi32>, vector<16xi32>], vector<16xf32>,
    %add3A_2022 = arith.constant 48 : i32
    %add3A_2023 = vector.broadcast %add3A_2022 : i32 to vector<16xi32>
    %add3A_2024 = arith.addi %add3A_2023, %iota3A : vector<16xi32>
    tpu.vector_store_idx %arg5[%add3A_2024, %select_n3A_2013], %select_n3A_2018 : memref<96x1024xf32, #tpu.memory_space<vmem>>[vector<16xi32>, vector<16xi32>], vector<16xf32>,
    %add3A_2025 = arith.constant 416 : i32
    %add3A_2026 = arith.addi %mul3A_2, %add3A_2025 : i32
    %dma_start3A_2027 = arith.constant 32 : i32
    %dma_start3A_2028 = arith.constant 0 : i32
    %dma_start3A_2029 = tpu.memref_slice %arg5[%dma_start3A_2027, %dma_start3A_2028] : memref<96x1024xf32, #tpu.memory_space<vmem>> -> memref<32x1024xf32, #tpu.memory_space<vmem>>
    %dma_start3A_2030 = arith.constant 0 : i32
    %dma_start3A_2031 = tpu.memref_slice %arg3[%add3A_2026, %dma_start3A_2030] : memref<32768x1024xf32, #tpu.memory_space<hbm>> -> memref<32x1024xf32, #tpu.memory_space<hbm>>
    %dma_start3A_2032 = arith.constant 0 : i32
    %dma_start3A_2033 = tpu.memref_slice %arg3[%add3A_2026, %dma_start3A_2032] : memref<32768x1024xf32, #tpu.memory_space<hbm>> -> memref<32x1024xf32, #tpu.memory_space<hbm>>
    %dma_start3A_2034 = arith.constant 32 : i32
    %dma_start3A_2035 = arith.constant 0 : i32
    %dma_start3A_2036 = tpu.memref_slice %arg5[%dma_start3A_2034, %dma_start3A_2035] : memref<96x1024xf32, #tpu.memory_space<vmem>> -> memref<32x1024xf32, #tpu.memory_space<vmem>>
    tpu.enqueue_dma source(%dma_start3A_2036 : memref<32x1024xf32, #tpu.memory_space<vmem>>) target(%dma_start3A_2033 : memref<32x1024xf32, #tpu.memory_space<hbm>>) target_semaphore(%arg7 : memref<!tpu.dma_semaphore, #tpu.memory_space<semaphore_mem>>)
    %dma_wait3A_2037 = arith.constant 64 : i32
    %dma_wait3A_2038 = arith.constant 0 : i32
    %dma_wait3A_2039 = tpu.memref_slice %arg5[%dma_wait3A_2037, %dma_wait3A_2038] : memref<96x1024xf32, #tpu.memory_space<vmem>> -> memref<32x1024xf32, #tpu.memory_space<vmem>>
    %dma_wait3A_2040 = arith.constant 0 : i32
    %dma_wait3A_2041 = tpu.memref_slice %arg3[%add3A_1702, %dma_wait3A_2040] : memref<32768x1024xf32, #tpu.memory_space<hbm>> -> memref<32x1024xf32, #tpu.memory_space<hbm>>
    %dma_wait3A_2042 = arith.constant 0 : i32
    %dma_wait3A_2043 = tpu.memref_slice %arg3[%add3A_1702, %dma_wait3A_2042] : memref<32768x1024xf32, #tpu.memory_space<hbm>> -> memref<32x1024xf32, #tpu.memory_space<hbm>>
    %dma_wait3A_2044 = arith.constant 64 : i32
    %dma_wait3A_2045 = arith.constant 0 : i32
    %dma_wait3A_2046 = tpu.memref_slice %arg5[%dma_wait3A_2044, %dma_wait3A_2045] : memref<96x1024xf32, #tpu.memory_space<vmem>> -> memref<32x1024xf32, #tpu.memory_space<vmem>>
    tpu.wait_dma2 semaphore(%arg8 : memref<!tpu.dma_semaphore, #tpu.memory_space<semaphore_mem>>) src(%dma_wait3A_2046 : memref<32x1024xf32, #tpu.memory_space<vmem>>) dst(%dma_wait3A_2043 : memref<32x1024xf32, #tpu.memory_space<hbm>>)
    %get3A_2047 = arith.constant 352 : index
    %get3A_2048 = tpu.vector_load %arg4[%get3A_2047] {strides = array<i32>} : memref<1024xi32, #tpu.memory_space<vmem>>, vector<16xi32>,
    %add3A_2049 = arith.constant 352 : i32
    %add3A_2050 = arith.addi %mul3A_2, %add3A_2049 : i32
    %add3A_2051 = arith.constant 0 : i32
    %add3A_2052 = arith.addi %add3A_2050, %add3A_2051 : i32
    %add3A_2053 = vector.broadcast %add3A_2052 : i32 to vector<16xi32>
    %add3A_2054 = arith.addi %add3A_2053, %iota3A : vector<16xi32>
    %and3A_2055 = arith.constant 2047 : i32
    %and3A_2056 = vector.broadcast %and3A_2055 : i32 to vector<16xi32>
    %and3A_2057 = arith.andi %add3A_2054, %and3A_2056 : vector<16xi32>
    %eq3A_2058 = arith.constant 2047 : i32
    %eq3A_2059 = vector.broadcast %eq3A_2058 : i32 to vector<16xi32>
    %eq3A_2060 = arith.cmpi eq, %and3A_2057, %eq3A_2059 : vector<16xi32>
    %jit3A_2061 = arith.constant 1023 : i32
    %broadcast_in_dim3A_2062 = vector.broadcast %jit3A_2061 : i32 to vector<16xi32>
    %select_n3A_2063 = arith.select %eq3A_2060, %broadcast_in_dim3A_2062, %get3A_2048 : vector<16xi1>, vector<16xi32>
    %jit3A_2064 = arith.constant -1.000000e+03 : f32
    %jit3A_2065 = arith.constant 5.000000e+00 : f32
    %broadcast_in_dim3A_2066 = vector.broadcast %jit3A_2064 : f32 to vector<16xf32>
    %broadcast_in_dim3A_2067 = vector.broadcast %jit3A_2065 : f32 to vector<16xf32>
    %select_n3A_2068 = arith.select %eq3A_2060, %broadcast_in_dim3A_2066, %broadcast_in_dim3A_2067 : vector<16xi1>, vector<16xf32>
    %get3A_2069 = arith.constant 368 : index
    %get3A_2070 = tpu.vector_load %arg4[%get3A_2069] {strides = array<i32>} : memref<1024xi32, #tpu.memory_space<vmem>>, vector<16xi32>,
    %add3A_2071 = arith.constant 352 : i32
    %add3A_2072 = arith.addi %mul3A_2, %add3A_2071 : i32
    %add3A_2073 = arith.constant 16 : i32
    %add3A_2074 = arith.addi %add3A_2072, %add3A_2073 : i32
    %add3A_2075 = vector.broadcast %add3A_2074 : i32 to vector<16xi32>
    %add3A_2076 = arith.addi %add3A_2075, %iota3A : vector<16xi32>
    %and3A_2077 = arith.constant 2047 : i32
    %and3A_2078 = vector.broadcast %and3A_2077 : i32 to vector<16xi32>
    %and3A_2079 = arith.andi %add3A_2076, %and3A_2078 : vector<16xi32>
    %eq3A_2080 = arith.constant 2047 : i32
    %eq3A_2081 = vector.broadcast %eq3A_2080 : i32 to vector<16xi32>
    %eq3A_2082 = arith.cmpi eq, %and3A_2079, %eq3A_2081 : vector<16xi32>
    %jit3A_2083 = arith.constant 1023 : i32
    %broadcast_in_dim3A_2084 = vector.broadcast %jit3A_2083 : i32 to vector<16xi32>
    %select_n3A_2085 = arith.select %eq3A_2082, %broadcast_in_dim3A_2084, %get3A_2070 : vector<16xi1>, vector<16xi32>
    %jit3A_2086 = arith.constant -1.000000e+03 : f32
    %jit3A_2087 = arith.constant 5.000000e+00 : f32
    %broadcast_in_dim3A_2088 = vector.broadcast %jit3A_2086 : f32 to vector<16xf32>
    %broadcast_in_dim3A_2089 = vector.broadcast %jit3A_2087 : f32 to vector<16xf32>
    %select_n3A_2090 = arith.select %eq3A_2082, %broadcast_in_dim3A_2088, %broadcast_in_dim3A_2089 : vector<16xi1>, vector<16xf32>
    %add3A_2091 = arith.constant 64 : i32
    %add3A_2092 = vector.broadcast %add3A_2091 : i32 to vector<16xi32>
    %add3A_2093 = arith.addi %add3A_2092, %iota3A : vector<16xi32>
    %eq3A_2094 = arith.constant 0 : i32
    %eq3A_2095 = vector.broadcast %eq3A_2094 : i32 to vector<16xi32>
    %eq3A_2096 = arith.cmpi eq, %select_n3A_2063, %eq3A_2095 : vector<16xi32>
    %eq3A_2097 = arith.constant 1 : i32
    %eq3A_2098 = vector.broadcast %eq3A_2097 : i32 to vector<16xi32>
    %eq3A_2099 = arith.cmpi eq, %select_n3A_2063, %eq3A_2098 : vector<16xi32>
    %eq3A_2100 = arith.constant 2 : i32
    %eq3A_2101 = vector.broadcast %eq3A_2100 : i32 to vector<16xi32>
    %eq3A_2102 = arith.cmpi eq, %select_n3A_2063, %eq3A_2101 : vector<16xi32>
    %jit3A_2103 = arith.constant 0.000000e+00 : f32
    %jit3A_2104 = arith.constant -1.000000e+03 : f32
    %broadcast_in_dim3A_2105 = vector.broadcast %jit3A_2103 : f32 to vector<16xf32>
    %broadcast_in_dim3A_2106 = vector.broadcast %jit3A_2104 : f32 to vector<16xf32>
    %select_n3A_2107 = arith.select %eq3A_2102, %broadcast_in_dim3A_2105, %broadcast_in_dim3A_2106 : vector<16xi1>, vector<16xf32>
    %jit3A_2108 = arith.constant 5.000000e-01 : f32
    %broadcast_in_dim3A_2109 = vector.broadcast %jit3A_2108 : f32 to vector<16xf32>
    %select_n3A_2110 = arith.select %eq3A_2099, %broadcast_in_dim3A_2109, %select_n3A_2107 : vector<16xi1>, vector<16xf32>
    %jit3A_2111 = arith.constant 1.000000e+00 : f32
    %broadcast_in_dim3A_2112 = vector.broadcast %jit3A_2111 : f32 to vector<16xf32>
    %select_n3A_2113 = arith.select %eq3A_2096, %broadcast_in_dim3A_2112, %select_n3A_2110 : vector<16xi1>, vector<16xf32>
    tpu.vector_store_idx %arg5[%add3A_2093, %select_n3A_2063], %select_n3A_2113 : memref<96x1024xf32, #tpu.memory_space<vmem>>[vector<16xi32>, vector<16xi32>], vector<16xf32>,
    %add3A_2114 = arith.constant 80 : i32
    %add3A_2115 = vector.broadcast %add3A_2114 : i32 to vector<16xi32>
    %add3A_2116 = arith.addi %add3A_2115, %iota3A : vector<16xi32>
    %eq3A_2117 = arith.constant 0 : i32
    %eq3A_2118 = vector.broadcast %eq3A_2117 : i32 to vector<16xi32>
    %eq3A_2119 = arith.cmpi eq, %select_n3A_2085, %eq3A_2118 : vector<16xi32>
    %eq3A_2120 = arith.constant 1 : i32
    %eq3A_2121 = vector.broadcast %eq3A_2120 : i32 to vector<16xi32>
    %eq3A_2122 = arith.cmpi eq, %select_n3A_2085, %eq3A_2121 : vector<16xi32>
    %eq3A_2123 = arith.constant 2 : i32
    %eq3A_2124 = vector.broadcast %eq3A_2123 : i32 to vector<16xi32>
    %eq3A_2125 = arith.cmpi eq, %select_n3A_2085, %eq3A_2124 : vector<16xi32>
    %jit3A_2126 = arith.constant 0.000000e+00 : f32
    %jit3A_2127 = arith.constant -1.000000e+03 : f32
    %broadcast_in_dim3A_2128 = vector.broadcast %jit3A_2126 : f32 to vector<16xf32>
    %broadcast_in_dim3A_2129 = vector.broadcast %jit3A_2127 : f32 to vector<16xf32>
    %select_n3A_2130 = arith.select %eq3A_2125, %broadcast_in_dim3A_2128, %broadcast_in_dim3A_2129 : vector<16xi1>, vector<16xf32>
    %jit3A_2131 = arith.constant 5.000000e-01 : f32
    %broadcast_in_dim3A_2132 = vector.broadcast %jit3A_2131 : f32 to vector<16xf32>
    %select_n3A_2133 = arith.select %eq3A_2122, %broadcast_in_dim3A_2132, %select_n3A_2130 : vector<16xi1>, vector<16xf32>
    %jit3A_2134 = arith.constant 1.000000e+00 : f32
    %broadcast_in_dim3A_2135 = vector.broadcast %jit3A_2134 : f32 to vector<16xf32>
    %select_n3A_2136 = arith.select %eq3A_2119, %broadcast_in_dim3A_2135, %select_n3A_2133 : vector<16xi1>, vector<16xf32>
    tpu.vector_store_idx %arg5[%add3A_2116, %select_n3A_2085], %select_n3A_2136 : memref<96x1024xf32, #tpu.memory_space<vmem>>[vector<16xi32>, vector<16xi32>], vector<16xf32>,
    %get3A_2137 = arith.constant 448 : index
    %get3A_2138 = tpu.vector_load %arg4[%get3A_2137] {strides = array<i32>} : memref<1024xi32, #tpu.memory_space<vmem>>, vector<16xi32>,
    %add3A_2139 = arith.constant 448 : i32
    %add3A_2140 = arith.addi %mul3A_2, %add3A_2139 : i32
    %add3A_2141 = arith.constant 0 : i32
    %add3A_2142 = arith.addi %add3A_2140, %add3A_2141 : i32
    %add3A_2143 = vector.broadcast %add3A_2142 : i32 to vector<16xi32>
    %add3A_2144 = arith.addi %add3A_2143, %iota3A : vector<16xi32>
    %and3A_2145 = arith.constant 2047 : i32
    %and3A_2146 = vector.broadcast %and3A_2145 : i32 to vector<16xi32>
    %and3A_2147 = arith.andi %add3A_2144, %and3A_2146 : vector<16xi32>
    %eq3A_2148 = arith.constant 2047 : i32
    %eq3A_2149 = vector.broadcast %eq3A_2148 : i32 to vector<16xi32>
    %eq3A_2150 = arith.cmpi eq, %and3A_2147, %eq3A_2149 : vector<16xi32>
    %jit3A_2151 = arith.constant 1023 : i32
    %broadcast_in_dim3A_2152 = vector.broadcast %jit3A_2151 : i32 to vector<16xi32>
    %select_n3A_2153 = arith.select %eq3A_2150, %broadcast_in_dim3A_2152, %get3A_2138 : vector<16xi1>, vector<16xi32>
    %jit3A_2154 = arith.constant -1.000000e+03 : f32
    %jit3A_2155 = arith.constant 5.000000e+00 : f32
    %broadcast_in_dim3A_2156 = vector.broadcast %jit3A_2154 : f32 to vector<16xf32>
    %broadcast_in_dim3A_2157 = vector.broadcast %jit3A_2155 : f32 to vector<16xf32>
    %select_n3A_2158 = arith.select %eq3A_2150, %broadcast_in_dim3A_2156, %broadcast_in_dim3A_2157 : vector<16xi1>, vector<16xf32>
    %get3A_2159 = arith.constant 464 : index
    %get3A_2160 = tpu.vector_load %arg4[%get3A_2159] {strides = array<i32>} : memref<1024xi32, #tpu.memory_space<vmem>>, vector<16xi32>,
    %add3A_2161 = arith.constant 448 : i32
    %add3A_2162 = arith.addi %mul3A_2, %add3A_2161 : i32
    %add3A_2163 = arith.constant 16 : i32
    %add3A_2164 = arith.addi %add3A_2162, %add3A_2163 : i32
    %add3A_2165 = vector.broadcast %add3A_2164 : i32 to vector<16xi32>
    %add3A_2166 = arith.addi %add3A_2165, %iota3A : vector<16xi32>
    %and3A_2167 = arith.constant 2047 : i32
    %and3A_2168 = vector.broadcast %and3A_2167 : i32 to vector<16xi32>
    %and3A_2169 = arith.andi %add3A_2166, %and3A_2168 : vector<16xi32>
    %eq3A_2170 = arith.constant 2047 : i32
    %eq3A_2171 = vector.broadcast %eq3A_2170 : i32 to vector<16xi32>
    %eq3A_2172 = arith.cmpi eq, %and3A_2169, %eq3A_2171 : vector<16xi32>
    %jit3A_2173 = arith.constant 1023 : i32
    %broadcast_in_dim3A_2174 = vector.broadcast %jit3A_2173 : i32 to vector<16xi32>
    %select_n3A_2175 = arith.select %eq3A_2172, %broadcast_in_dim3A_2174, %get3A_2160 : vector<16xi1>, vector<16xi32>
    %jit3A_2176 = arith.constant -1.000000e+03 : f32
    %jit3A_2177 = arith.constant 5.000000e+00 : f32
    %broadcast_in_dim3A_2178 = vector.broadcast %jit3A_2176 : f32 to vector<16xf32>
    %broadcast_in_dim3A_2179 = vector.broadcast %jit3A_2177 : f32 to vector<16xf32>
    %select_n3A_2180 = arith.select %eq3A_2172, %broadcast_in_dim3A_2178, %broadcast_in_dim3A_2179 : vector<16xi1>, vector<16xf32>
    %add3A_2181 = arith.constant 64 : i32
    %add3A_2182 = vector.broadcast %add3A_2181 : i32 to vector<16xi32>
    %add3A_2183 = arith.addi %add3A_2182, %iota3A : vector<16xi32>
    tpu.vector_store_idx %arg5[%add3A_2183, %select_n3A_2153], %select_n3A_2158 : memref<96x1024xf32, #tpu.memory_space<vmem>>[vector<16xi32>, vector<16xi32>], vector<16xf32>,
    %add3A_2184 = arith.constant 80 : i32
    %add3A_2185 = vector.broadcast %add3A_2184 : i32 to vector<16xi32>
    %add3A_2186 = arith.addi %add3A_2185, %iota3A : vector<16xi32>
    tpu.vector_store_idx %arg5[%add3A_2186, %select_n3A_2175], %select_n3A_2180 : memref<96x1024xf32, #tpu.memory_space<vmem>>[vector<16xi32>, vector<16xi32>], vector<16xf32>,
    %add3A_2187 = arith.constant 448 : i32
    %add3A_2188 = arith.addi %mul3A_2, %add3A_2187 : i32
    %dma_start3A_2189 = arith.constant 64 : i32
    %dma_start3A_2190 = arith.constant 0 : i32
    %dma_start3A_2191 = tpu.memref_slice %arg5[%dma_start3A_2189, %dma_start3A_2190] : memref<96x1024xf32, #tpu.memory_space<vmem>> -> memref<32x1024xf32, #tpu.memory_space<vmem>>
    %dma_start3A_2192 = arith.constant 0 : i32
    %dma_start3A_2193 = tpu.memref_slice %arg3[%add3A_2188, %dma_start3A_2192] : memref<32768x1024xf32, #tpu.memory_space<hbm>> -> memref<32x1024xf32, #tpu.memory_space<hbm>>
    %dma_start3A_2194 = arith.constant 0 : i32
    %dma_start3A_2195 = tpu.memref_slice %arg3[%add3A_2188, %dma_start3A_2194] : memref<32768x1024xf32, #tpu.memory_space<hbm>> -> memref<32x1024xf32, #tpu.memory_space<hbm>>
    %dma_start3A_2196 = arith.constant 64 : i32
    %dma_start3A_2197 = arith.constant 0 : i32
    %dma_start3A_2198 = tpu.memref_slice %arg5[%dma_start3A_2196, %dma_start3A_2197] : memref<96x1024xf32, #tpu.memory_space<vmem>> -> memref<32x1024xf32, #tpu.memory_space<vmem>>
    tpu.enqueue_dma source(%dma_start3A_2198 : memref<32x1024xf32, #tpu.memory_space<vmem>>) target(%dma_start3A_2195 : memref<32x1024xf32, #tpu.memory_space<hbm>>) target_semaphore(%arg8 : memref<!tpu.dma_semaphore, #tpu.memory_space<semaphore_mem>>)
    %dma_wait3A_2199 = arith.constant 0 : i32
    %dma_wait3A_2200 = arith.constant 0 : i32
    %dma_wait3A_2201 = tpu.memref_slice %arg5[%dma_wait3A_2199, %dma_wait3A_2200] : memref<96x1024xf32, #tpu.memory_space<vmem>> -> memref<32x1024xf32, #tpu.memory_space<vmem>>
    %dma_wait3A_2202 = arith.constant 0 : i32
    %dma_wait3A_2203 = tpu.memref_slice %arg3[%add3A_1864, %dma_wait3A_2202] : memref<32768x1024xf32, #tpu.memory_space<hbm>> -> memref<32x1024xf32, #tpu.memory_space<hbm>>
    %dma_wait3A_2204 = arith.constant 0 : i32
    %dma_wait3A_2205 = tpu.memref_slice %arg3[%add3A_1864, %dma_wait3A_2204] : memref<32768x1024xf32, #tpu.memory_space<hbm>> -> memref<32x1024xf32, #tpu.memory_space<hbm>>
    %dma_wait3A_2206 = arith.constant 0 : i32
    %dma_wait3A_2207 = arith.constant 0 : i32
    %dma_wait3A_2208 = tpu.memref_slice %arg5[%dma_wait3A_2206, %dma_wait3A_2207] : memref<96x1024xf32, #tpu.memory_space<vmem>> -> memref<32x1024xf32, #tpu.memory_space<vmem>>
    tpu.wait_dma2 semaphore(%arg6 : memref<!tpu.dma_semaphore, #tpu.memory_space<semaphore_mem>>) src(%dma_wait3A_2208 : memref<32x1024xf32, #tpu.memory_space<vmem>>) dst(%dma_wait3A_2205 : memref<32x1024xf32, #tpu.memory_space<hbm>>)
    %get3A_2209 = arith.constant 384 : index
    %get3A_2210 = tpu.vector_load %arg4[%get3A_2209] {strides = array<i32>} : memref<1024xi32, #tpu.memory_space<vmem>>, vector<16xi32>,
    %add3A_2211 = arith.constant 384 : i32
    %add3A_2212 = arith.addi %mul3A_2, %add3A_2211 : i32
    %add3A_2213 = arith.constant 0 : i32
    %add3A_2214 = arith.addi %add3A_2212, %add3A_2213 : i32
    %add3A_2215 = vector.broadcast %add3A_2214 : i32 to vector<16xi32>
    %add3A_2216 = arith.addi %add3A_2215, %iota3A : vector<16xi32>
    %and3A_2217 = arith.constant 2047 : i32
    %and3A_2218 = vector.broadcast %and3A_2217 : i32 to vector<16xi32>
    %and3A_2219 = arith.andi %add3A_2216, %and3A_2218 : vector<16xi32>
    %eq3A_2220 = arith.constant 2047 : i32
    %eq3A_2221 = vector.broadcast %eq3A_2220 : i32 to vector<16xi32>
    %eq3A_2222 = arith.cmpi eq, %and3A_2219, %eq3A_2221 : vector<16xi32>
    %jit3A_2223 = arith.constant 1023 : i32
    %broadcast_in_dim3A_2224 = vector.broadcast %jit3A_2223 : i32 to vector<16xi32>
    %select_n3A_2225 = arith.select %eq3A_2222, %broadcast_in_dim3A_2224, %get3A_2210 : vector<16xi1>, vector<16xi32>
    %jit3A_2226 = arith.constant -1.000000e+03 : f32
    %jit3A_2227 = arith.constant 5.000000e+00 : f32
    %broadcast_in_dim3A_2228 = vector.broadcast %jit3A_2226 : f32 to vector<16xf32>
    %broadcast_in_dim3A_2229 = vector.broadcast %jit3A_2227 : f32 to vector<16xf32>
    %select_n3A_2230 = arith.select %eq3A_2222, %broadcast_in_dim3A_2228, %broadcast_in_dim3A_2229 : vector<16xi1>, vector<16xf32>
    %get3A_2231 = arith.constant 400 : index
    %get3A_2232 = tpu.vector_load %arg4[%get3A_2231] {strides = array<i32>} : memref<1024xi32, #tpu.memory_space<vmem>>, vector<16xi32>,
    %add3A_2233 = arith.constant 384 : i32
    %add3A_2234 = arith.addi %mul3A_2, %add3A_2233 : i32
    %add3A_2235 = arith.constant 16 : i32
    %add3A_2236 = arith.addi %add3A_2234, %add3A_2235 : i32
    %add3A_2237 = vector.broadcast %add3A_2236 : i32 to vector<16xi32>
    %add3A_2238 = arith.addi %add3A_2237, %iota3A : vector<16xi32>
    %and3A_2239 = arith.constant 2047 : i32
    %and3A_2240 = vector.broadcast %and3A_2239 : i32 to vector<16xi32>
    %and3A_2241 = arith.andi %add3A_2238, %and3A_2240 : vector<16xi32>
    %eq3A_2242 = arith.constant 2047 : i32
    %eq3A_2243 = vector.broadcast %eq3A_2242 : i32 to vector<16xi32>
    %eq3A_2244 = arith.cmpi eq, %and3A_2241, %eq3A_2243 : vector<16xi32>
    %jit3A_2245 = arith.constant 1023 : i32
    %broadcast_in_dim3A_2246 = vector.broadcast %jit3A_2245 : i32 to vector<16xi32>
    %select_n3A_2247 = arith.select %eq3A_2244, %broadcast_in_dim3A_2246, %get3A_2232 : vector<16xi1>, vector<16xi32>
    %jit3A_2248 = arith.constant -1.000000e+03 : f32
    %jit3A_2249 = arith.constant 5.000000e+00 : f32
    %broadcast_in_dim3A_2250 = vector.broadcast %jit3A_2248 : f32 to vector<16xf32>
    %broadcast_in_dim3A_2251 = vector.broadcast %jit3A_2249 : f32 to vector<16xf32>
    %select_n3A_2252 = arith.select %eq3A_2244, %broadcast_in_dim3A_2250, %broadcast_in_dim3A_2251 : vector<16xi1>, vector<16xf32>
    %add3A_2253 = arith.constant 0 : i32
    %add3A_2254 = vector.broadcast %add3A_2253 : i32 to vector<16xi32>
    %add3A_2255 = arith.addi %add3A_2254, %iota3A : vector<16xi32>
    %eq3A_2256 = arith.constant 0 : i32
    %eq3A_2257 = vector.broadcast %eq3A_2256 : i32 to vector<16xi32>
    %eq3A_2258 = arith.cmpi eq, %select_n3A_2225, %eq3A_2257 : vector<16xi32>
    %eq3A_2259 = arith.constant 1 : i32
    %eq3A_2260 = vector.broadcast %eq3A_2259 : i32 to vector<16xi32>
    %eq3A_2261 = arith.cmpi eq, %select_n3A_2225, %eq3A_2260 : vector<16xi32>
    %eq3A_2262 = arith.constant 2 : i32
    %eq3A_2263 = vector.broadcast %eq3A_2262 : i32 to vector<16xi32>
    %eq3A_2264 = arith.cmpi eq, %select_n3A_2225, %eq3A_2263 : vector<16xi32>
    %jit3A_2265 = arith.constant 0.000000e+00 : f32
    %jit3A_2266 = arith.constant -1.000000e+03 : f32
    %broadcast_in_dim3A_2267 = vector.broadcast %jit3A_2265 : f32 to vector<16xf32>
    %broadcast_in_dim3A_2268 = vector.broadcast %jit3A_2266 : f32 to vector<16xf32>
    %select_n3A_2269 = arith.select %eq3A_2264, %broadcast_in_dim3A_2267, %broadcast_in_dim3A_2268 : vector<16xi1>, vector<16xf32>
    %jit3A_2270 = arith.constant 5.000000e-01 : f32
    %broadcast_in_dim3A_2271 = vector.broadcast %jit3A_2270 : f32 to vector<16xf32>
    %select_n3A_2272 = arith.select %eq3A_2261, %broadcast_in_dim3A_2271, %select_n3A_2269 : vector<16xi1>, vector<16xf32>
    %jit3A_2273 = arith.constant 1.000000e+00 : f32
    %broadcast_in_dim3A_2274 = vector.broadcast %jit3A_2273 : f32 to vector<16xf32>
    %select_n3A_2275 = arith.select %eq3A_2258, %broadcast_in_dim3A_2274, %select_n3A_2272 : vector<16xi1>, vector<16xf32>
    tpu.vector_store_idx %arg5[%add3A_2255, %select_n3A_2225], %select_n3A_2275 : memref<96x1024xf32, #tpu.memory_space<vmem>>[vector<16xi32>, vector<16xi32>], vector<16xf32>,
    %add3A_2276 = arith.constant 16 : i32
    %add3A_2277 = vector.broadcast %add3A_2276 : i32 to vector<16xi32>
    %add3A_2278 = arith.addi %add3A_2277, %iota3A : vector<16xi32>
    %eq3A_2279 = arith.constant 0 : i32
    %eq3A_2280 = vector.broadcast %eq3A_2279 : i32 to vector<16xi32>
    %eq3A_2281 = arith.cmpi eq, %select_n3A_2247, %eq3A_2280 : vector<16xi32>
    %eq3A_2282 = arith.constant 1 : i32
    %eq3A_2283 = vector.broadcast %eq3A_2282 : i32 to vector<16xi32>
    %eq3A_2284 = arith.cmpi eq, %select_n3A_2247, %eq3A_2283 : vector<16xi32>
    %eq3A_2285 = arith.constant 2 : i32
    %eq3A_2286 = vector.broadcast %eq3A_2285 : i32 to vector<16xi32>
    %eq3A_2287 = arith.cmpi eq, %select_n3A_2247, %eq3A_2286 : vector<16xi32>
    %jit3A_2288 = arith.constant 0.000000e+00 : f32
    %jit3A_2289 = arith.constant -1.000000e+03 : f32
    %broadcast_in_dim3A_2290 = vector.broadcast %jit3A_2288 : f32 to vector<16xf32>
    %broadcast_in_dim3A_2291 = vector.broadcast %jit3A_2289 : f32 to vector<16xf32>
    %select_n3A_2292 = arith.select %eq3A_2287, %broadcast_in_dim3A_2290, %broadcast_in_dim3A_2291 : vector<16xi1>, vector<16xf32>
    %jit3A_2293 = arith.constant 5.000000e-01 : f32
    %broadcast_in_dim3A_2294 = vector.broadcast %jit3A_2293 : f32 to vector<16xf32>
    %select_n3A_2295 = arith.select %eq3A_2284, %broadcast_in_dim3A_2294, %select_n3A_2292 : vector<16xi1>, vector<16xf32>
    %jit3A_2296 = arith.constant 1.000000e+00 : f32
    %broadcast_in_dim3A_2297 = vector.broadcast %jit3A_2296 : f32 to vector<16xf32>
    %select_n3A_2298 = arith.select %eq3A_2281, %broadcast_in_dim3A_2297, %select_n3A_2295 : vector<16xi1>, vector<16xf32>
    tpu.vector_store_idx %arg5[%add3A_2278, %select_n3A_2247], %select_n3A_2298 : memref<96x1024xf32, #tpu.memory_space<vmem>>[vector<16xi32>, vector<16xi32>], vector<16xf32>,
    %get3A_2299 = arith.constant 480 : index
    %get3A_2300 = tpu.vector_load %arg4[%get3A_2299] {strides = array<i32>} : memref<1024xi32, #tpu.memory_space<vmem>>, vector<16xi32>,
    %add3A_2301 = arith.constant 480 : i32
    %add3A_2302 = arith.addi %mul3A_2, %add3A_2301 : i32
    %add3A_2303 = arith.constant 0 : i32
    %add3A_2304 = arith.addi %add3A_2302, %add3A_2303 : i32
    %add3A_2305 = vector.broadcast %add3A_2304 : i32 to vector<16xi32>
    %add3A_2306 = arith.addi %add3A_2305, %iota3A : vector<16xi32>
    %and3A_2307 = arith.constant 2047 : i32
    %and3A_2308 = vector.broadcast %and3A_2307 : i32 to vector<16xi32>
    %and3A_2309 = arith.andi %add3A_2306, %and3A_2308 : vector<16xi32>
    %eq3A_2310 = arith.constant 2047 : i32
    %eq3A_2311 = vector.broadcast %eq3A_2310 : i32 to vector<16xi32>
    %eq3A_2312 = arith.cmpi eq, %and3A_2309, %eq3A_2311 : vector<16xi32>
    %jit3A_2313 = arith.constant 1023 : i32
    %broadcast_in_dim3A_2314 = vector.broadcast %jit3A_2313 : i32 to vector<16xi32>
    %select_n3A_2315 = arith.select %eq3A_2312, %broadcast_in_dim3A_2314, %get3A_2300 : vector<16xi1>, vector<16xi32>
    %jit3A_2316 = arith.constant -1.000000e+03 : f32
    %jit3A_2317 = arith.constant 5.000000e+00 : f32
    %broadcast_in_dim3A_2318 = vector.broadcast %jit3A_2316 : f32 to vector<16xf32>
    %broadcast_in_dim3A_2319 = vector.broadcast %jit3A_2317 : f32 to vector<16xf32>
    %select_n3A_2320 = arith.select %eq3A_2312, %broadcast_in_dim3A_2318, %broadcast_in_dim3A_2319 : vector<16xi1>, vector<16xf32>
    %get3A_2321 = arith.constant 496 : index
    %get3A_2322 = tpu.vector_load %arg4[%get3A_2321] {strides = array<i32>} : memref<1024xi32, #tpu.memory_space<vmem>>, vector<16xi32>,
    %add3A_2323 = arith.constant 480 : i32
    %add3A_2324 = arith.addi %mul3A_2, %add3A_2323 : i32
    %add3A_2325 = arith.constant 16 : i32
    %add3A_2326 = arith.addi %add3A_2324, %add3A_2325 : i32
    %add3A_2327 = vector.broadcast %add3A_2326 : i32 to vector<16xi32>
    %add3A_2328 = arith.addi %add3A_2327, %iota3A : vector<16xi32>
    %and3A_2329 = arith.constant 2047 : i32
    %and3A_2330 = vector.broadcast %and3A_2329 : i32 to vector<16xi32>
    %and3A_2331 = arith.andi %add3A_2328, %and3A_2330 : vector<16xi32>
    %eq3A_2332 = arith.constant 2047 : i32
    %eq3A_2333 = vector.broadcast %eq3A_2332 : i32 to vector<16xi32>
    %eq3A_2334 = arith.cmpi eq, %and3A_2331, %eq3A_2333 : vector<16xi32>
    %jit3A_2335 = arith.constant 1023 : i32
    %broadcast_in_dim3A_2336 = vector.broadcast %jit3A_2335 : i32 to vector<16xi32>
    %select_n3A_2337 = arith.select %eq3A_2334, %broadcast_in_dim3A_2336, %get3A_2322 : vector<16xi1>, vector<16xi32>
    %jit3A_2338 = arith.constant -1.000000e+03 : f32
    %jit3A_2339 = arith.constant 5.000000e+00 : f32
    %broadcast_in_dim3A_2340 = vector.broadcast %jit3A_2338 : f32 to vector<16xf32>
    %broadcast_in_dim3A_2341 = vector.broadcast %jit3A_2339 : f32 to vector<16xf32>
    %select_n3A_2342 = arith.select %eq3A_2334, %broadcast_in_dim3A_2340, %broadcast_in_dim3A_2341 : vector<16xi1>, vector<16xf32>
    %add3A_2343 = arith.constant 0 : i32
    %add3A_2344 = vector.broadcast %add3A_2343 : i32 to vector<16xi32>
    %add3A_2345 = arith.addi %add3A_2344, %iota3A : vector<16xi32>
    tpu.vector_store_idx %arg5[%add3A_2345, %select_n3A_2315], %select_n3A_2320 : memref<96x1024xf32, #tpu.memory_space<vmem>>[vector<16xi32>, vector<16xi32>], vector<16xf32>,
    %add3A_2346 = arith.constant 16 : i32
    %add3A_2347 = vector.broadcast %add3A_2346 : i32 to vector<16xi32>
    %add3A_2348 = arith.addi %add3A_2347, %iota3A : vector<16xi32>
    tpu.vector_store_idx %arg5[%add3A_2348, %select_n3A_2337], %select_n3A_2342 : memref<96x1024xf32, #tpu.memory_space<vmem>>[vector<16xi32>, vector<16xi32>], vector<16xf32>,
    %add3A_2349 = arith.constant 480 : i32
    %add3A_2350 = arith.addi %mul3A_2, %add3A_2349 : i32
    %dma_start3A_2351 = arith.constant 0 : i32
    %dma_start3A_2352 = arith.constant 0 : i32
    %dma_start3A_2353 = tpu.memref_slice %arg5[%dma_start3A_2351, %dma_start3A_2352] : memref<96x1024xf32, #tpu.memory_space<vmem>> -> memref<32x1024xf32, #tpu.memory_space<vmem>>
    %dma_start3A_2354 = arith.constant 0 : i32
    %dma_start3A_2355 = tpu.memref_slice %arg3[%add3A_2350, %dma_start3A_2354] : memref<32768x1024xf32, #tpu.memory_space<hbm>> -> memref<32x1024xf32, #tpu.memory_space<hbm>>
    %dma_start3A_2356 = arith.constant 0 : i32
    %dma_start3A_2357 = tpu.memref_slice %arg3[%add3A_2350, %dma_start3A_2356] : memref<32768x1024xf32, #tpu.memory_space<hbm>> -> memref<32x1024xf32, #tpu.memory_space<hbm>>
    %dma_start3A_2358 = arith.constant 0 : i32
    %dma_start3A_2359 = arith.constant 0 : i32
    %dma_start3A_2360 = tpu.memref_slice %arg5[%dma_start3A_2358, %dma_start3A_2359] : memref<96x1024xf32, #tpu.memory_space<vmem>> -> memref<32x1024xf32, #tpu.memory_space<vmem>>
    tpu.enqueue_dma source(%dma_start3A_2360 : memref<32x1024xf32, #tpu.memory_space<vmem>>) target(%dma_start3A_2357 : memref<32x1024xf32, #tpu.memory_space<hbm>>) target_semaphore(%arg6 : memref<!tpu.dma_semaphore, #tpu.memory_space<semaphore_mem>>)
    %dma_wait3A_2361 = arith.constant 32 : i32
    %dma_wait3A_2362 = arith.constant 0 : i32
    %dma_wait3A_2363 = tpu.memref_slice %arg5[%dma_wait3A_2361, %dma_wait3A_2362] : memref<96x1024xf32, #tpu.memory_space<vmem>> -> memref<32x1024xf32, #tpu.memory_space<vmem>>
    %dma_wait3A_2364 = arith.constant 0 : i32
    %dma_wait3A_2365 = tpu.memref_slice %arg3[%add3A_2026, %dma_wait3A_2364] : memref<32768x1024xf32, #tpu.memory_space<hbm>> -> memref<32x1024xf32, #tpu.memory_space<hbm>>
    %dma_wait3A_2366 = arith.constant 0 : i32
    %dma_wait3A_2367 = tpu.memref_slice %arg3[%add3A_2026, %dma_wait3A_2366] : memref<32768x1024xf32, #tpu.memory_space<hbm>> -> memref<32x1024xf32, #tpu.memory_space<hbm>>
    %dma_wait3A_2368 = arith.constant 32 : i32
    %dma_wait3A_2369 = arith.constant 0 : i32
    %dma_wait3A_2370 = tpu.memref_slice %arg5[%dma_wait3A_2368, %dma_wait3A_2369] : memref<96x1024xf32, #tpu.memory_space<vmem>> -> memref<32x1024xf32, #tpu.memory_space<vmem>>
    tpu.wait_dma2 semaphore(%arg7 : memref<!tpu.dma_semaphore, #tpu.memory_space<semaphore_mem>>) src(%dma_wait3A_2370 : memref<32x1024xf32, #tpu.memory_space<vmem>>) dst(%dma_wait3A_2367 : memref<32x1024xf32, #tpu.memory_space<hbm>>)
    %get3A_2371 = arith.constant 416 : index
    %get3A_2372 = tpu.vector_load %arg4[%get3A_2371] {strides = array<i32>} : memref<1024xi32, #tpu.memory_space<vmem>>, vector<16xi32>,
    %add3A_2373 = arith.constant 416 : i32
    %add3A_2374 = arith.addi %mul3A_2, %add3A_2373 : i32
    %add3A_2375 = arith.constant 0 : i32
    %add3A_2376 = arith.addi %add3A_2374, %add3A_2375 : i32
    %add3A_2377 = vector.broadcast %add3A_2376 : i32 to vector<16xi32>
    %add3A_2378 = arith.addi %add3A_2377, %iota3A : vector<16xi32>
    %and3A_2379 = arith.constant 2047 : i32
    %and3A_2380 = vector.broadcast %and3A_2379 : i32 to vector<16xi32>
    %and3A_2381 = arith.andi %add3A_2378, %and3A_2380 : vector<16xi32>
    %eq3A_2382 = arith.constant 2047 : i32
    %eq3A_2383 = vector.broadcast %eq3A_2382 : i32 to vector<16xi32>
    %eq3A_2384 = arith.cmpi eq, %and3A_2381, %eq3A_2383 : vector<16xi32>
    %jit3A_2385 = arith.constant 1023 : i32
    %broadcast_in_dim3A_2386 = vector.broadcast %jit3A_2385 : i32 to vector<16xi32>
    %select_n3A_2387 = arith.select %eq3A_2384, %broadcast_in_dim3A_2386, %get3A_2372 : vector<16xi1>, vector<16xi32>
    %jit3A_2388 = arith.constant -1.000000e+03 : f32
    %jit3A_2389 = arith.constant 5.000000e+00 : f32
    %broadcast_in_dim3A_2390 = vector.broadcast %jit3A_2388 : f32 to vector<16xf32>
    %broadcast_in_dim3A_2391 = vector.broadcast %jit3A_2389 : f32 to vector<16xf32>
    %select_n3A_2392 = arith.select %eq3A_2384, %broadcast_in_dim3A_2390, %broadcast_in_dim3A_2391 : vector<16xi1>, vector<16xf32>
    %get3A_2393 = arith.constant 432 : index
    %get3A_2394 = tpu.vector_load %arg4[%get3A_2393] {strides = array<i32>} : memref<1024xi32, #tpu.memory_space<vmem>>, vector<16xi32>,
    %add3A_2395 = arith.constant 416 : i32
    %add3A_2396 = arith.addi %mul3A_2, %add3A_2395 : i32
    %add3A_2397 = arith.constant 16 : i32
    %add3A_2398 = arith.addi %add3A_2396, %add3A_2397 : i32
    %add3A_2399 = vector.broadcast %add3A_2398 : i32 to vector<16xi32>
    %add3A_2400 = arith.addi %add3A_2399, %iota3A : vector<16xi32>
    %and3A_2401 = arith.constant 2047 : i32
    %and3A_2402 = vector.broadcast %and3A_2401 : i32 to vector<16xi32>
    %and3A_2403 = arith.andi %add3A_2400, %and3A_2402 : vector<16xi32>
    %eq3A_2404 = arith.constant 2047 : i32
    %eq3A_2405 = vector.broadcast %eq3A_2404 : i32 to vector<16xi32>
    %eq3A_2406 = arith.cmpi eq, %and3A_2403, %eq3A_2405 : vector<16xi32>
    %jit3A_2407 = arith.constant 1023 : i32
    %broadcast_in_dim3A_2408 = vector.broadcast %jit3A_2407 : i32 to vector<16xi32>
    %select_n3A_2409 = arith.select %eq3A_2406, %broadcast_in_dim3A_2408, %get3A_2394 : vector<16xi1>, vector<16xi32>
    %jit3A_2410 = arith.constant -1.000000e+03 : f32
    %jit3A_2411 = arith.constant 5.000000e+00 : f32
    %broadcast_in_dim3A_2412 = vector.broadcast %jit3A_2410 : f32 to vector<16xf32>
    %broadcast_in_dim3A_2413 = vector.broadcast %jit3A_2411 : f32 to vector<16xf32>
    %select_n3A_2414 = arith.select %eq3A_2406, %broadcast_in_dim3A_2412, %broadcast_in_dim3A_2413 : vector<16xi1>, vector<16xf32>
    %add3A_2415 = arith.constant 32 : i32
    %add3A_2416 = vector.broadcast %add3A_2415 : i32 to vector<16xi32>
    %add3A_2417 = arith.addi %add3A_2416, %iota3A : vector<16xi32>
    %eq3A_2418 = arith.constant 0 : i32
    %eq3A_2419 = vector.broadcast %eq3A_2418 : i32 to vector<16xi32>
    %eq3A_2420 = arith.cmpi eq, %select_n3A_2387, %eq3A_2419 : vector<16xi32>
    %eq3A_2421 = arith.constant 1 : i32
    %eq3A_2422 = vector.broadcast %eq3A_2421 : i32 to vector<16xi32>
    %eq3A_2423 = arith.cmpi eq, %select_n3A_2387, %eq3A_2422 : vector<16xi32>
    %eq3A_2424 = arith.constant 2 : i32
    %eq3A_2425 = vector.broadcast %eq3A_2424 : i32 to vector<16xi32>
    %eq3A_2426 = arith.cmpi eq, %select_n3A_2387, %eq3A_2425 : vector<16xi32>
    %jit3A_2427 = arith.constant 0.000000e+00 : f32
    %jit3A_2428 = arith.constant -1.000000e+03 : f32
    %broadcast_in_dim3A_2429 = vector.broadcast %jit3A_2427 : f32 to vector<16xf32>
    %broadcast_in_dim3A_2430 = vector.broadcast %jit3A_2428 : f32 to vector<16xf32>
    %select_n3A_2431 = arith.select %eq3A_2426, %broadcast_in_dim3A_2429, %broadcast_in_dim3A_2430 : vector<16xi1>, vector<16xf32>
    %jit3A_2432 = arith.constant 5.000000e-01 : f32
    %broadcast_in_dim3A_2433 = vector.broadcast %jit3A_2432 : f32 to vector<16xf32>
    %select_n3A_2434 = arith.select %eq3A_2423, %broadcast_in_dim3A_2433, %select_n3A_2431 : vector<16xi1>, vector<16xf32>
    %jit3A_2435 = arith.constant 1.000000e+00 : f32
    %broadcast_in_dim3A_2436 = vector.broadcast %jit3A_2435 : f32 to vector<16xf32>
    %select_n3A_2437 = arith.select %eq3A_2420, %broadcast_in_dim3A_2436, %select_n3A_2434 : vector<16xi1>, vector<16xf32>
    tpu.vector_store_idx %arg5[%add3A_2417, %select_n3A_2387], %select_n3A_2437 : memref<96x1024xf32, #tpu.memory_space<vmem>>[vector<16xi32>, vector<16xi32>], vector<16xf32>,
    %add3A_2438 = arith.constant 48 : i32
    %add3A_2439 = vector.broadcast %add3A_2438 : i32 to vector<16xi32>
    %add3A_2440 = arith.addi %add3A_2439, %iota3A : vector<16xi32>
    %eq3A_2441 = arith.constant 0 : i32
    %eq3A_2442 = vector.broadcast %eq3A_2441 : i32 to vector<16xi32>
    %eq3A_2443 = arith.cmpi eq, %select_n3A_2409, %eq3A_2442 : vector<16xi32>
    %eq3A_2444 = arith.constant 1 : i32
    %eq3A_2445 = vector.broadcast %eq3A_2444 : i32 to vector<16xi32>
    %eq3A_2446 = arith.cmpi eq, %select_n3A_2409, %eq3A_2445 : vector<16xi32>
    %eq3A_2447 = arith.constant 2 : i32
    %eq3A_2448 = vector.broadcast %eq3A_2447 : i32 to vector<16xi32>
    %eq3A_2449 = arith.cmpi eq, %select_n3A_2409, %eq3A_2448 : vector<16xi32>
    %jit3A_2450 = arith.constant 0.000000e+00 : f32
    %jit3A_2451 = arith.constant -1.000000e+03 : f32
    %broadcast_in_dim3A_2452 = vector.broadcast %jit3A_2450 : f32 to vector<16xf32>
    %broadcast_in_dim3A_2453 = vector.broadcast %jit3A_2451 : f32 to vector<16xf32>
    %select_n3A_2454 = arith.select %eq3A_2449, %broadcast_in_dim3A_2452, %broadcast_in_dim3A_2453 : vector<16xi1>, vector<16xf32>
    %jit3A_2455 = arith.constant 5.000000e-01 : f32
    %broadcast_in_dim3A_2456 = vector.broadcast %jit3A_2455 : f32 to vector<16xf32>
    %select_n3A_2457 = arith.select %eq3A_2446, %broadcast_in_dim3A_2456, %select_n3A_2454 : vector<16xi1>, vector<16xf32>
    %jit3A_2458 = arith.constant 1.000000e+00 : f32
    %broadcast_in_dim3A_2459 = vector.broadcast %jit3A_2458 : f32 to vector<16xf32>
    %select_n3A_2460 = arith.select %eq3A_2443, %broadcast_in_dim3A_2459, %select_n3A_2457 : vector<16xi1>, vector<16xf32>
    tpu.vector_store_idx %arg5[%add3A_2440, %select_n3A_2409], %select_n3A_2460 : memref<96x1024xf32, #tpu.memory_space<vmem>>[vector<16xi32>, vector<16xi32>], vector<16xf32>,
    %get3A_2461 = arith.constant 512 : index
    %get3A_2462 = tpu.vector_load %arg4[%get3A_2461] {strides = array<i32>} : memref<1024xi32, #tpu.memory_space<vmem>>, vector<16xi32>,
    %add3A_2463 = arith.constant 512 : i32
    %add3A_2464 = arith.addi %mul3A_2, %add3A_2463 : i32
    %add3A_2465 = arith.constant 0 : i32
    %add3A_2466 = arith.addi %add3A_2464, %add3A_2465 : i32
    %add3A_2467 = vector.broadcast %add3A_2466 : i32 to vector<16xi32>
    %add3A_2468 = arith.addi %add3A_2467, %iota3A : vector<16xi32>
    %and3A_2469 = arith.constant 2047 : i32
    %and3A_2470 = vector.broadcast %and3A_2469 : i32 to vector<16xi32>
    %and3A_2471 = arith.andi %add3A_2468, %and3A_2470 : vector<16xi32>
    %eq3A_2472 = arith.constant 2047 : i32
    %eq3A_2473 = vector.broadcast %eq3A_2472 : i32 to vector<16xi32>
    %eq3A_2474 = arith.cmpi eq, %and3A_2471, %eq3A_2473 : vector<16xi32>
    %jit3A_2475 = arith.constant 1023 : i32
    %broadcast_in_dim3A_2476 = vector.broadcast %jit3A_2475 : i32 to vector<16xi32>
    %select_n3A_2477 = arith.select %eq3A_2474, %broadcast_in_dim3A_2476, %get3A_2462 : vector<16xi1>, vector<16xi32>
    %jit3A_2478 = arith.constant -1.000000e+03 : f32
    %jit3A_2479 = arith.constant 5.000000e+00 : f32
    %broadcast_in_dim3A_2480 = vector.broadcast %jit3A_2478 : f32 to vector<16xf32>
    %broadcast_in_dim3A_2481 = vector.broadcast %jit3A_2479 : f32 to vector<16xf32>
    %select_n3A_2482 = arith.select %eq3A_2474, %broadcast_in_dim3A_2480, %broadcast_in_dim3A_2481 : vector<16xi1>, vector<16xf32>
    %get3A_2483 = arith.constant 528 : index
    %get3A_2484 = tpu.vector_load %arg4[%get3A_2483] {strides = array<i32>} : memref<1024xi32, #tpu.memory_space<vmem>>, vector<16xi32>,
    %add3A_2485 = arith.constant 512 : i32
    %add3A_2486 = arith.addi %mul3A_2, %add3A_2485 : i32
    %add3A_2487 = arith.constant 16 : i32
    %add3A_2488 = arith.addi %add3A_2486, %add3A_2487 : i32
    %add3A_2489 = vector.broadcast %add3A_2488 : i32 to vector<16xi32>
    %add3A_2490 = arith.addi %add3A_2489, %iota3A : vector<16xi32>
    %and3A_2491 = arith.constant 2047 : i32
    %and3A_2492 = vector.broadcast %and3A_2491 : i32 to vector<16xi32>
    %and3A_2493 = arith.andi %add3A_2490, %and3A_2492 : vector<16xi32>
    %eq3A_2494 = arith.constant 2047 : i32
    %eq3A_2495 = vector.broadcast %eq3A_2494 : i32 to vector<16xi32>
    %eq3A_2496 = arith.cmpi eq, %and3A_2493, %eq3A_2495 : vector<16xi32>
    %jit3A_2497 = arith.constant 1023 : i32
    %broadcast_in_dim3A_2498 = vector.broadcast %jit3A_2497 : i32 to vector<16xi32>
    %select_n3A_2499 = arith.select %eq3A_2496, %broadcast_in_dim3A_2498, %get3A_2484 : vector<16xi1>, vector<16xi32>
    %jit3A_2500 = arith.constant -1.000000e+03 : f32
    %jit3A_2501 = arith.constant 5.000000e+00 : f32
    %broadcast_in_dim3A_2502 = vector.broadcast %jit3A_2500 : f32 to vector<16xf32>
    %broadcast_in_dim3A_2503 = vector.broadcast %jit3A_2501 : f32 to vector<16xf32>
    %select_n3A_2504 = arith.select %eq3A_2496, %broadcast_in_dim3A_2502, %broadcast_in_dim3A_2503 : vector<16xi1>, vector<16xf32>
    %add3A_2505 = arith.constant 32 : i32
    %add3A_2506 = vector.broadcast %add3A_2505 : i32 to vector<16xi32>
    %add3A_2507 = arith.addi %add3A_2506, %iota3A : vector<16xi32>
    tpu.vector_store_idx %arg5[%add3A_2507, %select_n3A_2477], %select_n3A_2482 : memref<96x1024xf32, #tpu.memory_space<vmem>>[vector<16xi32>, vector<16xi32>], vector<16xf32>,
    %add3A_2508 = arith.constant 48 : i32
    %add3A_2509 = vector.broadcast %add3A_2508 : i32 to vector<16xi32>
    %add3A_2510 = arith.addi %add3A_2509, %iota3A : vector<16xi32>
    tpu.vector_store_idx %arg5[%add3A_2510, %select_n3A_2499], %select_n3A_2504 : memref<96x1024xf32, #tpu.memory_space<vmem>>[vector<16xi32>, vector<16xi32>], vector<16xf32>,
    %add3A_2511 = arith.constant 512 : i32
    %add3A_2512 = arith.addi %mul3A_2, %add3A_2511 : i32
    %dma_start3A_2513 = arith.constant 32 : i32
    %dma_start3A_2514 = arith.constant 0 : i32
    %dma_start3A_2515 = tpu.memref_slice %arg5[%dma_start3A_2513, %dma_start3A_2514] : memref<96x1024xf32, #tpu.memory_space<vmem>> -> memref<32x1024xf32, #tpu.memory_space<vmem>>
    %dma_start3A_2516 = arith.constant 0 : i32
    %dma_start3A_2517 = tpu.memref_slice %arg3[%add3A_2512, %dma_start3A_2516] : memref<32768x1024xf32, #tpu.memory_space<hbm>> -> memref<32x1024xf32, #tpu.memory_space<hbm>>
    %dma_start3A_2518 = arith.constant 0 : i32
    %dma_start3A_2519 = tpu.memref_slice %arg3[%add3A_2512, %dma_start3A_2518] : memref<32768x1024xf32, #tpu.memory_space<hbm>> -> memref<32x1024xf32, #tpu.memory_space<hbm>>
    %dma_start3A_2520 = arith.constant 32 : i32
    %dma_start3A_2521 = arith.constant 0 : i32
    %dma_start3A_2522 = tpu.memref_slice %arg5[%dma_start3A_2520, %dma_start3A_2521] : memref<96x1024xf32, #tpu.memory_space<vmem>> -> memref<32x1024xf32, #tpu.memory_space<vmem>>
    tpu.enqueue_dma source(%dma_start3A_2522 : memref<32x1024xf32, #tpu.memory_space<vmem>>) target(%dma_start3A_2519 : memref<32x1024xf32, #tpu.memory_space<hbm>>) target_semaphore(%arg7 : memref<!tpu.dma_semaphore, #tpu.memory_space<semaphore_mem>>)
    %dma_wait3A_2523 = arith.constant 64 : i32
    %dma_wait3A_2524 = arith.constant 0 : i32
    %dma_wait3A_2525 = tpu.memref_slice %arg5[%dma_wait3A_2523, %dma_wait3A_2524] : memref<96x1024xf32, #tpu.memory_space<vmem>> -> memref<32x1024xf32, #tpu.memory_space<vmem>>
    %dma_wait3A_2526 = arith.constant 0 : i32
    %dma_wait3A_2527 = tpu.memref_slice %arg3[%add3A_2188, %dma_wait3A_2526] : memref<32768x1024xf32, #tpu.memory_space<hbm>> -> memref<32x1024xf32, #tpu.memory_space<hbm>>
    %dma_wait3A_2528 = arith.constant 0 : i32
    %dma_wait3A_2529 = tpu.memref_slice %arg3[%add3A_2188, %dma_wait3A_2528] : memref<32768x1024xf32, #tpu.memory_space<hbm>> -> memref<32x1024xf32, #tpu.memory_space<hbm>>
    %dma_wait3A_2530 = arith.constant 64 : i32
    %dma_wait3A_2531 = arith.constant 0 : i32
    %dma_wait3A_2532 = tpu.memref_slice %arg5[%dma_wait3A_2530, %dma_wait3A_2531] : memref<96x1024xf32, #tpu.memory_space<vmem>> -> memref<32x1024xf32, #tpu.memory_space<vmem>>
    tpu.wait_dma2 semaphore(%arg8 : memref<!tpu.dma_semaphore, #tpu.memory_space<semaphore_mem>>) src(%dma_wait3A_2532 : memref<32x1024xf32, #tpu.memory_space<vmem>>) dst(%dma_wait3A_2529 : memref<32x1024xf32, #tpu.memory_space<hbm>>)
    %get3A_2533 = arith.constant 448 : index
    %get3A_2534 = tpu.vector_load %arg4[%get3A_2533] {strides = array<i32>} : memref<1024xi32, #tpu.memory_space<vmem>>, vector<16xi32>,
    %add3A_2535 = arith.constant 448 : i32
    %add3A_2536 = arith.addi %mul3A_2, %add3A_2535 : i32
    %add3A_2537 = arith.constant 0 : i32
    %add3A_2538 = arith.addi %add3A_2536, %add3A_2537 : i32
    %add3A_2539 = vector.broadcast %add3A_2538 : i32 to vector<16xi32>
    %add3A_2540 = arith.addi %add3A_2539, %iota3A : vector<16xi32>
    %and3A_2541 = arith.constant 2047 : i32
    %and3A_2542 = vector.broadcast %and3A_2541 : i32 to vector<16xi32>
    %and3A_2543 = arith.andi %add3A_2540, %and3A_2542 : vector<16xi32>
    %eq3A_2544 = arith.constant 2047 : i32
    %eq3A_2545 = vector.broadcast %eq3A_2544 : i32 to vector<16xi32>
    %eq3A_2546 = arith.cmpi eq, %and3A_2543, %eq3A_2545 : vector<16xi32>
    %jit3A_2547 = arith.constant 1023 : i32
    %broadcast_in_dim3A_2548 = vector.broadcast %jit3A_2547 : i32 to vector<16xi32>
    %select_n3A_2549 = arith.select %eq3A_2546, %broadcast_in_dim3A_2548, %get3A_2534 : vector<16xi1>, vector<16xi32>
    %jit3A_2550 = arith.constant -1.000000e+03 : f32
    %jit3A_2551 = arith.constant 5.000000e+00 : f32
    %broadcast_in_dim3A_2552 = vector.broadcast %jit3A_2550 : f32 to vector<16xf32>
    %broadcast_in_dim3A_2553 = vector.broadcast %jit3A_2551 : f32 to vector<16xf32>
    %select_n3A_2554 = arith.select %eq3A_2546, %broadcast_in_dim3A_2552, %broadcast_in_dim3A_2553 : vector<16xi1>, vector<16xf32>
    %get3A_2555 = arith.constant 464 : index
    %get3A_2556 = tpu.vector_load %arg4[%get3A_2555] {strides = array<i32>} : memref<1024xi32, #tpu.memory_space<vmem>>, vector<16xi32>,
    %add3A_2557 = arith.constant 448 : i32
    %add3A_2558 = arith.addi %mul3A_2, %add3A_2557 : i32
    %add3A_2559 = arith.constant 16 : i32
    %add3A_2560 = arith.addi %add3A_2558, %add3A_2559 : i32
    %add3A_2561 = vector.broadcast %add3A_2560 : i32 to vector<16xi32>
    %add3A_2562 = arith.addi %add3A_2561, %iota3A : vector<16xi32>
    %and3A_2563 = arith.constant 2047 : i32
    %and3A_2564 = vector.broadcast %and3A_2563 : i32 to vector<16xi32>
    %and3A_2565 = arith.andi %add3A_2562, %and3A_2564 : vector<16xi32>
    %eq3A_2566 = arith.constant 2047 : i32
    %eq3A_2567 = vector.broadcast %eq3A_2566 : i32 to vector<16xi32>
    %eq3A_2568 = arith.cmpi eq, %and3A_2565, %eq3A_2567 : vector<16xi32>
    %jit3A_2569 = arith.constant 1023 : i32
    %broadcast_in_dim3A_2570 = vector.broadcast %jit3A_2569 : i32 to vector<16xi32>
    %select_n3A_2571 = arith.select %eq3A_2568, %broadcast_in_dim3A_2570, %get3A_2556 : vector<16xi1>, vector<16xi32>
    %jit3A_2572 = arith.constant -1.000000e+03 : f32
    %jit3A_2573 = arith.constant 5.000000e+00 : f32
    %broadcast_in_dim3A_2574 = vector.broadcast %jit3A_2572 : f32 to vector<16xf32>
    %broadcast_in_dim3A_2575 = vector.broadcast %jit3A_2573 : f32 to vector<16xf32>
    %select_n3A_2576 = arith.select %eq3A_2568, %broadcast_in_dim3A_2574, %broadcast_in_dim3A_2575 : vector<16xi1>, vector<16xf32>
    %add3A_2577 = arith.constant 64 : i32
    %add3A_2578 = vector.broadcast %add3A_2577 : i32 to vector<16xi32>
    %add3A_2579 = arith.addi %add3A_2578, %iota3A : vector<16xi32>
    %eq3A_2580 = arith.constant 0 : i32
    %eq3A_2581 = vector.broadcast %eq3A_2580 : i32 to vector<16xi32>
    %eq3A_2582 = arith.cmpi eq, %select_n3A_2549, %eq3A_2581 : vector<16xi32>
    %eq3A_2583 = arith.constant 1 : i32
    %eq3A_2584 = vector.broadcast %eq3A_2583 : i32 to vector<16xi32>
    %eq3A_2585 = arith.cmpi eq, %select_n3A_2549, %eq3A_2584 : vector<16xi32>
    %eq3A_2586 = arith.constant 2 : i32
    %eq3A_2587 = vector.broadcast %eq3A_2586 : i32 to vector<16xi32>
    %eq3A_2588 = arith.cmpi eq, %select_n3A_2549, %eq3A_2587 : vector<16xi32>
    %jit3A_2589 = arith.constant 0.000000e+00 : f32
    %jit3A_2590 = arith.constant -1.000000e+03 : f32
    %broadcast_in_dim3A_2591 = vector.broadcast %jit3A_2589 : f32 to vector<16xf32>
    %broadcast_in_dim3A_2592 = vector.broadcast %jit3A_2590 : f32 to vector<16xf32>
    %select_n3A_2593 = arith.select %eq3A_2588, %broadcast_in_dim3A_2591, %broadcast_in_dim3A_2592 : vector<16xi1>, vector<16xf32>
    %jit3A_2594 = arith.constant 5.000000e-01 : f32
    %broadcast_in_dim3A_2595 = vector.broadcast %jit3A_2594 : f32 to vector<16xf32>
    %select_n3A_2596 = arith.select %eq3A_2585, %broadcast_in_dim3A_2595, %select_n3A_2593 : vector<16xi1>, vector<16xf32>
    %jit3A_2597 = arith.constant 1.000000e+00 : f32
    %broadcast_in_dim3A_2598 = vector.broadcast %jit3A_2597 : f32 to vector<16xf32>
    %select_n3A_2599 = arith.select %eq3A_2582, %broadcast_in_dim3A_2598, %select_n3A_2596 : vector<16xi1>, vector<16xf32>
    tpu.vector_store_idx %arg5[%add3A_2579, %select_n3A_2549], %select_n3A_2599 : memref<96x1024xf32, #tpu.memory_space<vmem>>[vector<16xi32>, vector<16xi32>], vector<16xf32>,
    %add3A_2600 = arith.constant 80 : i32
    %add3A_2601 = vector.broadcast %add3A_2600 : i32 to vector<16xi32>
    %add3A_2602 = arith.addi %add3A_2601, %iota3A : vector<16xi32>
    %eq3A_2603 = arith.constant 0 : i32
    %eq3A_2604 = vector.broadcast %eq3A_2603 : i32 to vector<16xi32>
    %eq3A_2605 = arith.cmpi eq, %select_n3A_2571, %eq3A_2604 : vector<16xi32>
    %eq3A_2606 = arith.constant 1 : i32
    %eq3A_2607 = vector.broadcast %eq3A_2606 : i32 to vector<16xi32>
    %eq3A_2608 = arith.cmpi eq, %select_n3A_2571, %eq3A_2607 : vector<16xi32>
    %eq3A_2609 = arith.constant 2 : i32
    %eq3A_2610 = vector.broadcast %eq3A_2609 : i32 to vector<16xi32>
    %eq3A_2611 = arith.cmpi eq, %select_n3A_2571, %eq3A_2610 : vector<16xi32>
    %jit3A_2612 = arith.constant 0.000000e+00 : f32
    %jit3A_2613 = arith.constant -1.000000e+03 : f32
    %broadcast_in_dim3A_2614 = vector.broadcast %jit3A_2612 : f32 to vector<16xf32>
    %broadcast_in_dim3A_2615 = vector.broadcast %jit3A_2613 : f32 to vector<16xf32>
    %select_n3A_2616 = arith.select %eq3A_2611, %broadcast_in_dim3A_2614, %broadcast_in_dim3A_2615 : vector<16xi1>, vector<16xf32>
    %jit3A_2617 = arith.constant 5.000000e-01 : f32
    %broadcast_in_dim3A_2618 = vector.broadcast %jit3A_2617 : f32 to vector<16xf32>
    %select_n3A_2619 = arith.select %eq3A_2608, %broadcast_in_dim3A_2618, %select_n3A_2616 : vector<16xi1>, vector<16xf32>
    %jit3A_2620 = arith.constant 1.000000e+00 : f32
    %broadcast_in_dim3A_2621 = vector.broadcast %jit3A_2620 : f32 to vector<16xf32>
    %select_n3A_2622 = arith.select %eq3A_2605, %broadcast_in_dim3A_2621, %select_n3A_2619 : vector<16xi1>, vector<16xf32>
    tpu.vector_store_idx %arg5[%add3A_2602, %select_n3A_2571], %select_n3A_2622 : memref<96x1024xf32, #tpu.memory_space<vmem>>[vector<16xi32>, vector<16xi32>], vector<16xf32>,
    %get3A_2623 = arith.constant 544 : index
    %get3A_2624 = tpu.vector_load %arg4[%get3A_2623] {strides = array<i32>} : memref<1024xi32, #tpu.memory_space<vmem>>, vector<16xi32>,
    %add3A_2625 = arith.constant 544 : i32
    %add3A_2626 = arith.addi %mul3A_2, %add3A_2625 : i32
    %add3A_2627 = arith.constant 0 : i32
    %add3A_2628 = arith.addi %add3A_2626, %add3A_2627 : i32
    %add3A_2629 = vector.broadcast %add3A_2628 : i32 to vector<16xi32>
    %add3A_2630 = arith.addi %add3A_2629, %iota3A : vector<16xi32>
    %and3A_2631 = arith.constant 2047 : i32
    %and3A_2632 = vector.broadcast %and3A_2631 : i32 to vector<16xi32>
    %and3A_2633 = arith.andi %add3A_2630, %and3A_2632 : vector<16xi32>
    %eq3A_2634 = arith.constant 2047 : i32
    %eq3A_2635 = vector.broadcast %eq3A_2634 : i32 to vector<16xi32>
    %eq3A_2636 = arith.cmpi eq, %and3A_2633, %eq3A_2635 : vector<16xi32>
    %jit3A_2637 = arith.constant 1023 : i32
    %broadcast_in_dim3A_2638 = vector.broadcast %jit3A_2637 : i32 to vector<16xi32>
    %select_n3A_2639 = arith.select %eq3A_2636, %broadcast_in_dim3A_2638, %get3A_2624 : vector<16xi1>, vector<16xi32>
    %jit3A_2640 = arith.constant -1.000000e+03 : f32
    %jit3A_2641 = arith.constant 5.000000e+00 : f32
    %broadcast_in_dim3A_2642 = vector.broadcast %jit3A_2640 : f32 to vector<16xf32>
    %broadcast_in_dim3A_2643 = vector.broadcast %jit3A_2641 : f32 to vector<16xf32>
    %select_n3A_2644 = arith.select %eq3A_2636, %broadcast_in_dim3A_2642, %broadcast_in_dim3A_2643 : vector<16xi1>, vector<16xf32>
    %get3A_2645 = arith.constant 560 : index
    %get3A_2646 = tpu.vector_load %arg4[%get3A_2645] {strides = array<i32>} : memref<1024xi32, #tpu.memory_space<vmem>>, vector<16xi32>,
    %add3A_2647 = arith.constant 544 : i32
    %add3A_2648 = arith.addi %mul3A_2, %add3A_2647 : i32
    %add3A_2649 = arith.constant 16 : i32
    %add3A_2650 = arith.addi %add3A_2648, %add3A_2649 : i32
    %add3A_2651 = vector.broadcast %add3A_2650 : i32 to vector<16xi32>
    %add3A_2652 = arith.addi %add3A_2651, %iota3A : vector<16xi32>
    %and3A_2653 = arith.constant 2047 : i32
    %and3A_2654 = vector.broadcast %and3A_2653 : i32 to vector<16xi32>
    %and3A_2655 = arith.andi %add3A_2652, %and3A_2654 : vector<16xi32>
    %eq3A_2656 = arith.constant 2047 : i32
    %eq3A_2657 = vector.broadcast %eq3A_2656 : i32 to vector<16xi32>
    %eq3A_2658 = arith.cmpi eq, %and3A_2655, %eq3A_2657 : vector<16xi32>
    %jit3A_2659 = arith.constant 1023 : i32
    %broadcast_in_dim3A_2660 = vector.broadcast %jit3A_2659 : i32 to vector<16xi32>
    %select_n3A_2661 = arith.select %eq3A_2658, %broadcast_in_dim3A_2660, %get3A_2646 : vector<16xi1>, vector<16xi32>
    %jit3A_2662 = arith.constant -1.000000e+03 : f32
    %jit3A_2663 = arith.constant 5.000000e+00 : f32
    %broadcast_in_dim3A_2664 = vector.broadcast %jit3A_2662 : f32 to vector<16xf32>
    %broadcast_in_dim3A_2665 = vector.broadcast %jit3A_2663 : f32 to vector<16xf32>
    %select_n3A_2666 = arith.select %eq3A_2658, %broadcast_in_dim3A_2664, %broadcast_in_dim3A_2665 : vector<16xi1>, vector<16xf32>
    %add3A_2667 = arith.constant 64 : i32
    %add3A_2668 = vector.broadcast %add3A_2667 : i32 to vector<16xi32>
    %add3A_2669 = arith.addi %add3A_2668, %iota3A : vector<16xi32>
    tpu.vector_store_idx %arg5[%add3A_2669, %select_n3A_2639], %select_n3A_2644 : memref<96x1024xf32, #tpu.memory_space<vmem>>[vector<16xi32>, vector<16xi32>], vector<16xf32>,
    %add3A_2670 = arith.constant 80 : i32
    %add3A_2671 = vector.broadcast %add3A_2670 : i32 to vector<16xi32>
    %add3A_2672 = arith.addi %add3A_2671, %iota3A : vector<16xi32>
    tpu.vector_store_idx %arg5[%add3A_2672, %select_n3A_2661], %select_n3A_2666 : memref<96x1024xf32, #tpu.memory_space<vmem>>[vector<16xi32>, vector<16xi32>], vector<16xf32>,
    %add3A_2673 = arith.constant 544 : i32
    %add3A_2674 = arith.addi %mul3A_2, %add3A_2673 : i32
    %dma_start3A_2675 = arith.constant 64 : i32
    %dma_start3A_2676 = arith.constant 0 : i32
    %dma_start3A_2677 = tpu.memref_slice %arg5[%dma_start3A_2675, %dma_start3A_2676] : memref<96x1024xf32, #tpu.memory_space<vmem>> -> memref<32x1024xf32, #tpu.memory_space<vmem>>
    %dma_start3A_2678 = arith.constant 0 : i32
    %dma_start3A_2679 = tpu.memref_slice %arg3[%add3A_2674, %dma_start3A_2678] : memref<32768x1024xf32, #tpu.memory_space<hbm>> -> memref<32x1024xf32, #tpu.memory_space<hbm>>
    %dma_start3A_2680 = arith.constant 0 : i32
    %dma_start3A_2681 = tpu.memref_slice %arg3[%add3A_2674, %dma_start3A_2680] : memref<32768x1024xf32, #tpu.memory_space<hbm>> -> memref<32x1024xf32, #tpu.memory_space<hbm>>
    %dma_start3A_2682 = arith.constant 64 : i32
    %dma_start3A_2683 = arith.constant 0 : i32
    %dma_start3A_2684 = tpu.memref_slice %arg5[%dma_start3A_2682, %dma_start3A_2683] : memref<96x1024xf32, #tpu.memory_space<vmem>> -> memref<32x1024xf32, #tpu.memory_space<vmem>>
    tpu.enqueue_dma source(%dma_start3A_2684 : memref<32x1024xf32, #tpu.memory_space<vmem>>) target(%dma_start3A_2681 : memref<32x1024xf32, #tpu.memory_space<hbm>>) target_semaphore(%arg8 : memref<!tpu.dma_semaphore, #tpu.memory_space<semaphore_mem>>)
    %dma_wait3A_2685 = arith.constant 0 : i32
    %dma_wait3A_2686 = arith.constant 0 : i32
    %dma_wait3A_2687 = tpu.memref_slice %arg5[%dma_wait3A_2685, %dma_wait3A_2686] : memref<96x1024xf32, #tpu.memory_space<vmem>> -> memref<32x1024xf32, #tpu.memory_space<vmem>>
    %dma_wait3A_2688 = arith.constant 0 : i32
    %dma_wait3A_2689 = tpu.memref_slice %arg3[%add3A_2350, %dma_wait3A_2688] : memref<32768x1024xf32, #tpu.memory_space<hbm>> -> memref<32x1024xf32, #tpu.memory_space<hbm>>
    %dma_wait3A_2690 = arith.constant 0 : i32
    %dma_wait3A_2691 = tpu.memref_slice %arg3[%add3A_2350, %dma_wait3A_2690] : memref<32768x1024xf32, #tpu.memory_space<hbm>> -> memref<32x1024xf32, #tpu.memory_space<hbm>>
    %dma_wait3A_2692 = arith.constant 0 : i32
    %dma_wait3A_2693 = arith.constant 0 : i32
    %dma_wait3A_2694 = tpu.memref_slice %arg5[%dma_wait3A_2692, %dma_wait3A_2693] : memref<96x1024xf32, #tpu.memory_space<vmem>> -> memref<32x1024xf32, #tpu.memory_space<vmem>>
    tpu.wait_dma2 semaphore(%arg6 : memref<!tpu.dma_semaphore, #tpu.memory_space<semaphore_mem>>) src(%dma_wait3A_2694 : memref<32x1024xf32, #tpu.memory_space<vmem>>) dst(%dma_wait3A_2691 : memref<32x1024xf32, #tpu.memory_space<hbm>>)
    %get3A_2695 = arith.constant 480 : index
    %get3A_2696 = tpu.vector_load %arg4[%get3A_2695] {strides = array<i32>} : memref<1024xi32, #tpu.memory_space<vmem>>, vector<16xi32>,
    %add3A_2697 = arith.constant 480 : i32
    %add3A_2698 = arith.addi %mul3A_2, %add3A_2697 : i32
    %add3A_2699 = arith.constant 0 : i32
    %add3A_2700 = arith.addi %add3A_2698, %add3A_2699 : i32
    %add3A_2701 = vector.broadcast %add3A_2700 : i32 to vector<16xi32>
    %add3A_2702 = arith.addi %add3A_2701, %iota3A : vector<16xi32>
    %and3A_2703 = arith.constant 2047 : i32
    %and3A_2704 = vector.broadcast %and3A_2703 : i32 to vector<16xi32>
    %and3A_2705 = arith.andi %add3A_2702, %and3A_2704 : vector<16xi32>
    %eq3A_2706 = arith.constant 2047 : i32
    %eq3A_2707 = vector.broadcast %eq3A_2706 : i32 to vector<16xi32>
    %eq3A_2708 = arith.cmpi eq, %and3A_2705, %eq3A_2707 : vector<16xi32>
    %jit3A_2709 = arith.constant 1023 : i32
    %broadcast_in_dim3A_2710 = vector.broadcast %jit3A_2709 : i32 to vector<16xi32>
    %select_n3A_2711 = arith.select %eq3A_2708, %broadcast_in_dim3A_2710, %get3A_2696 : vector<16xi1>, vector<16xi32>
    %jit3A_2712 = arith.constant -1.000000e+03 : f32
    %jit3A_2713 = arith.constant 5.000000e+00 : f32
    %broadcast_in_dim3A_2714 = vector.broadcast %jit3A_2712 : f32 to vector<16xf32>
    %broadcast_in_dim3A_2715 = vector.broadcast %jit3A_2713 : f32 to vector<16xf32>
    %select_n3A_2716 = arith.select %eq3A_2708, %broadcast_in_dim3A_2714, %broadcast_in_dim3A_2715 : vector<16xi1>, vector<16xf32>
    %get3A_2717 = arith.constant 496 : index
    %get3A_2718 = tpu.vector_load %arg4[%get3A_2717] {strides = array<i32>} : memref<1024xi32, #tpu.memory_space<vmem>>, vector<16xi32>,
    %add3A_2719 = arith.constant 480 : i32
    %add3A_2720 = arith.addi %mul3A_2, %add3A_2719 : i32
    %add3A_2721 = arith.constant 16 : i32
    %add3A_2722 = arith.addi %add3A_2720, %add3A_2721 : i32
    %add3A_2723 = vector.broadcast %add3A_2722 : i32 to vector<16xi32>
    %add3A_2724 = arith.addi %add3A_2723, %iota3A : vector<16xi32>
    %and3A_2725 = arith.constant 2047 : i32
    %and3A_2726 = vector.broadcast %and3A_2725 : i32 to vector<16xi32>
    %and3A_2727 = arith.andi %add3A_2724, %and3A_2726 : vector<16xi32>
    %eq3A_2728 = arith.constant 2047 : i32
    %eq3A_2729 = vector.broadcast %eq3A_2728 : i32 to vector<16xi32>
    %eq3A_2730 = arith.cmpi eq, %and3A_2727, %eq3A_2729 : vector<16xi32>
    %jit3A_2731 = arith.constant 1023 : i32
    %broadcast_in_dim3A_2732 = vector.broadcast %jit3A_2731 : i32 to vector<16xi32>
    %select_n3A_2733 = arith.select %eq3A_2730, %broadcast_in_dim3A_2732, %get3A_2718 : vector<16xi1>, vector<16xi32>
    %jit3A_2734 = arith.constant -1.000000e+03 : f32
    %jit3A_2735 = arith.constant 5.000000e+00 : f32
    %broadcast_in_dim3A_2736 = vector.broadcast %jit3A_2734 : f32 to vector<16xf32>
    %broadcast_in_dim3A_2737 = vector.broadcast %jit3A_2735 : f32 to vector<16xf32>
    %select_n3A_2738 = arith.select %eq3A_2730, %broadcast_in_dim3A_2736, %broadcast_in_dim3A_2737 : vector<16xi1>, vector<16xf32>
    %add3A_2739 = arith.constant 0 : i32
    %add3A_2740 = vector.broadcast %add3A_2739 : i32 to vector<16xi32>
    %add3A_2741 = arith.addi %add3A_2740, %iota3A : vector<16xi32>
    %eq3A_2742 = arith.constant 0 : i32
    %eq3A_2743 = vector.broadcast %eq3A_2742 : i32 to vector<16xi32>
    %eq3A_2744 = arith.cmpi eq, %select_n3A_2711, %eq3A_2743 : vector<16xi32>
    %eq3A_2745 = arith.constant 1 : i32
    %eq3A_2746 = vector.broadcast %eq3A_2745 : i32 to vector<16xi32>
    %eq3A_2747 = arith.cmpi eq, %select_n3A_2711, %eq3A_2746 : vector<16xi32>
    %eq3A_2748 = arith.constant 2 : i32
    %eq3A_2749 = vector.broadcast %eq3A_2748 : i32 to vector<16xi32>
    %eq3A_2750 = arith.cmpi eq, %select_n3A_2711, %eq3A_2749 : vector<16xi32>
    %jit3A_2751 = arith.constant 0.000000e+00 : f32
    %jit3A_2752 = arith.constant -1.000000e+03 : f32
    %broadcast_in_dim3A_2753 = vector.broadcast %jit3A_2751 : f32 to vector<16xf32>
    %broadcast_in_dim3A_2754 = vector.broadcast %jit3A_2752 : f32 to vector<16xf32>
    %select_n3A_2755 = arith.select %eq3A_2750, %broadcast_in_dim3A_2753, %broadcast_in_dim3A_2754 : vector<16xi1>, vector<16xf32>
    %jit3A_2756 = arith.constant 5.000000e-01 : f32
    %broadcast_in_dim3A_2757 = vector.broadcast %jit3A_2756 : f32 to vector<16xf32>
    %select_n3A_2758 = arith.select %eq3A_2747, %broadcast_in_dim3A_2757, %select_n3A_2755 : vector<16xi1>, vector<16xf32>
    %jit3A_2759 = arith.constant 1.000000e+00 : f32
    %broadcast_in_dim3A_2760 = vector.broadcast %jit3A_2759 : f32 to vector<16xf32>
    %select_n3A_2761 = arith.select %eq3A_2744, %broadcast_in_dim3A_2760, %select_n3A_2758 : vector<16xi1>, vector<16xf32>
    tpu.vector_store_idx %arg5[%add3A_2741, %select_n3A_2711], %select_n3A_2761 : memref<96x1024xf32, #tpu.memory_space<vmem>>[vector<16xi32>, vector<16xi32>], vector<16xf32>,
    %add3A_2762 = arith.constant 16 : i32
    %add3A_2763 = vector.broadcast %add3A_2762 : i32 to vector<16xi32>
    %add3A_2764 = arith.addi %add3A_2763, %iota3A : vector<16xi32>
    %eq3A_2765 = arith.constant 0 : i32
    %eq3A_2766 = vector.broadcast %eq3A_2765 : i32 to vector<16xi32>
    %eq3A_2767 = arith.cmpi eq, %select_n3A_2733, %eq3A_2766 : vector<16xi32>
    %eq3A_2768 = arith.constant 1 : i32
    %eq3A_2769 = vector.broadcast %eq3A_2768 : i32 to vector<16xi32>
    %eq3A_2770 = arith.cmpi eq, %select_n3A_2733, %eq3A_2769 : vector<16xi32>
    %eq3A_2771 = arith.constant 2 : i32
    %eq3A_2772 = vector.broadcast %eq3A_2771 : i32 to vector<16xi32>
    %eq3A_2773 = arith.cmpi eq, %select_n3A_2733, %eq3A_2772 : vector<16xi32>
    %jit3A_2774 = arith.constant 0.000000e+00 : f32
    %jit3A_2775 = arith.constant -1.000000e+03 : f32
    %broadcast_in_dim3A_2776 = vector.broadcast %jit3A_2774 : f32 to vector<16xf32>
    %broadcast_in_dim3A_2777 = vector.broadcast %jit3A_2775 : f32 to vector<16xf32>
    %select_n3A_2778 = arith.select %eq3A_2773, %broadcast_in_dim3A_2776, %broadcast_in_dim3A_2777 : vector<16xi1>, vector<16xf32>
    %jit3A_2779 = arith.constant 5.000000e-01 : f32
    %broadcast_in_dim3A_2780 = vector.broadcast %jit3A_2779 : f32 to vector<16xf32>
    %select_n3A_2781 = arith.select %eq3A_2770, %broadcast_in_dim3A_2780, %select_n3A_2778 : vector<16xi1>, vector<16xf32>
    %jit3A_2782 = arith.constant 1.000000e+00 : f32
    %broadcast_in_dim3A_2783 = vector.broadcast %jit3A_2782 : f32 to vector<16xf32>
    %select_n3A_2784 = arith.select %eq3A_2767, %broadcast_in_dim3A_2783, %select_n3A_2781 : vector<16xi1>, vector<16xf32>
    tpu.vector_store_idx %arg5[%add3A_2764, %select_n3A_2733], %select_n3A_2784 : memref<96x1024xf32, #tpu.memory_space<vmem>>[vector<16xi32>, vector<16xi32>], vector<16xf32>,
    %get3A_2785 = arith.constant 576 : index
    %get3A_2786 = tpu.vector_load %arg4[%get3A_2785] {strides = array<i32>} : memref<1024xi32, #tpu.memory_space<vmem>>, vector<16xi32>,
    %add3A_2787 = arith.constant 576 : i32
    %add3A_2788 = arith.addi %mul3A_2, %add3A_2787 : i32
    %add3A_2789 = arith.constant 0 : i32
    %add3A_2790 = arith.addi %add3A_2788, %add3A_2789 : i32
    %add3A_2791 = vector.broadcast %add3A_2790 : i32 to vector<16xi32>
    %add3A_2792 = arith.addi %add3A_2791, %iota3A : vector<16xi32>
    %and3A_2793 = arith.constant 2047 : i32
    %and3A_2794 = vector.broadcast %and3A_2793 : i32 to vector<16xi32>
    %and3A_2795 = arith.andi %add3A_2792, %and3A_2794 : vector<16xi32>
    %eq3A_2796 = arith.constant 2047 : i32
    %eq3A_2797 = vector.broadcast %eq3A_2796 : i32 to vector<16xi32>
    %eq3A_2798 = arith.cmpi eq, %and3A_2795, %eq3A_2797 : vector<16xi32>
    %jit3A_2799 = arith.constant 1023 : i32
    %broadcast_in_dim3A_2800 = vector.broadcast %jit3A_2799 : i32 to vector<16xi32>
    %select_n3A_2801 = arith.select %eq3A_2798, %broadcast_in_dim3A_2800, %get3A_2786 : vector<16xi1>, vector<16xi32>
    %jit3A_2802 = arith.constant -1.000000e+03 : f32
    %jit3A_2803 = arith.constant 5.000000e+00 : f32
    %broadcast_in_dim3A_2804 = vector.broadcast %jit3A_2802 : f32 to vector<16xf32>
    %broadcast_in_dim3A_2805 = vector.broadcast %jit3A_2803 : f32 to vector<16xf32>
    %select_n3A_2806 = arith.select %eq3A_2798, %broadcast_in_dim3A_2804, %broadcast_in_dim3A_2805 : vector<16xi1>, vector<16xf32>
    %get3A_2807 = arith.constant 592 : index
    %get3A_2808 = tpu.vector_load %arg4[%get3A_2807] {strides = array<i32>} : memref<1024xi32, #tpu.memory_space<vmem>>, vector<16xi32>,
    %add3A_2809 = arith.constant 576 : i32
    %add3A_2810 = arith.addi %mul3A_2, %add3A_2809 : i32
    %add3A_2811 = arith.constant 16 : i32
    %add3A_2812 = arith.addi %add3A_2810, %add3A_2811 : i32
    %add3A_2813 = vector.broadcast %add3A_2812 : i32 to vector<16xi32>
    %add3A_2814 = arith.addi %add3A_2813, %iota3A : vector<16xi32>
    %and3A_2815 = arith.constant 2047 : i32
    %and3A_2816 = vector.broadcast %and3A_2815 : i32 to vector<16xi32>
    %and3A_2817 = arith.andi %add3A_2814, %and3A_2816 : vector<16xi32>
    %eq3A_2818 = arith.constant 2047 : i32
    %eq3A_2819 = vector.broadcast %eq3A_2818 : i32 to vector<16xi32>
    %eq3A_2820 = arith.cmpi eq, %and3A_2817, %eq3A_2819 : vector<16xi32>
    %jit3A_2821 = arith.constant 1023 : i32
    %broadcast_in_dim3A_2822 = vector.broadcast %jit3A_2821 : i32 to vector<16xi32>
    %select_n3A_2823 = arith.select %eq3A_2820, %broadcast_in_dim3A_2822, %get3A_2808 : vector<16xi1>, vector<16xi32>
    %jit3A_2824 = arith.constant -1.000000e+03 : f32
    %jit3A_2825 = arith.constant 5.000000e+00 : f32
    %broadcast_in_dim3A_2826 = vector.broadcast %jit3A_2824 : f32 to vector<16xf32>
    %broadcast_in_dim3A_2827 = vector.broadcast %jit3A_2825 : f32 to vector<16xf32>
    %select_n3A_2828 = arith.select %eq3A_2820, %broadcast_in_dim3A_2826, %broadcast_in_dim3A_2827 : vector<16xi1>, vector<16xf32>
    %add3A_2829 = arith.constant 0 : i32
    %add3A_2830 = vector.broadcast %add3A_2829 : i32 to vector<16xi32>
    %add3A_2831 = arith.addi %add3A_2830, %iota3A : vector<16xi32>
    tpu.vector_store_idx %arg5[%add3A_2831, %select_n3A_2801], %select_n3A_2806 : memref<96x1024xf32, #tpu.memory_space<vmem>>[vector<16xi32>, vector<16xi32>], vector<16xf32>,
    %add3A_2832 = arith.constant 16 : i32
    %add3A_2833 = vector.broadcast %add3A_2832 : i32 to vector<16xi32>
    %add3A_2834 = arith.addi %add3A_2833, %iota3A : vector<16xi32>
    tpu.vector_store_idx %arg5[%add3A_2834, %select_n3A_2823], %select_n3A_2828 : memref<96x1024xf32, #tpu.memory_space<vmem>>[vector<16xi32>, vector<16xi32>], vector<16xf32>,
    %add3A_2835 = arith.constant 576 : i32
    %add3A_2836 = arith.addi %mul3A_2, %add3A_2835 : i32
    %dma_start3A_2837 = arith.constant 0 : i32
    %dma_start3A_2838 = arith.constant 0 : i32
    %dma_start3A_2839 = tpu.memref_slice %arg5[%dma_start3A_2837, %dma_start3A_2838] : memref<96x1024xf32, #tpu.memory_space<vmem>> -> memref<32x1024xf32, #tpu.memory_space<vmem>>
    %dma_start3A_2840 = arith.constant 0 : i32
    %dma_start3A_2841 = tpu.memref_slice %arg3[%add3A_2836, %dma_start3A_2840] : memref<32768x1024xf32, #tpu.memory_space<hbm>> -> memref<32x1024xf32, #tpu.memory_space<hbm>>
    %dma_start3A_2842 = arith.constant 0 : i32
    %dma_start3A_2843 = tpu.memref_slice %arg3[%add3A_2836, %dma_start3A_2842] : memref<32768x1024xf32, #tpu.memory_space<hbm>> -> memref<32x1024xf32, #tpu.memory_space<hbm>>
    %dma_start3A_2844 = arith.constant 0 : i32
    %dma_start3A_2845 = arith.constant 0 : i32
    %dma_start3A_2846 = tpu.memref_slice %arg5[%dma_start3A_2844, %dma_start3A_2845] : memref<96x1024xf32, #tpu.memory_space<vmem>> -> memref<32x1024xf32, #tpu.memory_space<vmem>>
    tpu.enqueue_dma source(%dma_start3A_2846 : memref<32x1024xf32, #tpu.memory_space<vmem>>) target(%dma_start3A_2843 : memref<32x1024xf32, #tpu.memory_space<hbm>>) target_semaphore(%arg6 : memref<!tpu.dma_semaphore, #tpu.memory_space<semaphore_mem>>)
    %dma_wait3A_2847 = arith.constant 32 : i32
    %dma_wait3A_2848 = arith.constant 0 : i32
    %dma_wait3A_2849 = tpu.memref_slice %arg5[%dma_wait3A_2847, %dma_wait3A_2848] : memref<96x1024xf32, #tpu.memory_space<vmem>> -> memref<32x1024xf32, #tpu.memory_space<vmem>>
    %dma_wait3A_2850 = arith.constant 0 : i32
    %dma_wait3A_2851 = tpu.memref_slice %arg3[%add3A_2512, %dma_wait3A_2850] : memref<32768x1024xf32, #tpu.memory_space<hbm>> -> memref<32x1024xf32, #tpu.memory_space<hbm>>
    %dma_wait3A_2852 = arith.constant 0 : i32
    %dma_wait3A_2853 = tpu.memref_slice %arg3[%add3A_2512, %dma_wait3A_2852] : memref<32768x1024xf32, #tpu.memory_space<hbm>> -> memref<32x1024xf32, #tpu.memory_space<hbm>>
    %dma_wait3A_2854 = arith.constant 32 : i32
    %dma_wait3A_2855 = arith.constant 0 : i32
    %dma_wait3A_2856 = tpu.memref_slice %arg5[%dma_wait3A_2854, %dma_wait3A_2855] : memref<96x1024xf32, #tpu.memory_space<vmem>> -> memref<32x1024xf32, #tpu.memory_space<vmem>>
    tpu.wait_dma2 semaphore(%arg7 : memref<!tpu.dma_semaphore, #tpu.memory_space<semaphore_mem>>) src(%dma_wait3A_2856 : memref<32x1024xf32, #tpu.memory_space<vmem>>) dst(%dma_wait3A_2853 : memref<32x1024xf32, #tpu.memory_space<hbm>>)
    %get3A_2857 = arith.constant 512 : index
    %get3A_2858 = tpu.vector_load %arg4[%get3A_2857] {strides = array<i32>} : memref<1024xi32, #tpu.memory_space<vmem>>, vector<16xi32>,
    %add3A_2859 = arith.constant 512 : i32
    %add3A_2860 = arith.addi %mul3A_2, %add3A_2859 : i32
    %add3A_2861 = arith.constant 0 : i32
    %add3A_2862 = arith.addi %add3A_2860, %add3A_2861 : i32
    %add3A_2863 = vector.broadcast %add3A_2862 : i32 to vector<16xi32>
    %add3A_2864 = arith.addi %add3A_2863, %iota3A : vector<16xi32>
    %and3A_2865 = arith.constant 2047 : i32
    %and3A_2866 = vector.broadcast %and3A_2865 : i32 to vector<16xi32>
    %and3A_2867 = arith.andi %add3A_2864, %and3A_2866 : vector<16xi32>
    %eq3A_2868 = arith.constant 2047 : i32
    %eq3A_2869 = vector.broadcast %eq3A_2868 : i32 to vector<16xi32>
    %eq3A_2870 = arith.cmpi eq, %and3A_2867, %eq3A_2869 : vector<16xi32>
    %jit3A_2871 = arith.constant 1023 : i32
    %broadcast_in_dim3A_2872 = vector.broadcast %jit3A_2871 : i32 to vector<16xi32>
    %select_n3A_2873 = arith.select %eq3A_2870, %broadcast_in_dim3A_2872, %get3A_2858 : vector<16xi1>, vector<16xi32>
    %jit3A_2874 = arith.constant -1.000000e+03 : f32
    %jit3A_2875 = arith.constant 5.000000e+00 : f32
    %broadcast_in_dim3A_2876 = vector.broadcast %jit3A_2874 : f32 to vector<16xf32>
    %broadcast_in_dim3A_2877 = vector.broadcast %jit3A_2875 : f32 to vector<16xf32>
    %select_n3A_2878 = arith.select %eq3A_2870, %broadcast_in_dim3A_2876, %broadcast_in_dim3A_2877 : vector<16xi1>, vector<16xf32>
    %get3A_2879 = arith.constant 528 : index
    %get3A_2880 = tpu.vector_load %arg4[%get3A_2879] {strides = array<i32>} : memref<1024xi32, #tpu.memory_space<vmem>>, vector<16xi32>,
    %add3A_2881 = arith.constant 512 : i32
    %add3A_2882 = arith.addi %mul3A_2, %add3A_2881 : i32
    %add3A_2883 = arith.constant 16 : i32
    %add3A_2884 = arith.addi %add3A_2882, %add3A_2883 : i32
    %add3A_2885 = vector.broadcast %add3A_2884 : i32 to vector<16xi32>
    %add3A_2886 = arith.addi %add3A_2885, %iota3A : vector<16xi32>
    %and3A_2887 = arith.constant 2047 : i32
    %and3A_2888 = vector.broadcast %and3A_2887 : i32 to vector<16xi32>
    %and3A_2889 = arith.andi %add3A_2886, %and3A_2888 : vector<16xi32>
    %eq3A_2890 = arith.constant 2047 : i32
    %eq3A_2891 = vector.broadcast %eq3A_2890 : i32 to vector<16xi32>
    %eq3A_2892 = arith.cmpi eq, %and3A_2889, %eq3A_2891 : vector<16xi32>
    %jit3A_2893 = arith.constant 1023 : i32
    %broadcast_in_dim3A_2894 = vector.broadcast %jit3A_2893 : i32 to vector<16xi32>
    %select_n3A_2895 = arith.select %eq3A_2892, %broadcast_in_dim3A_2894, %get3A_2880 : vector<16xi1>, vector<16xi32>
    %jit3A_2896 = arith.constant -1.000000e+03 : f32
    %jit3A_2897 = arith.constant 5.000000e+00 : f32
    %broadcast_in_dim3A_2898 = vector.broadcast %jit3A_2896 : f32 to vector<16xf32>
    %broadcast_in_dim3A_2899 = vector.broadcast %jit3A_2897 : f32 to vector<16xf32>
    %select_n3A_2900 = arith.select %eq3A_2892, %broadcast_in_dim3A_2898, %broadcast_in_dim3A_2899 : vector<16xi1>, vector<16xf32>
    %add3A_2901 = arith.constant 32 : i32
    %add3A_2902 = vector.broadcast %add3A_2901 : i32 to vector<16xi32>
    %add3A_2903 = arith.addi %add3A_2902, %iota3A : vector<16xi32>
    %eq3A_2904 = arith.constant 0 : i32
    %eq3A_2905 = vector.broadcast %eq3A_2904 : i32 to vector<16xi32>
    %eq3A_2906 = arith.cmpi eq, %select_n3A_2873, %eq3A_2905 : vector<16xi32>
    %eq3A_2907 = arith.constant 1 : i32
    %eq3A_2908 = vector.broadcast %eq3A_2907 : i32 to vector<16xi32>
    %eq3A_2909 = arith.cmpi eq, %select_n3A_2873, %eq3A_2908 : vector<16xi32>
    %eq3A_2910 = arith.constant 2 : i32
    %eq3A_2911 = vector.broadcast %eq3A_2910 : i32 to vector<16xi32>
    %eq3A_2912 = arith.cmpi eq, %select_n3A_2873, %eq3A_2911 : vector<16xi32>
    %jit3A_2913 = arith.constant 0.000000e+00 : f32
    %jit3A_2914 = arith.constant -1.000000e+03 : f32
    %broadcast_in_dim3A_2915 = vector.broadcast %jit3A_2913 : f32 to vector<16xf32>
    %broadcast_in_dim3A_2916 = vector.broadcast %jit3A_2914 : f32 to vector<16xf32>
    %select_n3A_2917 = arith.select %eq3A_2912, %broadcast_in_dim3A_2915, %broadcast_in_dim3A_2916 : vector<16xi1>, vector<16xf32>
    %jit3A_2918 = arith.constant 5.000000e-01 : f32
    %broadcast_in_dim3A_2919 = vector.broadcast %jit3A_2918 : f32 to vector<16xf32>
    %select_n3A_2920 = arith.select %eq3A_2909, %broadcast_in_dim3A_2919, %select_n3A_2917 : vector<16xi1>, vector<16xf32>
    %jit3A_2921 = arith.constant 1.000000e+00 : f32
    %broadcast_in_dim3A_2922 = vector.broadcast %jit3A_2921 : f32 to vector<16xf32>
    %select_n3A_2923 = arith.select %eq3A_2906, %broadcast_in_dim3A_2922, %select_n3A_2920 : vector<16xi1>, vector<16xf32>
    tpu.vector_store_idx %arg5[%add3A_2903, %select_n3A_2873], %select_n3A_2923 : memref<96x1024xf32, #tpu.memory_space<vmem>>[vector<16xi32>, vector<16xi32>], vector<16xf32>,
    %add3A_2924 = arith.constant 48 : i32
    %add3A_2925 = vector.broadcast %add3A_2924 : i32 to vector<16xi32>
    %add3A_2926 = arith.addi %add3A_2925, %iota3A : vector<16xi32>
    %eq3A_2927 = arith.constant 0 : i32
    %eq3A_2928 = vector.broadcast %eq3A_2927 : i32 to vector<16xi32>
    %eq3A_2929 = arith.cmpi eq, %select_n3A_2895, %eq3A_2928 : vector<16xi32>
    %eq3A_2930 = arith.constant 1 : i32
    %eq3A_2931 = vector.broadcast %eq3A_2930 : i32 to vector<16xi32>
    %eq3A_2932 = arith.cmpi eq, %select_n3A_2895, %eq3A_2931 : vector<16xi32>
    %eq3A_2933 = arith.constant 2 : i32
    %eq3A_2934 = vector.broadcast %eq3A_2933 : i32 to vector<16xi32>
    %eq3A_2935 = arith.cmpi eq, %select_n3A_2895, %eq3A_2934 : vector<16xi32>
    %jit3A_2936 = arith.constant 0.000000e+00 : f32
    %jit3A_2937 = arith.constant -1.000000e+03 : f32
    %broadcast_in_dim3A_2938 = vector.broadcast %jit3A_2936 : f32 to vector<16xf32>
    %broadcast_in_dim3A_2939 = vector.broadcast %jit3A_2937 : f32 to vector<16xf32>
    %select_n3A_2940 = arith.select %eq3A_2935, %broadcast_in_dim3A_2938, %broadcast_in_dim3A_2939 : vector<16xi1>, vector<16xf32>
    %jit3A_2941 = arith.constant 5.000000e-01 : f32
    %broadcast_in_dim3A_2942 = vector.broadcast %jit3A_2941 : f32 to vector<16xf32>
    %select_n3A_2943 = arith.select %eq3A_2932, %broadcast_in_dim3A_2942, %select_n3A_2940 : vector<16xi1>, vector<16xf32>
    %jit3A_2944 = arith.constant 1.000000e+00 : f32
    %broadcast_in_dim3A_2945 = vector.broadcast %jit3A_2944 : f32 to vector<16xf32>
    %select_n3A_2946 = arith.select %eq3A_2929, %broadcast_in_dim3A_2945, %select_n3A_2943 : vector<16xi1>, vector<16xf32>
    tpu.vector_store_idx %arg5[%add3A_2926, %select_n3A_2895], %select_n3A_2946 : memref<96x1024xf32, #tpu.memory_space<vmem>>[vector<16xi32>, vector<16xi32>], vector<16xf32>,
    %get3A_2947 = arith.constant 608 : index
    %get3A_2948 = tpu.vector_load %arg4[%get3A_2947] {strides = array<i32>} : memref<1024xi32, #tpu.memory_space<vmem>>, vector<16xi32>,
    %add3A_2949 = arith.constant 608 : i32
    %add3A_2950 = arith.addi %mul3A_2, %add3A_2949 : i32
    %add3A_2951 = arith.constant 0 : i32
    %add3A_2952 = arith.addi %add3A_2950, %add3A_2951 : i32
    %add3A_2953 = vector.broadcast %add3A_2952 : i32 to vector<16xi32>
    %add3A_2954 = arith.addi %add3A_2953, %iota3A : vector<16xi32>
    %and3A_2955 = arith.constant 2047 : i32
    %and3A_2956 = vector.broadcast %and3A_2955 : i32 to vector<16xi32>
    %and3A_2957 = arith.andi %add3A_2954, %and3A_2956 : vector<16xi32>
    %eq3A_2958 = arith.constant 2047 : i32
    %eq3A_2959 = vector.broadcast %eq3A_2958 : i32 to vector<16xi32>
    %eq3A_2960 = arith.cmpi eq, %and3A_2957, %eq3A_2959 : vector<16xi32>
    %jit3A_2961 = arith.constant 1023 : i32
    %broadcast_in_dim3A_2962 = vector.broadcast %jit3A_2961 : i32 to vector<16xi32>
    %select_n3A_2963 = arith.select %eq3A_2960, %broadcast_in_dim3A_2962, %get3A_2948 : vector<16xi1>, vector<16xi32>
    %jit3A_2964 = arith.constant -1.000000e+03 : f32
    %jit3A_2965 = arith.constant 5.000000e+00 : f32
    %broadcast_in_dim3A_2966 = vector.broadcast %jit3A_2964 : f32 to vector<16xf32>
    %broadcast_in_dim3A_2967 = vector.broadcast %jit3A_2965 : f32 to vector<16xf32>
    %select_n3A_2968 = arith.select %eq3A_2960, %broadcast_in_dim3A_2966, %broadcast_in_dim3A_2967 : vector<16xi1>, vector<16xf32>
    %get3A_2969 = arith.constant 624 : index
    %get3A_2970 = tpu.vector_load %arg4[%get3A_2969] {strides = array<i32>} : memref<1024xi32, #tpu.memory_space<vmem>>, vector<16xi32>,
    %add3A_2971 = arith.constant 608 : i32
    %add3A_2972 = arith.addi %mul3A_2, %add3A_2971 : i32
    %add3A_2973 = arith.constant 16 : i32
    %add3A_2974 = arith.addi %add3A_2972, %add3A_2973 : i32
    %add3A_2975 = vector.broadcast %add3A_2974 : i32 to vector<16xi32>
    %add3A_2976 = arith.addi %add3A_2975, %iota3A : vector<16xi32>
    %and3A_2977 = arith.constant 2047 : i32
    %and3A_2978 = vector.broadcast %and3A_2977 : i32 to vector<16xi32>
    %and3A_2979 = arith.andi %add3A_2976, %and3A_2978 : vector<16xi32>
    %eq3A_2980 = arith.constant 2047 : i32
    %eq3A_2981 = vector.broadcast %eq3A_2980 : i32 to vector<16xi32>
    %eq3A_2982 = arith.cmpi eq, %and3A_2979, %eq3A_2981 : vector<16xi32>
    %jit3A_2983 = arith.constant 1023 : i32
    %broadcast_in_dim3A_2984 = vector.broadcast %jit3A_2983 : i32 to vector<16xi32>
    %select_n3A_2985 = arith.select %eq3A_2982, %broadcast_in_dim3A_2984, %get3A_2970 : vector<16xi1>, vector<16xi32>
    %jit3A_2986 = arith.constant -1.000000e+03 : f32
    %jit3A_2987 = arith.constant 5.000000e+00 : f32
    %broadcast_in_dim3A_2988 = vector.broadcast %jit3A_2986 : f32 to vector<16xf32>
    %broadcast_in_dim3A_2989 = vector.broadcast %jit3A_2987 : f32 to vector<16xf32>
    %select_n3A_2990 = arith.select %eq3A_2982, %broadcast_in_dim3A_2988, %broadcast_in_dim3A_2989 : vector<16xi1>, vector<16xf32>
    %add3A_2991 = arith.constant 32 : i32
    %add3A_2992 = vector.broadcast %add3A_2991 : i32 to vector<16xi32>
    %add3A_2993 = arith.addi %add3A_2992, %iota3A : vector<16xi32>
    tpu.vector_store_idx %arg5[%add3A_2993, %select_n3A_2963], %select_n3A_2968 : memref<96x1024xf32, #tpu.memory_space<vmem>>[vector<16xi32>, vector<16xi32>], vector<16xf32>,
    %add3A_2994 = arith.constant 48 : i32
    %add3A_2995 = vector.broadcast %add3A_2994 : i32 to vector<16xi32>
    %add3A_2996 = arith.addi %add3A_2995, %iota3A : vector<16xi32>
    tpu.vector_store_idx %arg5[%add3A_2996, %select_n3A_2985], %select_n3A_2990 : memref<96x1024xf32, #tpu.memory_space<vmem>>[vector<16xi32>, vector<16xi32>], vector<16xf32>,
    %add3A_2997 = arith.constant 608 : i32
    %add3A_2998 = arith.addi %mul3A_2, %add3A_2997 : i32
    %dma_start3A_2999 = arith.constant 32 : i32
    %dma_start3A_3000 = arith.constant 0 : i32
    %dma_start3A_3001 = tpu.memref_slice %arg5[%dma_start3A_2999, %dma_start3A_3000] : memref<96x1024xf32, #tpu.memory_space<vmem>> -> memref<32x1024xf32, #tpu.memory_space<vmem>>
    %dma_start3A_3002 = arith.constant 0 : i32
    %dma_start3A_3003 = tpu.memref_slice %arg3[%add3A_2998, %dma_start3A_3002] : memref<32768x1024xf32, #tpu.memory_space<hbm>> -> memref<32x1024xf32, #tpu.memory_space<hbm>>
    %dma_start3A_3004 = arith.constant 0 : i32
    %dma_start3A_3005 = tpu.memref_slice %arg3[%add3A_2998, %dma_start3A_3004] : memref<32768x1024xf32, #tpu.memory_space<hbm>> -> memref<32x1024xf32, #tpu.memory_space<hbm>>
    %dma_start3A_3006 = arith.constant 32 : i32
    %dma_start3A_3007 = arith.constant 0 : i32
    %dma_start3A_3008 = tpu.memref_slice %arg5[%dma_start3A_3006, %dma_start3A_3007] : memref<96x1024xf32, #tpu.memory_space<vmem>> -> memref<32x1024xf32, #tpu.memory_space<vmem>>
    tpu.enqueue_dma source(%dma_start3A_3008 : memref<32x1024xf32, #tpu.memory_space<vmem>>) target(%dma_start3A_3005 : memref<32x1024xf32, #tpu.memory_space<hbm>>) target_semaphore(%arg7 : memref<!tpu.dma_semaphore, #tpu.memory_space<semaphore_mem>>)
    %dma_wait3A_3009 = arith.constant 64 : i32
    %dma_wait3A_3010 = arith.constant 0 : i32
    %dma_wait3A_3011 = tpu.memref_slice %arg5[%dma_wait3A_3009, %dma_wait3A_3010] : memref<96x1024xf32, #tpu.memory_space<vmem>> -> memref<32x1024xf32, #tpu.memory_space<vmem>>
    %dma_wait3A_3012 = arith.constant 0 : i32
    %dma_wait3A_3013 = tpu.memref_slice %arg3[%add3A_2674, %dma_wait3A_3012] : memref<32768x1024xf32, #tpu.memory_space<hbm>> -> memref<32x1024xf32, #tpu.memory_space<hbm>>
    %dma_wait3A_3014 = arith.constant 0 : i32
    %dma_wait3A_3015 = tpu.memref_slice %arg3[%add3A_2674, %dma_wait3A_3014] : memref<32768x1024xf32, #tpu.memory_space<hbm>> -> memref<32x1024xf32, #tpu.memory_space<hbm>>
    %dma_wait3A_3016 = arith.constant 64 : i32
    %dma_wait3A_3017 = arith.constant 0 : i32
    %dma_wait3A_3018 = tpu.memref_slice %arg5[%dma_wait3A_3016, %dma_wait3A_3017] : memref<96x1024xf32, #tpu.memory_space<vmem>> -> memref<32x1024xf32, #tpu.memory_space<vmem>>
    tpu.wait_dma2 semaphore(%arg8 : memref<!tpu.dma_semaphore, #tpu.memory_space<semaphore_mem>>) src(%dma_wait3A_3018 : memref<32x1024xf32, #tpu.memory_space<vmem>>) dst(%dma_wait3A_3015 : memref<32x1024xf32, #tpu.memory_space<hbm>>)
    %get3A_3019 = arith.constant 544 : index
    %get3A_3020 = tpu.vector_load %arg4[%get3A_3019] {strides = array<i32>} : memref<1024xi32, #tpu.memory_space<vmem>>, vector<16xi32>,
    %add3A_3021 = arith.constant 544 : i32
    %add3A_3022 = arith.addi %mul3A_2, %add3A_3021 : i32
    %add3A_3023 = arith.constant 0 : i32
    %add3A_3024 = arith.addi %add3A_3022, %add3A_3023 : i32
    %add3A_3025 = vector.broadcast %add3A_3024 : i32 to vector<16xi32>
    %add3A_3026 = arith.addi %add3A_3025, %iota3A : vector<16xi32>
    %and3A_3027 = arith.constant 2047 : i32
    %and3A_3028 = vector.broadcast %and3A_3027 : i32 to vector<16xi32>
    %and3A_3029 = arith.andi %add3A_3026, %and3A_3028 : vector<16xi32>
    %eq3A_3030 = arith.constant 2047 : i32
    %eq3A_3031 = vector.broadcast %eq3A_3030 : i32 to vector<16xi32>
    %eq3A_3032 = arith.cmpi eq, %and3A_3029, %eq3A_3031 : vector<16xi32>
    %jit3A_3033 = arith.constant 1023 : i32
    %broadcast_in_dim3A_3034 = vector.broadcast %jit3A_3033 : i32 to vector<16xi32>
    %select_n3A_3035 = arith.select %eq3A_3032, %broadcast_in_dim3A_3034, %get3A_3020 : vector<16xi1>, vector<16xi32>
    %jit3A_3036 = arith.constant -1.000000e+03 : f32
    %jit3A_3037 = arith.constant 5.000000e+00 : f32
    %broadcast_in_dim3A_3038 = vector.broadcast %jit3A_3036 : f32 to vector<16xf32>
    %broadcast_in_dim3A_3039 = vector.broadcast %jit3A_3037 : f32 to vector<16xf32>
    %select_n3A_3040 = arith.select %eq3A_3032, %broadcast_in_dim3A_3038, %broadcast_in_dim3A_3039 : vector<16xi1>, vector<16xf32>
    %get3A_3041 = arith.constant 560 : index
    %get3A_3042 = tpu.vector_load %arg4[%get3A_3041] {strides = array<i32>} : memref<1024xi32, #tpu.memory_space<vmem>>, vector<16xi32>,
    %add3A_3043 = arith.constant 544 : i32
    %add3A_3044 = arith.addi %mul3A_2, %add3A_3043 : i32
    %add3A_3045 = arith.constant 16 : i32
    %add3A_3046 = arith.addi %add3A_3044, %add3A_3045 : i32
    %add3A_3047 = vector.broadcast %add3A_3046 : i32 to vector<16xi32>
    %add3A_3048 = arith.addi %add3A_3047, %iota3A : vector<16xi32>
    %and3A_3049 = arith.constant 2047 : i32
    %and3A_3050 = vector.broadcast %and3A_3049 : i32 to vector<16xi32>
    %and3A_3051 = arith.andi %add3A_3048, %and3A_3050 : vector<16xi32>
    %eq3A_3052 = arith.constant 2047 : i32
    %eq3A_3053 = vector.broadcast %eq3A_3052 : i32 to vector<16xi32>
    %eq3A_3054 = arith.cmpi eq, %and3A_3051, %eq3A_3053 : vector<16xi32>
    %jit3A_3055 = arith.constant 1023 : i32
    %broadcast_in_dim3A_3056 = vector.broadcast %jit3A_3055 : i32 to vector<16xi32>
    %select_n3A_3057 = arith.select %eq3A_3054, %broadcast_in_dim3A_3056, %get3A_3042 : vector<16xi1>, vector<16xi32>
    %jit3A_3058 = arith.constant -1.000000e+03 : f32
    %jit3A_3059 = arith.constant 5.000000e+00 : f32
    %broadcast_in_dim3A_3060 = vector.broadcast %jit3A_3058 : f32 to vector<16xf32>
    %broadcast_in_dim3A_3061 = vector.broadcast %jit3A_3059 : f32 to vector<16xf32>
    %select_n3A_3062 = arith.select %eq3A_3054, %broadcast_in_dim3A_3060, %broadcast_in_dim3A_3061 : vector<16xi1>, vector<16xf32>
    %add3A_3063 = arith.constant 64 : i32
    %add3A_3064 = vector.broadcast %add3A_3063 : i32 to vector<16xi32>
    %add3A_3065 = arith.addi %add3A_3064, %iota3A : vector<16xi32>
    %eq3A_3066 = arith.constant 0 : i32
    %eq3A_3067 = vector.broadcast %eq3A_3066 : i32 to vector<16xi32>
    %eq3A_3068 = arith.cmpi eq, %select_n3A_3035, %eq3A_3067 : vector<16xi32>
    %eq3A_3069 = arith.constant 1 : i32
    %eq3A_3070 = vector.broadcast %eq3A_3069 : i32 to vector<16xi32>
    %eq3A_3071 = arith.cmpi eq, %select_n3A_3035, %eq3A_3070 : vector<16xi32>
    %eq3A_3072 = arith.constant 2 : i32
    %eq3A_3073 = vector.broadcast %eq3A_3072 : i32 to vector<16xi32>
    %eq3A_3074 = arith.cmpi eq, %select_n3A_3035, %eq3A_3073 : vector<16xi32>
    %jit3A_3075 = arith.constant 0.000000e+00 : f32
    %jit3A_3076 = arith.constant -1.000000e+03 : f32
    %broadcast_in_dim3A_3077 = vector.broadcast %jit3A_3075 : f32 to vector<16xf32>
    %broadcast_in_dim3A_3078 = vector.broadcast %jit3A_3076 : f32 to vector<16xf32>
    %select_n3A_3079 = arith.select %eq3A_3074, %broadcast_in_dim3A_3077, %broadcast_in_dim3A_3078 : vector<16xi1>, vector<16xf32>
    %jit3A_3080 = arith.constant 5.000000e-01 : f32
    %broadcast_in_dim3A_3081 = vector.broadcast %jit3A_3080 : f32 to vector<16xf32>
    %select_n3A_3082 = arith.select %eq3A_3071, %broadcast_in_dim3A_3081, %select_n3A_3079 : vector<16xi1>, vector<16xf32>
    %jit3A_3083 = arith.constant 1.000000e+00 : f32
    %broadcast_in_dim3A_3084 = vector.broadcast %jit3A_3083 : f32 to vector<16xf32>
    %select_n3A_3085 = arith.select %eq3A_3068, %broadcast_in_dim3A_3084, %select_n3A_3082 : vector<16xi1>, vector<16xf32>
    tpu.vector_store_idx %arg5[%add3A_3065, %select_n3A_3035], %select_n3A_3085 : memref<96x1024xf32, #tpu.memory_space<vmem>>[vector<16xi32>, vector<16xi32>], vector<16xf32>,
    %add3A_3086 = arith.constant 80 : i32
    %add3A_3087 = vector.broadcast %add3A_3086 : i32 to vector<16xi32>
    %add3A_3088 = arith.addi %add3A_3087, %iota3A : vector<16xi32>
    %eq3A_3089 = arith.constant 0 : i32
    %eq3A_3090 = vector.broadcast %eq3A_3089 : i32 to vector<16xi32>
    %eq3A_3091 = arith.cmpi eq, %select_n3A_3057, %eq3A_3090 : vector<16xi32>
    %eq3A_3092 = arith.constant 1 : i32
    %eq3A_3093 = vector.broadcast %eq3A_3092 : i32 to vector<16xi32>
    %eq3A_3094 = arith.cmpi eq, %select_n3A_3057, %eq3A_3093 : vector<16xi32>
    %eq3A_3095 = arith.constant 2 : i32
    %eq3A_3096 = vector.broadcast %eq3A_3095 : i32 to vector<16xi32>
    %eq3A_3097 = arith.cmpi eq, %select_n3A_3057, %eq3A_3096 : vector<16xi32>
    %jit3A_3098 = arith.constant 0.000000e+00 : f32
    %jit3A_3099 = arith.constant -1.000000e+03 : f32
    %broadcast_in_dim3A_3100 = vector.broadcast %jit3A_3098 : f32 to vector<16xf32>
    %broadcast_in_dim3A_3101 = vector.broadcast %jit3A_3099 : f32 to vector<16xf32>
    %select_n3A_3102 = arith.select %eq3A_3097, %broadcast_in_dim3A_3100, %broadcast_in_dim3A_3101 : vector<16xi1>, vector<16xf32>
    %jit3A_3103 = arith.constant 5.000000e-01 : f32
    %broadcast_in_dim3A_3104 = vector.broadcast %jit3A_3103 : f32 to vector<16xf32>
    %select_n3A_3105 = arith.select %eq3A_3094, %broadcast_in_dim3A_3104, %select_n3A_3102 : vector<16xi1>, vector<16xf32>
    %jit3A_3106 = arith.constant 1.000000e+00 : f32
    %broadcast_in_dim3A_3107 = vector.broadcast %jit3A_3106 : f32 to vector<16xf32>
    %select_n3A_3108 = arith.select %eq3A_3091, %broadcast_in_dim3A_3107, %select_n3A_3105 : vector<16xi1>, vector<16xf32>
    tpu.vector_store_idx %arg5[%add3A_3088, %select_n3A_3057], %select_n3A_3108 : memref<96x1024xf32, #tpu.memory_space<vmem>>[vector<16xi32>, vector<16xi32>], vector<16xf32>,
    %get3A_3109 = arith.constant 640 : index
    %get3A_3110 = tpu.vector_load %arg4[%get3A_3109] {strides = array<i32>} : memref<1024xi32, #tpu.memory_space<vmem>>, vector<16xi32>,
    %add3A_3111 = arith.constant 640 : i32
    %add3A_3112 = arith.addi %mul3A_2, %add3A_3111 : i32
    %add3A_3113 = arith.constant 0 : i32
    %add3A_3114 = arith.addi %add3A_3112, %add3A_3113 : i32
    %add3A_3115 = vector.broadcast %add3A_3114 : i32 to vector<16xi32>
    %add3A_3116 = arith.addi %add3A_3115, %iota3A : vector<16xi32>
    %and3A_3117 = arith.constant 2047 : i32
    %and3A_3118 = vector.broadcast %and3A_3117 : i32 to vector<16xi32>
    %and3A_3119 = arith.andi %add3A_3116, %and3A_3118 : vector<16xi32>
    %eq3A_3120 = arith.constant 2047 : i32
    %eq3A_3121 = vector.broadcast %eq3A_3120 : i32 to vector<16xi32>
    %eq3A_3122 = arith.cmpi eq, %and3A_3119, %eq3A_3121 : vector<16xi32>
    %jit3A_3123 = arith.constant 1023 : i32
    %broadcast_in_dim3A_3124 = vector.broadcast %jit3A_3123 : i32 to vector<16xi32>
    %select_n3A_3125 = arith.select %eq3A_3122, %broadcast_in_dim3A_3124, %get3A_3110 : vector<16xi1>, vector<16xi32>
    %jit3A_3126 = arith.constant -1.000000e+03 : f32
    %jit3A_3127 = arith.constant 5.000000e+00 : f32
    %broadcast_in_dim3A_3128 = vector.broadcast %jit3A_3126 : f32 to vector<16xf32>
    %broadcast_in_dim3A_3129 = vector.broadcast %jit3A_3127 : f32 to vector<16xf32>
    %select_n3A_3130 = arith.select %eq3A_3122, %broadcast_in_dim3A_3128, %broadcast_in_dim3A_3129 : vector<16xi1>, vector<16xf32>
    %get3A_3131 = arith.constant 656 : index
    %get3A_3132 = tpu.vector_load %arg4[%get3A_3131] {strides = array<i32>} : memref<1024xi32, #tpu.memory_space<vmem>>, vector<16xi32>,
    %add3A_3133 = arith.constant 640 : i32
    %add3A_3134 = arith.addi %mul3A_2, %add3A_3133 : i32
    %add3A_3135 = arith.constant 16 : i32
    %add3A_3136 = arith.addi %add3A_3134, %add3A_3135 : i32
    %add3A_3137 = vector.broadcast %add3A_3136 : i32 to vector<16xi32>
    %add3A_3138 = arith.addi %add3A_3137, %iota3A : vector<16xi32>
    %and3A_3139 = arith.constant 2047 : i32
    %and3A_3140 = vector.broadcast %and3A_3139 : i32 to vector<16xi32>
    %and3A_3141 = arith.andi %add3A_3138, %and3A_3140 : vector<16xi32>
    %eq3A_3142 = arith.constant 2047 : i32
    %eq3A_3143 = vector.broadcast %eq3A_3142 : i32 to vector<16xi32>
    %eq3A_3144 = arith.cmpi eq, %and3A_3141, %eq3A_3143 : vector<16xi32>
    %jit3A_3145 = arith.constant 1023 : i32
    %broadcast_in_dim3A_3146 = vector.broadcast %jit3A_3145 : i32 to vector<16xi32>
    %select_n3A_3147 = arith.select %eq3A_3144, %broadcast_in_dim3A_3146, %get3A_3132 : vector<16xi1>, vector<16xi32>
    %jit3A_3148 = arith.constant -1.000000e+03 : f32
    %jit3A_3149 = arith.constant 5.000000e+00 : f32
    %broadcast_in_dim3A_3150 = vector.broadcast %jit3A_3148 : f32 to vector<16xf32>
    %broadcast_in_dim3A_3151 = vector.broadcast %jit3A_3149 : f32 to vector<16xf32>
    %select_n3A_3152 = arith.select %eq3A_3144, %broadcast_in_dim3A_3150, %broadcast_in_dim3A_3151 : vector<16xi1>, vector<16xf32>
    %add3A_3153 = arith.constant 64 : i32
    %add3A_3154 = vector.broadcast %add3A_3153 : i32 to vector<16xi32>
    %add3A_3155 = arith.addi %add3A_3154, %iota3A : vector<16xi32>
    tpu.vector_store_idx %arg5[%add3A_3155, %select_n3A_3125], %select_n3A_3130 : memref<96x1024xf32, #tpu.memory_space<vmem>>[vector<16xi32>, vector<16xi32>], vector<16xf32>,
    %add3A_3156 = arith.constant 80 : i32
    %add3A_3157 = vector.broadcast %add3A_3156 : i32 to vector<16xi32>
    %add3A_3158 = arith.addi %add3A_3157, %iota3A : vector<16xi32>
    tpu.vector_store_idx %arg5[%add3A_3158, %select_n3A_3147], %select_n3A_3152 : memref<96x1024xf32, #tpu.memory_space<vmem>>[vector<16xi32>, vector<16xi32>], vector<16xf32>,
    %add3A_3159 = arith.constant 640 : i32
    %add3A_3160 = arith.addi %mul3A_2, %add3A_3159 : i32
    %dma_start3A_3161 = arith.constant 64 : i32
    %dma_start3A_3162 = arith.constant 0 : i32
    %dma_start3A_3163 = tpu.memref_slice %arg5[%dma_start3A_3161, %dma_start3A_3162] : memref<96x1024xf32, #tpu.memory_space<vmem>> -> memref<32x1024xf32, #tpu.memory_space<vmem>>
    %dma_start3A_3164 = arith.constant 0 : i32
    %dma_start3A_3165 = tpu.memref_slice %arg3[%add3A_3160, %dma_start3A_3164] : memref<32768x1024xf32, #tpu.memory_space<hbm>> -> memref<32x1024xf32, #tpu.memory_space<hbm>>
    %dma_start3A_3166 = arith.constant 0 : i32
    %dma_start3A_3167 = tpu.memref_slice %arg3[%add3A_3160, %dma_start3A_3166] : memref<32768x1024xf32, #tpu.memory_space<hbm>> -> memref<32x1024xf32, #tpu.memory_space<hbm>>
    %dma_start3A_3168 = arith.constant 64 : i32
    %dma_start3A_3169 = arith.constant 0 : i32
    %dma_start3A_3170 = tpu.memref_slice %arg5[%dma_start3A_3168, %dma_start3A_3169] : memref<96x1024xf32, #tpu.memory_space<vmem>> -> memref<32x1024xf32, #tpu.memory_space<vmem>>
    tpu.enqueue_dma source(%dma_start3A_3170 : memref<32x1024xf32, #tpu.memory_space<vmem>>) target(%dma_start3A_3167 : memref<32x1024xf32, #tpu.memory_space<hbm>>) target_semaphore(%arg8 : memref<!tpu.dma_semaphore, #tpu.memory_space<semaphore_mem>>)
    %dma_wait3A_3171 = arith.constant 0 : i32
    %dma_wait3A_3172 = arith.constant 0 : i32
    %dma_wait3A_3173 = tpu.memref_slice %arg5[%dma_wait3A_3171, %dma_wait3A_3172] : memref<96x1024xf32, #tpu.memory_space<vmem>> -> memref<32x1024xf32, #tpu.memory_space<vmem>>
    %dma_wait3A_3174 = arith.constant 0 : i32
    %dma_wait3A_3175 = tpu.memref_slice %arg3[%add3A_2836, %dma_wait3A_3174] : memref<32768x1024xf32, #tpu.memory_space<hbm>> -> memref<32x1024xf32, #tpu.memory_space<hbm>>
    %dma_wait3A_3176 = arith.constant 0 : i32
    %dma_wait3A_3177 = tpu.memref_slice %arg3[%add3A_2836, %dma_wait3A_3176] : memref<32768x1024xf32, #tpu.memory_space<hbm>> -> memref<32x1024xf32, #tpu.memory_space<hbm>>
    %dma_wait3A_3178 = arith.constant 0 : i32
    %dma_wait3A_3179 = arith.constant 0 : i32
    %dma_wait3A_3180 = tpu.memref_slice %arg5[%dma_wait3A_3178, %dma_wait3A_3179] : memref<96x1024xf32, #tpu.memory_space<vmem>> -> memref<32x1024xf32, #tpu.memory_space<vmem>>
    tpu.wait_dma2 semaphore(%arg6 : memref<!tpu.dma_semaphore, #tpu.memory_space<semaphore_mem>>) src(%dma_wait3A_3180 : memref<32x1024xf32, #tpu.memory_space<vmem>>) dst(%dma_wait3A_3177 : memref<32x1024xf32, #tpu.memory_space<hbm>>)
    %get3A_3181 = arith.constant 576 : index
    %get3A_3182 = tpu.vector_load %arg4[%get3A_3181] {strides = array<i32>} : memref<1024xi32, #tpu.memory_space<vmem>>, vector<16xi32>,
    %add3A_3183 = arith.constant 576 : i32
    %add3A_3184 = arith.addi %mul3A_2, %add3A_3183 : i32
    %add3A_3185 = arith.constant 0 : i32
    %add3A_3186 = arith.addi %add3A_3184, %add3A_3185 : i32
    %add3A_3187 = vector.broadcast %add3A_3186 : i32 to vector<16xi32>
    %add3A_3188 = arith.addi %add3A_3187, %iota3A : vector<16xi32>
    %and3A_3189 = arith.constant 2047 : i32
    %and3A_3190 = vector.broadcast %and3A_3189 : i32 to vector<16xi32>
    %and3A_3191 = arith.andi %add3A_3188, %and3A_3190 : vector<16xi32>
    %eq3A_3192 = arith.constant 2047 : i32
    %eq3A_3193 = vector.broadcast %eq3A_3192 : i32 to vector<16xi32>
    %eq3A_3194 = arith.cmpi eq, %and3A_3191, %eq3A_3193 : vector<16xi32>
    %jit3A_3195 = arith.constant 1023 : i32
    %broadcast_in_dim3A_3196 = vector.broadcast %jit3A_3195 : i32 to vector<16xi32>
    %select_n3A_3197 = arith.select %eq3A_3194, %broadcast_in_dim3A_3196, %get3A_3182 : vector<16xi1>, vector<16xi32>
    %jit3A_3198 = arith.constant -1.000000e+03 : f32
    %jit3A_3199 = arith.constant 5.000000e+00 : f32
    %broadcast_in_dim3A_3200 = vector.broadcast %jit3A_3198 : f32 to vector<16xf32>
    %broadcast_in_dim3A_3201 = vector.broadcast %jit3A_3199 : f32 to vector<16xf32>
    %select_n3A_3202 = arith.select %eq3A_3194, %broadcast_in_dim3A_3200, %broadcast_in_dim3A_3201 : vector<16xi1>, vector<16xf32>
    %get3A_3203 = arith.constant 592 : index
    %get3A_3204 = tpu.vector_load %arg4[%get3A_3203] {strides = array<i32>} : memref<1024xi32, #tpu.memory_space<vmem>>, vector<16xi32>,
    %add3A_3205 = arith.constant 576 : i32
    %add3A_3206 = arith.addi %mul3A_2, %add3A_3205 : i32
    %add3A_3207 = arith.constant 16 : i32
    %add3A_3208 = arith.addi %add3A_3206, %add3A_3207 : i32
    %add3A_3209 = vector.broadcast %add3A_3208 : i32 to vector<16xi32>
    %add3A_3210 = arith.addi %add3A_3209, %iota3A : vector<16xi32>
    %and3A_3211 = arith.constant 2047 : i32
    %and3A_3212 = vector.broadcast %and3A_3211 : i32 to vector<16xi32>
    %and3A_3213 = arith.andi %add3A_3210, %and3A_3212 : vector<16xi32>
    %eq3A_3214 = arith.constant 2047 : i32
    %eq3A_3215 = vector.broadcast %eq3A_3214 : i32 to vector<16xi32>
    %eq3A_3216 = arith.cmpi eq, %and3A_3213, %eq3A_3215 : vector<16xi32>
    %jit3A_3217 = arith.constant 1023 : i32
    %broadcast_in_dim3A_3218 = vector.broadcast %jit3A_3217 : i32 to vector<16xi32>
    %select_n3A_3219 = arith.select %eq3A_3216, %broadcast_in_dim3A_3218, %get3A_3204 : vector<16xi1>, vector<16xi32>
    %jit3A_3220 = arith.constant -1.000000e+03 : f32
    %jit3A_3221 = arith.constant 5.000000e+00 : f32
    %broadcast_in_dim3A_3222 = vector.broadcast %jit3A_3220 : f32 to vector<16xf32>
    %broadcast_in_dim3A_3223 = vector.broadcast %jit3A_3221 : f32 to vector<16xf32>
    %select_n3A_3224 = arith.select %eq3A_3216, %broadcast_in_dim3A_3222, %broadcast_in_dim3A_3223 : vector<16xi1>, vector<16xf32>
    %add3A_3225 = arith.constant 0 : i32
    %add3A_3226 = vector.broadcast %add3A_3225 : i32 to vector<16xi32>
    %add3A_3227 = arith.addi %add3A_3226, %iota3A : vector<16xi32>
    %eq3A_3228 = arith.constant 0 : i32
    %eq3A_3229 = vector.broadcast %eq3A_3228 : i32 to vector<16xi32>
    %eq3A_3230 = arith.cmpi eq, %select_n3A_3197, %eq3A_3229 : vector<16xi32>
    %eq3A_3231 = arith.constant 1 : i32
    %eq3A_3232 = vector.broadcast %eq3A_3231 : i32 to vector<16xi32>
    %eq3A_3233 = arith.cmpi eq, %select_n3A_3197, %eq3A_3232 : vector<16xi32>
    %eq3A_3234 = arith.constant 2 : i32
    %eq3A_3235 = vector.broadcast %eq3A_3234 : i32 to vector<16xi32>
    %eq3A_3236 = arith.cmpi eq, %select_n3A_3197, %eq3A_3235 : vector<16xi32>
    %jit3A_3237 = arith.constant 0.000000e+00 : f32
    %jit3A_3238 = arith.constant -1.000000e+03 : f32
    %broadcast_in_dim3A_3239 = vector.broadcast %jit3A_3237 : f32 to vector<16xf32>
    %broadcast_in_dim3A_3240 = vector.broadcast %jit3A_3238 : f32 to vector<16xf32>
    %select_n3A_3241 = arith.select %eq3A_3236, %broadcast_in_dim3A_3239, %broadcast_in_dim3A_3240 : vector<16xi1>, vector<16xf32>
    %jit3A_3242 = arith.constant 5.000000e-01 : f32
    %broadcast_in_dim3A_3243 = vector.broadcast %jit3A_3242 : f32 to vector<16xf32>
    %select_n3A_3244 = arith.select %eq3A_3233, %broadcast_in_dim3A_3243, %select_n3A_3241 : vector<16xi1>, vector<16xf32>
    %jit3A_3245 = arith.constant 1.000000e+00 : f32
    %broadcast_in_dim3A_3246 = vector.broadcast %jit3A_3245 : f32 to vector<16xf32>
    %select_n3A_3247 = arith.select %eq3A_3230, %broadcast_in_dim3A_3246, %select_n3A_3244 : vector<16xi1>, vector<16xf32>
    tpu.vector_store_idx %arg5[%add3A_3227, %select_n3A_3197], %select_n3A_3247 : memref<96x1024xf32, #tpu.memory_space<vmem>>[vector<16xi32>, vector<16xi32>], vector<16xf32>,
    %add3A_3248 = arith.constant 16 : i32
    %add3A_3249 = vector.broadcast %add3A_3248 : i32 to vector<16xi32>
    %add3A_3250 = arith.addi %add3A_3249, %iota3A : vector<16xi32>
    %eq3A_3251 = arith.constant 0 : i32
    %eq3A_3252 = vector.broadcast %eq3A_3251 : i32 to vector<16xi32>
    %eq3A_3253 = arith.cmpi eq, %select_n3A_3219, %eq3A_3252 : vector<16xi32>
    %eq3A_3254 = arith.constant 1 : i32
    %eq3A_3255 = vector.broadcast %eq3A_3254 : i32 to vector<16xi32>
    %eq3A_3256 = arith.cmpi eq, %select_n3A_3219, %eq3A_3255 : vector<16xi32>
    %eq3A_3257 = arith.constant 2 : i32
    %eq3A_3258 = vector.broadcast %eq3A_3257 : i32 to vector<16xi32>
    %eq3A_3259 = arith.cmpi eq, %select_n3A_3219, %eq3A_3258 : vector<16xi32>
    %jit3A_3260 = arith.constant 0.000000e+00 : f32
    %jit3A_3261 = arith.constant -1.000000e+03 : f32
    %broadcast_in_dim3A_3262 = vector.broadcast %jit3A_3260 : f32 to vector<16xf32>
    %broadcast_in_dim3A_3263 = vector.broadcast %jit3A_3261 : f32 to vector<16xf32>
    %select_n3A_3264 = arith.select %eq3A_3259, %broadcast_in_dim3A_3262, %broadcast_in_dim3A_3263 : vector<16xi1>, vector<16xf32>
    %jit3A_3265 = arith.constant 5.000000e-01 : f32
    %broadcast_in_dim3A_3266 = vector.broadcast %jit3A_3265 : f32 to vector<16xf32>
    %select_n3A_3267 = arith.select %eq3A_3256, %broadcast_in_dim3A_3266, %select_n3A_3264 : vector<16xi1>, vector<16xf32>
    %jit3A_3268 = arith.constant 1.000000e+00 : f32
    %broadcast_in_dim3A_3269 = vector.broadcast %jit3A_3268 : f32 to vector<16xf32>
    %select_n3A_3270 = arith.select %eq3A_3253, %broadcast_in_dim3A_3269, %select_n3A_3267 : vector<16xi1>, vector<16xf32>
    tpu.vector_store_idx %arg5[%add3A_3250, %select_n3A_3219], %select_n3A_3270 : memref<96x1024xf32, #tpu.memory_space<vmem>>[vector<16xi32>, vector<16xi32>], vector<16xf32>,
    %get3A_3271 = arith.constant 672 : index
    %get3A_3272 = tpu.vector_load %arg4[%get3A_3271] {strides = array<i32>} : memref<1024xi32, #tpu.memory_space<vmem>>, vector<16xi32>,
    %add3A_3273 = arith.constant 672 : i32
    %add3A_3274 = arith.addi %mul3A_2, %add3A_3273 : i32
    %add3A_3275 = arith.constant 0 : i32
    %add3A_3276 = arith.addi %add3A_3274, %add3A_3275 : i32
    %add3A_3277 = vector.broadcast %add3A_3276 : i32 to vector<16xi32>
    %add3A_3278 = arith.addi %add3A_3277, %iota3A : vector<16xi32>
    %and3A_3279 = arith.constant 2047 : i32
    %and3A_3280 = vector.broadcast %and3A_3279 : i32 to vector<16xi32>
    %and3A_3281 = arith.andi %add3A_3278, %and3A_3280 : vector<16xi32>
    %eq3A_3282 = arith.constant 2047 : i32
    %eq3A_3283 = vector.broadcast %eq3A_3282 : i32 to vector<16xi32>
    %eq3A_3284 = arith.cmpi eq, %and3A_3281, %eq3A_3283 : vector<16xi32>
    %jit3A_3285 = arith.constant 1023 : i32
    %broadcast_in_dim3A_3286 = vector.broadcast %jit3A_3285 : i32 to vector<16xi32>
    %select_n3A_3287 = arith.select %eq3A_3284, %broadcast_in_dim3A_3286, %get3A_3272 : vector<16xi1>, vector<16xi32>
    %jit3A_3288 = arith.constant -1.000000e+03 : f32
    %jit3A_3289 = arith.constant 5.000000e+00 : f32
    %broadcast_in_dim3A_3290 = vector.broadcast %jit3A_3288 : f32 to vector<16xf32>
    %broadcast_in_dim3A_3291 = vector.broadcast %jit3A_3289 : f32 to vector<16xf32>
    %select_n3A_3292 = arith.select %eq3A_3284, %broadcast_in_dim3A_3290, %broadcast_in_dim3A_3291 : vector<16xi1>, vector<16xf32>
    %get3A_3293 = arith.constant 688 : index
    %get3A_3294 = tpu.vector_load %arg4[%get3A_3293] {strides = array<i32>} : memref<1024xi32, #tpu.memory_space<vmem>>, vector<16xi32>,
    %add3A_3295 = arith.constant 672 : i32
    %add3A_3296 = arith.addi %mul3A_2, %add3A_3295 : i32
    %add3A_3297 = arith.constant 16 : i32
    %add3A_3298 = arith.addi %add3A_3296, %add3A_3297 : i32
    %add3A_3299 = vector.broadcast %add3A_3298 : i32 to vector<16xi32>
    %add3A_3300 = arith.addi %add3A_3299, %iota3A : vector<16xi32>
    %and3A_3301 = arith.constant 2047 : i32
    %and3A_3302 = vector.broadcast %and3A_3301 : i32 to vector<16xi32>
    %and3A_3303 = arith.andi %add3A_3300, %and3A_3302 : vector<16xi32>
    %eq3A_3304 = arith.constant 2047 : i32
    %eq3A_3305 = vector.broadcast %eq3A_3304 : i32 to vector<16xi32>
    %eq3A_3306 = arith.cmpi eq, %and3A_3303, %eq3A_3305 : vector<16xi32>
    %jit3A_3307 = arith.constant 1023 : i32
    %broadcast_in_dim3A_3308 = vector.broadcast %jit3A_3307 : i32 to vector<16xi32>
    %select_n3A_3309 = arith.select %eq3A_3306, %broadcast_in_dim3A_3308, %get3A_3294 : vector<16xi1>, vector<16xi32>
    %jit3A_3310 = arith.constant -1.000000e+03 : f32
    %jit3A_3311 = arith.constant 5.000000e+00 : f32
    %broadcast_in_dim3A_3312 = vector.broadcast %jit3A_3310 : f32 to vector<16xf32>
    %broadcast_in_dim3A_3313 = vector.broadcast %jit3A_3311 : f32 to vector<16xf32>
    %select_n3A_3314 = arith.select %eq3A_3306, %broadcast_in_dim3A_3312, %broadcast_in_dim3A_3313 : vector<16xi1>, vector<16xf32>
    %add3A_3315 = arith.constant 0 : i32
    %add3A_3316 = vector.broadcast %add3A_3315 : i32 to vector<16xi32>
    %add3A_3317 = arith.addi %add3A_3316, %iota3A : vector<16xi32>
    tpu.vector_store_idx %arg5[%add3A_3317, %select_n3A_3287], %select_n3A_3292 : memref<96x1024xf32, #tpu.memory_space<vmem>>[vector<16xi32>, vector<16xi32>], vector<16xf32>,
    %add3A_3318 = arith.constant 16 : i32
    %add3A_3319 = vector.broadcast %add3A_3318 : i32 to vector<16xi32>
    %add3A_3320 = arith.addi %add3A_3319, %iota3A : vector<16xi32>
    tpu.vector_store_idx %arg5[%add3A_3320, %select_n3A_3309], %select_n3A_3314 : memref<96x1024xf32, #tpu.memory_space<vmem>>[vector<16xi32>, vector<16xi32>], vector<16xf32>,
    %add3A_3321 = arith.constant 672 : i32
    %add3A_3322 = arith.addi %mul3A_2, %add3A_3321 : i32
    %dma_start3A_3323 = arith.constant 0 : i32
    %dma_start3A_3324 = arith.constant 0 : i32
    %dma_start3A_3325 = tpu.memref_slice %arg5[%dma_start3A_3323, %dma_start3A_3324] : memref<96x1024xf32, #tpu.memory_space<vmem>> -> memref<32x1024xf32, #tpu.memory_space<vmem>>
    %dma_start3A_3326 = arith.constant 0 : i32
    %dma_start3A_3327 = tpu.memref_slice %arg3[%add3A_3322, %dma_start3A_3326] : memref<32768x1024xf32, #tpu.memory_space<hbm>> -> memref<32x1024xf32, #tpu.memory_space<hbm>>
    %dma_start3A_3328 = arith.constant 0 : i32
    %dma_start3A_3329 = tpu.memref_slice %arg3[%add3A_3322, %dma_start3A_3328] : memref<32768x1024xf32, #tpu.memory_space<hbm>> -> memref<32x1024xf32, #tpu.memory_space<hbm>>
    %dma_start3A_3330 = arith.constant 0 : i32
    %dma_start3A_3331 = arith.constant 0 : i32
    %dma_start3A_3332 = tpu.memref_slice %arg5[%dma_start3A_3330, %dma_start3A_3331] : memref<96x1024xf32, #tpu.memory_space<vmem>> -> memref<32x1024xf32, #tpu.memory_space<vmem>>
    tpu.enqueue_dma source(%dma_start3A_3332 : memref<32x1024xf32, #tpu.memory_space<vmem>>) target(%dma_start3A_3329 : memref<32x1024xf32, #tpu.memory_space<hbm>>) target_semaphore(%arg6 : memref<!tpu.dma_semaphore, #tpu.memory_space<semaphore_mem>>)
    %dma_wait3A_3333 = arith.constant 32 : i32
    %dma_wait3A_3334 = arith.constant 0 : i32
    %dma_wait3A_3335 = tpu.memref_slice %arg5[%dma_wait3A_3333, %dma_wait3A_3334] : memref<96x1024xf32, #tpu.memory_space<vmem>> -> memref<32x1024xf32, #tpu.memory_space<vmem>>
    %dma_wait3A_3336 = arith.constant 0 : i32
    %dma_wait3A_3337 = tpu.memref_slice %arg3[%add3A_2998, %dma_wait3A_3336] : memref<32768x1024xf32, #tpu.memory_space<hbm>> -> memref<32x1024xf32, #tpu.memory_space<hbm>>
    %dma_wait3A_3338 = arith.constant 0 : i32
    %dma_wait3A_3339 = tpu.memref_slice %arg3[%add3A_2998, %dma_wait3A_3338] : memref<32768x1024xf32, #tpu.memory_space<hbm>> -> memref<32x1024xf32, #tpu.memory_space<hbm>>
    %dma_wait3A_3340 = arith.constant 32 : i32
    %dma_wait3A_3341 = arith.constant 0 : i32
    %dma_wait3A_3342 = tpu.memref_slice %arg5[%dma_wait3A_3340, %dma_wait3A_3341] : memref<96x1024xf32, #tpu.memory_space<vmem>> -> memref<32x1024xf32, #tpu.memory_space<vmem>>
    tpu.wait_dma2 semaphore(%arg7 : memref<!tpu.dma_semaphore, #tpu.memory_space<semaphore_mem>>) src(%dma_wait3A_3342 : memref<32x1024xf32, #tpu.memory_space<vmem>>) dst(%dma_wait3A_3339 : memref<32x1024xf32, #tpu.memory_space<hbm>>)
    %get3A_3343 = arith.constant 608 : index
    %get3A_3344 = tpu.vector_load %arg4[%get3A_3343] {strides = array<i32>} : memref<1024xi32, #tpu.memory_space<vmem>>, vector<16xi32>,
    %add3A_3345 = arith.constant 608 : i32
    %add3A_3346 = arith.addi %mul3A_2, %add3A_3345 : i32
    %add3A_3347 = arith.constant 0 : i32
    %add3A_3348 = arith.addi %add3A_3346, %add3A_3347 : i32
    %add3A_3349 = vector.broadcast %add3A_3348 : i32 to vector<16xi32>
    %add3A_3350 = arith.addi %add3A_3349, %iota3A : vector<16xi32>
    %and3A_3351 = arith.constant 2047 : i32
    %and3A_3352 = vector.broadcast %and3A_3351 : i32 to vector<16xi32>
    %and3A_3353 = arith.andi %add3A_3350, %and3A_3352 : vector<16xi32>
    %eq3A_3354 = arith.constant 2047 : i32
    %eq3A_3355 = vector.broadcast %eq3A_3354 : i32 to vector<16xi32>
    %eq3A_3356 = arith.cmpi eq, %and3A_3353, %eq3A_3355 : vector<16xi32>
    %jit3A_3357 = arith.constant 1023 : i32
    %broadcast_in_dim3A_3358 = vector.broadcast %jit3A_3357 : i32 to vector<16xi32>
    %select_n3A_3359 = arith.select %eq3A_3356, %broadcast_in_dim3A_3358, %get3A_3344 : vector<16xi1>, vector<16xi32>
    %jit3A_3360 = arith.constant -1.000000e+03 : f32
    %jit3A_3361 = arith.constant 5.000000e+00 : f32
    %broadcast_in_dim3A_3362 = vector.broadcast %jit3A_3360 : f32 to vector<16xf32>
    %broadcast_in_dim3A_3363 = vector.broadcast %jit3A_3361 : f32 to vector<16xf32>
    %select_n3A_3364 = arith.select %eq3A_3356, %broadcast_in_dim3A_3362, %broadcast_in_dim3A_3363 : vector<16xi1>, vector<16xf32>
    %get3A_3365 = arith.constant 624 : index
    %get3A_3366 = tpu.vector_load %arg4[%get3A_3365] {strides = array<i32>} : memref<1024xi32, #tpu.memory_space<vmem>>, vector<16xi32>,
    %add3A_3367 = arith.constant 608 : i32
    %add3A_3368 = arith.addi %mul3A_2, %add3A_3367 : i32
    %add3A_3369 = arith.constant 16 : i32
    %add3A_3370 = arith.addi %add3A_3368, %add3A_3369 : i32
    %add3A_3371 = vector.broadcast %add3A_3370 : i32 to vector<16xi32>
    %add3A_3372 = arith.addi %add3A_3371, %iota3A : vector<16xi32>
    %and3A_3373 = arith.constant 2047 : i32
    %and3A_3374 = vector.broadcast %and3A_3373 : i32 to vector<16xi32>
    %and3A_3375 = arith.andi %add3A_3372, %and3A_3374 : vector<16xi32>
    %eq3A_3376 = arith.constant 2047 : i32
    %eq3A_3377 = vector.broadcast %eq3A_3376 : i32 to vector<16xi32>
    %eq3A_3378 = arith.cmpi eq, %and3A_3375, %eq3A_3377 : vector<16xi32>
    %jit3A_3379 = arith.constant 1023 : i32
    %broadcast_in_dim3A_3380 = vector.broadcast %jit3A_3379 : i32 to vector<16xi32>
    %select_n3A_3381 = arith.select %eq3A_3378, %broadcast_in_dim3A_3380, %get3A_3366 : vector<16xi1>, vector<16xi32>
    %jit3A_3382 = arith.constant -1.000000e+03 : f32
    %jit3A_3383 = arith.constant 5.000000e+00 : f32
    %broadcast_in_dim3A_3384 = vector.broadcast %jit3A_3382 : f32 to vector<16xf32>
    %broadcast_in_dim3A_3385 = vector.broadcast %jit3A_3383 : f32 to vector<16xf32>
    %select_n3A_3386 = arith.select %eq3A_3378, %broadcast_in_dim3A_3384, %broadcast_in_dim3A_3385 : vector<16xi1>, vector<16xf32>
    %add3A_3387 = arith.constant 32 : i32
    %add3A_3388 = vector.broadcast %add3A_3387 : i32 to vector<16xi32>
    %add3A_3389 = arith.addi %add3A_3388, %iota3A : vector<16xi32>
    %eq3A_3390 = arith.constant 0 : i32
    %eq3A_3391 = vector.broadcast %eq3A_3390 : i32 to vector<16xi32>
    %eq3A_3392 = arith.cmpi eq, %select_n3A_3359, %eq3A_3391 : vector<16xi32>
    %eq3A_3393 = arith.constant 1 : i32
    %eq3A_3394 = vector.broadcast %eq3A_3393 : i32 to vector<16xi32>
    %eq3A_3395 = arith.cmpi eq, %select_n3A_3359, %eq3A_3394 : vector<16xi32>
    %eq3A_3396 = arith.constant 2 : i32
    %eq3A_3397 = vector.broadcast %eq3A_3396 : i32 to vector<16xi32>
    %eq3A_3398 = arith.cmpi eq, %select_n3A_3359, %eq3A_3397 : vector<16xi32>
    %jit3A_3399 = arith.constant 0.000000e+00 : f32
    %jit3A_3400 = arith.constant -1.000000e+03 : f32
    %broadcast_in_dim3A_3401 = vector.broadcast %jit3A_3399 : f32 to vector<16xf32>
    %broadcast_in_dim3A_3402 = vector.broadcast %jit3A_3400 : f32 to vector<16xf32>
    %select_n3A_3403 = arith.select %eq3A_3398, %broadcast_in_dim3A_3401, %broadcast_in_dim3A_3402 : vector<16xi1>, vector<16xf32>
    %jit3A_3404 = arith.constant 5.000000e-01 : f32
    %broadcast_in_dim3A_3405 = vector.broadcast %jit3A_3404 : f32 to vector<16xf32>
    %select_n3A_3406 = arith.select %eq3A_3395, %broadcast_in_dim3A_3405, %select_n3A_3403 : vector<16xi1>, vector<16xf32>
    %jit3A_3407 = arith.constant 1.000000e+00 : f32
    %broadcast_in_dim3A_3408 = vector.broadcast %jit3A_3407 : f32 to vector<16xf32>
    %select_n3A_3409 = arith.select %eq3A_3392, %broadcast_in_dim3A_3408, %select_n3A_3406 : vector<16xi1>, vector<16xf32>
    tpu.vector_store_idx %arg5[%add3A_3389, %select_n3A_3359], %select_n3A_3409 : memref<96x1024xf32, #tpu.memory_space<vmem>>[vector<16xi32>, vector<16xi32>], vector<16xf32>,
    %add3A_3410 = arith.constant 48 : i32
    %add3A_3411 = vector.broadcast %add3A_3410 : i32 to vector<16xi32>
    %add3A_3412 = arith.addi %add3A_3411, %iota3A : vector<16xi32>
    %eq3A_3413 = arith.constant 0 : i32
    %eq3A_3414 = vector.broadcast %eq3A_3413 : i32 to vector<16xi32>
    %eq3A_3415 = arith.cmpi eq, %select_n3A_3381, %eq3A_3414 : vector<16xi32>
    %eq3A_3416 = arith.constant 1 : i32
    %eq3A_3417 = vector.broadcast %eq3A_3416 : i32 to vector<16xi32>
    %eq3A_3418 = arith.cmpi eq, %select_n3A_3381, %eq3A_3417 : vector<16xi32>
    %eq3A_3419 = arith.constant 2 : i32
    %eq3A_3420 = vector.broadcast %eq3A_3419 : i32 to vector<16xi32>
    %eq3A_3421 = arith.cmpi eq, %select_n3A_3381, %eq3A_3420 : vector<16xi32>
    %jit3A_3422 = arith.constant 0.000000e+00 : f32
    %jit3A_3423 = arith.constant -1.000000e+03 : f32
    %broadcast_in_dim3A_3424 = vector.broadcast %jit3A_3422 : f32 to vector<16xf32>
    %broadcast_in_dim3A_3425 = vector.broadcast %jit3A_3423 : f32 to vector<16xf32>
    %select_n3A_3426 = arith.select %eq3A_3421, %broadcast_in_dim3A_3424, %broadcast_in_dim3A_3425 : vector<16xi1>, vector<16xf32>
    %jit3A_3427 = arith.constant 5.000000e-01 : f32
    %broadcast_in_dim3A_3428 = vector.broadcast %jit3A_3427 : f32 to vector<16xf32>
    %select_n3A_3429 = arith.select %eq3A_3418, %broadcast_in_dim3A_3428, %select_n3A_3426 : vector<16xi1>, vector<16xf32>
    %jit3A_3430 = arith.constant 1.000000e+00 : f32
    %broadcast_in_dim3A_3431 = vector.broadcast %jit3A_3430 : f32 to vector<16xf32>
    %select_n3A_3432 = arith.select %eq3A_3415, %broadcast_in_dim3A_3431, %select_n3A_3429 : vector<16xi1>, vector<16xf32>
    tpu.vector_store_idx %arg5[%add3A_3412, %select_n3A_3381], %select_n3A_3432 : memref<96x1024xf32, #tpu.memory_space<vmem>>[vector<16xi32>, vector<16xi32>], vector<16xf32>,
    %get3A_3433 = arith.constant 704 : index
    %get3A_3434 = tpu.vector_load %arg4[%get3A_3433] {strides = array<i32>} : memref<1024xi32, #tpu.memory_space<vmem>>, vector<16xi32>,
    %add3A_3435 = arith.constant 704 : i32
    %add3A_3436 = arith.addi %mul3A_2, %add3A_3435 : i32
    %add3A_3437 = arith.constant 0 : i32
    %add3A_3438 = arith.addi %add3A_3436, %add3A_3437 : i32
    %add3A_3439 = vector.broadcast %add3A_3438 : i32 to vector<16xi32>
    %add3A_3440 = arith.addi %add3A_3439, %iota3A : vector<16xi32>
    %and3A_3441 = arith.constant 2047 : i32
    %and3A_3442 = vector.broadcast %and3A_3441 : i32 to vector<16xi32>
    %and3A_3443 = arith.andi %add3A_3440, %and3A_3442 : vector<16xi32>
    %eq3A_3444 = arith.constant 2047 : i32
    %eq3A_3445 = vector.broadcast %eq3A_3444 : i32 to vector<16xi32>
    %eq3A_3446 = arith.cmpi eq, %and3A_3443, %eq3A_3445 : vector<16xi32>
    %jit3A_3447 = arith.constant 1023 : i32
    %broadcast_in_dim3A_3448 = vector.broadcast %jit3A_3447 : i32 to vector<16xi32>
    %select_n3A_3449 = arith.select %eq3A_3446, %broadcast_in_dim3A_3448, %get3A_3434 : vector<16xi1>, vector<16xi32>
    %jit3A_3450 = arith.constant -1.000000e+03 : f32
    %jit3A_3451 = arith.constant 5.000000e+00 : f32
    %broadcast_in_dim3A_3452 = vector.broadcast %jit3A_3450 : f32 to vector<16xf32>
    %broadcast_in_dim3A_3453 = vector.broadcast %jit3A_3451 : f32 to vector<16xf32>
    %select_n3A_3454 = arith.select %eq3A_3446, %broadcast_in_dim3A_3452, %broadcast_in_dim3A_3453 : vector<16xi1>, vector<16xf32>
    %get3A_3455 = arith.constant 720 : index
    %get3A_3456 = tpu.vector_load %arg4[%get3A_3455] {strides = array<i32>} : memref<1024xi32, #tpu.memory_space<vmem>>, vector<16xi32>,
    %add3A_3457 = arith.constant 704 : i32
    %add3A_3458 = arith.addi %mul3A_2, %add3A_3457 : i32
    %add3A_3459 = arith.constant 16 : i32
    %add3A_3460 = arith.addi %add3A_3458, %add3A_3459 : i32
    %add3A_3461 = vector.broadcast %add3A_3460 : i32 to vector<16xi32>
    %add3A_3462 = arith.addi %add3A_3461, %iota3A : vector<16xi32>
    %and3A_3463 = arith.constant 2047 : i32
    %and3A_3464 = vector.broadcast %and3A_3463 : i32 to vector<16xi32>
    %and3A_3465 = arith.andi %add3A_3462, %and3A_3464 : vector<16xi32>
    %eq3A_3466 = arith.constant 2047 : i32
    %eq3A_3467 = vector.broadcast %eq3A_3466 : i32 to vector<16xi32>
    %eq3A_3468 = arith.cmpi eq, %and3A_3465, %eq3A_3467 : vector<16xi32>
    %jit3A_3469 = arith.constant 1023 : i32
    %broadcast_in_dim3A_3470 = vector.broadcast %jit3A_3469 : i32 to vector<16xi32>
    %select_n3A_3471 = arith.select %eq3A_3468, %broadcast_in_dim3A_3470, %get3A_3456 : vector<16xi1>, vector<16xi32>
    %jit3A_3472 = arith.constant -1.000000e+03 : f32
    %jit3A_3473 = arith.constant 5.000000e+00 : f32
    %broadcast_in_dim3A_3474 = vector.broadcast %jit3A_3472 : f32 to vector<16xf32>
    %broadcast_in_dim3A_3475 = vector.broadcast %jit3A_3473 : f32 to vector<16xf32>
    %select_n3A_3476 = arith.select %eq3A_3468, %broadcast_in_dim3A_3474, %broadcast_in_dim3A_3475 : vector<16xi1>, vector<16xf32>
    %add3A_3477 = arith.constant 32 : i32
    %add3A_3478 = vector.broadcast %add3A_3477 : i32 to vector<16xi32>
    %add3A_3479 = arith.addi %add3A_3478, %iota3A : vector<16xi32>
    tpu.vector_store_idx %arg5[%add3A_3479, %select_n3A_3449], %select_n3A_3454 : memref<96x1024xf32, #tpu.memory_space<vmem>>[vector<16xi32>, vector<16xi32>], vector<16xf32>,
    %add3A_3480 = arith.constant 48 : i32
    %add3A_3481 = vector.broadcast %add3A_3480 : i32 to vector<16xi32>
    %add3A_3482 = arith.addi %add3A_3481, %iota3A : vector<16xi32>
    tpu.vector_store_idx %arg5[%add3A_3482, %select_n3A_3471], %select_n3A_3476 : memref<96x1024xf32, #tpu.memory_space<vmem>>[vector<16xi32>, vector<16xi32>], vector<16xf32>,
    %add3A_3483 = arith.constant 704 : i32
    %add3A_3484 = arith.addi %mul3A_2, %add3A_3483 : i32
    %dma_start3A_3485 = arith.constant 32 : i32
    %dma_start3A_3486 = arith.constant 0 : i32
    %dma_start3A_3487 = tpu.memref_slice %arg5[%dma_start3A_3485, %dma_start3A_3486] : memref<96x1024xf32, #tpu.memory_space<vmem>> -> memref<32x1024xf32, #tpu.memory_space<vmem>>
    %dma_start3A_3488 = arith.constant 0 : i32
    %dma_start3A_3489 = tpu.memref_slice %arg3[%add3A_3484, %dma_start3A_3488] : memref<32768x1024xf32, #tpu.memory_space<hbm>> -> memref<32x1024xf32, #tpu.memory_space<hbm>>
    %dma_start3A_3490 = arith.constant 0 : i32
    %dma_start3A_3491 = tpu.memref_slice %arg3[%add3A_3484, %dma_start3A_3490] : memref<32768x1024xf32, #tpu.memory_space<hbm>> -> memref<32x1024xf32, #tpu.memory_space<hbm>>
    %dma_start3A_3492 = arith.constant 32 : i32
    %dma_start3A_3493 = arith.constant 0 : i32
    %dma_start3A_3494 = tpu.memref_slice %arg5[%dma_start3A_3492, %dma_start3A_3493] : memref<96x1024xf32, #tpu.memory_space<vmem>> -> memref<32x1024xf32, #tpu.memory_space<vmem>>
    tpu.enqueue_dma source(%dma_start3A_3494 : memref<32x1024xf32, #tpu.memory_space<vmem>>) target(%dma_start3A_3491 : memref<32x1024xf32, #tpu.memory_space<hbm>>) target_semaphore(%arg7 : memref<!tpu.dma_semaphore, #tpu.memory_space<semaphore_mem>>)
    %dma_wait3A_3495 = arith.constant 64 : i32
    %dma_wait3A_3496 = arith.constant 0 : i32
    %dma_wait3A_3497 = tpu.memref_slice %arg5[%dma_wait3A_3495, %dma_wait3A_3496] : memref<96x1024xf32, #tpu.memory_space<vmem>> -> memref<32x1024xf32, #tpu.memory_space<vmem>>
    %dma_wait3A_3498 = arith.constant 0 : i32
    %dma_wait3A_3499 = tpu.memref_slice %arg3[%add3A_3160, %dma_wait3A_3498] : memref<32768x1024xf32, #tpu.memory_space<hbm>> -> memref<32x1024xf32, #tpu.memory_space<hbm>>
    %dma_wait3A_3500 = arith.constant 0 : i32
    %dma_wait3A_3501 = tpu.memref_slice %arg3[%add3A_3160, %dma_wait3A_3500] : memref<32768x1024xf32, #tpu.memory_space<hbm>> -> memref<32x1024xf32, #tpu.memory_space<hbm>>
    %dma_wait3A_3502 = arith.constant 64 : i32
    %dma_wait3A_3503 = arith.constant 0 : i32
    %dma_wait3A_3504 = tpu.memref_slice %arg5[%dma_wait3A_3502, %dma_wait3A_3503] : memref<96x1024xf32, #tpu.memory_space<vmem>> -> memref<32x1024xf32, #tpu.memory_space<vmem>>
    tpu.wait_dma2 semaphore(%arg8 : memref<!tpu.dma_semaphore, #tpu.memory_space<semaphore_mem>>) src(%dma_wait3A_3504 : memref<32x1024xf32, #tpu.memory_space<vmem>>) dst(%dma_wait3A_3501 : memref<32x1024xf32, #tpu.memory_space<hbm>>)
    %get3A_3505 = arith.constant 640 : index
    %get3A_3506 = tpu.vector_load %arg4[%get3A_3505] {strides = array<i32>} : memref<1024xi32, #tpu.memory_space<vmem>>, vector<16xi32>,
    %add3A_3507 = arith.constant 640 : i32
    %add3A_3508 = arith.addi %mul3A_2, %add3A_3507 : i32
    %add3A_3509 = arith.constant 0 : i32
    %add3A_3510 = arith.addi %add3A_3508, %add3A_3509 : i32
    %add3A_3511 = vector.broadcast %add3A_3510 : i32 to vector<16xi32>
    %add3A_3512 = arith.addi %add3A_3511, %iota3A : vector<16xi32>
    %and3A_3513 = arith.constant 2047 : i32
    %and3A_3514 = vector.broadcast %and3A_3513 : i32 to vector<16xi32>
    %and3A_3515 = arith.andi %add3A_3512, %and3A_3514 : vector<16xi32>
    %eq3A_3516 = arith.constant 2047 : i32
    %eq3A_3517 = vector.broadcast %eq3A_3516 : i32 to vector<16xi32>
    %eq3A_3518 = arith.cmpi eq, %and3A_3515, %eq3A_3517 : vector<16xi32>
    %jit3A_3519 = arith.constant 1023 : i32
    %broadcast_in_dim3A_3520 = vector.broadcast %jit3A_3519 : i32 to vector<16xi32>
    %select_n3A_3521 = arith.select %eq3A_3518, %broadcast_in_dim3A_3520, %get3A_3506 : vector<16xi1>, vector<16xi32>
    %jit3A_3522 = arith.constant -1.000000e+03 : f32
    %jit3A_3523 = arith.constant 5.000000e+00 : f32
    %broadcast_in_dim3A_3524 = vector.broadcast %jit3A_3522 : f32 to vector<16xf32>
    %broadcast_in_dim3A_3525 = vector.broadcast %jit3A_3523 : f32 to vector<16xf32>
    %select_n3A_3526 = arith.select %eq3A_3518, %broadcast_in_dim3A_3524, %broadcast_in_dim3A_3525 : vector<16xi1>, vector<16xf32>
    %get3A_3527 = arith.constant 656 : index
    %get3A_3528 = tpu.vector_load %arg4[%get3A_3527] {strides = array<i32>} : memref<1024xi32, #tpu.memory_space<vmem>>, vector<16xi32>,
    %add3A_3529 = arith.constant 640 : i32
    %add3A_3530 = arith.addi %mul3A_2, %add3A_3529 : i32
    %add3A_3531 = arith.constant 16 : i32
    %add3A_3532 = arith.addi %add3A_3530, %add3A_3531 : i32
    %add3A_3533 = vector.broadcast %add3A_3532 : i32 to vector<16xi32>
    %add3A_3534 = arith.addi %add3A_3533, %iota3A : vector<16xi32>
    %and3A_3535 = arith.constant 2047 : i32
    %and3A_3536 = vector.broadcast %and3A_3535 : i32 to vector<16xi32>
    %and3A_3537 = arith.andi %add3A_3534, %and3A_3536 : vector<16xi32>
    %eq3A_3538 = arith.constant 2047 : i32
    %eq3A_3539 = vector.broadcast %eq3A_3538 : i32 to vector<16xi32>
    %eq3A_3540 = arith.cmpi eq, %and3A_3537, %eq3A_3539 : vector<16xi32>
    %jit3A_3541 = arith.constant 1023 : i32
    %broadcast_in_dim3A_3542 = vector.broadcast %jit3A_3541 : i32 to vector<16xi32>
    %select_n3A_3543 = arith.select %eq3A_3540, %broadcast_in_dim3A_3542, %get3A_3528 : vector<16xi1>, vector<16xi32>
    %jit3A_3544 = arith.constant -1.000000e+03 : f32
    %jit3A_3545 = arith.constant 5.000000e+00 : f32
    %broadcast_in_dim3A_3546 = vector.broadcast %jit3A_3544 : f32 to vector<16xf32>
    %broadcast_in_dim3A_3547 = vector.broadcast %jit3A_3545 : f32 to vector<16xf32>
    %select_n3A_3548 = arith.select %eq3A_3540, %broadcast_in_dim3A_3546, %broadcast_in_dim3A_3547 : vector<16xi1>, vector<16xf32>
    %add3A_3549 = arith.constant 64 : i32
    %add3A_3550 = vector.broadcast %add3A_3549 : i32 to vector<16xi32>
    %add3A_3551 = arith.addi %add3A_3550, %iota3A : vector<16xi32>
    %eq3A_3552 = arith.constant 0 : i32
    %eq3A_3553 = vector.broadcast %eq3A_3552 : i32 to vector<16xi32>
    %eq3A_3554 = arith.cmpi eq, %select_n3A_3521, %eq3A_3553 : vector<16xi32>
    %eq3A_3555 = arith.constant 1 : i32
    %eq3A_3556 = vector.broadcast %eq3A_3555 : i32 to vector<16xi32>
    %eq3A_3557 = arith.cmpi eq, %select_n3A_3521, %eq3A_3556 : vector<16xi32>
    %eq3A_3558 = arith.constant 2 : i32
    %eq3A_3559 = vector.broadcast %eq3A_3558 : i32 to vector<16xi32>
    %eq3A_3560 = arith.cmpi eq, %select_n3A_3521, %eq3A_3559 : vector<16xi32>
    %jit3A_3561 = arith.constant 0.000000e+00 : f32
    %jit3A_3562 = arith.constant -1.000000e+03 : f32
    %broadcast_in_dim3A_3563 = vector.broadcast %jit3A_3561 : f32 to vector<16xf32>
    %broadcast_in_dim3A_3564 = vector.broadcast %jit3A_3562 : f32 to vector<16xf32>
    %select_n3A_3565 = arith.select %eq3A_3560, %broadcast_in_dim3A_3563, %broadcast_in_dim3A_3564 : vector<16xi1>, vector<16xf32>
    %jit3A_3566 = arith.constant 5.000000e-01 : f32
    %broadcast_in_dim3A_3567 = vector.broadcast %jit3A_3566 : f32 to vector<16xf32>
    %select_n3A_3568 = arith.select %eq3A_3557, %broadcast_in_dim3A_3567, %select_n3A_3565 : vector<16xi1>, vector<16xf32>
    %jit3A_3569 = arith.constant 1.000000e+00 : f32
    %broadcast_in_dim3A_3570 = vector.broadcast %jit3A_3569 : f32 to vector<16xf32>
    %select_n3A_3571 = arith.select %eq3A_3554, %broadcast_in_dim3A_3570, %select_n3A_3568 : vector<16xi1>, vector<16xf32>
    tpu.vector_store_idx %arg5[%add3A_3551, %select_n3A_3521], %select_n3A_3571 : memref<96x1024xf32, #tpu.memory_space<vmem>>[vector<16xi32>, vector<16xi32>], vector<16xf32>,
    %add3A_3572 = arith.constant 80 : i32
    %add3A_3573 = vector.broadcast %add3A_3572 : i32 to vector<16xi32>
    %add3A_3574 = arith.addi %add3A_3573, %iota3A : vector<16xi32>
    %eq3A_3575 = arith.constant 0 : i32
    %eq3A_3576 = vector.broadcast %eq3A_3575 : i32 to vector<16xi32>
    %eq3A_3577 = arith.cmpi eq, %select_n3A_3543, %eq3A_3576 : vector<16xi32>
    %eq3A_3578 = arith.constant 1 : i32
    %eq3A_3579 = vector.broadcast %eq3A_3578 : i32 to vector<16xi32>
    %eq3A_3580 = arith.cmpi eq, %select_n3A_3543, %eq3A_3579 : vector<16xi32>
    %eq3A_3581 = arith.constant 2 : i32
    %eq3A_3582 = vector.broadcast %eq3A_3581 : i32 to vector<16xi32>
    %eq3A_3583 = arith.cmpi eq, %select_n3A_3543, %eq3A_3582 : vector<16xi32>
    %jit3A_3584 = arith.constant 0.000000e+00 : f32
    %jit3A_3585 = arith.constant -1.000000e+03 : f32
    %broadcast_in_dim3A_3586 = vector.broadcast %jit3A_3584 : f32 to vector<16xf32>
    %broadcast_in_dim3A_3587 = vector.broadcast %jit3A_3585 : f32 to vector<16xf32>
    %select_n3A_3588 = arith.select %eq3A_3583, %broadcast_in_dim3A_3586, %broadcast_in_dim3A_3587 : vector<16xi1>, vector<16xf32>
    %jit3A_3589 = arith.constant 5.000000e-01 : f32
    %broadcast_in_dim3A_3590 = vector.broadcast %jit3A_3589 : f32 to vector<16xf32>
    %select_n3A_3591 = arith.select %eq3A_3580, %broadcast_in_dim3A_3590, %select_n3A_3588 : vector<16xi1>, vector<16xf32>
    %jit3A_3592 = arith.constant 1.000000e+00 : f32
    %broadcast_in_dim3A_3593 = vector.broadcast %jit3A_3592 : f32 to vector<16xf32>
    %select_n3A_3594 = arith.select %eq3A_3577, %broadcast_in_dim3A_3593, %select_n3A_3591 : vector<16xi1>, vector<16xf32>
    tpu.vector_store_idx %arg5[%add3A_3574, %select_n3A_3543], %select_n3A_3594 : memref<96x1024xf32, #tpu.memory_space<vmem>>[vector<16xi32>, vector<16xi32>], vector<16xf32>,
    %get3A_3595 = arith.constant 736 : index
    %get3A_3596 = tpu.vector_load %arg4[%get3A_3595] {strides = array<i32>} : memref<1024xi32, #tpu.memory_space<vmem>>, vector<16xi32>,
    %add3A_3597 = arith.constant 736 : i32
    %add3A_3598 = arith.addi %mul3A_2, %add3A_3597 : i32
    %add3A_3599 = arith.constant 0 : i32
    %add3A_3600 = arith.addi %add3A_3598, %add3A_3599 : i32
    %add3A_3601 = vector.broadcast %add3A_3600 : i32 to vector<16xi32>
    %add3A_3602 = arith.addi %add3A_3601, %iota3A : vector<16xi32>
    %and3A_3603 = arith.constant 2047 : i32
    %and3A_3604 = vector.broadcast %and3A_3603 : i32 to vector<16xi32>
    %and3A_3605 = arith.andi %add3A_3602, %and3A_3604 : vector<16xi32>
    %eq3A_3606 = arith.constant 2047 : i32
    %eq3A_3607 = vector.broadcast %eq3A_3606 : i32 to vector<16xi32>
    %eq3A_3608 = arith.cmpi eq, %and3A_3605, %eq3A_3607 : vector<16xi32>
    %jit3A_3609 = arith.constant 1023 : i32
    %broadcast_in_dim3A_3610 = vector.broadcast %jit3A_3609 : i32 to vector<16xi32>
    %select_n3A_3611 = arith.select %eq3A_3608, %broadcast_in_dim3A_3610, %get3A_3596 : vector<16xi1>, vector<16xi32>
    %jit3A_3612 = arith.constant -1.000000e+03 : f32
    %jit3A_3613 = arith.constant 5.000000e+00 : f32
    %broadcast_in_dim3A_3614 = vector.broadcast %jit3A_3612 : f32 to vector<16xf32>
    %broadcast_in_dim3A_3615 = vector.broadcast %jit3A_3613 : f32 to vector<16xf32>
    %select_n3A_3616 = arith.select %eq3A_3608, %broadcast_in_dim3A_3614, %broadcast_in_dim3A_3615 : vector<16xi1>, vector<16xf32>
    %get3A_3617 = arith.constant 752 : index
    %get3A_3618 = tpu.vector_load %arg4[%get3A_3617] {strides = array<i32>} : memref<1024xi32, #tpu.memory_space<vmem>>, vector<16xi32>,
    %add3A_3619 = arith.constant 736 : i32
    %add3A_3620 = arith.addi %mul3A_2, %add3A_3619 : i32
    %add3A_3621 = arith.constant 16 : i32
    %add3A_3622 = arith.addi %add3A_3620, %add3A_3621 : i32
    %add3A_3623 = vector.broadcast %add3A_3622 : i32 to vector<16xi32>
    %add3A_3624 = arith.addi %add3A_3623, %iota3A : vector<16xi32>
    %and3A_3625 = arith.constant 2047 : i32
    %and3A_3626 = vector.broadcast %and3A_3625 : i32 to vector<16xi32>
    %and3A_3627 = arith.andi %add3A_3624, %and3A_3626 : vector<16xi32>
    %eq3A_3628 = arith.constant 2047 : i32
    %eq3A_3629 = vector.broadcast %eq3A_3628 : i32 to vector<16xi32>
    %eq3A_3630 = arith.cmpi eq, %and3A_3627, %eq3A_3629 : vector<16xi32>
    %jit3A_3631 = arith.constant 1023 : i32
    %broadcast_in_dim3A_3632 = vector.broadcast %jit3A_3631 : i32 to vector<16xi32>
    %select_n3A_3633 = arith.select %eq3A_3630, %broadcast_in_dim3A_3632, %get3A_3618 : vector<16xi1>, vector<16xi32>
    %jit3A_3634 = arith.constant -1.000000e+03 : f32
    %jit3A_3635 = arith.constant 5.000000e+00 : f32
    %broadcast_in_dim3A_3636 = vector.broadcast %jit3A_3634 : f32 to vector<16xf32>
    %broadcast_in_dim3A_3637 = vector.broadcast %jit3A_3635 : f32 to vector<16xf32>
    %select_n3A_3638 = arith.select %eq3A_3630, %broadcast_in_dim3A_3636, %broadcast_in_dim3A_3637 : vector<16xi1>, vector<16xf32>
    %add3A_3639 = arith.constant 64 : i32
    %add3A_3640 = vector.broadcast %add3A_3639 : i32 to vector<16xi32>
    %add3A_3641 = arith.addi %add3A_3640, %iota3A : vector<16xi32>
    tpu.vector_store_idx %arg5[%add3A_3641, %select_n3A_3611], %select_n3A_3616 : memref<96x1024xf32, #tpu.memory_space<vmem>>[vector<16xi32>, vector<16xi32>], vector<16xf32>,
    %add3A_3642 = arith.constant 80 : i32
    %add3A_3643 = vector.broadcast %add3A_3642 : i32 to vector<16xi32>
    %add3A_3644 = arith.addi %add3A_3643, %iota3A : vector<16xi32>
    tpu.vector_store_idx %arg5[%add3A_3644, %select_n3A_3633], %select_n3A_3638 : memref<96x1024xf32, #tpu.memory_space<vmem>>[vector<16xi32>, vector<16xi32>], vector<16xf32>,
    %add3A_3645 = arith.constant 736 : i32
    %add3A_3646 = arith.addi %mul3A_2, %add3A_3645 : i32
    %dma_start3A_3647 = arith.constant 64 : i32
    %dma_start3A_3648 = arith.constant 0 : i32
    %dma_start3A_3649 = tpu.memref_slice %arg5[%dma_start3A_3647, %dma_start3A_3648] : memref<96x1024xf32, #tpu.memory_space<vmem>> -> memref<32x1024xf32, #tpu.memory_space<vmem>>
    %dma_start3A_3650 = arith.constant 0 : i32
    %dma_start3A_3651 = tpu.memref_slice %arg3[%add3A_3646, %dma_start3A_3650] : memref<32768x1024xf32, #tpu.memory_space<hbm>> -> memref<32x1024xf32, #tpu.memory_space<hbm>>
    %dma_start3A_3652 = arith.constant 0 : i32
    %dma_start3A_3653 = tpu.memref_slice %arg3[%add3A_3646, %dma_start3A_3652] : memref<32768x1024xf32, #tpu.memory_space<hbm>> -> memref<32x1024xf32, #tpu.memory_space<hbm>>
    %dma_start3A_3654 = arith.constant 64 : i32
    %dma_start3A_3655 = arith.constant 0 : i32
    %dma_start3A_3656 = tpu.memref_slice %arg5[%dma_start3A_3654, %dma_start3A_3655] : memref<96x1024xf32, #tpu.memory_space<vmem>> -> memref<32x1024xf32, #tpu.memory_space<vmem>>
    tpu.enqueue_dma source(%dma_start3A_3656 : memref<32x1024xf32, #tpu.memory_space<vmem>>) target(%dma_start3A_3653 : memref<32x1024xf32, #tpu.memory_space<hbm>>) target_semaphore(%arg8 : memref<!tpu.dma_semaphore, #tpu.memory_space<semaphore_mem>>)
    %dma_wait3A_3657 = arith.constant 0 : i32
    %dma_wait3A_3658 = arith.constant 0 : i32
    %dma_wait3A_3659 = tpu.memref_slice %arg5[%dma_wait3A_3657, %dma_wait3A_3658] : memref<96x1024xf32, #tpu.memory_space<vmem>> -> memref<32x1024xf32, #tpu.memory_space<vmem>>
    %dma_wait3A_3660 = arith.constant 0 : i32
    %dma_wait3A_3661 = tpu.memref_slice %arg3[%add3A_3322, %dma_wait3A_3660] : memref<32768x1024xf32, #tpu.memory_space<hbm>> -> memref<32x1024xf32, #tpu.memory_space<hbm>>
    %dma_wait3A_3662 = arith.constant 0 : i32
    %dma_wait3A_3663 = tpu.memref_slice %arg3[%add3A_3322, %dma_wait3A_3662] : memref<32768x1024xf32, #tpu.memory_space<hbm>> -> memref<32x1024xf32, #tpu.memory_space<hbm>>
    %dma_wait3A_3664 = arith.constant 0 : i32
    %dma_wait3A_3665 = arith.constant 0 : i32
    %dma_wait3A_3666 = tpu.memref_slice %arg5[%dma_wait3A_3664, %dma_wait3A_3665] : memref<96x1024xf32, #tpu.memory_space<vmem>> -> memref<32x1024xf32, #tpu.memory_space<vmem>>
    tpu.wait_dma2 semaphore(%arg6 : memref<!tpu.dma_semaphore, #tpu.memory_space<semaphore_mem>>) src(%dma_wait3A_3666 : memref<32x1024xf32, #tpu.memory_space<vmem>>) dst(%dma_wait3A_3663 : memref<32x1024xf32, #tpu.memory_space<hbm>>)
    %get3A_3667 = arith.constant 672 : index
    %get3A_3668 = tpu.vector_load %arg4[%get3A_3667] {strides = array<i32>} : memref<1024xi32, #tpu.memory_space<vmem>>, vector<16xi32>,
    %add3A_3669 = arith.constant 672 : i32
    %add3A_3670 = arith.addi %mul3A_2, %add3A_3669 : i32
    %add3A_3671 = arith.constant 0 : i32
    %add3A_3672 = arith.addi %add3A_3670, %add3A_3671 : i32
    %add3A_3673 = vector.broadcast %add3A_3672 : i32 to vector<16xi32>
    %add3A_3674 = arith.addi %add3A_3673, %iota3A : vector<16xi32>
    %and3A_3675 = arith.constant 2047 : i32
    %and3A_3676 = vector.broadcast %and3A_3675 : i32 to vector<16xi32>
    %and3A_3677 = arith.andi %add3A_3674, %and3A_3676 : vector<16xi32>
    %eq3A_3678 = arith.constant 2047 : i32
    %eq3A_3679 = vector.broadcast %eq3A_3678 : i32 to vector<16xi32>
    %eq3A_3680 = arith.cmpi eq, %and3A_3677, %eq3A_3679 : vector<16xi32>
    %jit3A_3681 = arith.constant 1023 : i32
    %broadcast_in_dim3A_3682 = vector.broadcast %jit3A_3681 : i32 to vector<16xi32>
    %select_n3A_3683 = arith.select %eq3A_3680, %broadcast_in_dim3A_3682, %get3A_3668 : vector<16xi1>, vector<16xi32>
    %jit3A_3684 = arith.constant -1.000000e+03 : f32
    %jit3A_3685 = arith.constant 5.000000e+00 : f32
    %broadcast_in_dim3A_3686 = vector.broadcast %jit3A_3684 : f32 to vector<16xf32>
    %broadcast_in_dim3A_3687 = vector.broadcast %jit3A_3685 : f32 to vector<16xf32>
    %select_n3A_3688 = arith.select %eq3A_3680, %broadcast_in_dim3A_3686, %broadcast_in_dim3A_3687 : vector<16xi1>, vector<16xf32>
    %get3A_3689 = arith.constant 688 : index
    %get3A_3690 = tpu.vector_load %arg4[%get3A_3689] {strides = array<i32>} : memref<1024xi32, #tpu.memory_space<vmem>>, vector<16xi32>,
    %add3A_3691 = arith.constant 672 : i32
    %add3A_3692 = arith.addi %mul3A_2, %add3A_3691 : i32
    %add3A_3693 = arith.constant 16 : i32
    %add3A_3694 = arith.addi %add3A_3692, %add3A_3693 : i32
    %add3A_3695 = vector.broadcast %add3A_3694 : i32 to vector<16xi32>
    %add3A_3696 = arith.addi %add3A_3695, %iota3A : vector<16xi32>
    %and3A_3697 = arith.constant 2047 : i32
    %and3A_3698 = vector.broadcast %and3A_3697 : i32 to vector<16xi32>
    %and3A_3699 = arith.andi %add3A_3696, %and3A_3698 : vector<16xi32>
    %eq3A_3700 = arith.constant 2047 : i32
    %eq3A_3701 = vector.broadcast %eq3A_3700 : i32 to vector<16xi32>
    %eq3A_3702 = arith.cmpi eq, %and3A_3699, %eq3A_3701 : vector<16xi32>
    %jit3A_3703 = arith.constant 1023 : i32
    %broadcast_in_dim3A_3704 = vector.broadcast %jit3A_3703 : i32 to vector<16xi32>
    %select_n3A_3705 = arith.select %eq3A_3702, %broadcast_in_dim3A_3704, %get3A_3690 : vector<16xi1>, vector<16xi32>
    %jit3A_3706 = arith.constant -1.000000e+03 : f32
    %jit3A_3707 = arith.constant 5.000000e+00 : f32
    %broadcast_in_dim3A_3708 = vector.broadcast %jit3A_3706 : f32 to vector<16xf32>
    %broadcast_in_dim3A_3709 = vector.broadcast %jit3A_3707 : f32 to vector<16xf32>
    %select_n3A_3710 = arith.select %eq3A_3702, %broadcast_in_dim3A_3708, %broadcast_in_dim3A_3709 : vector<16xi1>, vector<16xf32>
    %add3A_3711 = arith.constant 0 : i32
    %add3A_3712 = vector.broadcast %add3A_3711 : i32 to vector<16xi32>
    %add3A_3713 = arith.addi %add3A_3712, %iota3A : vector<16xi32>
    %eq3A_3714 = arith.constant 0 : i32
    %eq3A_3715 = vector.broadcast %eq3A_3714 : i32 to vector<16xi32>
    %eq3A_3716 = arith.cmpi eq, %select_n3A_3683, %eq3A_3715 : vector<16xi32>
    %eq3A_3717 = arith.constant 1 : i32
    %eq3A_3718 = vector.broadcast %eq3A_3717 : i32 to vector<16xi32>
    %eq3A_3719 = arith.cmpi eq, %select_n3A_3683, %eq3A_3718 : vector<16xi32>
    %eq3A_3720 = arith.constant 2 : i32
    %eq3A_3721 = vector.broadcast %eq3A_3720 : i32 to vector<16xi32>
    %eq3A_3722 = arith.cmpi eq, %select_n3A_3683, %eq3A_3721 : vector<16xi32>
    %jit3A_3723 = arith.constant 0.000000e+00 : f32
    %jit3A_3724 = arith.constant -1.000000e+03 : f32
    %broadcast_in_dim3A_3725 = vector.broadcast %jit3A_3723 : f32 to vector<16xf32>
    %broadcast_in_dim3A_3726 = vector.broadcast %jit3A_3724 : f32 to vector<16xf32>
    %select_n3A_3727 = arith.select %eq3A_3722, %broadcast_in_dim3A_3725, %broadcast_in_dim3A_3726 : vector<16xi1>, vector<16xf32>
    %jit3A_3728 = arith.constant 5.000000e-01 : f32
    %broadcast_in_dim3A_3729 = vector.broadcast %jit3A_3728 : f32 to vector<16xf32>
    %select_n3A_3730 = arith.select %eq3A_3719, %broadcast_in_dim3A_3729, %select_n3A_3727 : vector<16xi1>, vector<16xf32>
    %jit3A_3731 = arith.constant 1.000000e+00 : f32
    %broadcast_in_dim3A_3732 = vector.broadcast %jit3A_3731 : f32 to vector<16xf32>
    %select_n3A_3733 = arith.select %eq3A_3716, %broadcast_in_dim3A_3732, %select_n3A_3730 : vector<16xi1>, vector<16xf32>
    tpu.vector_store_idx %arg5[%add3A_3713, %select_n3A_3683], %select_n3A_3733 : memref<96x1024xf32, #tpu.memory_space<vmem>>[vector<16xi32>, vector<16xi32>], vector<16xf32>,
    %add3A_3734 = arith.constant 16 : i32
    %add3A_3735 = vector.broadcast %add3A_3734 : i32 to vector<16xi32>
    %add3A_3736 = arith.addi %add3A_3735, %iota3A : vector<16xi32>
    %eq3A_3737 = arith.constant 0 : i32
    %eq3A_3738 = vector.broadcast %eq3A_3737 : i32 to vector<16xi32>
    %eq3A_3739 = arith.cmpi eq, %select_n3A_3705, %eq3A_3738 : vector<16xi32>
    %eq3A_3740 = arith.constant 1 : i32
    %eq3A_3741 = vector.broadcast %eq3A_3740 : i32 to vector<16xi32>
    %eq3A_3742 = arith.cmpi eq, %select_n3A_3705, %eq3A_3741 : vector<16xi32>
    %eq3A_3743 = arith.constant 2 : i32
    %eq3A_3744 = vector.broadcast %eq3A_3743 : i32 to vector<16xi32>
    %eq3A_3745 = arith.cmpi eq, %select_n3A_3705, %eq3A_3744 : vector<16xi32>
    %jit3A_3746 = arith.constant 0.000000e+00 : f32
    %jit3A_3747 = arith.constant -1.000000e+03 : f32
    %broadcast_in_dim3A_3748 = vector.broadcast %jit3A_3746 : f32 to vector<16xf32>
    %broadcast_in_dim3A_3749 = vector.broadcast %jit3A_3747 : f32 to vector<16xf32>
    %select_n3A_3750 = arith.select %eq3A_3745, %broadcast_in_dim3A_3748, %broadcast_in_dim3A_3749 : vector<16xi1>, vector<16xf32>
    %jit3A_3751 = arith.constant 5.000000e-01 : f32
    %broadcast_in_dim3A_3752 = vector.broadcast %jit3A_3751 : f32 to vector<16xf32>
    %select_n3A_3753 = arith.select %eq3A_3742, %broadcast_in_dim3A_3752, %select_n3A_3750 : vector<16xi1>, vector<16xf32>
    %jit3A_3754 = arith.constant 1.000000e+00 : f32
    %broadcast_in_dim3A_3755 = vector.broadcast %jit3A_3754 : f32 to vector<16xf32>
    %select_n3A_3756 = arith.select %eq3A_3739, %broadcast_in_dim3A_3755, %select_n3A_3753 : vector<16xi1>, vector<16xf32>
    tpu.vector_store_idx %arg5[%add3A_3736, %select_n3A_3705], %select_n3A_3756 : memref<96x1024xf32, #tpu.memory_space<vmem>>[vector<16xi32>, vector<16xi32>], vector<16xf32>,
    %get3A_3757 = arith.constant 768 : index
    %get3A_3758 = tpu.vector_load %arg4[%get3A_3757] {strides = array<i32>} : memref<1024xi32, #tpu.memory_space<vmem>>, vector<16xi32>,
    %add3A_3759 = arith.constant 768 : i32
    %add3A_3760 = arith.addi %mul3A_2, %add3A_3759 : i32
    %add3A_3761 = arith.constant 0 : i32
    %add3A_3762 = arith.addi %add3A_3760, %add3A_3761 : i32
    %add3A_3763 = vector.broadcast %add3A_3762 : i32 to vector<16xi32>
    %add3A_3764 = arith.addi %add3A_3763, %iota3A : vector<16xi32>
    %and3A_3765 = arith.constant 2047 : i32
    %and3A_3766 = vector.broadcast %and3A_3765 : i32 to vector<16xi32>
    %and3A_3767 = arith.andi %add3A_3764, %and3A_3766 : vector<16xi32>
    %eq3A_3768 = arith.constant 2047 : i32
    %eq3A_3769 = vector.broadcast %eq3A_3768 : i32 to vector<16xi32>
    %eq3A_3770 = arith.cmpi eq, %and3A_3767, %eq3A_3769 : vector<16xi32>
    %jit3A_3771 = arith.constant 1023 : i32
    %broadcast_in_dim3A_3772 = vector.broadcast %jit3A_3771 : i32 to vector<16xi32>
    %select_n3A_3773 = arith.select %eq3A_3770, %broadcast_in_dim3A_3772, %get3A_3758 : vector<16xi1>, vector<16xi32>
    %jit3A_3774 = arith.constant -1.000000e+03 : f32
    %jit3A_3775 = arith.constant 5.000000e+00 : f32
    %broadcast_in_dim3A_3776 = vector.broadcast %jit3A_3774 : f32 to vector<16xf32>
    %broadcast_in_dim3A_3777 = vector.broadcast %jit3A_3775 : f32 to vector<16xf32>
    %select_n3A_3778 = arith.select %eq3A_3770, %broadcast_in_dim3A_3776, %broadcast_in_dim3A_3777 : vector<16xi1>, vector<16xf32>
    %get3A_3779 = arith.constant 784 : index
    %get3A_3780 = tpu.vector_load %arg4[%get3A_3779] {strides = array<i32>} : memref<1024xi32, #tpu.memory_space<vmem>>, vector<16xi32>,
    %add3A_3781 = arith.constant 768 : i32
    %add3A_3782 = arith.addi %mul3A_2, %add3A_3781 : i32
    %add3A_3783 = arith.constant 16 : i32
    %add3A_3784 = arith.addi %add3A_3782, %add3A_3783 : i32
    %add3A_3785 = vector.broadcast %add3A_3784 : i32 to vector<16xi32>
    %add3A_3786 = arith.addi %add3A_3785, %iota3A : vector<16xi32>
    %and3A_3787 = arith.constant 2047 : i32
    %and3A_3788 = vector.broadcast %and3A_3787 : i32 to vector<16xi32>
    %and3A_3789 = arith.andi %add3A_3786, %and3A_3788 : vector<16xi32>
    %eq3A_3790 = arith.constant 2047 : i32
    %eq3A_3791 = vector.broadcast %eq3A_3790 : i32 to vector<16xi32>
    %eq3A_3792 = arith.cmpi eq, %and3A_3789, %eq3A_3791 : vector<16xi32>
    %jit3A_3793 = arith.constant 1023 : i32
    %broadcast_in_dim3A_3794 = vector.broadcast %jit3A_3793 : i32 to vector<16xi32>
    %select_n3A_3795 = arith.select %eq3A_3792, %broadcast_in_dim3A_3794, %get3A_3780 : vector<16xi1>, vector<16xi32>
    %jit3A_3796 = arith.constant -1.000000e+03 : f32
    %jit3A_3797 = arith.constant 5.000000e+00 : f32
    %broadcast_in_dim3A_3798 = vector.broadcast %jit3A_3796 : f32 to vector<16xf32>
    %broadcast_in_dim3A_3799 = vector.broadcast %jit3A_3797 : f32 to vector<16xf32>
    %select_n3A_3800 = arith.select %eq3A_3792, %broadcast_in_dim3A_3798, %broadcast_in_dim3A_3799 : vector<16xi1>, vector<16xf32>
    %add3A_3801 = arith.constant 0 : i32
    %add3A_3802 = vector.broadcast %add3A_3801 : i32 to vector<16xi32>
    %add3A_3803 = arith.addi %add3A_3802, %iota3A : vector<16xi32>
    tpu.vector_store_idx %arg5[%add3A_3803, %select_n3A_3773], %select_n3A_3778 : memref<96x1024xf32, #tpu.memory_space<vmem>>[vector<16xi32>, vector<16xi32>], vector<16xf32>,
    %add3A_3804 = arith.constant 16 : i32
    %add3A_3805 = vector.broadcast %add3A_3804 : i32 to vector<16xi32>
    %add3A_3806 = arith.addi %add3A_3805, %iota3A : vector<16xi32>
    tpu.vector_store_idx %arg5[%add3A_3806, %select_n3A_3795], %select_n3A_3800 : memref<96x1024xf32, #tpu.memory_space<vmem>>[vector<16xi32>, vector<16xi32>], vector<16xf32>,
    %add3A_3807 = arith.constant 768 : i32
    %add3A_3808 = arith.addi %mul3A_2, %add3A_3807 : i32
    %dma_start3A_3809 = arith.constant 0 : i32
    %dma_start3A_3810 = arith.constant 0 : i32
    %dma_start3A_3811 = tpu.memref_slice %arg5[%dma_start3A_3809, %dma_start3A_3810] : memref<96x1024xf32, #tpu.memory_space<vmem>> -> memref<32x1024xf32, #tpu.memory_space<vmem>>
    %dma_start3A_3812 = arith.constant 0 : i32
    %dma_start3A_3813 = tpu.memref_slice %arg3[%add3A_3808, %dma_start3A_3812] : memref<32768x1024xf32, #tpu.memory_space<hbm>> -> memref<32x1024xf32, #tpu.memory_space<hbm>>
    %dma_start3A_3814 = arith.constant 0 : i32
    %dma_start3A_3815 = tpu.memref_slice %arg3[%add3A_3808, %dma_start3A_3814] : memref<32768x1024xf32, #tpu.memory_space<hbm>> -> memref<32x1024xf32, #tpu.memory_space<hbm>>
    %dma_start3A_3816 = arith.constant 0 : i32
    %dma_start3A_3817 = arith.constant 0 : i32
    %dma_start3A_3818 = tpu.memref_slice %arg5[%dma_start3A_3816, %dma_start3A_3817] : memref<96x1024xf32, #tpu.memory_space<vmem>> -> memref<32x1024xf32, #tpu.memory_space<vmem>>
    tpu.enqueue_dma source(%dma_start3A_3818 : memref<32x1024xf32, #tpu.memory_space<vmem>>) target(%dma_start3A_3815 : memref<32x1024xf32, #tpu.memory_space<hbm>>) target_semaphore(%arg6 : memref<!tpu.dma_semaphore, #tpu.memory_space<semaphore_mem>>)
    %dma_wait3A_3819 = arith.constant 32 : i32
    %dma_wait3A_3820 = arith.constant 0 : i32
    %dma_wait3A_3821 = tpu.memref_slice %arg5[%dma_wait3A_3819, %dma_wait3A_3820] : memref<96x1024xf32, #tpu.memory_space<vmem>> -> memref<32x1024xf32, #tpu.memory_space<vmem>>
    %dma_wait3A_3822 = arith.constant 0 : i32
    %dma_wait3A_3823 = tpu.memref_slice %arg3[%add3A_3484, %dma_wait3A_3822] : memref<32768x1024xf32, #tpu.memory_space<hbm>> -> memref<32x1024xf32, #tpu.memory_space<hbm>>
    %dma_wait3A_3824 = arith.constant 0 : i32
    %dma_wait3A_3825 = tpu.memref_slice %arg3[%add3A_3484, %dma_wait3A_3824] : memref<32768x1024xf32, #tpu.memory_space<hbm>> -> memref<32x1024xf32, #tpu.memory_space<hbm>>
    %dma_wait3A_3826 = arith.constant 32 : i32
    %dma_wait3A_3827 = arith.constant 0 : i32
    %dma_wait3A_3828 = tpu.memref_slice %arg5[%dma_wait3A_3826, %dma_wait3A_3827] : memref<96x1024xf32, #tpu.memory_space<vmem>> -> memref<32x1024xf32, #tpu.memory_space<vmem>>
    tpu.wait_dma2 semaphore(%arg7 : memref<!tpu.dma_semaphore, #tpu.memory_space<semaphore_mem>>) src(%dma_wait3A_3828 : memref<32x1024xf32, #tpu.memory_space<vmem>>) dst(%dma_wait3A_3825 : memref<32x1024xf32, #tpu.memory_space<hbm>>)
    %get3A_3829 = arith.constant 704 : index
    %get3A_3830 = tpu.vector_load %arg4[%get3A_3829] {strides = array<i32>} : memref<1024xi32, #tpu.memory_space<vmem>>, vector<16xi32>,
    %add3A_3831 = arith.constant 704 : i32
    %add3A_3832 = arith.addi %mul3A_2, %add3A_3831 : i32
    %add3A_3833 = arith.constant 0 : i32
    %add3A_3834 = arith.addi %add3A_3832, %add3A_3833 : i32
    %add3A_3835 = vector.broadcast %add3A_3834 : i32 to vector<16xi32>
    %add3A_3836 = arith.addi %add3A_3835, %iota3A : vector<16xi32>
    %and3A_3837 = arith.constant 2047 : i32
    %and3A_3838 = vector.broadcast %and3A_3837 : i32 to vector<16xi32>
    %and3A_3839 = arith.andi %add3A_3836, %and3A_3838 : vector<16xi32>
    %eq3A_3840 = arith.constant 2047 : i32
    %eq3A_3841 = vector.broadcast %eq3A_3840 : i32 to vector<16xi32>
    %eq3A_3842 = arith.cmpi eq, %and3A_3839, %eq3A_3841 : vector<16xi32>
    %jit3A_3843 = arith.constant 1023 : i32
    %broadcast_in_dim3A_3844 = vector.broadcast %jit3A_3843 : i32 to vector<16xi32>
    %select_n3A_3845 = arith.select %eq3A_3842, %broadcast_in_dim3A_3844, %get3A_3830 : vector<16xi1>, vector<16xi32>
    %jit3A_3846 = arith.constant -1.000000e+03 : f32
    %jit3A_3847 = arith.constant 5.000000e+00 : f32
    %broadcast_in_dim3A_3848 = vector.broadcast %jit3A_3846 : f32 to vector<16xf32>
    %broadcast_in_dim3A_3849 = vector.broadcast %jit3A_3847 : f32 to vector<16xf32>
    %select_n3A_3850 = arith.select %eq3A_3842, %broadcast_in_dim3A_3848, %broadcast_in_dim3A_3849 : vector<16xi1>, vector<16xf32>
    %get3A_3851 = arith.constant 720 : index
    %get3A_3852 = tpu.vector_load %arg4[%get3A_3851] {strides = array<i32>} : memref<1024xi32, #tpu.memory_space<vmem>>, vector<16xi32>,
    %add3A_3853 = arith.constant 704 : i32
    %add3A_3854 = arith.addi %mul3A_2, %add3A_3853 : i32
    %add3A_3855 = arith.constant 16 : i32
    %add3A_3856 = arith.addi %add3A_3854, %add3A_3855 : i32
    %add3A_3857 = vector.broadcast %add3A_3856 : i32 to vector<16xi32>
    %add3A_3858 = arith.addi %add3A_3857, %iota3A : vector<16xi32>
    %and3A_3859 = arith.constant 2047 : i32
    %and3A_3860 = vector.broadcast %and3A_3859 : i32 to vector<16xi32>
    %and3A_3861 = arith.andi %add3A_3858, %and3A_3860 : vector<16xi32>
    %eq3A_3862 = arith.constant 2047 : i32
    %eq3A_3863 = vector.broadcast %eq3A_3862 : i32 to vector<16xi32>
    %eq3A_3864 = arith.cmpi eq, %and3A_3861, %eq3A_3863 : vector<16xi32>
    %jit3A_3865 = arith.constant 1023 : i32
    %broadcast_in_dim3A_3866 = vector.broadcast %jit3A_3865 : i32 to vector<16xi32>
    %select_n3A_3867 = arith.select %eq3A_3864, %broadcast_in_dim3A_3866, %get3A_3852 : vector<16xi1>, vector<16xi32>
    %jit3A_3868 = arith.constant -1.000000e+03 : f32
    %jit3A_3869 = arith.constant 5.000000e+00 : f32
    %broadcast_in_dim3A_3870 = vector.broadcast %jit3A_3868 : f32 to vector<16xf32>
    %broadcast_in_dim3A_3871 = vector.broadcast %jit3A_3869 : f32 to vector<16xf32>
    %select_n3A_3872 = arith.select %eq3A_3864, %broadcast_in_dim3A_3870, %broadcast_in_dim3A_3871 : vector<16xi1>, vector<16xf32>
    %add3A_3873 = arith.constant 32 : i32
    %add3A_3874 = vector.broadcast %add3A_3873 : i32 to vector<16xi32>
    %add3A_3875 = arith.addi %add3A_3874, %iota3A : vector<16xi32>
    %eq3A_3876 = arith.constant 0 : i32
    %eq3A_3877 = vector.broadcast %eq3A_3876 : i32 to vector<16xi32>
    %eq3A_3878 = arith.cmpi eq, %select_n3A_3845, %eq3A_3877 : vector<16xi32>
    %eq3A_3879 = arith.constant 1 : i32
    %eq3A_3880 = vector.broadcast %eq3A_3879 : i32 to vector<16xi32>
    %eq3A_3881 = arith.cmpi eq, %select_n3A_3845, %eq3A_3880 : vector<16xi32>
    %eq3A_3882 = arith.constant 2 : i32
    %eq3A_3883 = vector.broadcast %eq3A_3882 : i32 to vector<16xi32>
    %eq3A_3884 = arith.cmpi eq, %select_n3A_3845, %eq3A_3883 : vector<16xi32>
    %jit3A_3885 = arith.constant 0.000000e+00 : f32
    %jit3A_3886 = arith.constant -1.000000e+03 : f32
    %broadcast_in_dim3A_3887 = vector.broadcast %jit3A_3885 : f32 to vector<16xf32>
    %broadcast_in_dim3A_3888 = vector.broadcast %jit3A_3886 : f32 to vector<16xf32>
    %select_n3A_3889 = arith.select %eq3A_3884, %broadcast_in_dim3A_3887, %broadcast_in_dim3A_3888 : vector<16xi1>, vector<16xf32>
    %jit3A_3890 = arith.constant 5.000000e-01 : f32
    %broadcast_in_dim3A_3891 = vector.broadcast %jit3A_3890 : f32 to vector<16xf32>
    %select_n3A_3892 = arith.select %eq3A_3881, %broadcast_in_dim3A_3891, %select_n3A_3889 : vector<16xi1>, vector<16xf32>
    %jit3A_3893 = arith.constant 1.000000e+00 : f32
    %broadcast_in_dim3A_3894 = vector.broadcast %jit3A_3893 : f32 to vector<16xf32>
    %select_n3A_3895 = arith.select %eq3A_3878, %broadcast_in_dim3A_3894, %select_n3A_3892 : vector<16xi1>, vector<16xf32>
    tpu.vector_store_idx %arg5[%add3A_3875, %select_n3A_3845], %select_n3A_3895 : memref<96x1024xf32, #tpu.memory_space<vmem>>[vector<16xi32>, vector<16xi32>], vector<16xf32>,
    %add3A_3896 = arith.constant 48 : i32
    %add3A_3897 = vector.broadcast %add3A_3896 : i32 to vector<16xi32>
    %add3A_3898 = arith.addi %add3A_3897, %iota3A : vector<16xi32>
    %eq3A_3899 = arith.constant 0 : i32
    %eq3A_3900 = vector.broadcast %eq3A_3899 : i32 to vector<16xi32>
    %eq3A_3901 = arith.cmpi eq, %select_n3A_3867, %eq3A_3900 : vector<16xi32>
    %eq3A_3902 = arith.constant 1 : i32
    %eq3A_3903 = vector.broadcast %eq3A_3902 : i32 to vector<16xi32>
    %eq3A_3904 = arith.cmpi eq, %select_n3A_3867, %eq3A_3903 : vector<16xi32>
    %eq3A_3905 = arith.constant 2 : i32
    %eq3A_3906 = vector.broadcast %eq3A_3905 : i32 to vector<16xi32>
    %eq3A_3907 = arith.cmpi eq, %select_n3A_3867, %eq3A_3906 : vector<16xi32>
    %jit3A_3908 = arith.constant 0.000000e+00 : f32
    %jit3A_3909 = arith.constant -1.000000e+03 : f32
    %broadcast_in_dim3A_3910 = vector.broadcast %jit3A_3908 : f32 to vector<16xf32>
    %broadcast_in_dim3A_3911 = vector.broadcast %jit3A_3909 : f32 to vector<16xf32>
    %select_n3A_3912 = arith.select %eq3A_3907, %broadcast_in_dim3A_3910, %broadcast_in_dim3A_3911 : vector<16xi1>, vector<16xf32>
    %jit3A_3913 = arith.constant 5.000000e-01 : f32
    %broadcast_in_dim3A_3914 = vector.broadcast %jit3A_3913 : f32 to vector<16xf32>
    %select_n3A_3915 = arith.select %eq3A_3904, %broadcast_in_dim3A_3914, %select_n3A_3912 : vector<16xi1>, vector<16xf32>
    %jit3A_3916 = arith.constant 1.000000e+00 : f32
    %broadcast_in_dim3A_3917 = vector.broadcast %jit3A_3916 : f32 to vector<16xf32>
    %select_n3A_3918 = arith.select %eq3A_3901, %broadcast_in_dim3A_3917, %select_n3A_3915 : vector<16xi1>, vector<16xf32>
    tpu.vector_store_idx %arg5[%add3A_3898, %select_n3A_3867], %select_n3A_3918 : memref<96x1024xf32, #tpu.memory_space<vmem>>[vector<16xi32>, vector<16xi32>], vector<16xf32>,
    %get3A_3919 = arith.constant 800 : index
    %get3A_3920 = tpu.vector_load %arg4[%get3A_3919] {strides = array<i32>} : memref<1024xi32, #tpu.memory_space<vmem>>, vector<16xi32>,
    %add3A_3921 = arith.constant 800 : i32
    %add3A_3922 = arith.addi %mul3A_2, %add3A_3921 : i32
    %add3A_3923 = arith.constant 0 : i32
    %add3A_3924 = arith.addi %add3A_3922, %add3A_3923 : i32
    %add3A_3925 = vector.broadcast %add3A_3924 : i32 to vector<16xi32>
    %add3A_3926 = arith.addi %add3A_3925, %iota3A : vector<16xi32>
    %and3A_3927 = arith.constant 2047 : i32
    %and3A_3928 = vector.broadcast %and3A_3927 : i32 to vector<16xi32>
    %and3A_3929 = arith.andi %add3A_3926, %and3A_3928 : vector<16xi32>
    %eq3A_3930 = arith.constant 2047 : i32
    %eq3A_3931 = vector.broadcast %eq3A_3930 : i32 to vector<16xi32>
    %eq3A_3932 = arith.cmpi eq, %and3A_3929, %eq3A_3931 : vector<16xi32>
    %jit3A_3933 = arith.constant 1023 : i32
    %broadcast_in_dim3A_3934 = vector.broadcast %jit3A_3933 : i32 to vector<16xi32>
    %select_n3A_3935 = arith.select %eq3A_3932, %broadcast_in_dim3A_3934, %get3A_3920 : vector<16xi1>, vector<16xi32>
    %jit3A_3936 = arith.constant -1.000000e+03 : f32
    %jit3A_3937 = arith.constant 5.000000e+00 : f32
    %broadcast_in_dim3A_3938 = vector.broadcast %jit3A_3936 : f32 to vector<16xf32>
    %broadcast_in_dim3A_3939 = vector.broadcast %jit3A_3937 : f32 to vector<16xf32>
    %select_n3A_3940 = arith.select %eq3A_3932, %broadcast_in_dim3A_3938, %broadcast_in_dim3A_3939 : vector<16xi1>, vector<16xf32>
    %get3A_3941 = arith.constant 816 : index
    %get3A_3942 = tpu.vector_load %arg4[%get3A_3941] {strides = array<i32>} : memref<1024xi32, #tpu.memory_space<vmem>>, vector<16xi32>,
    %add3A_3943 = arith.constant 800 : i32
    %add3A_3944 = arith.addi %mul3A_2, %add3A_3943 : i32
    %add3A_3945 = arith.constant 16 : i32
    %add3A_3946 = arith.addi %add3A_3944, %add3A_3945 : i32
    %add3A_3947 = vector.broadcast %add3A_3946 : i32 to vector<16xi32>
    %add3A_3948 = arith.addi %add3A_3947, %iota3A : vector<16xi32>
    %and3A_3949 = arith.constant 2047 : i32
    %and3A_3950 = vector.broadcast %and3A_3949 : i32 to vector<16xi32>
    %and3A_3951 = arith.andi %add3A_3948, %and3A_3950 : vector<16xi32>
    %eq3A_3952 = arith.constant 2047 : i32
    %eq3A_3953 = vector.broadcast %eq3A_3952 : i32 to vector<16xi32>
    %eq3A_3954 = arith.cmpi eq, %and3A_3951, %eq3A_3953 : vector<16xi32>
    %jit3A_3955 = arith.constant 1023 : i32
    %broadcast_in_dim3A_3956 = vector.broadcast %jit3A_3955 : i32 to vector<16xi32>
    %select_n3A_3957 = arith.select %eq3A_3954, %broadcast_in_dim3A_3956, %get3A_3942 : vector<16xi1>, vector<16xi32>
    %jit3A_3958 = arith.constant -1.000000e+03 : f32
    %jit3A_3959 = arith.constant 5.000000e+00 : f32
    %broadcast_in_dim3A_3960 = vector.broadcast %jit3A_3958 : f32 to vector<16xf32>
    %broadcast_in_dim3A_3961 = vector.broadcast %jit3A_3959 : f32 to vector<16xf32>
    %select_n3A_3962 = arith.select %eq3A_3954, %broadcast_in_dim3A_3960, %broadcast_in_dim3A_3961 : vector<16xi1>, vector<16xf32>
    %add3A_3963 = arith.constant 32 : i32
    %add3A_3964 = vector.broadcast %add3A_3963 : i32 to vector<16xi32>
    %add3A_3965 = arith.addi %add3A_3964, %iota3A : vector<16xi32>
    tpu.vector_store_idx %arg5[%add3A_3965, %select_n3A_3935], %select_n3A_3940 : memref<96x1024xf32, #tpu.memory_space<vmem>>[vector<16xi32>, vector<16xi32>], vector<16xf32>,
    %add3A_3966 = arith.constant 48 : i32
    %add3A_3967 = vector.broadcast %add3A_3966 : i32 to vector<16xi32>
    %add3A_3968 = arith.addi %add3A_3967, %iota3A : vector<16xi32>
    tpu.vector_store_idx %arg5[%add3A_3968, %select_n3A_3957], %select_n3A_3962 : memref<96x1024xf32, #tpu.memory_space<vmem>>[vector<16xi32>, vector<16xi32>], vector<16xf32>,
    %add3A_3969 = arith.constant 800 : i32
    %add3A_3970 = arith.addi %mul3A_2, %add3A_3969 : i32
    %dma_start3A_3971 = arith.constant 32 : i32
    %dma_start3A_3972 = arith.constant 0 : i32
    %dma_start3A_3973 = tpu.memref_slice %arg5[%dma_start3A_3971, %dma_start3A_3972] : memref<96x1024xf32, #tpu.memory_space<vmem>> -> memref<32x1024xf32, #tpu.memory_space<vmem>>
    %dma_start3A_3974 = arith.constant 0 : i32
    %dma_start3A_3975 = tpu.memref_slice %arg3[%add3A_3970, %dma_start3A_3974] : memref<32768x1024xf32, #tpu.memory_space<hbm>> -> memref<32x1024xf32, #tpu.memory_space<hbm>>
    %dma_start3A_3976 = arith.constant 0 : i32
    %dma_start3A_3977 = tpu.memref_slice %arg3[%add3A_3970, %dma_start3A_3976] : memref<32768x1024xf32, #tpu.memory_space<hbm>> -> memref<32x1024xf32, #tpu.memory_space<hbm>>
    %dma_start3A_3978 = arith.constant 32 : i32
    %dma_start3A_3979 = arith.constant 0 : i32
    %dma_start3A_3980 = tpu.memref_slice %arg5[%dma_start3A_3978, %dma_start3A_3979] : memref<96x1024xf32, #tpu.memory_space<vmem>> -> memref<32x1024xf32, #tpu.memory_space<vmem>>
    tpu.enqueue_dma source(%dma_start3A_3980 : memref<32x1024xf32, #tpu.memory_space<vmem>>) target(%dma_start3A_3977 : memref<32x1024xf32, #tpu.memory_space<hbm>>) target_semaphore(%arg7 : memref<!tpu.dma_semaphore, #tpu.memory_space<semaphore_mem>>)
    %dma_wait3A_3981 = arith.constant 64 : i32
    %dma_wait3A_3982 = arith.constant 0 : i32
    %dma_wait3A_3983 = tpu.memref_slice %arg5[%dma_wait3A_3981, %dma_wait3A_3982] : memref<96x1024xf32, #tpu.memory_space<vmem>> -> memref<32x1024xf32, #tpu.memory_space<vmem>>
    %dma_wait3A_3984 = arith.constant 0 : i32
    %dma_wait3A_3985 = tpu.memref_slice %arg3[%add3A_3646, %dma_wait3A_3984] : memref<32768x1024xf32, #tpu.memory_space<hbm>> -> memref<32x1024xf32, #tpu.memory_space<hbm>>
    %dma_wait3A_3986 = arith.constant 0 : i32
    %dma_wait3A_3987 = tpu.memref_slice %arg3[%add3A_3646, %dma_wait3A_3986] : memref<32768x1024xf32, #tpu.memory_space<hbm>> -> memref<32x1024xf32, #tpu.memory_space<hbm>>
    %dma_wait3A_3988 = arith.constant 64 : i32
    %dma_wait3A_3989 = arith.constant 0 : i32
    %dma_wait3A_3990 = tpu.memref_slice %arg5[%dma_wait3A_3988, %dma_wait3A_3989] : memref<96x1024xf32, #tpu.memory_space<vmem>> -> memref<32x1024xf32, #tpu.memory_space<vmem>>
    tpu.wait_dma2 semaphore(%arg8 : memref<!tpu.dma_semaphore, #tpu.memory_space<semaphore_mem>>) src(%dma_wait3A_3990 : memref<32x1024xf32, #tpu.memory_space<vmem>>) dst(%dma_wait3A_3987 : memref<32x1024xf32, #tpu.memory_space<hbm>>)
    %get3A_3991 = arith.constant 736 : index
    %get3A_3992 = tpu.vector_load %arg4[%get3A_3991] {strides = array<i32>} : memref<1024xi32, #tpu.memory_space<vmem>>, vector<16xi32>,
    %add3A_3993 = arith.constant 736 : i32
    %add3A_3994 = arith.addi %mul3A_2, %add3A_3993 : i32
    %add3A_3995 = arith.constant 0 : i32
    %add3A_3996 = arith.addi %add3A_3994, %add3A_3995 : i32
    %add3A_3997 = vector.broadcast %add3A_3996 : i32 to vector<16xi32>
    %add3A_3998 = arith.addi %add3A_3997, %iota3A : vector<16xi32>
    %and3A_3999 = arith.constant 2047 : i32
    %and3A_4000 = vector.broadcast %and3A_3999 : i32 to vector<16xi32>
    %and3A_4001 = arith.andi %add3A_3998, %and3A_4000 : vector<16xi32>
    %eq3A_4002 = arith.constant 2047 : i32
    %eq3A_4003 = vector.broadcast %eq3A_4002 : i32 to vector<16xi32>
    %eq3A_4004 = arith.cmpi eq, %and3A_4001, %eq3A_4003 : vector<16xi32>
    %jit3A_4005 = arith.constant 1023 : i32
    %broadcast_in_dim3A_4006 = vector.broadcast %jit3A_4005 : i32 to vector<16xi32>
    %select_n3A_4007 = arith.select %eq3A_4004, %broadcast_in_dim3A_4006, %get3A_3992 : vector<16xi1>, vector<16xi32>
    %jit3A_4008 = arith.constant -1.000000e+03 : f32
    %jit3A_4009 = arith.constant 5.000000e+00 : f32
    %broadcast_in_dim3A_4010 = vector.broadcast %jit3A_4008 : f32 to vector<16xf32>
    %broadcast_in_dim3A_4011 = vector.broadcast %jit3A_4009 : f32 to vector<16xf32>
    %select_n3A_4012 = arith.select %eq3A_4004, %broadcast_in_dim3A_4010, %broadcast_in_dim3A_4011 : vector<16xi1>, vector<16xf32>
    %get3A_4013 = arith.constant 752 : index
    %get3A_4014 = tpu.vector_load %arg4[%get3A_4013] {strides = array<i32>} : memref<1024xi32, #tpu.memory_space<vmem>>, vector<16xi32>,
    %add3A_4015 = arith.constant 736 : i32
    %add3A_4016 = arith.addi %mul3A_2, %add3A_4015 : i32
    %add3A_4017 = arith.constant 16 : i32
    %add3A_4018 = arith.addi %add3A_4016, %add3A_4017 : i32
    %add3A_4019 = vector.broadcast %add3A_4018 : i32 to vector<16xi32>
    %add3A_4020 = arith.addi %add3A_4019, %iota3A : vector<16xi32>
    %and3A_4021 = arith.constant 2047 : i32
    %and3A_4022 = vector.broadcast %and3A_4021 : i32 to vector<16xi32>
    %and3A_4023 = arith.andi %add3A_4020, %and3A_4022 : vector<16xi32>
    %eq3A_4024 = arith.constant 2047 : i32
    %eq3A_4025 = vector.broadcast %eq3A_4024 : i32 to vector<16xi32>
    %eq3A_4026 = arith.cmpi eq, %and3A_4023, %eq3A_4025 : vector<16xi32>
    %jit3A_4027 = arith.constant 1023 : i32
    %broadcast_in_dim3A_4028 = vector.broadcast %jit3A_4027 : i32 to vector<16xi32>
    %select_n3A_4029 = arith.select %eq3A_4026, %broadcast_in_dim3A_4028, %get3A_4014 : vector<16xi1>, vector<16xi32>
    %jit3A_4030 = arith.constant -1.000000e+03 : f32
    %jit3A_4031 = arith.constant 5.000000e+00 : f32
    %broadcast_in_dim3A_4032 = vector.broadcast %jit3A_4030 : f32 to vector<16xf32>
    %broadcast_in_dim3A_4033 = vector.broadcast %jit3A_4031 : f32 to vector<16xf32>
    %select_n3A_4034 = arith.select %eq3A_4026, %broadcast_in_dim3A_4032, %broadcast_in_dim3A_4033 : vector<16xi1>, vector<16xf32>
    %add3A_4035 = arith.constant 64 : i32
    %add3A_4036 = vector.broadcast %add3A_4035 : i32 to vector<16xi32>
    %add3A_4037 = arith.addi %add3A_4036, %iota3A : vector<16xi32>
    %eq3A_4038 = arith.constant 0 : i32
    %eq3A_4039 = vector.broadcast %eq3A_4038 : i32 to vector<16xi32>
    %eq3A_4040 = arith.cmpi eq, %select_n3A_4007, %eq3A_4039 : vector<16xi32>
    %eq3A_4041 = arith.constant 1 : i32
    %eq3A_4042 = vector.broadcast %eq3A_4041 : i32 to vector<16xi32>
    %eq3A_4043 = arith.cmpi eq, %select_n3A_4007, %eq3A_4042 : vector<16xi32>
    %eq3A_4044 = arith.constant 2 : i32
    %eq3A_4045 = vector.broadcast %eq3A_4044 : i32 to vector<16xi32>
    %eq3A_4046 = arith.cmpi eq, %select_n3A_4007, %eq3A_4045 : vector<16xi32>
    %jit3A_4047 = arith.constant 0.000000e+00 : f32
    %jit3A_4048 = arith.constant -1.000000e+03 : f32
    %broadcast_in_dim3A_4049 = vector.broadcast %jit3A_4047 : f32 to vector<16xf32>
    %broadcast_in_dim3A_4050 = vector.broadcast %jit3A_4048 : f32 to vector<16xf32>
    %select_n3A_4051 = arith.select %eq3A_4046, %broadcast_in_dim3A_4049, %broadcast_in_dim3A_4050 : vector<16xi1>, vector<16xf32>
    %jit3A_4052 = arith.constant 5.000000e-01 : f32
    %broadcast_in_dim3A_4053 = vector.broadcast %jit3A_4052 : f32 to vector<16xf32>
    %select_n3A_4054 = arith.select %eq3A_4043, %broadcast_in_dim3A_4053, %select_n3A_4051 : vector<16xi1>, vector<16xf32>
    %jit3A_4055 = arith.constant 1.000000e+00 : f32
    %broadcast_in_dim3A_4056 = vector.broadcast %jit3A_4055 : f32 to vector<16xf32>
    %select_n3A_4057 = arith.select %eq3A_4040, %broadcast_in_dim3A_4056, %select_n3A_4054 : vector<16xi1>, vector<16xf32>
    tpu.vector_store_idx %arg5[%add3A_4037, %select_n3A_4007], %select_n3A_4057 : memref<96x1024xf32, #tpu.memory_space<vmem>>[vector<16xi32>, vector<16xi32>], vector<16xf32>,
    %add3A_4058 = arith.constant 80 : i32
    %add3A_4059 = vector.broadcast %add3A_4058 : i32 to vector<16xi32>
    %add3A_4060 = arith.addi %add3A_4059, %iota3A : vector<16xi32>
    %eq3A_4061 = arith.constant 0 : i32
    %eq3A_4062 = vector.broadcast %eq3A_4061 : i32 to vector<16xi32>
    %eq3A_4063 = arith.cmpi eq, %select_n3A_4029, %eq3A_4062 : vector<16xi32>
    %eq3A_4064 = arith.constant 1 : i32
    %eq3A_4065 = vector.broadcast %eq3A_4064 : i32 to vector<16xi32>
    %eq3A_4066 = arith.cmpi eq, %select_n3A_4029, %eq3A_4065 : vector<16xi32>
    %eq3A_4067 = arith.constant 2 : i32
    %eq3A_4068 = vector.broadcast %eq3A_4067 : i32 to vector<16xi32>
    %eq3A_4069 = arith.cmpi eq, %select_n3A_4029, %eq3A_4068 : vector<16xi32>
    %jit3A_4070 = arith.constant 0.000000e+00 : f32
    %jit3A_4071 = arith.constant -1.000000e+03 : f32
    %broadcast_in_dim3A_4072 = vector.broadcast %jit3A_4070 : f32 to vector<16xf32>
    %broadcast_in_dim3A_4073 = vector.broadcast %jit3A_4071 : f32 to vector<16xf32>
    %select_n3A_4074 = arith.select %eq3A_4069, %broadcast_in_dim3A_4072, %broadcast_in_dim3A_4073 : vector<16xi1>, vector<16xf32>
    %jit3A_4075 = arith.constant 5.000000e-01 : f32
    %broadcast_in_dim3A_4076 = vector.broadcast %jit3A_4075 : f32 to vector<16xf32>
    %select_n3A_4077 = arith.select %eq3A_4066, %broadcast_in_dim3A_4076, %select_n3A_4074 : vector<16xi1>, vector<16xf32>
    %jit3A_4078 = arith.constant 1.000000e+00 : f32
    %broadcast_in_dim3A_4079 = vector.broadcast %jit3A_4078 : f32 to vector<16xf32>
    %select_n3A_4080 = arith.select %eq3A_4063, %broadcast_in_dim3A_4079, %select_n3A_4077 : vector<16xi1>, vector<16xf32>
    tpu.vector_store_idx %arg5[%add3A_4060, %select_n3A_4029], %select_n3A_4080 : memref<96x1024xf32, #tpu.memory_space<vmem>>[vector<16xi32>, vector<16xi32>], vector<16xf32>,
    %get3A_4081 = arith.constant 832 : index
    %get3A_4082 = tpu.vector_load %arg4[%get3A_4081] {strides = array<i32>} : memref<1024xi32, #tpu.memory_space<vmem>>, vector<16xi32>,
    %add3A_4083 = arith.constant 832 : i32
    %add3A_4084 = arith.addi %mul3A_2, %add3A_4083 : i32
    %add3A_4085 = arith.constant 0 : i32
    %add3A_4086 = arith.addi %add3A_4084, %add3A_4085 : i32
    %add3A_4087 = vector.broadcast %add3A_4086 : i32 to vector<16xi32>
    %add3A_4088 = arith.addi %add3A_4087, %iota3A : vector<16xi32>
    %and3A_4089 = arith.constant 2047 : i32
    %and3A_4090 = vector.broadcast %and3A_4089 : i32 to vector<16xi32>
    %and3A_4091 = arith.andi %add3A_4088, %and3A_4090 : vector<16xi32>
    %eq3A_4092 = arith.constant 2047 : i32
    %eq3A_4093 = vector.broadcast %eq3A_4092 : i32 to vector<16xi32>
    %eq3A_4094 = arith.cmpi eq, %and3A_4091, %eq3A_4093 : vector<16xi32>
    %jit3A_4095 = arith.constant 1023 : i32
    %broadcast_in_dim3A_4096 = vector.broadcast %jit3A_4095 : i32 to vector<16xi32>
    %select_n3A_4097 = arith.select %eq3A_4094, %broadcast_in_dim3A_4096, %get3A_4082 : vector<16xi1>, vector<16xi32>
    %jit3A_4098 = arith.constant -1.000000e+03 : f32
    %jit3A_4099 = arith.constant 5.000000e+00 : f32
    %broadcast_in_dim3A_4100 = vector.broadcast %jit3A_4098 : f32 to vector<16xf32>
    %broadcast_in_dim3A_4101 = vector.broadcast %jit3A_4099 : f32 to vector<16xf32>
    %select_n3A_4102 = arith.select %eq3A_4094, %broadcast_in_dim3A_4100, %broadcast_in_dim3A_4101 : vector<16xi1>, vector<16xf32>
    %get3A_4103 = arith.constant 848 : index
    %get3A_4104 = tpu.vector_load %arg4[%get3A_4103] {strides = array<i32>} : memref<1024xi32, #tpu.memory_space<vmem>>, vector<16xi32>,
    %add3A_4105 = arith.constant 832 : i32
    %add3A_4106 = arith.addi %mul3A_2, %add3A_4105 : i32
    %add3A_4107 = arith.constant 16 : i32
    %add3A_4108 = arith.addi %add3A_4106, %add3A_4107 : i32
    %add3A_4109 = vector.broadcast %add3A_4108 : i32 to vector<16xi32>
    %add3A_4110 = arith.addi %add3A_4109, %iota3A : vector<16xi32>
    %and3A_4111 = arith.constant 2047 : i32
    %and3A_4112 = vector.broadcast %and3A_4111 : i32 to vector<16xi32>
    %and3A_4113 = arith.andi %add3A_4110, %and3A_4112 : vector<16xi32>
    %eq3A_4114 = arith.constant 2047 : i32
    %eq3A_4115 = vector.broadcast %eq3A_4114 : i32 to vector<16xi32>
    %eq3A_4116 = arith.cmpi eq, %and3A_4113, %eq3A_4115 : vector<16xi32>
    %jit3A_4117 = arith.constant 1023 : i32
    %broadcast_in_dim3A_4118 = vector.broadcast %jit3A_4117 : i32 to vector<16xi32>
    %select_n3A_4119 = arith.select %eq3A_4116, %broadcast_in_dim3A_4118, %get3A_4104 : vector<16xi1>, vector<16xi32>
    %jit3A_4120 = arith.constant -1.000000e+03 : f32
    %jit3A_4121 = arith.constant 5.000000e+00 : f32
    %broadcast_in_dim3A_4122 = vector.broadcast %jit3A_4120 : f32 to vector<16xf32>
    %broadcast_in_dim3A_4123 = vector.broadcast %jit3A_4121 : f32 to vector<16xf32>
    %select_n3A_4124 = arith.select %eq3A_4116, %broadcast_in_dim3A_4122, %broadcast_in_dim3A_4123 : vector<16xi1>, vector<16xf32>
    %add3A_4125 = arith.constant 64 : i32
    %add3A_4126 = vector.broadcast %add3A_4125 : i32 to vector<16xi32>
    %add3A_4127 = arith.addi %add3A_4126, %iota3A : vector<16xi32>
    tpu.vector_store_idx %arg5[%add3A_4127, %select_n3A_4097], %select_n3A_4102 : memref<96x1024xf32, #tpu.memory_space<vmem>>[vector<16xi32>, vector<16xi32>], vector<16xf32>,
    %add3A_4128 = arith.constant 80 : i32
    %add3A_4129 = vector.broadcast %add3A_4128 : i32 to vector<16xi32>
    %add3A_4130 = arith.addi %add3A_4129, %iota3A : vector<16xi32>
    tpu.vector_store_idx %arg5[%add3A_4130, %select_n3A_4119], %select_n3A_4124 : memref<96x1024xf32, #tpu.memory_space<vmem>>[vector<16xi32>, vector<16xi32>], vector<16xf32>,
    %add3A_4131 = arith.constant 832 : i32
    %add3A_4132 = arith.addi %mul3A_2, %add3A_4131 : i32
    %dma_start3A_4133 = arith.constant 64 : i32
    %dma_start3A_4134 = arith.constant 0 : i32
    %dma_start3A_4135 = tpu.memref_slice %arg5[%dma_start3A_4133, %dma_start3A_4134] : memref<96x1024xf32, #tpu.memory_space<vmem>> -> memref<32x1024xf32, #tpu.memory_space<vmem>>
    %dma_start3A_4136 = arith.constant 0 : i32
    %dma_start3A_4137 = tpu.memref_slice %arg3[%add3A_4132, %dma_start3A_4136] : memref<32768x1024xf32, #tpu.memory_space<hbm>> -> memref<32x1024xf32, #tpu.memory_space<hbm>>
    %dma_start3A_4138 = arith.constant 0 : i32
    %dma_start3A_4139 = tpu.memref_slice %arg3[%add3A_4132, %dma_start3A_4138] : memref<32768x1024xf32, #tpu.memory_space<hbm>> -> memref<32x1024xf32, #tpu.memory_space<hbm>>
    %dma_start3A_4140 = arith.constant 64 : i32
    %dma_start3A_4141 = arith.constant 0 : i32
    %dma_start3A_4142 = tpu.memref_slice %arg5[%dma_start3A_4140, %dma_start3A_4141] : memref<96x1024xf32, #tpu.memory_space<vmem>> -> memref<32x1024xf32, #tpu.memory_space<vmem>>
    tpu.enqueue_dma source(%dma_start3A_4142 : memref<32x1024xf32, #tpu.memory_space<vmem>>) target(%dma_start3A_4139 : memref<32x1024xf32, #tpu.memory_space<hbm>>) target_semaphore(%arg8 : memref<!tpu.dma_semaphore, #tpu.memory_space<semaphore_mem>>)
    %dma_wait3A_4143 = arith.constant 0 : i32
    %dma_wait3A_4144 = arith.constant 0 : i32
    %dma_wait3A_4145 = tpu.memref_slice %arg5[%dma_wait3A_4143, %dma_wait3A_4144] : memref<96x1024xf32, #tpu.memory_space<vmem>> -> memref<32x1024xf32, #tpu.memory_space<vmem>>
    %dma_wait3A_4146 = arith.constant 0 : i32
    %dma_wait3A_4147 = tpu.memref_slice %arg3[%add3A_3808, %dma_wait3A_4146] : memref<32768x1024xf32, #tpu.memory_space<hbm>> -> memref<32x1024xf32, #tpu.memory_space<hbm>>
    %dma_wait3A_4148 = arith.constant 0 : i32
    %dma_wait3A_4149 = tpu.memref_slice %arg3[%add3A_3808, %dma_wait3A_4148] : memref<32768x1024xf32, #tpu.memory_space<hbm>> -> memref<32x1024xf32, #tpu.memory_space<hbm>>
    %dma_wait3A_4150 = arith.constant 0 : i32
    %dma_wait3A_4151 = arith.constant 0 : i32
    %dma_wait3A_4152 = tpu.memref_slice %arg5[%dma_wait3A_4150, %dma_wait3A_4151] : memref<96x1024xf32, #tpu.memory_space<vmem>> -> memref<32x1024xf32, #tpu.memory_space<vmem>>
    tpu.wait_dma2 semaphore(%arg6 : memref<!tpu.dma_semaphore, #tpu.memory_space<semaphore_mem>>) src(%dma_wait3A_4152 : memref<32x1024xf32, #tpu.memory_space<vmem>>) dst(%dma_wait3A_4149 : memref<32x1024xf32, #tpu.memory_space<hbm>>)
    %get3A_4153 = arith.constant 768 : index
    %get3A_4154 = tpu.vector_load %arg4[%get3A_4153] {strides = array<i32>} : memref<1024xi32, #tpu.memory_space<vmem>>, vector<16xi32>,
    %add3A_4155 = arith.constant 768 : i32
    %add3A_4156 = arith.addi %mul3A_2, %add3A_4155 : i32
    %add3A_4157 = arith.constant 0 : i32
    %add3A_4158 = arith.addi %add3A_4156, %add3A_4157 : i32
    %add3A_4159 = vector.broadcast %add3A_4158 : i32 to vector<16xi32>
    %add3A_4160 = arith.addi %add3A_4159, %iota3A : vector<16xi32>
    %and3A_4161 = arith.constant 2047 : i32
    %and3A_4162 = vector.broadcast %and3A_4161 : i32 to vector<16xi32>
    %and3A_4163 = arith.andi %add3A_4160, %and3A_4162 : vector<16xi32>
    %eq3A_4164 = arith.constant 2047 : i32
    %eq3A_4165 = vector.broadcast %eq3A_4164 : i32 to vector<16xi32>
    %eq3A_4166 = arith.cmpi eq, %and3A_4163, %eq3A_4165 : vector<16xi32>
    %jit3A_4167 = arith.constant 1023 : i32
    %broadcast_in_dim3A_4168 = vector.broadcast %jit3A_4167 : i32 to vector<16xi32>
    %select_n3A_4169 = arith.select %eq3A_4166, %broadcast_in_dim3A_4168, %get3A_4154 : vector<16xi1>, vector<16xi32>
    %jit3A_4170 = arith.constant -1.000000e+03 : f32
    %jit3A_4171 = arith.constant 5.000000e+00 : f32
    %broadcast_in_dim3A_4172 = vector.broadcast %jit3A_4170 : f32 to vector<16xf32>
    %broadcast_in_dim3A_4173 = vector.broadcast %jit3A_4171 : f32 to vector<16xf32>
    %select_n3A_4174 = arith.select %eq3A_4166, %broadcast_in_dim3A_4172, %broadcast_in_dim3A_4173 : vector<16xi1>, vector<16xf32>
    %get3A_4175 = arith.constant 784 : index
    %get3A_4176 = tpu.vector_load %arg4[%get3A_4175] {strides = array<i32>} : memref<1024xi32, #tpu.memory_space<vmem>>, vector<16xi32>,
    %add3A_4177 = arith.constant 768 : i32
    %add3A_4178 = arith.addi %mul3A_2, %add3A_4177 : i32
    %add3A_4179 = arith.constant 16 : i32
    %add3A_4180 = arith.addi %add3A_4178, %add3A_4179 : i32
    %add3A_4181 = vector.broadcast %add3A_4180 : i32 to vector<16xi32>
    %add3A_4182 = arith.addi %add3A_4181, %iota3A : vector<16xi32>
    %and3A_4183 = arith.constant 2047 : i32
    %and3A_4184 = vector.broadcast %and3A_4183 : i32 to vector<16xi32>
    %and3A_4185 = arith.andi %add3A_4182, %and3A_4184 : vector<16xi32>
    %eq3A_4186 = arith.constant 2047 : i32
    %eq3A_4187 = vector.broadcast %eq3A_4186 : i32 to vector<16xi32>
    %eq3A_4188 = arith.cmpi eq, %and3A_4185, %eq3A_4187 : vector<16xi32>
    %jit3A_4189 = arith.constant 1023 : i32
    %broadcast_in_dim3A_4190 = vector.broadcast %jit3A_4189 : i32 to vector<16xi32>
    %select_n3A_4191 = arith.select %eq3A_4188, %broadcast_in_dim3A_4190, %get3A_4176 : vector<16xi1>, vector<16xi32>
    %jit3A_4192 = arith.constant -1.000000e+03 : f32
    %jit3A_4193 = arith.constant 5.000000e+00 : f32
    %broadcast_in_dim3A_4194 = vector.broadcast %jit3A_4192 : f32 to vector<16xf32>
    %broadcast_in_dim3A_4195 = vector.broadcast %jit3A_4193 : f32 to vector<16xf32>
    %select_n3A_4196 = arith.select %eq3A_4188, %broadcast_in_dim3A_4194, %broadcast_in_dim3A_4195 : vector<16xi1>, vector<16xf32>
    %add3A_4197 = arith.constant 0 : i32
    %add3A_4198 = vector.broadcast %add3A_4197 : i32 to vector<16xi32>
    %add3A_4199 = arith.addi %add3A_4198, %iota3A : vector<16xi32>
    %eq3A_4200 = arith.constant 0 : i32
    %eq3A_4201 = vector.broadcast %eq3A_4200 : i32 to vector<16xi32>
    %eq3A_4202 = arith.cmpi eq, %select_n3A_4169, %eq3A_4201 : vector<16xi32>
    %eq3A_4203 = arith.constant 1 : i32
    %eq3A_4204 = vector.broadcast %eq3A_4203 : i32 to vector<16xi32>
    %eq3A_4205 = arith.cmpi eq, %select_n3A_4169, %eq3A_4204 : vector<16xi32>
    %eq3A_4206 = arith.constant 2 : i32
    %eq3A_4207 = vector.broadcast %eq3A_4206 : i32 to vector<16xi32>
    %eq3A_4208 = arith.cmpi eq, %select_n3A_4169, %eq3A_4207 : vector<16xi32>
    %jit3A_4209 = arith.constant 0.000000e+00 : f32
    %jit3A_4210 = arith.constant -1.000000e+03 : f32
    %broadcast_in_dim3A_4211 = vector.broadcast %jit3A_4209 : f32 to vector<16xf32>
    %broadcast_in_dim3A_4212 = vector.broadcast %jit3A_4210 : f32 to vector<16xf32>
    %select_n3A_4213 = arith.select %eq3A_4208, %broadcast_in_dim3A_4211, %broadcast_in_dim3A_4212 : vector<16xi1>, vector<16xf32>
    %jit3A_4214 = arith.constant 5.000000e-01 : f32
    %broadcast_in_dim3A_4215 = vector.broadcast %jit3A_4214 : f32 to vector<16xf32>
    %select_n3A_4216 = arith.select %eq3A_4205, %broadcast_in_dim3A_4215, %select_n3A_4213 : vector<16xi1>, vector<16xf32>
    %jit3A_4217 = arith.constant 1.000000e+00 : f32
    %broadcast_in_dim3A_4218 = vector.broadcast %jit3A_4217 : f32 to vector<16xf32>
    %select_n3A_4219 = arith.select %eq3A_4202, %broadcast_in_dim3A_4218, %select_n3A_4216 : vector<16xi1>, vector<16xf32>
    tpu.vector_store_idx %arg5[%add3A_4199, %select_n3A_4169], %select_n3A_4219 : memref<96x1024xf32, #tpu.memory_space<vmem>>[vector<16xi32>, vector<16xi32>], vector<16xf32>,
    %add3A_4220 = arith.constant 16 : i32
    %add3A_4221 = vector.broadcast %add3A_4220 : i32 to vector<16xi32>
    %add3A_4222 = arith.addi %add3A_4221, %iota3A : vector<16xi32>
    %eq3A_4223 = arith.constant 0 : i32
    %eq3A_4224 = vector.broadcast %eq3A_4223 : i32 to vector<16xi32>
    %eq3A_4225 = arith.cmpi eq, %select_n3A_4191, %eq3A_4224 : vector<16xi32>
    %eq3A_4226 = arith.constant 1 : i32
    %eq3A_4227 = vector.broadcast %eq3A_4226 : i32 to vector<16xi32>
    %eq3A_4228 = arith.cmpi eq, %select_n3A_4191, %eq3A_4227 : vector<16xi32>
    %eq3A_4229 = arith.constant 2 : i32
    %eq3A_4230 = vector.broadcast %eq3A_4229 : i32 to vector<16xi32>
    %eq3A_4231 = arith.cmpi eq, %select_n3A_4191, %eq3A_4230 : vector<16xi32>
    %jit3A_4232 = arith.constant 0.000000e+00 : f32
    %jit3A_4233 = arith.constant -1.000000e+03 : f32
    %broadcast_in_dim3A_4234 = vector.broadcast %jit3A_4232 : f32 to vector<16xf32>
    %broadcast_in_dim3A_4235 = vector.broadcast %jit3A_4233 : f32 to vector<16xf32>
    %select_n3A_4236 = arith.select %eq3A_4231, %broadcast_in_dim3A_4234, %broadcast_in_dim3A_4235 : vector<16xi1>, vector<16xf32>
    %jit3A_4237 = arith.constant 5.000000e-01 : f32
    %broadcast_in_dim3A_4238 = vector.broadcast %jit3A_4237 : f32 to vector<16xf32>
    %select_n3A_4239 = arith.select %eq3A_4228, %broadcast_in_dim3A_4238, %select_n3A_4236 : vector<16xi1>, vector<16xf32>
    %jit3A_4240 = arith.constant 1.000000e+00 : f32
    %broadcast_in_dim3A_4241 = vector.broadcast %jit3A_4240 : f32 to vector<16xf32>
    %select_n3A_4242 = arith.select %eq3A_4225, %broadcast_in_dim3A_4241, %select_n3A_4239 : vector<16xi1>, vector<16xf32>
    tpu.vector_store_idx %arg5[%add3A_4222, %select_n3A_4191], %select_n3A_4242 : memref<96x1024xf32, #tpu.memory_space<vmem>>[vector<16xi32>, vector<16xi32>], vector<16xf32>,
    %get3A_4243 = arith.constant 864 : index
    %get3A_4244 = tpu.vector_load %arg4[%get3A_4243] {strides = array<i32>} : memref<1024xi32, #tpu.memory_space<vmem>>, vector<16xi32>,
    %add3A_4245 = arith.constant 864 : i32
    %add3A_4246 = arith.addi %mul3A_2, %add3A_4245 : i32
    %add3A_4247 = arith.constant 0 : i32
    %add3A_4248 = arith.addi %add3A_4246, %add3A_4247 : i32
    %add3A_4249 = vector.broadcast %add3A_4248 : i32 to vector<16xi32>
    %add3A_4250 = arith.addi %add3A_4249, %iota3A : vector<16xi32>
    %and3A_4251 = arith.constant 2047 : i32
    %and3A_4252 = vector.broadcast %and3A_4251 : i32 to vector<16xi32>
    %and3A_4253 = arith.andi %add3A_4250, %and3A_4252 : vector<16xi32>
    %eq3A_4254 = arith.constant 2047 : i32
    %eq3A_4255 = vector.broadcast %eq3A_4254 : i32 to vector<16xi32>
    %eq3A_4256 = arith.cmpi eq, %and3A_4253, %eq3A_4255 : vector<16xi32>
    %jit3A_4257 = arith.constant 1023 : i32
    %broadcast_in_dim3A_4258 = vector.broadcast %jit3A_4257 : i32 to vector<16xi32>
    %select_n3A_4259 = arith.select %eq3A_4256, %broadcast_in_dim3A_4258, %get3A_4244 : vector<16xi1>, vector<16xi32>
    %jit3A_4260 = arith.constant -1.000000e+03 : f32
    %jit3A_4261 = arith.constant 5.000000e+00 : f32
    %broadcast_in_dim3A_4262 = vector.broadcast %jit3A_4260 : f32 to vector<16xf32>
    %broadcast_in_dim3A_4263 = vector.broadcast %jit3A_4261 : f32 to vector<16xf32>
    %select_n3A_4264 = arith.select %eq3A_4256, %broadcast_in_dim3A_4262, %broadcast_in_dim3A_4263 : vector<16xi1>, vector<16xf32>
    %get3A_4265 = arith.constant 880 : index
    %get3A_4266 = tpu.vector_load %arg4[%get3A_4265] {strides = array<i32>} : memref<1024xi32, #tpu.memory_space<vmem>>, vector<16xi32>,
    %add3A_4267 = arith.constant 864 : i32
    %add3A_4268 = arith.addi %mul3A_2, %add3A_4267 : i32
    %add3A_4269 = arith.constant 16 : i32
    %add3A_4270 = arith.addi %add3A_4268, %add3A_4269 : i32
    %add3A_4271 = vector.broadcast %add3A_4270 : i32 to vector<16xi32>
    %add3A_4272 = arith.addi %add3A_4271, %iota3A : vector<16xi32>
    %and3A_4273 = arith.constant 2047 : i32
    %and3A_4274 = vector.broadcast %and3A_4273 : i32 to vector<16xi32>
    %and3A_4275 = arith.andi %add3A_4272, %and3A_4274 : vector<16xi32>
    %eq3A_4276 = arith.constant 2047 : i32
    %eq3A_4277 = vector.broadcast %eq3A_4276 : i32 to vector<16xi32>
    %eq3A_4278 = arith.cmpi eq, %and3A_4275, %eq3A_4277 : vector<16xi32>
    %jit3A_4279 = arith.constant 1023 : i32
    %broadcast_in_dim3A_4280 = vector.broadcast %jit3A_4279 : i32 to vector<16xi32>
    %select_n3A_4281 = arith.select %eq3A_4278, %broadcast_in_dim3A_4280, %get3A_4266 : vector<16xi1>, vector<16xi32>
    %jit3A_4282 = arith.constant -1.000000e+03 : f32
    %jit3A_4283 = arith.constant 5.000000e+00 : f32
    %broadcast_in_dim3A_4284 = vector.broadcast %jit3A_4282 : f32 to vector<16xf32>
    %broadcast_in_dim3A_4285 = vector.broadcast %jit3A_4283 : f32 to vector<16xf32>
    %select_n3A_4286 = arith.select %eq3A_4278, %broadcast_in_dim3A_4284, %broadcast_in_dim3A_4285 : vector<16xi1>, vector<16xf32>
    %add3A_4287 = arith.constant 0 : i32
    %add3A_4288 = vector.broadcast %add3A_4287 : i32 to vector<16xi32>
    %add3A_4289 = arith.addi %add3A_4288, %iota3A : vector<16xi32>
    tpu.vector_store_idx %arg5[%add3A_4289, %select_n3A_4259], %select_n3A_4264 : memref<96x1024xf32, #tpu.memory_space<vmem>>[vector<16xi32>, vector<16xi32>], vector<16xf32>,
    %add3A_4290 = arith.constant 16 : i32
    %add3A_4291 = vector.broadcast %add3A_4290 : i32 to vector<16xi32>
    %add3A_4292 = arith.addi %add3A_4291, %iota3A : vector<16xi32>
    tpu.vector_store_idx %arg5[%add3A_4292, %select_n3A_4281], %select_n3A_4286 : memref<96x1024xf32, #tpu.memory_space<vmem>>[vector<16xi32>, vector<16xi32>], vector<16xf32>,
    %add3A_4293 = arith.constant 864 : i32
    %add3A_4294 = arith.addi %mul3A_2, %add3A_4293 : i32
    %dma_start3A_4295 = arith.constant 0 : i32
    %dma_start3A_4296 = arith.constant 0 : i32
    %dma_start3A_4297 = tpu.memref_slice %arg5[%dma_start3A_4295, %dma_start3A_4296] : memref<96x1024xf32, #tpu.memory_space<vmem>> -> memref<32x1024xf32, #tpu.memory_space<vmem>>
    %dma_start3A_4298 = arith.constant 0 : i32
    %dma_start3A_4299 = tpu.memref_slice %arg3[%add3A_4294, %dma_start3A_4298] : memref<32768x1024xf32, #tpu.memory_space<hbm>> -> memref<32x1024xf32, #tpu.memory_space<hbm>>
    %dma_start3A_4300 = arith.constant 0 : i32
    %dma_start3A_4301 = tpu.memref_slice %arg3[%add3A_4294, %dma_start3A_4300] : memref<32768x1024xf32, #tpu.memory_space<hbm>> -> memref<32x1024xf32, #tpu.memory_space<hbm>>
    %dma_start3A_4302 = arith.constant 0 : i32
    %dma_start3A_4303 = arith.constant 0 : i32
    %dma_start3A_4304 = tpu.memref_slice %arg5[%dma_start3A_4302, %dma_start3A_4303] : memref<96x1024xf32, #tpu.memory_space<vmem>> -> memref<32x1024xf32, #tpu.memory_space<vmem>>
    tpu.enqueue_dma source(%dma_start3A_4304 : memref<32x1024xf32, #tpu.memory_space<vmem>>) target(%dma_start3A_4301 : memref<32x1024xf32, #tpu.memory_space<hbm>>) target_semaphore(%arg6 : memref<!tpu.dma_semaphore, #tpu.memory_space<semaphore_mem>>)
    %dma_wait3A_4305 = arith.constant 32 : i32
    %dma_wait3A_4306 = arith.constant 0 : i32
    %dma_wait3A_4307 = tpu.memref_slice %arg5[%dma_wait3A_4305, %dma_wait3A_4306] : memref<96x1024xf32, #tpu.memory_space<vmem>> -> memref<32x1024xf32, #tpu.memory_space<vmem>>
    %dma_wait3A_4308 = arith.constant 0 : i32
    %dma_wait3A_4309 = tpu.memref_slice %arg3[%add3A_3970, %dma_wait3A_4308] : memref<32768x1024xf32, #tpu.memory_space<hbm>> -> memref<32x1024xf32, #tpu.memory_space<hbm>>
    %dma_wait3A_4310 = arith.constant 0 : i32
    %dma_wait3A_4311 = tpu.memref_slice %arg3[%add3A_3970, %dma_wait3A_4310] : memref<32768x1024xf32, #tpu.memory_space<hbm>> -> memref<32x1024xf32, #tpu.memory_space<hbm>>
    %dma_wait3A_4312 = arith.constant 32 : i32
    %dma_wait3A_4313 = arith.constant 0 : i32
    %dma_wait3A_4314 = tpu.memref_slice %arg5[%dma_wait3A_4312, %dma_wait3A_4313] : memref<96x1024xf32, #tpu.memory_space<vmem>> -> memref<32x1024xf32, #tpu.memory_space<vmem>>
    tpu.wait_dma2 semaphore(%arg7 : memref<!tpu.dma_semaphore, #tpu.memory_space<semaphore_mem>>) src(%dma_wait3A_4314 : memref<32x1024xf32, #tpu.memory_space<vmem>>) dst(%dma_wait3A_4311 : memref<32x1024xf32, #tpu.memory_space<hbm>>)
    %get3A_4315 = arith.constant 800 : index
    %get3A_4316 = tpu.vector_load %arg4[%get3A_4315] {strides = array<i32>} : memref<1024xi32, #tpu.memory_space<vmem>>, vector<16xi32>,
    %add3A_4317 = arith.constant 800 : i32
    %add3A_4318 = arith.addi %mul3A_2, %add3A_4317 : i32
    %add3A_4319 = arith.constant 0 : i32
    %add3A_4320 = arith.addi %add3A_4318, %add3A_4319 : i32
    %add3A_4321 = vector.broadcast %add3A_4320 : i32 to vector<16xi32>
    %add3A_4322 = arith.addi %add3A_4321, %iota3A : vector<16xi32>
    %and3A_4323 = arith.constant 2047 : i32
    %and3A_4324 = vector.broadcast %and3A_4323 : i32 to vector<16xi32>
    %and3A_4325 = arith.andi %add3A_4322, %and3A_4324 : vector<16xi32>
    %eq3A_4326 = arith.constant 2047 : i32
    %eq3A_4327 = vector.broadcast %eq3A_4326 : i32 to vector<16xi32>
    %eq3A_4328 = arith.cmpi eq, %and3A_4325, %eq3A_4327 : vector<16xi32>
    %jit3A_4329 = arith.constant 1023 : i32
    %broadcast_in_dim3A_4330 = vector.broadcast %jit3A_4329 : i32 to vector<16xi32>
    %select_n3A_4331 = arith.select %eq3A_4328, %broadcast_in_dim3A_4330, %get3A_4316 : vector<16xi1>, vector<16xi32>
    %jit3A_4332 = arith.constant -1.000000e+03 : f32
    %jit3A_4333 = arith.constant 5.000000e+00 : f32
    %broadcast_in_dim3A_4334 = vector.broadcast %jit3A_4332 : f32 to vector<16xf32>
    %broadcast_in_dim3A_4335 = vector.broadcast %jit3A_4333 : f32 to vector<16xf32>
    %select_n3A_4336 = arith.select %eq3A_4328, %broadcast_in_dim3A_4334, %broadcast_in_dim3A_4335 : vector<16xi1>, vector<16xf32>
    %get3A_4337 = arith.constant 816 : index
    %get3A_4338 = tpu.vector_load %arg4[%get3A_4337] {strides = array<i32>} : memref<1024xi32, #tpu.memory_space<vmem>>, vector<16xi32>,
    %add3A_4339 = arith.constant 800 : i32
    %add3A_4340 = arith.addi %mul3A_2, %add3A_4339 : i32
    %add3A_4341 = arith.constant 16 : i32
    %add3A_4342 = arith.addi %add3A_4340, %add3A_4341 : i32
    %add3A_4343 = vector.broadcast %add3A_4342 : i32 to vector<16xi32>
    %add3A_4344 = arith.addi %add3A_4343, %iota3A : vector<16xi32>
    %and3A_4345 = arith.constant 2047 : i32
    %and3A_4346 = vector.broadcast %and3A_4345 : i32 to vector<16xi32>
    %and3A_4347 = arith.andi %add3A_4344, %and3A_4346 : vector<16xi32>
    %eq3A_4348 = arith.constant 2047 : i32
    %eq3A_4349 = vector.broadcast %eq3A_4348 : i32 to vector<16xi32>
    %eq3A_4350 = arith.cmpi eq, %and3A_4347, %eq3A_4349 : vector<16xi32>
    %jit3A_4351 = arith.constant 1023 : i32
    %broadcast_in_dim3A_4352 = vector.broadcast %jit3A_4351 : i32 to vector<16xi32>
    %select_n3A_4353 = arith.select %eq3A_4350, %broadcast_in_dim3A_4352, %get3A_4338 : vector<16xi1>, vector<16xi32>
    %jit3A_4354 = arith.constant -1.000000e+03 : f32
    %jit3A_4355 = arith.constant 5.000000e+00 : f32
    %broadcast_in_dim3A_4356 = vector.broadcast %jit3A_4354 : f32 to vector<16xf32>
    %broadcast_in_dim3A_4357 = vector.broadcast %jit3A_4355 : f32 to vector<16xf32>
    %select_n3A_4358 = arith.select %eq3A_4350, %broadcast_in_dim3A_4356, %broadcast_in_dim3A_4357 : vector<16xi1>, vector<16xf32>
    %add3A_4359 = arith.constant 32 : i32
    %add3A_4360 = vector.broadcast %add3A_4359 : i32 to vector<16xi32>
    %add3A_4361 = arith.addi %add3A_4360, %iota3A : vector<16xi32>
    %eq3A_4362 = arith.constant 0 : i32
    %eq3A_4363 = vector.broadcast %eq3A_4362 : i32 to vector<16xi32>
    %eq3A_4364 = arith.cmpi eq, %select_n3A_4331, %eq3A_4363 : vector<16xi32>
    %eq3A_4365 = arith.constant 1 : i32
    %eq3A_4366 = vector.broadcast %eq3A_4365 : i32 to vector<16xi32>
    %eq3A_4367 = arith.cmpi eq, %select_n3A_4331, %eq3A_4366 : vector<16xi32>
    %eq3A_4368 = arith.constant 2 : i32
    %eq3A_4369 = vector.broadcast %eq3A_4368 : i32 to vector<16xi32>
    %eq3A_4370 = arith.cmpi eq, %select_n3A_4331, %eq3A_4369 : vector<16xi32>
    %jit3A_4371 = arith.constant 0.000000e+00 : f32
    %jit3A_4372 = arith.constant -1.000000e+03 : f32
    %broadcast_in_dim3A_4373 = vector.broadcast %jit3A_4371 : f32 to vector<16xf32>
    %broadcast_in_dim3A_4374 = vector.broadcast %jit3A_4372 : f32 to vector<16xf32>
    %select_n3A_4375 = arith.select %eq3A_4370, %broadcast_in_dim3A_4373, %broadcast_in_dim3A_4374 : vector<16xi1>, vector<16xf32>
    %jit3A_4376 = arith.constant 5.000000e-01 : f32
    %broadcast_in_dim3A_4377 = vector.broadcast %jit3A_4376 : f32 to vector<16xf32>
    %select_n3A_4378 = arith.select %eq3A_4367, %broadcast_in_dim3A_4377, %select_n3A_4375 : vector<16xi1>, vector<16xf32>
    %jit3A_4379 = arith.constant 1.000000e+00 : f32
    %broadcast_in_dim3A_4380 = vector.broadcast %jit3A_4379 : f32 to vector<16xf32>
    %select_n3A_4381 = arith.select %eq3A_4364, %broadcast_in_dim3A_4380, %select_n3A_4378 : vector<16xi1>, vector<16xf32>
    tpu.vector_store_idx %arg5[%add3A_4361, %select_n3A_4331], %select_n3A_4381 : memref<96x1024xf32, #tpu.memory_space<vmem>>[vector<16xi32>, vector<16xi32>], vector<16xf32>,
    %add3A_4382 = arith.constant 48 : i32
    %add3A_4383 = vector.broadcast %add3A_4382 : i32 to vector<16xi32>
    %add3A_4384 = arith.addi %add3A_4383, %iota3A : vector<16xi32>
    %eq3A_4385 = arith.constant 0 : i32
    %eq3A_4386 = vector.broadcast %eq3A_4385 : i32 to vector<16xi32>
    %eq3A_4387 = arith.cmpi eq, %select_n3A_4353, %eq3A_4386 : vector<16xi32>
    %eq3A_4388 = arith.constant 1 : i32
    %eq3A_4389 = vector.broadcast %eq3A_4388 : i32 to vector<16xi32>
    %eq3A_4390 = arith.cmpi eq, %select_n3A_4353, %eq3A_4389 : vector<16xi32>
    %eq3A_4391 = arith.constant 2 : i32
    %eq3A_4392 = vector.broadcast %eq3A_4391 : i32 to vector<16xi32>
    %eq3A_4393 = arith.cmpi eq, %select_n3A_4353, %eq3A_4392 : vector<16xi32>
    %jit3A_4394 = arith.constant 0.000000e+00 : f32
    %jit3A_4395 = arith.constant -1.000000e+03 : f32
    %broadcast_in_dim3A_4396 = vector.broadcast %jit3A_4394 : f32 to vector<16xf32>
    %broadcast_in_dim3A_4397 = vector.broadcast %jit3A_4395 : f32 to vector<16xf32>
    %select_n3A_4398 = arith.select %eq3A_4393, %broadcast_in_dim3A_4396, %broadcast_in_dim3A_4397 : vector<16xi1>, vector<16xf32>
    %jit3A_4399 = arith.constant 5.000000e-01 : f32
    %broadcast_in_dim3A_4400 = vector.broadcast %jit3A_4399 : f32 to vector<16xf32>
    %select_n3A_4401 = arith.select %eq3A_4390, %broadcast_in_dim3A_4400, %select_n3A_4398 : vector<16xi1>, vector<16xf32>
    %jit3A_4402 = arith.constant 1.000000e+00 : f32
    %broadcast_in_dim3A_4403 = vector.broadcast %jit3A_4402 : f32 to vector<16xf32>
    %select_n3A_4404 = arith.select %eq3A_4387, %broadcast_in_dim3A_4403, %select_n3A_4401 : vector<16xi1>, vector<16xf32>
    tpu.vector_store_idx %arg5[%add3A_4384, %select_n3A_4353], %select_n3A_4404 : memref<96x1024xf32, #tpu.memory_space<vmem>>[vector<16xi32>, vector<16xi32>], vector<16xf32>,
    %get3A_4405 = arith.constant 896 : index
    %get3A_4406 = tpu.vector_load %arg4[%get3A_4405] {strides = array<i32>} : memref<1024xi32, #tpu.memory_space<vmem>>, vector<16xi32>,
    %add3A_4407 = arith.constant 896 : i32
    %add3A_4408 = arith.addi %mul3A_2, %add3A_4407 : i32
    %add3A_4409 = arith.constant 0 : i32
    %add3A_4410 = arith.addi %add3A_4408, %add3A_4409 : i32
    %add3A_4411 = vector.broadcast %add3A_4410 : i32 to vector<16xi32>
    %add3A_4412 = arith.addi %add3A_4411, %iota3A : vector<16xi32>
    %and3A_4413 = arith.constant 2047 : i32
    %and3A_4414 = vector.broadcast %and3A_4413 : i32 to vector<16xi32>
    %and3A_4415 = arith.andi %add3A_4412, %and3A_4414 : vector<16xi32>
    %eq3A_4416 = arith.constant 2047 : i32
    %eq3A_4417 = vector.broadcast %eq3A_4416 : i32 to vector<16xi32>
    %eq3A_4418 = arith.cmpi eq, %and3A_4415, %eq3A_4417 : vector<16xi32>
    %jit3A_4419 = arith.constant 1023 : i32
    %broadcast_in_dim3A_4420 = vector.broadcast %jit3A_4419 : i32 to vector<16xi32>
    %select_n3A_4421 = arith.select %eq3A_4418, %broadcast_in_dim3A_4420, %get3A_4406 : vector<16xi1>, vector<16xi32>
    %jit3A_4422 = arith.constant -1.000000e+03 : f32
    %jit3A_4423 = arith.constant 5.000000e+00 : f32
    %broadcast_in_dim3A_4424 = vector.broadcast %jit3A_4422 : f32 to vector<16xf32>
    %broadcast_in_dim3A_4425 = vector.broadcast %jit3A_4423 : f32 to vector<16xf32>
    %select_n3A_4426 = arith.select %eq3A_4418, %broadcast_in_dim3A_4424, %broadcast_in_dim3A_4425 : vector<16xi1>, vector<16xf32>
    %get3A_4427 = arith.constant 912 : index
    %get3A_4428 = tpu.vector_load %arg4[%get3A_4427] {strides = array<i32>} : memref<1024xi32, #tpu.memory_space<vmem>>, vector<16xi32>,
    %add3A_4429 = arith.constant 896 : i32
    %add3A_4430 = arith.addi %mul3A_2, %add3A_4429 : i32
    %add3A_4431 = arith.constant 16 : i32
    %add3A_4432 = arith.addi %add3A_4430, %add3A_4431 : i32
    %add3A_4433 = vector.broadcast %add3A_4432 : i32 to vector<16xi32>
    %add3A_4434 = arith.addi %add3A_4433, %iota3A : vector<16xi32>
    %and3A_4435 = arith.constant 2047 : i32
    %and3A_4436 = vector.broadcast %and3A_4435 : i32 to vector<16xi32>
    %and3A_4437 = arith.andi %add3A_4434, %and3A_4436 : vector<16xi32>
    %eq3A_4438 = arith.constant 2047 : i32
    %eq3A_4439 = vector.broadcast %eq3A_4438 : i32 to vector<16xi32>
    %eq3A_4440 = arith.cmpi eq, %and3A_4437, %eq3A_4439 : vector<16xi32>
    %jit3A_4441 = arith.constant 1023 : i32
    %broadcast_in_dim3A_4442 = vector.broadcast %jit3A_4441 : i32 to vector<16xi32>
    %select_n3A_4443 = arith.select %eq3A_4440, %broadcast_in_dim3A_4442, %get3A_4428 : vector<16xi1>, vector<16xi32>
    %jit3A_4444 = arith.constant -1.000000e+03 : f32
    %jit3A_4445 = arith.constant 5.000000e+00 : f32
    %broadcast_in_dim3A_4446 = vector.broadcast %jit3A_4444 : f32 to vector<16xf32>
    %broadcast_in_dim3A_4447 = vector.broadcast %jit3A_4445 : f32 to vector<16xf32>
    %select_n3A_4448 = arith.select %eq3A_4440, %broadcast_in_dim3A_4446, %broadcast_in_dim3A_4447 : vector<16xi1>, vector<16xf32>
    %add3A_4449 = arith.constant 32 : i32
    %add3A_4450 = vector.broadcast %add3A_4449 : i32 to vector<16xi32>
    %add3A_4451 = arith.addi %add3A_4450, %iota3A : vector<16xi32>
    tpu.vector_store_idx %arg5[%add3A_4451, %select_n3A_4421], %select_n3A_4426 : memref<96x1024xf32, #tpu.memory_space<vmem>>[vector<16xi32>, vector<16xi32>], vector<16xf32>,
    %add3A_4452 = arith.constant 48 : i32
    %add3A_4453 = vector.broadcast %add3A_4452 : i32 to vector<16xi32>
    %add3A_4454 = arith.addi %add3A_4453, %iota3A : vector<16xi32>
    tpu.vector_store_idx %arg5[%add3A_4454, %select_n3A_4443], %select_n3A_4448 : memref<96x1024xf32, #tpu.memory_space<vmem>>[vector<16xi32>, vector<16xi32>], vector<16xf32>,
    %add3A_4455 = arith.constant 896 : i32
    %add3A_4456 = arith.addi %mul3A_2, %add3A_4455 : i32
    %dma_start3A_4457 = arith.constant 32 : i32
    %dma_start3A_4458 = arith.constant 0 : i32
    %dma_start3A_4459 = tpu.memref_slice %arg5[%dma_start3A_4457, %dma_start3A_4458] : memref<96x1024xf32, #tpu.memory_space<vmem>> -> memref<32x1024xf32, #tpu.memory_space<vmem>>
    %dma_start3A_4460 = arith.constant 0 : i32
    %dma_start3A_4461 = tpu.memref_slice %arg3[%add3A_4456, %dma_start3A_4460] : memref<32768x1024xf32, #tpu.memory_space<hbm>> -> memref<32x1024xf32, #tpu.memory_space<hbm>>
    %dma_start3A_4462 = arith.constant 0 : i32
    %dma_start3A_4463 = tpu.memref_slice %arg3[%add3A_4456, %dma_start3A_4462] : memref<32768x1024xf32, #tpu.memory_space<hbm>> -> memref<32x1024xf32, #tpu.memory_space<hbm>>
    %dma_start3A_4464 = arith.constant 32 : i32
    %dma_start3A_4465 = arith.constant 0 : i32
    %dma_start3A_4466 = tpu.memref_slice %arg5[%dma_start3A_4464, %dma_start3A_4465] : memref<96x1024xf32, #tpu.memory_space<vmem>> -> memref<32x1024xf32, #tpu.memory_space<vmem>>
    tpu.enqueue_dma source(%dma_start3A_4466 : memref<32x1024xf32, #tpu.memory_space<vmem>>) target(%dma_start3A_4463 : memref<32x1024xf32, #tpu.memory_space<hbm>>) target_semaphore(%arg7 : memref<!tpu.dma_semaphore, #tpu.memory_space<semaphore_mem>>)
    %dma_wait3A_4467 = arith.constant 64 : i32
    %dma_wait3A_4468 = arith.constant 0 : i32
    %dma_wait3A_4469 = tpu.memref_slice %arg5[%dma_wait3A_4467, %dma_wait3A_4468] : memref<96x1024xf32, #tpu.memory_space<vmem>> -> memref<32x1024xf32, #tpu.memory_space<vmem>>
    %dma_wait3A_4470 = arith.constant 0 : i32
    %dma_wait3A_4471 = tpu.memref_slice %arg3[%add3A_4132, %dma_wait3A_4470] : memref<32768x1024xf32, #tpu.memory_space<hbm>> -> memref<32x1024xf32, #tpu.memory_space<hbm>>
    %dma_wait3A_4472 = arith.constant 0 : i32
    %dma_wait3A_4473 = tpu.memref_slice %arg3[%add3A_4132, %dma_wait3A_4472] : memref<32768x1024xf32, #tpu.memory_space<hbm>> -> memref<32x1024xf32, #tpu.memory_space<hbm>>
    %dma_wait3A_4474 = arith.constant 64 : i32
    %dma_wait3A_4475 = arith.constant 0 : i32
    %dma_wait3A_4476 = tpu.memref_slice %arg5[%dma_wait3A_4474, %dma_wait3A_4475] : memref<96x1024xf32, #tpu.memory_space<vmem>> -> memref<32x1024xf32, #tpu.memory_space<vmem>>
    tpu.wait_dma2 semaphore(%arg8 : memref<!tpu.dma_semaphore, #tpu.memory_space<semaphore_mem>>) src(%dma_wait3A_4476 : memref<32x1024xf32, #tpu.memory_space<vmem>>) dst(%dma_wait3A_4473 : memref<32x1024xf32, #tpu.memory_space<hbm>>)
    %get3A_4477 = arith.constant 832 : index
    %get3A_4478 = tpu.vector_load %arg4[%get3A_4477] {strides = array<i32>} : memref<1024xi32, #tpu.memory_space<vmem>>, vector<16xi32>,
    %add3A_4479 = arith.constant 832 : i32
    %add3A_4480 = arith.addi %mul3A_2, %add3A_4479 : i32
    %add3A_4481 = arith.constant 0 : i32
    %add3A_4482 = arith.addi %add3A_4480, %add3A_4481 : i32
    %add3A_4483 = vector.broadcast %add3A_4482 : i32 to vector<16xi32>
    %add3A_4484 = arith.addi %add3A_4483, %iota3A : vector<16xi32>
    %and3A_4485 = arith.constant 2047 : i32
    %and3A_4486 = vector.broadcast %and3A_4485 : i32 to vector<16xi32>
    %and3A_4487 = arith.andi %add3A_4484, %and3A_4486 : vector<16xi32>
    %eq3A_4488 = arith.constant 2047 : i32
    %eq3A_4489 = vector.broadcast %eq3A_4488 : i32 to vector<16xi32>
    %eq3A_4490 = arith.cmpi eq, %and3A_4487, %eq3A_4489 : vector<16xi32>
    %jit3A_4491 = arith.constant 1023 : i32
    %broadcast_in_dim3A_4492 = vector.broadcast %jit3A_4491 : i32 to vector<16xi32>
    %select_n3A_4493 = arith.select %eq3A_4490, %broadcast_in_dim3A_4492, %get3A_4478 : vector<16xi1>, vector<16xi32>
    %jit3A_4494 = arith.constant -1.000000e+03 : f32
    %jit3A_4495 = arith.constant 5.000000e+00 : f32
    %broadcast_in_dim3A_4496 = vector.broadcast %jit3A_4494 : f32 to vector<16xf32>
    %broadcast_in_dim3A_4497 = vector.broadcast %jit3A_4495 : f32 to vector<16xf32>
    %select_n3A_4498 = arith.select %eq3A_4490, %broadcast_in_dim3A_4496, %broadcast_in_dim3A_4497 : vector<16xi1>, vector<16xf32>
    %get3A_4499 = arith.constant 848 : index
    %get3A_4500 = tpu.vector_load %arg4[%get3A_4499] {strides = array<i32>} : memref<1024xi32, #tpu.memory_space<vmem>>, vector<16xi32>,
    %add3A_4501 = arith.constant 832 : i32
    %add3A_4502 = arith.addi %mul3A_2, %add3A_4501 : i32
    %add3A_4503 = arith.constant 16 : i32
    %add3A_4504 = arith.addi %add3A_4502, %add3A_4503 : i32
    %add3A_4505 = vector.broadcast %add3A_4504 : i32 to vector<16xi32>
    %add3A_4506 = arith.addi %add3A_4505, %iota3A : vector<16xi32>
    %and3A_4507 = arith.constant 2047 : i32
    %and3A_4508 = vector.broadcast %and3A_4507 : i32 to vector<16xi32>
    %and3A_4509 = arith.andi %add3A_4506, %and3A_4508 : vector<16xi32>
    %eq3A_4510 = arith.constant 2047 : i32
    %eq3A_4511 = vector.broadcast %eq3A_4510 : i32 to vector<16xi32>
    %eq3A_4512 = arith.cmpi eq, %and3A_4509, %eq3A_4511 : vector<16xi32>
    %jit3A_4513 = arith.constant 1023 : i32
    %broadcast_in_dim3A_4514 = vector.broadcast %jit3A_4513 : i32 to vector<16xi32>
    %select_n3A_4515 = arith.select %eq3A_4512, %broadcast_in_dim3A_4514, %get3A_4500 : vector<16xi1>, vector<16xi32>
    %jit3A_4516 = arith.constant -1.000000e+03 : f32
    %jit3A_4517 = arith.constant 5.000000e+00 : f32
    %broadcast_in_dim3A_4518 = vector.broadcast %jit3A_4516 : f32 to vector<16xf32>
    %broadcast_in_dim3A_4519 = vector.broadcast %jit3A_4517 : f32 to vector<16xf32>
    %select_n3A_4520 = arith.select %eq3A_4512, %broadcast_in_dim3A_4518, %broadcast_in_dim3A_4519 : vector<16xi1>, vector<16xf32>
    %add3A_4521 = arith.constant 64 : i32
    %add3A_4522 = vector.broadcast %add3A_4521 : i32 to vector<16xi32>
    %add3A_4523 = arith.addi %add3A_4522, %iota3A : vector<16xi32>
    %eq3A_4524 = arith.constant 0 : i32
    %eq3A_4525 = vector.broadcast %eq3A_4524 : i32 to vector<16xi32>
    %eq3A_4526 = arith.cmpi eq, %select_n3A_4493, %eq3A_4525 : vector<16xi32>
    %eq3A_4527 = arith.constant 1 : i32
    %eq3A_4528 = vector.broadcast %eq3A_4527 : i32 to vector<16xi32>
    %eq3A_4529 = arith.cmpi eq, %select_n3A_4493, %eq3A_4528 : vector<16xi32>
    %eq3A_4530 = arith.constant 2 : i32
    %eq3A_4531 = vector.broadcast %eq3A_4530 : i32 to vector<16xi32>
    %eq3A_4532 = arith.cmpi eq, %select_n3A_4493, %eq3A_4531 : vector<16xi32>
    %jit3A_4533 = arith.constant 0.000000e+00 : f32
    %jit3A_4534 = arith.constant -1.000000e+03 : f32
    %broadcast_in_dim3A_4535 = vector.broadcast %jit3A_4533 : f32 to vector<16xf32>
    %broadcast_in_dim3A_4536 = vector.broadcast %jit3A_4534 : f32 to vector<16xf32>
    %select_n3A_4537 = arith.select %eq3A_4532, %broadcast_in_dim3A_4535, %broadcast_in_dim3A_4536 : vector<16xi1>, vector<16xf32>
    %jit3A_4538 = arith.constant 5.000000e-01 : f32
    %broadcast_in_dim3A_4539 = vector.broadcast %jit3A_4538 : f32 to vector<16xf32>
    %select_n3A_4540 = arith.select %eq3A_4529, %broadcast_in_dim3A_4539, %select_n3A_4537 : vector<16xi1>, vector<16xf32>
    %jit3A_4541 = arith.constant 1.000000e+00 : f32
    %broadcast_in_dim3A_4542 = vector.broadcast %jit3A_4541 : f32 to vector<16xf32>
    %select_n3A_4543 = arith.select %eq3A_4526, %broadcast_in_dim3A_4542, %select_n3A_4540 : vector<16xi1>, vector<16xf32>
    tpu.vector_store_idx %arg5[%add3A_4523, %select_n3A_4493], %select_n3A_4543 : memref<96x1024xf32, #tpu.memory_space<vmem>>[vector<16xi32>, vector<16xi32>], vector<16xf32>,
    %add3A_4544 = arith.constant 80 : i32
    %add3A_4545 = vector.broadcast %add3A_4544 : i32 to vector<16xi32>
    %add3A_4546 = arith.addi %add3A_4545, %iota3A : vector<16xi32>
    %eq3A_4547 = arith.constant 0 : i32
    %eq3A_4548 = vector.broadcast %eq3A_4547 : i32 to vector<16xi32>
    %eq3A_4549 = arith.cmpi eq, %select_n3A_4515, %eq3A_4548 : vector<16xi32>
    %eq3A_4550 = arith.constant 1 : i32
    %eq3A_4551 = vector.broadcast %eq3A_4550 : i32 to vector<16xi32>
    %eq3A_4552 = arith.cmpi eq, %select_n3A_4515, %eq3A_4551 : vector<16xi32>
    %eq3A_4553 = arith.constant 2 : i32
    %eq3A_4554 = vector.broadcast %eq3A_4553 : i32 to vector<16xi32>
    %eq3A_4555 = arith.cmpi eq, %select_n3A_4515, %eq3A_4554 : vector<16xi32>
    %jit3A_4556 = arith.constant 0.000000e+00 : f32
    %jit3A_4557 = arith.constant -1.000000e+03 : f32
    %broadcast_in_dim3A_4558 = vector.broadcast %jit3A_4556 : f32 to vector<16xf32>
    %broadcast_in_dim3A_4559 = vector.broadcast %jit3A_4557 : f32 to vector<16xf32>
    %select_n3A_4560 = arith.select %eq3A_4555, %broadcast_in_dim3A_4558, %broadcast_in_dim3A_4559 : vector<16xi1>, vector<16xf32>
    %jit3A_4561 = arith.constant 5.000000e-01 : f32
    %broadcast_in_dim3A_4562 = vector.broadcast %jit3A_4561 : f32 to vector<16xf32>
    %select_n3A_4563 = arith.select %eq3A_4552, %broadcast_in_dim3A_4562, %select_n3A_4560 : vector<16xi1>, vector<16xf32>
    %jit3A_4564 = arith.constant 1.000000e+00 : f32
    %broadcast_in_dim3A_4565 = vector.broadcast %jit3A_4564 : f32 to vector<16xf32>
    %select_n3A_4566 = arith.select %eq3A_4549, %broadcast_in_dim3A_4565, %select_n3A_4563 : vector<16xi1>, vector<16xf32>
    tpu.vector_store_idx %arg5[%add3A_4546, %select_n3A_4515], %select_n3A_4566 : memref<96x1024xf32, #tpu.memory_space<vmem>>[vector<16xi32>, vector<16xi32>], vector<16xf32>,
    %get3A_4567 = arith.constant 928 : index
    %get3A_4568 = tpu.vector_load %arg4[%get3A_4567] {strides = array<i32>} : memref<1024xi32, #tpu.memory_space<vmem>>, vector<16xi32>,
    %add3A_4569 = arith.constant 928 : i32
    %add3A_4570 = arith.addi %mul3A_2, %add3A_4569 : i32
    %add3A_4571 = arith.constant 0 : i32
    %add3A_4572 = arith.addi %add3A_4570, %add3A_4571 : i32
    %add3A_4573 = vector.broadcast %add3A_4572 : i32 to vector<16xi32>
    %add3A_4574 = arith.addi %add3A_4573, %iota3A : vector<16xi32>
    %and3A_4575 = arith.constant 2047 : i32
    %and3A_4576 = vector.broadcast %and3A_4575 : i32 to vector<16xi32>
    %and3A_4577 = arith.andi %add3A_4574, %and3A_4576 : vector<16xi32>
    %eq3A_4578 = arith.constant 2047 : i32
    %eq3A_4579 = vector.broadcast %eq3A_4578 : i32 to vector<16xi32>
    %eq3A_4580 = arith.cmpi eq, %and3A_4577, %eq3A_4579 : vector<16xi32>
    %jit3A_4581 = arith.constant 1023 : i32
    %broadcast_in_dim3A_4582 = vector.broadcast %jit3A_4581 : i32 to vector<16xi32>
    %select_n3A_4583 = arith.select %eq3A_4580, %broadcast_in_dim3A_4582, %get3A_4568 : vector<16xi1>, vector<16xi32>
    %jit3A_4584 = arith.constant -1.000000e+03 : f32
    %jit3A_4585 = arith.constant 5.000000e+00 : f32
    %broadcast_in_dim3A_4586 = vector.broadcast %jit3A_4584 : f32 to vector<16xf32>
    %broadcast_in_dim3A_4587 = vector.broadcast %jit3A_4585 : f32 to vector<16xf32>
    %select_n3A_4588 = arith.select %eq3A_4580, %broadcast_in_dim3A_4586, %broadcast_in_dim3A_4587 : vector<16xi1>, vector<16xf32>
    %get3A_4589 = arith.constant 944 : index
    %get3A_4590 = tpu.vector_load %arg4[%get3A_4589] {strides = array<i32>} : memref<1024xi32, #tpu.memory_space<vmem>>, vector<16xi32>,
    %add3A_4591 = arith.constant 928 : i32
    %add3A_4592 = arith.addi %mul3A_2, %add3A_4591 : i32
    %add3A_4593 = arith.constant 16 : i32
    %add3A_4594 = arith.addi %add3A_4592, %add3A_4593 : i32
    %add3A_4595 = vector.broadcast %add3A_4594 : i32 to vector<16xi32>
    %add3A_4596 = arith.addi %add3A_4595, %iota3A : vector<16xi32>
    %and3A_4597 = arith.constant 2047 : i32
    %and3A_4598 = vector.broadcast %and3A_4597 : i32 to vector<16xi32>
    %and3A_4599 = arith.andi %add3A_4596, %and3A_4598 : vector<16xi32>
    %eq3A_4600 = arith.constant 2047 : i32
    %eq3A_4601 = vector.broadcast %eq3A_4600 : i32 to vector<16xi32>
    %eq3A_4602 = arith.cmpi eq, %and3A_4599, %eq3A_4601 : vector<16xi32>
    %jit3A_4603 = arith.constant 1023 : i32
    %broadcast_in_dim3A_4604 = vector.broadcast %jit3A_4603 : i32 to vector<16xi32>
    %select_n3A_4605 = arith.select %eq3A_4602, %broadcast_in_dim3A_4604, %get3A_4590 : vector<16xi1>, vector<16xi32>
    %jit3A_4606 = arith.constant -1.000000e+03 : f32
    %jit3A_4607 = arith.constant 5.000000e+00 : f32
    %broadcast_in_dim3A_4608 = vector.broadcast %jit3A_4606 : f32 to vector<16xf32>
    %broadcast_in_dim3A_4609 = vector.broadcast %jit3A_4607 : f32 to vector<16xf32>
    %select_n3A_4610 = arith.select %eq3A_4602, %broadcast_in_dim3A_4608, %broadcast_in_dim3A_4609 : vector<16xi1>, vector<16xf32>
    %add3A_4611 = arith.constant 64 : i32
    %add3A_4612 = vector.broadcast %add3A_4611 : i32 to vector<16xi32>
    %add3A_4613 = arith.addi %add3A_4612, %iota3A : vector<16xi32>
    tpu.vector_store_idx %arg5[%add3A_4613, %select_n3A_4583], %select_n3A_4588 : memref<96x1024xf32, #tpu.memory_space<vmem>>[vector<16xi32>, vector<16xi32>], vector<16xf32>,
    %add3A_4614 = arith.constant 80 : i32
    %add3A_4615 = vector.broadcast %add3A_4614 : i32 to vector<16xi32>
    %add3A_4616 = arith.addi %add3A_4615, %iota3A : vector<16xi32>
    tpu.vector_store_idx %arg5[%add3A_4616, %select_n3A_4605], %select_n3A_4610 : memref<96x1024xf32, #tpu.memory_space<vmem>>[vector<16xi32>, vector<16xi32>], vector<16xf32>,
    %add3A_4617 = arith.constant 928 : i32
    %add3A_4618 = arith.addi %mul3A_2, %add3A_4617 : i32
    %dma_start3A_4619 = arith.constant 64 : i32
    %dma_start3A_4620 = arith.constant 0 : i32
    %dma_start3A_4621 = tpu.memref_slice %arg5[%dma_start3A_4619, %dma_start3A_4620] : memref<96x1024xf32, #tpu.memory_space<vmem>> -> memref<32x1024xf32, #tpu.memory_space<vmem>>
    %dma_start3A_4622 = arith.constant 0 : i32
    %dma_start3A_4623 = tpu.memref_slice %arg3[%add3A_4618, %dma_start3A_4622] : memref<32768x1024xf32, #tpu.memory_space<hbm>> -> memref<32x1024xf32, #tpu.memory_space<hbm>>
    %dma_start3A_4624 = arith.constant 0 : i32
    %dma_start3A_4625 = tpu.memref_slice %arg3[%add3A_4618, %dma_start3A_4624] : memref<32768x1024xf32, #tpu.memory_space<hbm>> -> memref<32x1024xf32, #tpu.memory_space<hbm>>
    %dma_start3A_4626 = arith.constant 64 : i32
    %dma_start3A_4627 = arith.constant 0 : i32
    %dma_start3A_4628 = tpu.memref_slice %arg5[%dma_start3A_4626, %dma_start3A_4627] : memref<96x1024xf32, #tpu.memory_space<vmem>> -> memref<32x1024xf32, #tpu.memory_space<vmem>>
    tpu.enqueue_dma source(%dma_start3A_4628 : memref<32x1024xf32, #tpu.memory_space<vmem>>) target(%dma_start3A_4625 : memref<32x1024xf32, #tpu.memory_space<hbm>>) target_semaphore(%arg8 : memref<!tpu.dma_semaphore, #tpu.memory_space<semaphore_mem>>)
    %dma_wait3A_4629 = arith.constant 0 : i32
    %dma_wait3A_4630 = arith.constant 0 : i32
    %dma_wait3A_4631 = tpu.memref_slice %arg5[%dma_wait3A_4629, %dma_wait3A_4630] : memref<96x1024xf32, #tpu.memory_space<vmem>> -> memref<32x1024xf32, #tpu.memory_space<vmem>>
    %dma_wait3A_4632 = arith.constant 0 : i32
    %dma_wait3A_4633 = tpu.memref_slice %arg3[%add3A_4294, %dma_wait3A_4632] : memref<32768x1024xf32, #tpu.memory_space<hbm>> -> memref<32x1024xf32, #tpu.memory_space<hbm>>
    %dma_wait3A_4634 = arith.constant 0 : i32
    %dma_wait3A_4635 = tpu.memref_slice %arg3[%add3A_4294, %dma_wait3A_4634] : memref<32768x1024xf32, #tpu.memory_space<hbm>> -> memref<32x1024xf32, #tpu.memory_space<hbm>>
    %dma_wait3A_4636 = arith.constant 0 : i32
    %dma_wait3A_4637 = arith.constant 0 : i32
    %dma_wait3A_4638 = tpu.memref_slice %arg5[%dma_wait3A_4636, %dma_wait3A_4637] : memref<96x1024xf32, #tpu.memory_space<vmem>> -> memref<32x1024xf32, #tpu.memory_space<vmem>>
    tpu.wait_dma2 semaphore(%arg6 : memref<!tpu.dma_semaphore, #tpu.memory_space<semaphore_mem>>) src(%dma_wait3A_4638 : memref<32x1024xf32, #tpu.memory_space<vmem>>) dst(%dma_wait3A_4635 : memref<32x1024xf32, #tpu.memory_space<hbm>>)
    %get3A_4639 = arith.constant 864 : index
    %get3A_4640 = tpu.vector_load %arg4[%get3A_4639] {strides = array<i32>} : memref<1024xi32, #tpu.memory_space<vmem>>, vector<16xi32>,
    %add3A_4641 = arith.constant 864 : i32
    %add3A_4642 = arith.addi %mul3A_2, %add3A_4641 : i32
    %add3A_4643 = arith.constant 0 : i32
    %add3A_4644 = arith.addi %add3A_4642, %add3A_4643 : i32
    %add3A_4645 = vector.broadcast %add3A_4644 : i32 to vector<16xi32>
    %add3A_4646 = arith.addi %add3A_4645, %iota3A : vector<16xi32>
    %and3A_4647 = arith.constant 2047 : i32
    %and3A_4648 = vector.broadcast %and3A_4647 : i32 to vector<16xi32>
    %and3A_4649 = arith.andi %add3A_4646, %and3A_4648 : vector<16xi32>
    %eq3A_4650 = arith.constant 2047 : i32
    %eq3A_4651 = vector.broadcast %eq3A_4650 : i32 to vector<16xi32>
    %eq3A_4652 = arith.cmpi eq, %and3A_4649, %eq3A_4651 : vector<16xi32>
    %jit3A_4653 = arith.constant 1023 : i32
    %broadcast_in_dim3A_4654 = vector.broadcast %jit3A_4653 : i32 to vector<16xi32>
    %select_n3A_4655 = arith.select %eq3A_4652, %broadcast_in_dim3A_4654, %get3A_4640 : vector<16xi1>, vector<16xi32>
    %jit3A_4656 = arith.constant -1.000000e+03 : f32
    %jit3A_4657 = arith.constant 5.000000e+00 : f32
    %broadcast_in_dim3A_4658 = vector.broadcast %jit3A_4656 : f32 to vector<16xf32>
    %broadcast_in_dim3A_4659 = vector.broadcast %jit3A_4657 : f32 to vector<16xf32>
    %select_n3A_4660 = arith.select %eq3A_4652, %broadcast_in_dim3A_4658, %broadcast_in_dim3A_4659 : vector<16xi1>, vector<16xf32>
    %get3A_4661 = arith.constant 880 : index
    %get3A_4662 = tpu.vector_load %arg4[%get3A_4661] {strides = array<i32>} : memref<1024xi32, #tpu.memory_space<vmem>>, vector<16xi32>,
    %add3A_4663 = arith.constant 864 : i32
    %add3A_4664 = arith.addi %mul3A_2, %add3A_4663 : i32
    %add3A_4665 = arith.constant 16 : i32
    %add3A_4666 = arith.addi %add3A_4664, %add3A_4665 : i32
    %add3A_4667 = vector.broadcast %add3A_4666 : i32 to vector<16xi32>
    %add3A_4668 = arith.addi %add3A_4667, %iota3A : vector<16xi32>
    %and3A_4669 = arith.constant 2047 : i32
    %and3A_4670 = vector.broadcast %and3A_4669 : i32 to vector<16xi32>
    %and3A_4671 = arith.andi %add3A_4668, %and3A_4670 : vector<16xi32>
    %eq3A_4672 = arith.constant 2047 : i32
    %eq3A_4673 = vector.broadcast %eq3A_4672 : i32 to vector<16xi32>
    %eq3A_4674 = arith.cmpi eq, %and3A_4671, %eq3A_4673 : vector<16xi32>
    %jit3A_4675 = arith.constant 1023 : i32
    %broadcast_in_dim3A_4676 = vector.broadcast %jit3A_4675 : i32 to vector<16xi32>
    %select_n3A_4677 = arith.select %eq3A_4674, %broadcast_in_dim3A_4676, %get3A_4662 : vector<16xi1>, vector<16xi32>
    %jit3A_4678 = arith.constant -1.000000e+03 : f32
    %jit3A_4679 = arith.constant 5.000000e+00 : f32
    %broadcast_in_dim3A_4680 = vector.broadcast %jit3A_4678 : f32 to vector<16xf32>
    %broadcast_in_dim3A_4681 = vector.broadcast %jit3A_4679 : f32 to vector<16xf32>
    %select_n3A_4682 = arith.select %eq3A_4674, %broadcast_in_dim3A_4680, %broadcast_in_dim3A_4681 : vector<16xi1>, vector<16xf32>
    %add3A_4683 = arith.constant 0 : i32
    %add3A_4684 = vector.broadcast %add3A_4683 : i32 to vector<16xi32>
    %add3A_4685 = arith.addi %add3A_4684, %iota3A : vector<16xi32>
    %eq3A_4686 = arith.constant 0 : i32
    %eq3A_4687 = vector.broadcast %eq3A_4686 : i32 to vector<16xi32>
    %eq3A_4688 = arith.cmpi eq, %select_n3A_4655, %eq3A_4687 : vector<16xi32>
    %eq3A_4689 = arith.constant 1 : i32
    %eq3A_4690 = vector.broadcast %eq3A_4689 : i32 to vector<16xi32>
    %eq3A_4691 = arith.cmpi eq, %select_n3A_4655, %eq3A_4690 : vector<16xi32>
    %eq3A_4692 = arith.constant 2 : i32
    %eq3A_4693 = vector.broadcast %eq3A_4692 : i32 to vector<16xi32>
    %eq3A_4694 = arith.cmpi eq, %select_n3A_4655, %eq3A_4693 : vector<16xi32>
    %jit3A_4695 = arith.constant 0.000000e+00 : f32
    %jit3A_4696 = arith.constant -1.000000e+03 : f32
    %broadcast_in_dim3A_4697 = vector.broadcast %jit3A_4695 : f32 to vector<16xf32>
    %broadcast_in_dim3A_4698 = vector.broadcast %jit3A_4696 : f32 to vector<16xf32>
    %select_n3A_4699 = arith.select %eq3A_4694, %broadcast_in_dim3A_4697, %broadcast_in_dim3A_4698 : vector<16xi1>, vector<16xf32>
    %jit3A_4700 = arith.constant 5.000000e-01 : f32
    %broadcast_in_dim3A_4701 = vector.broadcast %jit3A_4700 : f32 to vector<16xf32>
    %select_n3A_4702 = arith.select %eq3A_4691, %broadcast_in_dim3A_4701, %select_n3A_4699 : vector<16xi1>, vector<16xf32>
    %jit3A_4703 = arith.constant 1.000000e+00 : f32
    %broadcast_in_dim3A_4704 = vector.broadcast %jit3A_4703 : f32 to vector<16xf32>
    %select_n3A_4705 = arith.select %eq3A_4688, %broadcast_in_dim3A_4704, %select_n3A_4702 : vector<16xi1>, vector<16xf32>
    tpu.vector_store_idx %arg5[%add3A_4685, %select_n3A_4655], %select_n3A_4705 : memref<96x1024xf32, #tpu.memory_space<vmem>>[vector<16xi32>, vector<16xi32>], vector<16xf32>,
    %add3A_4706 = arith.constant 16 : i32
    %add3A_4707 = vector.broadcast %add3A_4706 : i32 to vector<16xi32>
    %add3A_4708 = arith.addi %add3A_4707, %iota3A : vector<16xi32>
    %eq3A_4709 = arith.constant 0 : i32
    %eq3A_4710 = vector.broadcast %eq3A_4709 : i32 to vector<16xi32>
    %eq3A_4711 = arith.cmpi eq, %select_n3A_4677, %eq3A_4710 : vector<16xi32>
    %eq3A_4712 = arith.constant 1 : i32
    %eq3A_4713 = vector.broadcast %eq3A_4712 : i32 to vector<16xi32>
    %eq3A_4714 = arith.cmpi eq, %select_n3A_4677, %eq3A_4713 : vector<16xi32>
    %eq3A_4715 = arith.constant 2 : i32
    %eq3A_4716 = vector.broadcast %eq3A_4715 : i32 to vector<16xi32>
    %eq3A_4717 = arith.cmpi eq, %select_n3A_4677, %eq3A_4716 : vector<16xi32>
    %jit3A_4718 = arith.constant 0.000000e+00 : f32
    %jit3A_4719 = arith.constant -1.000000e+03 : f32
    %broadcast_in_dim3A_4720 = vector.broadcast %jit3A_4718 : f32 to vector<16xf32>
    %broadcast_in_dim3A_4721 = vector.broadcast %jit3A_4719 : f32 to vector<16xf32>
    %select_n3A_4722 = arith.select %eq3A_4717, %broadcast_in_dim3A_4720, %broadcast_in_dim3A_4721 : vector<16xi1>, vector<16xf32>
    %jit3A_4723 = arith.constant 5.000000e-01 : f32
    %broadcast_in_dim3A_4724 = vector.broadcast %jit3A_4723 : f32 to vector<16xf32>
    %select_n3A_4725 = arith.select %eq3A_4714, %broadcast_in_dim3A_4724, %select_n3A_4722 : vector<16xi1>, vector<16xf32>
    %jit3A_4726 = arith.constant 1.000000e+00 : f32
    %broadcast_in_dim3A_4727 = vector.broadcast %jit3A_4726 : f32 to vector<16xf32>
    %select_n3A_4728 = arith.select %eq3A_4711, %broadcast_in_dim3A_4727, %select_n3A_4725 : vector<16xi1>, vector<16xf32>
    tpu.vector_store_idx %arg5[%add3A_4708, %select_n3A_4677], %select_n3A_4728 : memref<96x1024xf32, #tpu.memory_space<vmem>>[vector<16xi32>, vector<16xi32>], vector<16xf32>,
    %get3A_4729 = arith.constant 960 : index
    %get3A_4730 = tpu.vector_load %arg4[%get3A_4729] {strides = array<i32>} : memref<1024xi32, #tpu.memory_space<vmem>>, vector<16xi32>,
    %add3A_4731 = arith.constant 960 : i32
    %add3A_4732 = arith.addi %mul3A_2, %add3A_4731 : i32
    %add3A_4733 = arith.constant 0 : i32
    %add3A_4734 = arith.addi %add3A_4732, %add3A_4733 : i32
    %add3A_4735 = vector.broadcast %add3A_4734 : i32 to vector<16xi32>
    %add3A_4736 = arith.addi %add3A_4735, %iota3A : vector<16xi32>
    %and3A_4737 = arith.constant 2047 : i32
    %and3A_4738 = vector.broadcast %and3A_4737 : i32 to vector<16xi32>
    %and3A_4739 = arith.andi %add3A_4736, %and3A_4738 : vector<16xi32>
    %eq3A_4740 = arith.constant 2047 : i32
    %eq3A_4741 = vector.broadcast %eq3A_4740 : i32 to vector<16xi32>
    %eq3A_4742 = arith.cmpi eq, %and3A_4739, %eq3A_4741 : vector<16xi32>
    %jit3A_4743 = arith.constant 1023 : i32
    %broadcast_in_dim3A_4744 = vector.broadcast %jit3A_4743 : i32 to vector<16xi32>
    %select_n3A_4745 = arith.select %eq3A_4742, %broadcast_in_dim3A_4744, %get3A_4730 : vector<16xi1>, vector<16xi32>
    %jit3A_4746 = arith.constant -1.000000e+03 : f32
    %jit3A_4747 = arith.constant 5.000000e+00 : f32
    %broadcast_in_dim3A_4748 = vector.broadcast %jit3A_4746 : f32 to vector<16xf32>
    %broadcast_in_dim3A_4749 = vector.broadcast %jit3A_4747 : f32 to vector<16xf32>
    %select_n3A_4750 = arith.select %eq3A_4742, %broadcast_in_dim3A_4748, %broadcast_in_dim3A_4749 : vector<16xi1>, vector<16xf32>
    %get3A_4751 = arith.constant 976 : index
    %get3A_4752 = tpu.vector_load %arg4[%get3A_4751] {strides = array<i32>} : memref<1024xi32, #tpu.memory_space<vmem>>, vector<16xi32>,
    %add3A_4753 = arith.constant 960 : i32
    %add3A_4754 = arith.addi %mul3A_2, %add3A_4753 : i32
    %add3A_4755 = arith.constant 16 : i32
    %add3A_4756 = arith.addi %add3A_4754, %add3A_4755 : i32
    %add3A_4757 = vector.broadcast %add3A_4756 : i32 to vector<16xi32>
    %add3A_4758 = arith.addi %add3A_4757, %iota3A : vector<16xi32>
    %and3A_4759 = arith.constant 2047 : i32
    %and3A_4760 = vector.broadcast %and3A_4759 : i32 to vector<16xi32>
    %and3A_4761 = arith.andi %add3A_4758, %and3A_4760 : vector<16xi32>
    %eq3A_4762 = arith.constant 2047 : i32
    %eq3A_4763 = vector.broadcast %eq3A_4762 : i32 to vector<16xi32>
    %eq3A_4764 = arith.cmpi eq, %and3A_4761, %eq3A_4763 : vector<16xi32>
    %jit3A_4765 = arith.constant 1023 : i32
    %broadcast_in_dim3A_4766 = vector.broadcast %jit3A_4765 : i32 to vector<16xi32>
    %select_n3A_4767 = arith.select %eq3A_4764, %broadcast_in_dim3A_4766, %get3A_4752 : vector<16xi1>, vector<16xi32>
    %jit3A_4768 = arith.constant -1.000000e+03 : f32
    %jit3A_4769 = arith.constant 5.000000e+00 : f32
    %broadcast_in_dim3A_4770 = vector.broadcast %jit3A_4768 : f32 to vector<16xf32>
    %broadcast_in_dim3A_4771 = vector.broadcast %jit3A_4769 : f32 to vector<16xf32>
    %select_n3A_4772 = arith.select %eq3A_4764, %broadcast_in_dim3A_4770, %broadcast_in_dim3A_4771 : vector<16xi1>, vector<16xf32>
    %add3A_4773 = arith.constant 0 : i32
    %add3A_4774 = vector.broadcast %add3A_4773 : i32 to vector<16xi32>
    %add3A_4775 = arith.addi %add3A_4774, %iota3A : vector<16xi32>
    tpu.vector_store_idx %arg5[%add3A_4775, %select_n3A_4745], %select_n3A_4750 : memref<96x1024xf32, #tpu.memory_space<vmem>>[vector<16xi32>, vector<16xi32>], vector<16xf32>,
    %add3A_4776 = arith.constant 16 : i32
    %add3A_4777 = vector.broadcast %add3A_4776 : i32 to vector<16xi32>
    %add3A_4778 = arith.addi %add3A_4777, %iota3A : vector<16xi32>
    tpu.vector_store_idx %arg5[%add3A_4778, %select_n3A_4767], %select_n3A_4772 : memref<96x1024xf32, #tpu.memory_space<vmem>>[vector<16xi32>, vector<16xi32>], vector<16xf32>,
    %add3A_4779 = arith.constant 960 : i32
    %add3A_4780 = arith.addi %mul3A_2, %add3A_4779 : i32
    %dma_start3A_4781 = arith.constant 0 : i32
    %dma_start3A_4782 = arith.constant 0 : i32
    %dma_start3A_4783 = tpu.memref_slice %arg5[%dma_start3A_4781, %dma_start3A_4782] : memref<96x1024xf32, #tpu.memory_space<vmem>> -> memref<32x1024xf32, #tpu.memory_space<vmem>>
    %dma_start3A_4784 = arith.constant 0 : i32
    %dma_start3A_4785 = tpu.memref_slice %arg3[%add3A_4780, %dma_start3A_4784] : memref<32768x1024xf32, #tpu.memory_space<hbm>> -> memref<32x1024xf32, #tpu.memory_space<hbm>>
    %dma_start3A_4786 = arith.constant 0 : i32
    %dma_start3A_4787 = tpu.memref_slice %arg3[%add3A_4780, %dma_start3A_4786] : memref<32768x1024xf32, #tpu.memory_space<hbm>> -> memref<32x1024xf32, #tpu.memory_space<hbm>>
    %dma_start3A_4788 = arith.constant 0 : i32
    %dma_start3A_4789 = arith.constant 0 : i32
    %dma_start3A_4790 = tpu.memref_slice %arg5[%dma_start3A_4788, %dma_start3A_4789] : memref<96x1024xf32, #tpu.memory_space<vmem>> -> memref<32x1024xf32, #tpu.memory_space<vmem>>
    tpu.enqueue_dma source(%dma_start3A_4790 : memref<32x1024xf32, #tpu.memory_space<vmem>>) target(%dma_start3A_4787 : memref<32x1024xf32, #tpu.memory_space<hbm>>) target_semaphore(%arg6 : memref<!tpu.dma_semaphore, #tpu.memory_space<semaphore_mem>>)
    %dma_wait3A_4791 = arith.constant 32 : i32
    %dma_wait3A_4792 = arith.constant 0 : i32
    %dma_wait3A_4793 = tpu.memref_slice %arg5[%dma_wait3A_4791, %dma_wait3A_4792] : memref<96x1024xf32, #tpu.memory_space<vmem>> -> memref<32x1024xf32, #tpu.memory_space<vmem>>
    %dma_wait3A_4794 = arith.constant 0 : i32
    %dma_wait3A_4795 = tpu.memref_slice %arg3[%add3A_4456, %dma_wait3A_4794] : memref<32768x1024xf32, #tpu.memory_space<hbm>> -> memref<32x1024xf32, #tpu.memory_space<hbm>>
    %dma_wait3A_4796 = arith.constant 0 : i32
    %dma_wait3A_4797 = tpu.memref_slice %arg3[%add3A_4456, %dma_wait3A_4796] : memref<32768x1024xf32, #tpu.memory_space<hbm>> -> memref<32x1024xf32, #tpu.memory_space<hbm>>
    %dma_wait3A_4798 = arith.constant 32 : i32
    %dma_wait3A_4799 = arith.constant 0 : i32
    %dma_wait3A_4800 = tpu.memref_slice %arg5[%dma_wait3A_4798, %dma_wait3A_4799] : memref<96x1024xf32, #tpu.memory_space<vmem>> -> memref<32x1024xf32, #tpu.memory_space<vmem>>
    tpu.wait_dma2 semaphore(%arg7 : memref<!tpu.dma_semaphore, #tpu.memory_space<semaphore_mem>>) src(%dma_wait3A_4800 : memref<32x1024xf32, #tpu.memory_space<vmem>>) dst(%dma_wait3A_4797 : memref<32x1024xf32, #tpu.memory_space<hbm>>)
    %get3A_4801 = arith.constant 896 : index
    %get3A_4802 = tpu.vector_load %arg4[%get3A_4801] {strides = array<i32>} : memref<1024xi32, #tpu.memory_space<vmem>>, vector<16xi32>,
    %add3A_4803 = arith.constant 896 : i32
    %add3A_4804 = arith.addi %mul3A_2, %add3A_4803 : i32
    %add3A_4805 = arith.constant 0 : i32
    %add3A_4806 = arith.addi %add3A_4804, %add3A_4805 : i32
    %add3A_4807 = vector.broadcast %add3A_4806 : i32 to vector<16xi32>
    %add3A_4808 = arith.addi %add3A_4807, %iota3A : vector<16xi32>
    %and3A_4809 = arith.constant 2047 : i32
    %and3A_4810 = vector.broadcast %and3A_4809 : i32 to vector<16xi32>
    %and3A_4811 = arith.andi %add3A_4808, %and3A_4810 : vector<16xi32>
    %eq3A_4812 = arith.constant 2047 : i32
    %eq3A_4813 = vector.broadcast %eq3A_4812 : i32 to vector<16xi32>
    %eq3A_4814 = arith.cmpi eq, %and3A_4811, %eq3A_4813 : vector<16xi32>
    %jit3A_4815 = arith.constant 1023 : i32
    %broadcast_in_dim3A_4816 = vector.broadcast %jit3A_4815 : i32 to vector<16xi32>
    %select_n3A_4817 = arith.select %eq3A_4814, %broadcast_in_dim3A_4816, %get3A_4802 : vector<16xi1>, vector<16xi32>
    %jit3A_4818 = arith.constant -1.000000e+03 : f32
    %jit3A_4819 = arith.constant 5.000000e+00 : f32
    %broadcast_in_dim3A_4820 = vector.broadcast %jit3A_4818 : f32 to vector<16xf32>
    %broadcast_in_dim3A_4821 = vector.broadcast %jit3A_4819 : f32 to vector<16xf32>
    %select_n3A_4822 = arith.select %eq3A_4814, %broadcast_in_dim3A_4820, %broadcast_in_dim3A_4821 : vector<16xi1>, vector<16xf32>
    %get3A_4823 = arith.constant 912 : index
    %get3A_4824 = tpu.vector_load %arg4[%get3A_4823] {strides = array<i32>} : memref<1024xi32, #tpu.memory_space<vmem>>, vector<16xi32>,
    %add3A_4825 = arith.constant 896 : i32
    %add3A_4826 = arith.addi %mul3A_2, %add3A_4825 : i32
    %add3A_4827 = arith.constant 16 : i32
    %add3A_4828 = arith.addi %add3A_4826, %add3A_4827 : i32
    %add3A_4829 = vector.broadcast %add3A_4828 : i32 to vector<16xi32>
    %add3A_4830 = arith.addi %add3A_4829, %iota3A : vector<16xi32>
    %and3A_4831 = arith.constant 2047 : i32
    %and3A_4832 = vector.broadcast %and3A_4831 : i32 to vector<16xi32>
    %and3A_4833 = arith.andi %add3A_4830, %and3A_4832 : vector<16xi32>
    %eq3A_4834 = arith.constant 2047 : i32
    %eq3A_4835 = vector.broadcast %eq3A_4834 : i32 to vector<16xi32>
    %eq3A_4836 = arith.cmpi eq, %and3A_4833, %eq3A_4835 : vector<16xi32>
    %jit3A_4837 = arith.constant 1023 : i32
    %broadcast_in_dim3A_4838 = vector.broadcast %jit3A_4837 : i32 to vector<16xi32>
    %select_n3A_4839 = arith.select %eq3A_4836, %broadcast_in_dim3A_4838, %get3A_4824 : vector<16xi1>, vector<16xi32>
    %jit3A_4840 = arith.constant -1.000000e+03 : f32
    %jit3A_4841 = arith.constant 5.000000e+00 : f32
    %broadcast_in_dim3A_4842 = vector.broadcast %jit3A_4840 : f32 to vector<16xf32>
    %broadcast_in_dim3A_4843 = vector.broadcast %jit3A_4841 : f32 to vector<16xf32>
    %select_n3A_4844 = arith.select %eq3A_4836, %broadcast_in_dim3A_4842, %broadcast_in_dim3A_4843 : vector<16xi1>, vector<16xf32>
    %add3A_4845 = arith.constant 32 : i32
    %add3A_4846 = vector.broadcast %add3A_4845 : i32 to vector<16xi32>
    %add3A_4847 = arith.addi %add3A_4846, %iota3A : vector<16xi32>
    %eq3A_4848 = arith.constant 0 : i32
    %eq3A_4849 = vector.broadcast %eq3A_4848 : i32 to vector<16xi32>
    %eq3A_4850 = arith.cmpi eq, %select_n3A_4817, %eq3A_4849 : vector<16xi32>
    %eq3A_4851 = arith.constant 1 : i32
    %eq3A_4852 = vector.broadcast %eq3A_4851 : i32 to vector<16xi32>
    %eq3A_4853 = arith.cmpi eq, %select_n3A_4817, %eq3A_4852 : vector<16xi32>
    %eq3A_4854 = arith.constant 2 : i32
    %eq3A_4855 = vector.broadcast %eq3A_4854 : i32 to vector<16xi32>
    %eq3A_4856 = arith.cmpi eq, %select_n3A_4817, %eq3A_4855 : vector<16xi32>
    %jit3A_4857 = arith.constant 0.000000e+00 : f32
    %jit3A_4858 = arith.constant -1.000000e+03 : f32
    %broadcast_in_dim3A_4859 = vector.broadcast %jit3A_4857 : f32 to vector<16xf32>
    %broadcast_in_dim3A_4860 = vector.broadcast %jit3A_4858 : f32 to vector<16xf32>
    %select_n3A_4861 = arith.select %eq3A_4856, %broadcast_in_dim3A_4859, %broadcast_in_dim3A_4860 : vector<16xi1>, vector<16xf32>
    %jit3A_4862 = arith.constant 5.000000e-01 : f32
    %broadcast_in_dim3A_4863 = vector.broadcast %jit3A_4862 : f32 to vector<16xf32>
    %select_n3A_4864 = arith.select %eq3A_4853, %broadcast_in_dim3A_4863, %select_n3A_4861 : vector<16xi1>, vector<16xf32>
    %jit3A_4865 = arith.constant 1.000000e+00 : f32
    %broadcast_in_dim3A_4866 = vector.broadcast %jit3A_4865 : f32 to vector<16xf32>
    %select_n3A_4867 = arith.select %eq3A_4850, %broadcast_in_dim3A_4866, %select_n3A_4864 : vector<16xi1>, vector<16xf32>
    tpu.vector_store_idx %arg5[%add3A_4847, %select_n3A_4817], %select_n3A_4867 : memref<96x1024xf32, #tpu.memory_space<vmem>>[vector<16xi32>, vector<16xi32>], vector<16xf32>,
    %add3A_4868 = arith.constant 48 : i32
    %add3A_4869 = vector.broadcast %add3A_4868 : i32 to vector<16xi32>
    %add3A_4870 = arith.addi %add3A_4869, %iota3A : vector<16xi32>
    %eq3A_4871 = arith.constant 0 : i32
    %eq3A_4872 = vector.broadcast %eq3A_4871 : i32 to vector<16xi32>
    %eq3A_4873 = arith.cmpi eq, %select_n3A_4839, %eq3A_4872 : vector<16xi32>
    %eq3A_4874 = arith.constant 1 : i32
    %eq3A_4875 = vector.broadcast %eq3A_4874 : i32 to vector<16xi32>
    %eq3A_4876 = arith.cmpi eq, %select_n3A_4839, %eq3A_4875 : vector<16xi32>
    %eq3A_4877 = arith.constant 2 : i32
    %eq3A_4878 = vector.broadcast %eq3A_4877 : i32 to vector<16xi32>
    %eq3A_4879 = arith.cmpi eq, %select_n3A_4839, %eq3A_4878 : vector<16xi32>
    %jit3A_4880 = arith.constant 0.000000e+00 : f32
    %jit3A_4881 = arith.constant -1.000000e+03 : f32
    %broadcast_in_dim3A_4882 = vector.broadcast %jit3A_4880 : f32 to vector<16xf32>
    %broadcast_in_dim3A_4883 = vector.broadcast %jit3A_4881 : f32 to vector<16xf32>
    %select_n3A_4884 = arith.select %eq3A_4879, %broadcast_in_dim3A_4882, %broadcast_in_dim3A_4883 : vector<16xi1>, vector<16xf32>
    %jit3A_4885 = arith.constant 5.000000e-01 : f32
    %broadcast_in_dim3A_4886 = vector.broadcast %jit3A_4885 : f32 to vector<16xf32>
    %select_n3A_4887 = arith.select %eq3A_4876, %broadcast_in_dim3A_4886, %select_n3A_4884 : vector<16xi1>, vector<16xf32>
    %jit3A_4888 = arith.constant 1.000000e+00 : f32
    %broadcast_in_dim3A_4889 = vector.broadcast %jit3A_4888 : f32 to vector<16xf32>
    %select_n3A_4890 = arith.select %eq3A_4873, %broadcast_in_dim3A_4889, %select_n3A_4887 : vector<16xi1>, vector<16xf32>
    tpu.vector_store_idx %arg5[%add3A_4870, %select_n3A_4839], %select_n3A_4890 : memref<96x1024xf32, #tpu.memory_space<vmem>>[vector<16xi32>, vector<16xi32>], vector<16xf32>,
    %get3A_4891 = arith.constant 992 : index
    %get3A_4892 = tpu.vector_load %arg4[%get3A_4891] {strides = array<i32>} : memref<1024xi32, #tpu.memory_space<vmem>>, vector<16xi32>,
    %add3A_4893 = arith.constant 992 : i32
    %add3A_4894 = arith.addi %mul3A_2, %add3A_4893 : i32
    %add3A_4895 = arith.constant 0 : i32
    %add3A_4896 = arith.addi %add3A_4894, %add3A_4895 : i32
    %add3A_4897 = vector.broadcast %add3A_4896 : i32 to vector<16xi32>
    %add3A_4898 = arith.addi %add3A_4897, %iota3A : vector<16xi32>
    %and3A_4899 = arith.constant 2047 : i32
    %and3A_4900 = vector.broadcast %and3A_4899 : i32 to vector<16xi32>
    %and3A_4901 = arith.andi %add3A_4898, %and3A_4900 : vector<16xi32>
    %eq3A_4902 = arith.constant 2047 : i32
    %eq3A_4903 = vector.broadcast %eq3A_4902 : i32 to vector<16xi32>
    %eq3A_4904 = arith.cmpi eq, %and3A_4901, %eq3A_4903 : vector<16xi32>
    %jit3A_4905 = arith.constant 1023 : i32
    %broadcast_in_dim3A_4906 = vector.broadcast %jit3A_4905 : i32 to vector<16xi32>
    %select_n3A_4907 = arith.select %eq3A_4904, %broadcast_in_dim3A_4906, %get3A_4892 : vector<16xi1>, vector<16xi32>
    %jit3A_4908 = arith.constant -1.000000e+03 : f32
    %jit3A_4909 = arith.constant 5.000000e+00 : f32
    %broadcast_in_dim3A_4910 = vector.broadcast %jit3A_4908 : f32 to vector<16xf32>
    %broadcast_in_dim3A_4911 = vector.broadcast %jit3A_4909 : f32 to vector<16xf32>
    %select_n3A_4912 = arith.select %eq3A_4904, %broadcast_in_dim3A_4910, %broadcast_in_dim3A_4911 : vector<16xi1>, vector<16xf32>
    %get3A_4913 = arith.constant 1008 : index
    %get3A_4914 = tpu.vector_load %arg4[%get3A_4913] {strides = array<i32>} : memref<1024xi32, #tpu.memory_space<vmem>>, vector<16xi32>,
    %add3A_4915 = arith.constant 992 : i32
    %add3A_4916 = arith.addi %mul3A_2, %add3A_4915 : i32
    %add3A_4917 = arith.constant 16 : i32
    %add3A_4918 = arith.addi %add3A_4916, %add3A_4917 : i32
    %add3A_4919 = vector.broadcast %add3A_4918 : i32 to vector<16xi32>
    %add3A_4920 = arith.addi %add3A_4919, %iota3A : vector<16xi32>
    %and3A_4921 = arith.constant 2047 : i32
    %and3A_4922 = vector.broadcast %and3A_4921 : i32 to vector<16xi32>
    %and3A_4923 = arith.andi %add3A_4920, %and3A_4922 : vector<16xi32>
    %eq3A_4924 = arith.constant 2047 : i32
    %eq3A_4925 = vector.broadcast %eq3A_4924 : i32 to vector<16xi32>
    %eq3A_4926 = arith.cmpi eq, %and3A_4923, %eq3A_4925 : vector<16xi32>
    %jit3A_4927 = arith.constant 1023 : i32
    %broadcast_in_dim3A_4928 = vector.broadcast %jit3A_4927 : i32 to vector<16xi32>
    %select_n3A_4929 = arith.select %eq3A_4926, %broadcast_in_dim3A_4928, %get3A_4914 : vector<16xi1>, vector<16xi32>
    %jit3A_4930 = arith.constant -1.000000e+03 : f32
    %jit3A_4931 = arith.constant 5.000000e+00 : f32
    %broadcast_in_dim3A_4932 = vector.broadcast %jit3A_4930 : f32 to vector<16xf32>
    %broadcast_in_dim3A_4933 = vector.broadcast %jit3A_4931 : f32 to vector<16xf32>
    %select_n3A_4934 = arith.select %eq3A_4926, %broadcast_in_dim3A_4932, %broadcast_in_dim3A_4933 : vector<16xi1>, vector<16xf32>
    %add3A_4935 = arith.constant 32 : i32
    %add3A_4936 = vector.broadcast %add3A_4935 : i32 to vector<16xi32>
    %add3A_4937 = arith.addi %add3A_4936, %iota3A : vector<16xi32>
    tpu.vector_store_idx %arg5[%add3A_4937, %select_n3A_4907], %select_n3A_4912 : memref<96x1024xf32, #tpu.memory_space<vmem>>[vector<16xi32>, vector<16xi32>], vector<16xf32>,
    %add3A_4938 = arith.constant 48 : i32
    %add3A_4939 = vector.broadcast %add3A_4938 : i32 to vector<16xi32>
    %add3A_4940 = arith.addi %add3A_4939, %iota3A : vector<16xi32>
    tpu.vector_store_idx %arg5[%add3A_4940, %select_n3A_4929], %select_n3A_4934 : memref<96x1024xf32, #tpu.memory_space<vmem>>[vector<16xi32>, vector<16xi32>], vector<16xf32>,
    %broadcast_in_dim3A_4941 = arith.constant 63 : i32
    %broadcast_in_dim3A_4942 = vector.broadcast %broadcast_in_dim3A_4941 : i32 to vector<16xi32>
    %and3A_4943 = vector.broadcast %eq3A_13 : i1 to vector<16xi1>
    %and3A_4944 = arith.andi %lt3A_43, %and3A_4943 : vector<16xi1>
    tpu.vector_store_idx %arg5[%broadcast_in_dim3A_4942, %iota3A], %select_n3A_51 masked %and3A_4944 : memref<96x1024xf32, #tpu.memory_space<vmem>>[vector<16xi32>, vector<16xi32>], vector<16xf32>, vector<16xi1>
    %add3A_4945 = arith.constant 992 : i32
    %add3A_4946 = arith.addi %mul3A_2, %add3A_4945 : i32
    %dma_start3A_4947 = arith.constant 32 : i32
    %dma_start3A_4948 = arith.constant 0 : i32
    %dma_start3A_4949 = tpu.memref_slice %arg5[%dma_start3A_4947, %dma_start3A_4948] : memref<96x1024xf32, #tpu.memory_space<vmem>> -> memref<32x1024xf32, #tpu.memory_space<vmem>>
    %dma_start3A_4950 = arith.constant 0 : i32
    %dma_start3A_4951 = tpu.memref_slice %arg3[%add3A_4946, %dma_start3A_4950] : memref<32768x1024xf32, #tpu.memory_space<hbm>> -> memref<32x1024xf32, #tpu.memory_space<hbm>>
    %dma_start3A_4952 = arith.constant 0 : i32
    %dma_start3A_4953 = tpu.memref_slice %arg3[%add3A_4946, %dma_start3A_4952] : memref<32768x1024xf32, #tpu.memory_space<hbm>> -> memref<32x1024xf32, #tpu.memory_space<hbm>>
    %dma_start3A_4954 = arith.constant 32 : i32
    %dma_start3A_4955 = arith.constant 0 : i32
    %dma_start3A_4956 = tpu.memref_slice %arg5[%dma_start3A_4954, %dma_start3A_4955] : memref<96x1024xf32, #tpu.memory_space<vmem>> -> memref<32x1024xf32, #tpu.memory_space<vmem>>
    tpu.enqueue_dma source(%dma_start3A_4956 : memref<32x1024xf32, #tpu.memory_space<vmem>>) target(%dma_start3A_4953 : memref<32x1024xf32, #tpu.memory_space<hbm>>) target_semaphore(%arg7 : memref<!tpu.dma_semaphore, #tpu.memory_space<semaphore_mem>>)
    %dma_wait3A_4957 = arith.constant 64 : i32
    %dma_wait3A_4958 = arith.constant 0 : i32
    %dma_wait3A_4959 = tpu.memref_slice %arg5[%dma_wait3A_4957, %dma_wait3A_4958] : memref<96x1024xf32, #tpu.memory_space<vmem>> -> memref<32x1024xf32, #tpu.memory_space<vmem>>
    %dma_wait3A_4960 = arith.constant 0 : i32
    %dma_wait3A_4961 = tpu.memref_slice %arg3[%add3A_4618, %dma_wait3A_4960] : memref<32768x1024xf32, #tpu.memory_space<hbm>> -> memref<32x1024xf32, #tpu.memory_space<hbm>>
    %dma_wait3A_4962 = arith.constant 0 : i32
    %dma_wait3A_4963 = tpu.memref_slice %arg3[%add3A_4618, %dma_wait3A_4962] : memref<32768x1024xf32, #tpu.memory_space<hbm>> -> memref<32x1024xf32, #tpu.memory_space<hbm>>
    %dma_wait3A_4964 = arith.constant 64 : i32
    %dma_wait3A_4965 = arith.constant 0 : i32
    %dma_wait3A_4966 = tpu.memref_slice %arg5[%dma_wait3A_4964, %dma_wait3A_4965] : memref<96x1024xf32, #tpu.memory_space<vmem>> -> memref<32x1024xf32, #tpu.memory_space<vmem>>
    tpu.wait_dma2 semaphore(%arg8 : memref<!tpu.dma_semaphore, #tpu.memory_space<semaphore_mem>>) src(%dma_wait3A_4966 : memref<32x1024xf32, #tpu.memory_space<vmem>>) dst(%dma_wait3A_4963 : memref<32x1024xf32, #tpu.memory_space<hbm>>)
    %dma_wait3A_4967 = arith.constant 0 : i32
    %dma_wait3A_4968 = arith.constant 0 : i32
    %dma_wait3A_4969 = tpu.memref_slice %arg5[%dma_wait3A_4967, %dma_wait3A_4968] : memref<96x1024xf32, #tpu.memory_space<vmem>> -> memref<32x1024xf32, #tpu.memory_space<vmem>>
    %dma_wait3A_4970 = arith.constant 0 : i32
    %dma_wait3A_4971 = tpu.memref_slice %arg3[%add3A_4780, %dma_wait3A_4970] : memref<32768x1024xf32, #tpu.memory_space<hbm>> -> memref<32x1024xf32, #tpu.memory_space<hbm>>
    %dma_wait3A_4972 = arith.constant 0 : i32
    %dma_wait3A_4973 = tpu.memref_slice %arg3[%add3A_4780, %dma_wait3A_4972] : memref<32768x1024xf32, #tpu.memory_space<hbm>> -> memref<32x1024xf32, #tpu.memory_space<hbm>>
    %dma_wait3A_4974 = arith.constant 0 : i32
    %dma_wait3A_4975 = arith.constant 0 : i32
    %dma_wait3A_4976 = tpu.memref_slice %arg5[%dma_wait3A_4974, %dma_wait3A_4975] : memref<96x1024xf32, #tpu.memory_space<vmem>> -> memref<32x1024xf32, #tpu.memory_space<vmem>>
    tpu.wait_dma2 semaphore(%arg6 : memref<!tpu.dma_semaphore, #tpu.memory_space<semaphore_mem>>) src(%dma_wait3A_4976 : memref<32x1024xf32, #tpu.memory_space<vmem>>) dst(%dma_wait3A_4973 : memref<32x1024xf32, #tpu.memory_space<hbm>>)
    %dma_wait3A_4977 = arith.constant 32 : i32
    %dma_wait3A_4978 = arith.constant 0 : i32
    %dma_wait3A_4979 = tpu.memref_slice %arg5[%dma_wait3A_4977, %dma_wait3A_4978] : memref<96x1024xf32, #tpu.memory_space<vmem>> -> memref<32x1024xf32, #tpu.memory_space<vmem>>
    %dma_wait3A_4980 = arith.constant 0 : i32
    %dma_wait3A_4981 = tpu.memref_slice %arg3[%add3A_4946, %dma_wait3A_4980] : memref<32768x1024xf32, #tpu.memory_space<hbm>> -> memref<32x1024xf32, #tpu.memory_space<hbm>>
    %dma_wait3A_4982 = arith.constant 0 : i32
    %dma_wait3A_4983 = tpu.memref_slice %arg3[%add3A_4946, %dma_wait3A_4982] : memref<32768x1024xf32, #tpu.memory_space<hbm>> -> memref<32x1024xf32, #tpu.memory_space<hbm>>
    %dma_wait3A_4984 = arith.constant 32 : i32
    %dma_wait3A_4985 = arith.constant 0 : i32
    %dma_wait3A_4986 = tpu.memref_slice %arg5[%dma_wait3A_4984, %dma_wait3A_4985] : memref<96x1024xf32, #tpu.memory_space<vmem>> -> memref<32x1024xf32, #tpu.memory_space<vmem>>
    tpu.wait_dma2 semaphore(%arg7 : memref<!tpu.dma_semaphore, #tpu.memory_space<semaphore_mem>>) src(%dma_wait3A_4986 : memref<32x1024xf32, #tpu.memory_space<vmem>>) dst(%dma_wait3A_4983 : memref<32x1024xf32, #tpu.memory_space<hbm>>)
    return
  }
}

</mosaic_0001>

<sc_bundles>
// kernel: kernel.3.cloned.1.call-start
scs
__scs_entry_jumppad:
0x0: {  	(pc) =	sbr.rel $0x88, $3  }
0x1: {  	(tag) =	ssettag $0x0;
	lr =	simm.s32 $0x1  }
0x2: {  	[smem:$0x3FA0] =	sst lr;
	_ =	strace $0xD0000000  }
0x3: {  	_ = 	snop  }
0x4: {  	_ = 	snop  }
0x5: {  	_ = 	snop  }
0x6: {  	_ = 	snop  }
0x7: {  	_ = 	snop  }
__scs_overlays_trampoline_lowered:
0x8: {  	[smem:$0x3FAF] =	sst s0  }
0x9: {  	[smem:$0x3FB0] =	sst s1  }
0xa: {  	[smem:$0x3FB1] =	sst s2  }
0xb: {  	[smem:$0x3FB2] =	sst s3  }
0xc: {  	[smem:$0x3FB3] =	sst s4  }
0xd: {  	[smem:$0x3FB4] =	sst s5  }
0xe: {  	[smem:$0x3FB5] =	sst s6  }
0xf: {  	[smem:$0x3FB6] =	sst s7  }
0x10: {  	[smem:$0x3FB7] =	sst s8  }
0x11: {  	[smem:$0x3FB8] =	sst s9;
	s0 =	simm.s32 @!p0 $0x0  }
0x12: {  	s1 =	sld [smem:$0x3F9E];
	s0 =	simm.s32 @p0 $0x1  }
0x13: {  	[smem:$0x3FB9] =	sst s0;
	s0 =	simm.s32 @!p1 $0x0  }
0x14: {  	s2 =	sld [smem:$0x3F9D];
	s0 =	simm.s32 @p1 $0x1  }
0x15: {  	[smem:$0x3FBA] =	sst s0;
	s0 =	simm.s32 @!p2 $0x0  }
0x16: {  	s3 =	sld [smem:$0x3FDB];
	s0 =	simm.s32 @p2 $0x1  }
0x17: {  	s4 =	simm.s32 $0x1BF5;
	[smem:$0x3FBC] =	sst s0  }
0x18: {  	s0 =	sld [smem:$0x3F9F];
	_ =	swait.ge [sflag:s4], $0x0  }
0x19: {  	s7 =	sld [smem:$0x3FA0]  }
0x1a: {  	s8 =	sadd.s32 $0xFFFFE003, lr  }
0x1b: {  	s9 =	sadd.s32 $0xFFFFFEF7, lr;
	s5 =	simm.s32 $0xFFFFFFFF;
	p2 =	slt.u32 s8, $0xFFFFF086  }
0x1c: {  	p1 =	slt.u32 s9, $0xF7A;
	s5 =	simm.s32 @!p2 $0x0  }
0x1d: {  	s5 =	simm.s32 @p1 $0x1;
	p0 =	seq.s32 s7, s2  }
0x1e: {  	s7 =	smul.u32 @!p0 $0xF7A, s2;
	p2 =	seq.s32 @!p0 s5, $0x0  }
0x1f: {  	s9 =	smul.u32 $0xF7A, s1;
	s8 =	simm.s32 @!p0 $0x1BF5;
	p2 =	por !p2, p0  }
0x20: {  	[sflag:s8] =	ssyncset.s32 @!p0 $0xFFFFF086;
	s6 =	sadd.s32 @!p0 s3, s7;
	s7 =	simm.s32 @!p0 $0x108  }
0x21: {  	s3 =	sadd.s32 s3, s9;
	s6 =	sadd.s32 @!p0 $0x88, s6;
	s7 =	simm.s32 @p2 $0x1082  }
0x22: {  	[simem:s7], [sflag:s8] =	dma.local @!p0 [hbm:s6], $0xF7A  }
0x23: {  	s9 =	sor.u32 $0xD0000000, s2;
	s6 =	simm.s32 $0x108;
	_ =	swait.ge @!p0 [sflag:s8], $0x0  }
0x24: {  	s3 =	sadd.s32 $0x88, s3;
	s6 =	simm.s32 @!p1 $0x1082;
	[sflag:s4] =	ssyncset.s32 $0xFFFFF086  }
0x25: {  	[simem:s6], [sflag:s4] =	dma.local [hbm:s3], $0xF7A  }
0x26: {  	[smem:$0x3FA0] =	sst s1;
	(tag) =	ssettag s2;
	_ =	strace s9  }
0x27: {  	s1 =	sld [smem:$0x3FB0]  }
0x28: {  	s2 =	sld [smem:$0x3FB1]  }
0x29: {  	s4 =	sld [smem:$0x3FB3]  }
0x2a: {  	p0 =	seq.s32 s5, $0x0;
	s5 =	sld [smem:$0x3FB4]  }
0x2b: {  	s6 =	sld [smem:$0x3FB5]  }
0x2c: {  	s7 =	sld [smem:$0x3FB6]  }
0x2d: {  	s3 =	simm.s32 $0x108;
	s8 =	sld [smem:$0x3FB7]  }
0x2e: {  	s3 =	simm.s32 @!p0 $0x1082;
	s9 =	sld [smem:$0x3FB8]  }
0x2f: {  	lr =	sadd.s32 s0, s3;
	s0 =	sld [smem:$0x3FAF]  }
0x30: {  	s3 =	sld [smem:$0x3FB2]  }
0x31: {  	[smem:$0x3FBB] =	sst s10  }
0x32: {  	s10 =	sld [smem:$0x3FB9];
	_ =	sdelay $0x3  }
0x33: {  	p0 =	seq.s32 s10, $0x1;
	s10 =	sld [smem:$0x3FBB];
	_ =	sdelay $0x3  }
0x34: {  	[smem:$0x3FBB] =	sst s10  }
0x35: {  	s10 =	sld [smem:$0x3FBA];
	_ =	sdelay $0x3  }
0x36: {  	p1 =	seq.s32 s10, $0x1;
	s10 =	sld [smem:$0x3FBB];
	_ =	sdelay $0x3  }
0x37: {  	[smem:$0x3FBB] =	sst s10  }
0x38: {  	s10 =	sld [smem:$0x3FBC]  }
0x39: {  	_ = 	snop;
	(pc) =	sbr.ind lr, $3  }
0x3a: {  	_ = 	snop  }
0x3b: {  	_ = 	snop  }
0x3c: {  	p2 =	seq.s32 s10, $0x1;
	s10 =	sld [smem:$0x3FBB]  }
0x3d: {  	_ =	shalt  }
0x3e: {  	_ =	shalt  }
0x3f: {  	_ =	shalt  }
0x40: {  	_ =	shalt  }
0x41: {  	_ =	shalt  }
0x42: {  	_ =	shalt  }
0x43: {  	_ =	shalt  }
0x44: {  	_ =	shalt  }
0x45: {  	_ =	shalt  }
0x46: {  	_ =	shalt  }
0x47: {  	_ =	shalt  }
0x48: {  	_ =	shalt  }
0x49: {  	_ =	shalt  }
0x4a: {  	_ =	shalt  }
0x4b: {  	_ =	shalt  }
0x4c: {  	_ =	shalt  }
0x4d: {  	_ =	shalt  }
0x4e: {  	_ =	shalt  }
0x4f: {  	_ =	shalt  }
0x50: {  	_ =	shalt  }
0x51: {  	_ =	shalt  }
0x52: {  	_ =	shalt  }
0x53: {  	_ =	shalt  }
0x54: {  	_ =	shalt  }
0x55: {  	_ =	shalt  }
0x56: {  	_ =	shalt  }
0x57: {  	_ =	shalt  }
0x58: {  	_ =	shalt  }
0x59: {  	_ =	shalt  }
0x5a: {  	_ =	shalt  }
0x5b: {  	_ =	shalt  }
0x5c: {  	_ =	shalt  }
0x5d: {  	_ =	shalt  }
0x5e: {  	_ =	shalt  }
0x5f: {  	_ =	shalt  }
0x60: {  	_ =	shalt  }
0x61: {  	_ =	shalt  }
0x62: {  	_ =	shalt  }
0x63: {  	_ =	shalt  }
0x64: {  	_ =	shalt  }
0x65: {  	_ =	shalt  }
0x66: {  	_ =	shalt  }
0x67: {  	_ =	shalt  }
0x68: {  	_ =	shalt  }
0x69: {  	_ =	shalt  }
0x6a: {  	_ =	shalt  }
0x6b: {  	_ =	shalt  }
0x6c: {  	_ =	shalt  }
0x6d: {  	_ =	shalt  }
0x6e: {  	_ =	shalt  }
0x6f: {  	_ =	shalt  }
0x70: {  	_ =	shalt  }
0x71: {  	_ =	shalt  }
0x72: {  	_ =	shalt  }
0x73: {  	_ =	shalt  }
0x74: {  	_ =	shalt  }
0x75: {  	_ =	shalt  }
0x76: {  	_ =	shalt  }
0x77: {  	_ =	shalt  }
0x78: {  	_ =	shalt  }
0x79: {  	_ =	shalt  }
0x7a: {  	_ =	shalt  }
0x7b: {  	_ =	shalt  }
0x7c: {  	_ =	shalt  }
0x7d: {  	_ =	shalt  }
0x7e: {  	_ =	shalt  }
0x7f: {  	_ =	shalt  }
0x80: {  	_ =	shalt  }
0x81: {  	_ =	shalt  }
0x82: {  	_ =	shalt  }
0x83: {  	_ =	shalt  }
0x84: {  	_ =	shalt  }
0x85: {  	_ =	shalt  }
0x86: {  	_ =	shalt  }
0x87: {  	_ =	shalt  }
.Lfunc_end0:
.L_simem_size_0:
called_computation_lowered:
.L_overlay_start_0:
0x88: {  	s2 =	sld [smem:$0x3FD9]  }
0x89: {  	s3 =	sld [smem:$0x3FFE];
	_ =	sdelay $0x1  }
0x8a: {  	s1 =	srdreg.scid  }
0x8b: {  	s0 =	sand.u32 $0x1, s1  }
0x8c: {  	s14 =	sshll.u32 s0, $0xA;
	s2 =	sadd.s32 s3, s2  }
0x8d: {  	s2 =	sadd.s32 s2, s14  }
0x8e: {  	[smem:$0x3FC7] =	sst s2  }
0x8f: {  	_ = 	snop  }
0x90: {  	s2 =	sld [smem:$0x3FD0];
	_ =	sdelay $0x2  }
0x91: {  	s15 =	simm.s32 $0xA;
	s4 =	simm.s32 $0x10  }
0x92: {  	[smem:s4], [sflag:s15] =	dma.local [hbm:s2], $0x1  }
0x93: {  	_ =	swait.eq [sflag:s15], $0x1  }
0x94: {  	[sflag:s15] =	ssyncset.done $0x0  }
0x95: {  	[sflag:s15] =	ssyncadd.s32 $0xFFFFFFFF  }
0x96: {  	s16 =	sld [smem:$0x11];
	(tm) =	ssettm $0x1  }
0x97: {  	s17 =	sld [smem:$0x3FFB];
	_ =	sdelay $0x3  }
0x98: {  	_ =	strace s17  }
0x99: {  	s3 =	sld [smem:$0x3FFC];
	_ =	sdelay $0x3  }
0x9a: {  	_ =	strace s3  }
0x9b: {  	s3 =	sld [smem:$0x3FFD];
	_ =	sdelay $0x3  }
0x9c: {  	_ =	strace s3  }
0x9d: {  	_ =	strace $0x8FFFFFFF  }
0x9e: {  	s18 =	sld [smem:$0x3FDB];
	_ =	sdelay $0x1  }
0x9f: {  	s19 =	simm.s32 $_scs_section_size  }
0xa0: {  	s5 =	simm.s32 $_size__tile_overlayer_lowered;
	s6 =	simm.s32 $_tile_overlayer_lowered  }
0xa1: {  	s22 =	simm.s32 $0x1BFF;
	s21 =	sshll.u32 s6, $0x1;
	s3 =	sadd.s32 s19, s18  }
0xa2: {  	s7 =	simm.s32 $0x0;
	s20 =	sshll.u32 s5, $0x1;
	s5 =	sadd.s32 s21, s3  }
0xa3: {  	[timem:s7], [sflag:s22] =	dma.local [hbm:s5], s20  }
0xa4: {  	_ =	swait.ge [sflag:s22], s20  }
0xa5: {  	s4 =	ssub.s32 $0x0, s20;
	[sflag:s22] =	ssyncset.done $0x0  }
0xa6: {  	[sflag:s22] =	ssyncadd.s32 s4;
	_ =	sdelay $0x1  }
0xa7: {  	s23 =	simm.s32 $0x1B8B  }
0xa8: {  	_ =	swait.ge [sflag:s23], $0x1  }
0xa9: {  	[sflag:s23] =	ssyncset.done $0x0  }
0xaa: {  	s25 =	simm.s32 $0x1B8E;
	s24 =	sld [smem:$0x3FFE];
	[sflag:s23] =	ssyncadd.s32 $0xFFFFFFFF  }
0xab: {  	s26 =	simm.s32 $execute0_lowered;
	[smem:$0x3FD2] =	sst s25  }
0xac: {  	s5 =	sshll.u32 s26, $0x1;
	_ =	strace $0x80000046;
	[dreg:$0x1] =	wrdreg $0xFFFFFFFF  }
0xad: {  	s28 =	simm.s32 $_size_execute0_lowered;
	s3 =	sadd.s32 s3, s5;
	[dreg:$0x0] =	wrdreg $0x0  }
0xae: {  	s5 =	sshll.u32 s28, $0x1;
	[dreg:$0x2] =	wrdreg s3  }
0xaf: {  	[dreg:$0x3] =	wrdreg s5  }
0xb0: {  	[dreg:$0x4] =	wrdreg $0xC0  }
0xb1: {  	_ =	task [dreg:s7], $0x5FFFF  }
0xb2: {  	[dreg:$0x1] =	wrdreg $0xFFFFFFFF  }
0xb3: {  	[dreg:$0x0] =	wrdreg $0x60  }
0xb4: {  	[dreg:$0x2] =	wrdreg s24  }
0xb5: {  	[dreg:$0x3] =	wrdreg s16  }
0xb6: {  	[dreg:$0x4] =	wrdreg $0x9  }
0xb7: {  	_ =	task.clear_ibuf [dreg:s7], $0x5FFFF;
	_ =	strace $0x90000046  }
0xb8: {  	s29 =	simm.s32 $0x9;
	_ =	strace $0x80000048  }
0xb9: {  	_ =	swait.ge [sflag:s29], $0x1  }
0xba: {  	[sflag:s29] =	ssyncadd.s32 $0xFFFFFFFF  }
0xbb: {  	_ =	strace $0x90000048  }
0xbc: {  	_ =	sfence  }
0xbd: {  	s30 =	sld [smem:$0x0];
	_ =	sdelay $0x2  }
0xbe: {  	s31 =	sshll.u32 s1, $0xD;
	s1 =	sshrl.u32 s1, $0x2  }
0xbf: {  	s3 =	sand.u32 $0x4000, s31;
	s1 =	sadd.s32 s1, s30  }
0xc0: {  	s0 =	sor.u32 s3, s0;
	s1 =	sshll.u32 s1, $0x11  }
0xc1: {  	s0 =	sor.u32 s1, s0  }
0xc2: {  	s0 =	sadd.s32 $0x8F2B, s0  }
0xc3: {  	[sflag:s0] =	ssyncadd.remote.s32 $0x1  }
0xc4: {  	_ =	sfence.sel $0xFFFF  }
0xc5: {  	[dreg:$0x0] =	wrdreg $0xFFFFFFFF;
	(pc) =	sbr.abs _section_cstart, $3  }
0xc6: {  	[dreg:$0x1] =	wrdreg $0xFFFFFFFF  }
0xc7: {  	_ =	task.clear_ibuf [dreg:s7], $0x2FFFF;
	_ =	strace $0x9FFFFFFF  }
0xc8: {  	(tm) =	ssettm $0x7FFFFFFF  }
0xc9: {  	_ =	shalt  }
tec
execute0_lowered:
.L_overlay_start_1:
0x0: {  	(tag) =	ssettag $0x1  }
0x1: {  	vm0 =	vmxor vm0, vm0  }
0x2: {  	vm2 =	vcmask $0x300;
	v0 =	vimm.s32 $0x2380;
	vm1 =	vmmov $0x7  }
0x3: {  	vm8 =	vcmask $0x704;
	vm4 =	vcmask $0xB08;
	vm7 =	vcmask $0xF0C  }
0x4: {  	vm5 =	vcmask $0x1310;
	vm6 =	vcmask $0x1714;
	vm3 =	vcmask $0x1B18  }
0x5: {  	s0 =	srdreg.scid;
	v3 =	vimm.s32 $0x6380;
	v6 =	vimm.s32 $0x12380;
	v7 =	vimm.s32 $0x16380  }
0x6: {  	vm14 =	vcmask $0x2320;
	vm15 =	vcmask $0x2724;
	s0 =	sand.u32 $0x1, s0;
	v0 =	vsel vm2, $0x0, v0  }
0x7: {  	v11 =	vlaneseq.u32;
	v6 =	vsel vm2, $0x10000, v6;
	p0 =	seq.s32 s0, $0x1;
	v1 =	vsel vm8, $0x80, v0  }
0x8: {  	v0 =	vimm.f32 $-1.000000000e+03;
	v6 =	vsel vm8, $0x10080, v6;
	vm0 =	vmneg @p0 vm0  }
0x9: {  	v1 =	vsel vm4, $0x100, v1;
	v2 =	vsel vm2, $0x3F800000, v0;
	v6 =	vsel vm4, $0x10100, v6  }
0xa: {  	vm0 =	vmand vm0, vm1;
	v1 =	vsel vm7, $0x180, v1;
	v6 =	vsel vm7, $0x10180, v6  }
0xb: {  	v2 =	vsel vm8, $0x3F000000, v2;
	v1 =	vsel vm5, $0x200, v1;
	v6 =	vsel vm5, $0x10200, v6  }
0xc: {  	vm1 =	vcmask $0x1F1C;
	v1 =	vsel vm6, $0x280, v1;
	v6 =	vsel vm6, $0x10280, v6  }
0xd: {  	v4 =	vsel vm3, $0x300, v1;
	v1 =	vsel vm2, $0x4000, v3;
	v3 =	vimm.s32 $0xA380  }
0xe: {  	v6 =	vsel vm3, $0x10300, v6;
	v5 =	vsel vm8, $0x4080, v1;
	v1 =	vsel vm2, $0x8000, v3  }
0xf: {  	v6 =	vsel vm1, $0x10380, v6;
	v3 =	vsel vm8, $0x8080, v1;
	v1 =	vimm.s32 $0xE380  }
0x10: {  	s4 =	stileid.u32;
	v6 =	vsel vm14, $0x12000, v6;
	v1 =	vsel vm2, $0xC000, v1;
	v3 =	vsel vm4, $0x8100, v3  }
0x11: {  	s4 =	sshll.u32 s4, $0xB;
	s5 =	sshll.u32 s0, $0xA;
	v6 =	vsel vm15, $0x12080, v6;
	v8 =	vsel vm8, $0xC080, v1;
	v1 =	vsel vm2, $0x14000, v7  }
0x12: {  	s1 =	rddreg [dreg:$0x0];
	s4 =	sor.u32 s5, s4;
	v3 =	vsel vm7, $0x8180, v3;
	v7 =	vsel vm8, $0x14080, v1;
	v1 =	vsel vm4, $0x0, v2  }
0x13: {  	s3 =	rddreg [dreg:$0x1];
	s5 =	sshrl.u32 s4, $0x3;
	s26 =	sor.u32 $0x3F0, s4;
	v2 =	vsel vm1, $0x380, v4;
	v4 =	vsel vm4, $0x4100, v5;
	v5 =	vsel vm4, $0xC100, v8  }
0x14: {  	s2 =	simm.s32 $0x0;
	s7 =	sshll.u32 s4, $0x7;
	s1 =	sadd.s32 s5, s1;
	v3 =	vsel vm5, $0x8200, v3;
	v8 =	vor.u32 s26, v11;
	v7 =	vsel vm4, $0x14100, v7  }
0x15: {  	[smem:$0x7FF] =	sst s2;
	s3 =	sadd.s32 s3, s7;
	s1 =	sadd.s32 $0x400, s1;
	v4 =	vsel vm7, $0x4180, v4;
	v5 =	vsel vm7, $0xC180, v5;
	v2 =	vsel vm14, $0x2000, v2  }
0x16: {  	_ =	strace $0x80000047;
	s9 =	sadd.s32 $0x1000, s3;
	[dreg:$0x3] =	wrdreg s1;
	v3 =	vsel vm6, $0x8280, v3;
	v7 =	vsel vm7, $0x14180, v7;
	v4 =	vsel vm5, $0x4200, v4  }
0x17: {  	s10 =	sadd.s32 $0x2000, s3;
	[dreg:$0x4] =	wrdreg s9;
	v5 =	vsel vm5, $0xC200, v5;
	v2 =	vsel vm15, $0x2080, v2;
	v3 =	vsel vm3, $0x8300, v3  }
0x18: {  	s11 =	sadd.s32 $0x3000, s3;
	[dreg:$0x5] =	wrdreg s10;
	v7 =	vsel vm5, $0x14200, v7;
	v4 =	vsel vm6, $0x4280, v4;
	v5 =	vsel vm6, $0xC280, v5  }
0x19: {  	s12 =	sadd.s32 $0x4000, s3;
	[dreg:$0x6] =	wrdreg s11;
	v3 =	vsel vm1, $0x8380, v3;
	v7 =	vsel vm6, $0x14280, v7;
	v4 =	vsel vm3, $0x4300, v4  }
0x1a: {  	s13 =	sadd.s32 $0x5000, s3;
	[dreg:$0x7] =	wrdreg s12;
	v5 =	vsel vm3, $0xC300, v5;
	v3 =	vsel vm14, $0xA000, v3;
	v7 =	vsel vm3, $0x14300, v7  }
0x1b: {  	s8 =	simm.s32 $0x4;
	s14 =	sadd.s32 $0x6000, s3;
	[dreg:$0x8] =	wrdreg s13;
	vm3 =	vcmask $0x2B28;
	v4 =	vsel vm1, $0x4380, v4;
	v5 =	vsel vm1, $0xC380, v5  }
0x1c: {  	s0 =	ssub.s32 $0x2, s0;
	s15 =	sadd.s32 $0x7000, s3;
	[dreg:$0x9] =	wrdreg s14;
	v3 =	vsel vm15, $0xA080, v3;
	v7 =	vsel vm1, $0x14380, v7;
	v2 =	vsel vm3, $0x2100, v2  }
0x1d: {  	s6 =	sshrl.u32 s0, $0x1;
	s16 =	sadd.s32 $0x8000, s3;
	[dreg:$0xa] =	wrdreg s15;
	v4 =	vsel vm14, $0x6000, v4;
	v5 =	vsel vm14, $0xE000, v5;
	vm1 =	vcmask $0x2F2C  }
0x1e: {  	s0 =	ssub.s32 s0, s6;
	s17 =	sadd.s32 $0x9000, s3;
	[dreg:$0xb] =	wrdreg s16;
	v3 =	vsel vm3, $0xA100, v3;
	v6 =	vsel vm3, $0x12100, v6;
	v7 =	vsel vm14, $0x16000, v7  }
0x1f: {  	s18 =	sadd.s32 $0xA000, s3;
	s19 =	sadd.s32 $0xB000, s3;
	[dreg:$0xc] =	wrdreg s17;
	v4 =	vsel vm15, $0x6080, v4;
	v5 =	vsel vm15, $0xE080, v5;
	v2 =	vsel vm1, $0x2180, v2  }
0x20: {  	s20 =	sadd.s32 $0xC000, s3;
	s21 =	sadd.s32 $0xD000, s3;
	[dreg:$0xd] =	wrdreg s18;
	v3 =	vsel vm1, $0xA180, v3;
	v6 =	vsel vm1, $0x12180, v6;
	v7 =	vsel vm15, $0x16080, v7  }
0x21: {  	s22 =	sadd.s32 $0xE000, s3;
	s23 =	sadd.s32 $0xF000, s3;
	[dreg:$0xe] =	wrdreg s19;
	v4 =	vsel vm3, $0x6100, v4;
	v5 =	vsel vm3, $0xE100, v5;
	v7 =	vsel vm3, $0x16100, v7  }
0x22: {  	s24 =	sadd.s32 $0x10000, s3;
	s25 =	sadd.s32 $0x11000, s3;
	[dreg:$0xf] =	wrdreg s20;
	vm3 =	vcmask $0x3330;
	v4 =	vsel vm1, $0x6180, v4;
	v5 =	vsel vm1, $0xE180, v5  }
0x23: {  	s28 =	sadd.s32 $0x16000, s3;
	s29 =	sadd.s32 $0x17000, s3;
	[dreg:$0x10] =	wrdreg s21;
	v2 =	vsel vm3, $0x2200, v2;
	v7 =	vsel vm1, $0x16180, v7;
	vm1 =	vcmask $0x3734  }
0x24: {  	s30 =	sadd.s32 $0x18000, s3;
	s31 =	sadd.s32 $0x19000, s3;
	[dreg:$0x11] =	wrdreg s22;
	v4 =	vsel vm3, $0x6200, v4;
	v3 =	vsel vm3, $0xA200, v3;
	v5 =	vsel vm3, $0xE200, v5  }
0x25: {  	s4 =	sadd.s32 $0x1C000, s3;
	s5 =	sadd.s32 $0x1D000, s3;
	[dreg:$0x12] =	wrdreg s23;
	v6 =	vsel vm3, $0x12200, v6;
	v7 =	vsel vm3, $0x16200, v7;
	v2 =	vsel vm1, $0x2280, v2  }
0x26: {  	s6 =	sadd.s32 $0x1E000, s3;
	s7 =	sadd.s32 $0x1F000, s3;
	[dreg:$0x13] =	wrdreg s24;
	v4 =	vsel vm1, $0x6280, v4;
	v9 =	vsel vm1, $0xA280, v3;
	v5 =	vsel vm1, $0xE280, v5  }
0x27: {  	[dreg:$0x14] =	wrdreg s25;
	s22 =	sadd.s32 $0x12000, s3;
	s23 =	sadd.s32 $0x13000, s3;
	v6 =	vsel vm1, $0x12280, v6;
	v7 =	vsel vm1, $0x16280, v7;
	vm1 =	vcmask $0x3B38  }
0x28: {  	s24 =	sadd.s32 $0x14000, s3;
	s25 =	smax.u32 s0, $0x1;
	s0 =	sadd.s32 $0x1A000, s3;
	v8 =	vand.u32 $0x7FF, v8;
	v2 =	vsel vm1, $0x2300, v2;
	v3 =	vsel vm1, $0x6300, v4  }
0x29: {  	s1 =	sadd.s32 $0x1B000, s3;
	s9 =	simm.s32 $0x400;
	s10 =	simm.s32 $0x8400;
	v4 =	vsel vm1, $0xA300, v9;
	v5 =	vsel vm1, $0xE300, v5;
	v6 =	vsel vm1, $0x12300, v6  }
0x2a: {  	s11 =	simm.s32 $0x10400;
	s12 =	simm.s32 $0x1;
	s13 =	simm.s32 $0x2;
	v7 =	vsel vm1, $0x16300, v7;
	vm1 =	veq.s32 v8, $0x7FF;
	v8 =	vimm.f32 $5.000000000e+00  }
0x2b: {  	s14 =	simm.s32 $0x3;
	s15 =	simm.s32 $0x0;
	s26 =	sadd.s32 $0x15000, s3;
	v11 =	vor.u32 $0xE380, v11;
	v9 =	vsel vm2, $0x0, v0;
	v10 =	vsel vm1, $0xC47A0000, v8  }
.LBB2_1:
0x2c: {  	s16 =	rddreg [dreg:$0x3]  }
0x2d: {  	[tilespmem:s2], [sflag:$0x4] =	stream.linear.gather [hbm4b:s16+s2], $0x400, $0x38;
	[tilespmem:$0x18400] =	vst v63  }
0x2e: {  	_ =	swait.ge [sflag:s8], $0x400  }
0x2f: {  	s17 =	simm.s32 $0x0;
	s18 =	simm.s32 $0x0;
	[sflag:s8] =	ssyncset.done $0x0  }
0x30: {  	s19 =	simm.s32 $0x0;
	s16 =	simm.s32 $0xFFFE8000;
	[sflag:s8] =	ssyncadd.s32 $0xFFFFFC00  }
.LBB2_2:
0x31: {  	s20 =	sadd.s32 $0x18000, s16  }
0x32: {  	s21 =	sand.u32 $0x380, s19;
	s20 =	sand.u32 $0x1E000, s20  }
0x33: {  	s20 =	sor.u32 s21, s20  }
0x34: {  	[tilespmem:s20+$0x400] =	vst v1  }
0x35: {  	[tilespmem:s20+$0x410] =	vst v0  }
0x36: {  	[tilespmem:s20+$0x420] =	vst v0  }
0x37: {  	[tilespmem:s20+$0x430] =	vst v0  }
0x38: {  	[tilespmem:s20+$0x440] =	vst v0  }
0x39: {  	[tilespmem:s20+$0x450] =	vst v0  }
0x3a: {  	[tilespmem:s20+$0x460] =	vst v0  }
0x3b: {  	[tilespmem:s20+$0x470] =	vst v0  }
0x3c: {  	[tilespmem:s20+$0x800] =	vst v0  }
0x3d: {  	[tilespmem:s20+$0x810] =	vst v0  }
0x3e: {  	[tilespmem:s20+$0x820] =	vst v0  }
0x3f: {  	[tilespmem:s20+$0x830] =	vst v0  }
0x40: {  	[tilespmem:s20+$0x840] =	vst v0  }
0x41: {  	[tilespmem:s20+$0x850] =	vst v0  }
0x42: {  	[tilespmem:s20+$0x860] =	vst v0  }
0x43: {  	[tilespmem:s20+$0x870] =	vst v0  }
0x44: {  	[tilespmem:s20+$0xC00] =	vst v0  }
0x45: {  	[tilespmem:s20+$0xC10] =	vst v0  }
0x46: {  	[tilespmem:s20+$0xC20] =	vst v0  }
0x47: {  	[tilespmem:s20+$0xC30] =	vst v0  }
0x48: {  	[tilespmem:s20+$0xC40] =	vst v0  }
0x49: {  	[tilespmem:s20+$0xC50] =	vst v0  }
0x4a: {  	[tilespmem:s20+$0xC60] =	vst v0  }
0x4b: {  	[tilespmem:s20+$0xC70] =	vst v0  }
0x4c: {  	[tilespmem:s20+$0x1000] =	vst v0  }
0x4d: {  	[tilespmem:s20+$0x1010] =	vst v0  }
0x4e: {  	[tilespmem:s20+$0x1020] =	vst v0  }
0x4f: {  	[tilespmem:s20+$0x1030] =	vst v0  }
0x50: {  	[tilespmem:s20+$0x1040] =	vst v0  }
0x51: {  	[tilespmem:s20+$0x1050] =	vst v0  }
0x52: {  	[tilespmem:s20+$0x1060] =	vst v0  }
0x53: {  	[tilespmem:s20+$0x1070] =	vst v0  }
0x54: {  	[tilespmem:s20+$0x1400] =	vst v0  }
0x55: {  	[tilespmem:s20+$0x1410] =	vst v0  }
0x56: {  	[tilespmem:s20+$0x1420] =	vst v0  }
0x57: {  	[tilespmem:s20+$0x1430] =	vst v0  }
0x58: {  	[tilespmem:s20+$0x1440] =	vst v0  }
0x59: {  	[tilespmem:s20+$0x1450] =	vst v0  }
0x5a: {  	[tilespmem:s20+$0x1460] =	vst v0  }
0x5b: {  	[tilespmem:s20+$0x1470] =	vst v0  }
0x5c: {  	[tilespmem:s20+$0x1800] =	vst v0  }
0x5d: {  	[tilespmem:s20+$0x1810] =	vst v0  }
0x5e: {  	[tilespmem:s20+$0x1820] =	vst v0  }
0x5f: {  	[tilespmem:s20+$0x1830] =	vst v0  }
0x60: {  	[tilespmem:s20+$0x1840] =	vst v0  }
0x61: {  	[tilespmem:s20+$0x1850] =	vst v0  }
0x62: {  	[tilespmem:s20+$0x1860] =	vst v0  }
0x63: {  	[tilespmem:s20+$0x1870] =	vst v0  }
0x64: {  	[tilespmem:s20+$0x1C00] =	vst v0  }
0x65: {  	[tilespmem:s20+$0x1C10] =	vst v0  }
0x66: {  	[tilespmem:s20+$0x1C20] =	vst v0  }
0x67: {  	[tilespmem:s20+$0x1C30] =	vst v0  }
0x68: {  	s21 =	sand.u32 $0x7, s17;
	[tilespmem:s20+$0x1C40] =	vst v0  }
0x69: {  	s21 =	sshll.u32 s21, $0x7;
	[tilespmem:s20+$0x1C50] =	vst v0  }
0x6a: {  	[tilespmem:s20+$0x1C60] =	vst v0;
	s21 =	sadd.s32 s21, s18  }
0x6b: {  	[tilespmem:s20+$0x1C70] =	vst v0;
	s20 =	sor.u32 $0x1C00, s21  }
0x6c: {  	[tilespmem:s20+$0x400] =	vst v0;
	s20 =	sor.u32 $0x1C10, s21  }
0x6d: {  	[tilespmem:s20+$0x400] =	vst v0;
	s20 =	sor.u32 $0x1C20, s21  }
0x6e: {  	p0 =	sne.s32 s19, $0x2F80;
	[tilespmem:s20+$0x400] =	vst v0;
	s20 =	sor.u32 $0x1C30, s21  }
.Ltmp0:
0x6f: {  	[tilespmem:s20+$0x400] =	vst v0;
	s20 =	sor.u32 $0x1C40, s21;
	(pc) =	sbr.rel @p0 .LBB2_2-.Ltmp0, $4  }
0x70: {  	[tilespmem:s20+$0x400] =	vst v0;
	s20 =	sor.u32 $0x1C50, s21  }
0x71: {  	[tilespmem:s20+$0x400] =	vst v0;
	s20 =	sor.u32 $0x1C60, s21  }
0x72: {  	s16 =	sadd.s32 $0x400, s16;
	s21 =	sor.u32 $0x1C70, s21;
	[tilespmem:s20+$0x400] =	vst v0  }
0x73: {  	s19 =	sadd.s32 $0x80, s19;
	s17 =	sadd.s32 $0x1, s17;
	s18 =	sadd.s32 $0x400, s18;
	[tilespmem:s21+$0x400] =	vst v0  }
0x74: {  	v12 =	vld [tilespmem:$0x0]  }
0x75: {  	v13 =	vld [tilespmem:$0x10];
	_ =	sdelay $0x3  }
0x76: {  	v14 =	vshll.u32 v12, $0x3  }
0x77: {  	v12 =	vand.u32 $0x7F, v12;
	v15 =	vshll.u32 v13, $0x3;
	v14 =	vand.u32 $0xFFFFFC00, v14  }
0x78: {  	v13 =	vand.u32 $0x7F, v13;
	v56 =	vand.u32 $0xFFFFFC00, v15;
	v12 =	vor.u32 v12, v14  }
0x79: {  	v13 =	vor.u32 v13, v56;
	v12 =	vadd.s32 v2, v12  }
0x7a: {  	v13 =	vadd.s32 v3, v13;
	_ =	sdelay $0x3  }
0x7b: {  	[tilespmem:v12+s9+$0x0] =	vst.idx.msk $0xffff, v8  }
0x7c: {  	[tilespmem:v13+s9+$0x0] =	vst.idx.msk $0xffff, v8  }
0x7d: {  	[hbm4b:s3+s2] =	stream.linear.scatter [tilespmem:s9], [sflag:$0x1], $0x8000, $0x38;
	[tilespmem:$0x18400] =	vst v63  }
0x7e: {  	v12 =	vld [tilespmem:$0x20]  }
0x7f: {  	v13 =	vld [tilespmem:$0x30];
	_ =	sdelay $0x3  }
0x80: {  	v57 =	vshll.u32 v12, $0x3  }
0x81: {  	v12 =	vand.u32 $0x7F, v12;
	v58 =	vshll.u32 v13, $0x3;
	v14 =	vand.u32 $0xFFFFFC00, v57  }
0x82: {  	v13 =	vand.u32 $0x7F, v13;
	v59 =	vand.u32 $0xFFFFFC00, v58;
	v12 =	vor.u32 v12, v14  }
0x83: {  	v13 =	vor.u32 v13, v59;
	v12 =	vadd.s32 v4, v12  }
0x84: {  	v13 =	vadd.s32 v5, v13;
	_ =	sdelay $0x3  }
0x85: {  	[tilespmem:v12+s9+$0x0] =	vst.idx.msk $0xffff, v8  }
0x86: {  	s16 =	rddreg [dreg:$0x4];
	[tilespmem:v13+s9+$0x0] =	vst.idx.msk $0xffff, v8  }
0x87: {  	[hbm4b:s16+s2] =	stream.linear.scatter [tilespmem:s10], [sflag:$0x2], $0x8000, $0x38;
	[tilespmem:$0x18400] =	vst v63  }
0x88: {  	v12 =	vld [tilespmem:$0x40]  }
0x89: {  	v13 =	vld [tilespmem:$0x50];
	_ =	sdelay $0x3  }
0x8a: {  	v60 =	vshll.u32 v12, $0x3  }
0x8b: {  	v12 =	vand.u32 $0x7F, v12;
	v61 =	vshll.u32 v13, $0x3;
	v14 =	vand.u32 $0xFFFFFC00, v60  }
0x8c: {  	v13 =	vand.u32 $0x7F, v13;
	v62 =	vand.u32 $0xFFFFFC00, v61;
	v12 =	vor.u32 v12, v14  }
0x8d: {  	v13 =	vor.u32 v13, v62;
	v12 =	vadd.s32 v6, v12  }
0x8e: {  	v13 =	vadd.s32 v7, v13;
	_ =	sdelay $0x3  }
0x8f: {  	[tilespmem:v12+s9+$0x0] =	vst.idx.msk $0xffff, v8  }
0x90: {  	s21 =	rddreg [dreg:$0x5];
	[tilespmem:v13+s9+$0x0] =	vst.idx.msk $0xffff, v8  }
0x91: {  	[hbm4b:s21+s2] =	stream.linear.scatter [tilespmem:s11], [sflag:$0x3], $0x8000, $0x38;
	[tilespmem:$0x18400] =	vst v63  }
0x92: {  	_ =	swait.ge [sflag:s12], $0x8000  }
0x93: {  	[sflag:s12] =	ssyncset.done $0x0  }
0x94: {  	[sflag:s12] =	ssyncadd.s32 $0xFFFF8000  }
0x95: {  	v63 =	vld [tilespmem:$0x0]  }
0x96: {  	v20 =	vld [tilespmem:$0x10];
	_ =	sdelay $0x3  }
0x97: {  	v21 =	vshll.u32 v63, $0x3  }
0x98: {  	v22 =	vand.u32 $0x7F, v63;
	v16 =	vshll.u32 v20, $0x3;
	v14 =	vand.u32 $0xFFFFFC00, v21  }
0x99: {  	v23 =	vand.u32 $0x7F, v20;
	v16 =	vand.u32 $0xFFFFFC00, v16;
	v14 =	vor.u32 v22, v14  }
0x9a: {  	v15 =	vor.u32 v23, v16;
	v14 =	vadd.s32 v2, v14  }
0x9b: {  	vm2 =	veq.s32 v63, $0x0;
	vm3 =	veq.s32 v63, $0x2;
	v15 =	vadd.s32 v3, v15  }
0x9c: {  	vm4 =	veq.s32 v63, $0x1;
	v24 =	vsel vm3, $0x0, v0;
	vm3 =	veq.s32 v20, $0x2  }
0x9d: {  	vm15 =	veq.s32 v20, $0x1;
	v12 =	vsel vm4, $0x3F000000, v24;
	v25 =	vsel vm3, $0x0, v0  }
0x9e: {  	v12 =	vsel vm2, $0x3F800000, v12;
	vm2 =	veq.s32 v20, $0x0;
	v26 =	vsel vm15, $0x3F000000, v25  }
0x9f: {  	v27 =	vsel vm2, $0x3F800000, v26;
	[tilespmem:v14+s9+$0x0] =	vst.idx.msk $0xffff, v12  }
0xa0: {  	[tilespmem:v15+s9+$0x0] =	vst.idx.msk $0xffff, v27  }
0xa1: {  	v12 =	vld [tilespmem:$0x60]  }
0xa2: {  	v28 =	vld [tilespmem:$0x70];
	_ =	sdelay $0x3  }
0xa3: {  	v29 =	vshll.u32 v12, $0x3  }
0xa4: {  	v12 =	vand.u32 $0x7F, v12;
	v30 =	vshll.u32 v28, $0x3;
	v14 =	vand.u32 $0xFFFFFC00, v29  }
0xa5: {  	v13 =	vand.u32 $0x7F, v28;
	v31 =	vand.u32 $0xFFFFFC00, v30;
	v12 =	vor.u32 v12, v14  }
0xa6: {  	v13 =	vor.u32 v13, v31;
	v12 =	vadd.s32 v2, v12  }
0xa7: {  	v13 =	vadd.s32 v3, v13;
	_ =	sdelay $0x3  }
0xa8: {  	[tilespmem:v12+s9+$0x0] =	vst.idx.msk $0xffff, v8  }
0xa9: {  	s17 =	rddreg [dreg:$0x6];
	[tilespmem:v13+s9+$0x0] =	vst.idx.msk $0xffff, v8  }
0xaa: {  	[hbm4b:s17+s2] =	stream.linear.scatter [tilespmem:s9], [sflag:$0x1], $0x8000, $0x38;
	[tilespmem:$0x18400] =	vst v63  }
0xab: {  	_ =	swait.ge [sflag:s13], $0x8000  }
0xac: {  	[sflag:s13] =	ssyncset.done $0x0  }
0xad: {  	[sflag:s13] =	ssyncadd.s32 $0xFFFF8000  }
0xae: {  	v32 =	vld [tilespmem:$0x20]  }
0xaf: {  	v33 =	vld [tilespmem:$0x30];
	_ =	sdelay $0x3  }
0xb0: {  	v34 =	vshll.u32 v32, $0x3  }
0xb1: {  	v35 =	vand.u32 $0x7F, v32;
	v36 =	vshll.u32 v33, $0x3;
	v14 =	vand.u32 $0xFFFFFC00, v34  }
0xb2: {  	v37 =	vand.u32 $0x7F, v33;
	v16 =	vand.u32 $0xFFFFFC00, v36;
	v14 =	vor.u32 v35, v14  }
0xb3: {  	v15 =	vor.u32 v37, v16;
	v14 =	vadd.s32 v4, v14  }
0xb4: {  	vm2 =	veq.s32 v32, $0x0;
	vm3 =	veq.s32 v32, $0x2;
	v15 =	vadd.s32 v5, v15  }
0xb5: {  	vm8 =	veq.s32 v32, $0x1;
	v38 =	vsel vm3, $0x0, v0;
	vm3 =	veq.s32 v33, $0x2  }
0xb6: {  	vm9 =	veq.s32 v33, $0x1;
	v12 =	vsel vm8, $0x3F000000, v38;
	v39 =	vsel vm3, $0x0, v0  }
0xb7: {  	v12 =	vsel vm2, $0x3F800000, v12;
	vm2 =	veq.s32 v33, $0x0;
	v40 =	vsel vm9, $0x3F000000, v39  }
0xb8: {  	v41 =	vsel vm2, $0x3F800000, v40;
	[tilespmem:v14+s9+$0x0] =	vst.idx.msk $0xffff, v12  }
0xb9: {  	[tilespmem:v15+s9+$0x0] =	vst.idx.msk $0xffff, v41  }
0xba: {  	v12 =	vld [tilespmem:$0x80]  }
0xbb: {  	v42 =	vld [tilespmem:$0x90];
	_ =	sdelay $0x3  }
0xbc: {  	v43 =	vshll.u32 v12, $0x3  }
0xbd: {  	v12 =	vand.u32 $0x7F, v12;
	v44 =	vshll.u32 v42, $0x3;
	v14 =	vand.u32 $0xFFFFFC00, v43  }
0xbe: {  	v13 =	vand.u32 $0x7F, v42;
	v45 =	vand.u32 $0xFFFFFC00, v44;
	v12 =	vor.u32 v12, v14  }
0xbf: {  	v13 =	vor.u32 v13, v45;
	v12 =	vadd.s32 v4, v12  }
0xc0: {  	v13 =	vadd.s32 v5, v13;
	_ =	sdelay $0x3  }
0xc1: {  	[tilespmem:v12+s9+$0x0] =	vst.idx.msk $0xffff, v8  }
0xc2: {  	s18 =	rddreg [dreg:$0x7];
	[tilespmem:v13+s9+$0x0] =	vst.idx.msk $0xffff, v8  }
0xc3: {  	[hbm4b:s18+s2] =	stream.linear.scatter [tilespmem:s10], [sflag:$0x2], $0x8000, $0x38;
	[tilespmem:$0x18400] =	vst v63  }
0xc4: {  	_ =	swait.ge [sflag:s14], $0x8000  }
0xc5: {  	[sflag:s14] =	ssyncset.done $0x0  }
0xc6: {  	[sflag:s14] =	ssyncadd.s32 $0xFFFF8000  }
0xc7: {  	v46 =	vld [tilespmem:$0x40]  }
0xc8: {  	v47 =	vld [tilespmem:$0x50];
	_ =	sdelay $0x3  }
0xc9: {  	v48 =	vshll.u32 v46, $0x3  }
0xca: {  	v49 =	vand.u32 $0x7F, v46;
	v50 =	vshll.u32 v47, $0x3;
	v14 =	vand.u32 $0xFFFFFC00, v48  }
0xcb: {  	v51 =	vand.u32 $0x7F, v47;
	v16 =	vand.u32 $0xFFFFFC00, v50;
	v14 =	vor.u32 v49, v14  }
0xcc: {  	v15 =	vor.u32 v51, v16;
	v14 =	vadd.s32 v6, v14  }
0xcd: {  	vm2 =	veq.s32 v46, $0x0;
	vm3 =	veq.s32 v46, $0x2;
	v15 =	vadd.s32 v7, v15  }
0xce: {  	vm10 =	veq.s32 v46, $0x1;
	v52 =	vsel vm3, $0x0, v0;
	vm3 =	veq.s32 v47, $0x2  }
0xcf: {  	vm11 =	veq.s32 v47, $0x1;
	v12 =	vsel vm10, $0x3F000000, v52;
	v53 =	vsel vm3, $0x0, v0  }
0xd0: {  	v12 =	vsel vm2, $0x3F800000, v12;
	vm2 =	veq.s32 v47, $0x0;
	v54 =	vsel vm11, $0x3F000000, v53  }
0xd1: {  	v55 =	vsel vm2, $0x3F800000, v54;
	[tilespmem:v14+s9+$0x0] =	vst.idx.msk $0xffff, v12  }
0xd2: {  	[tilespmem:v15+s9+$0x0] =	vst.idx.msk $0xffff, v55  }
0xd3: {  	v12 =	vld [tilespmem:$0xA0]  }
0xd4: {  	v56 =	vld [tilespmem:$0xB0];
	_ =	sdelay $0x3  }
0xd5: {  	v57 =	vshll.u32 v12, $0x3  }
0xd6: {  	v12 =	vand.u32 $0x7F, v12;
	v58 =	vshll.u32 v56, $0x3;
	v14 =	vand.u32 $0xFFFFFC00, v57  }
0xd7: {  	v13 =	vand.u32 $0x7F, v56;
	v59 =	vand.u32 $0xFFFFFC00, v58;
	v12 =	vor.u32 v12, v14  }
0xd8: {  	v13 =	vor.u32 v13, v59;
	v12 =	vadd.s32 v6, v12  }
0xd9: {  	v13 =	vadd.s32 v7, v13;
	_ =	sdelay $0x3  }
0xda: {  	[tilespmem:v12+s9+$0x0] =	vst.idx.msk $0xffff, v8  }
0xdb: {  	s19 =	rddreg [dreg:$0x8];
	[tilespmem:v13+s9+$0x0] =	vst.idx.msk $0xffff, v8  }
0xdc: {  	[hbm4b:s19+s2] =	stream.linear.scatter [tilespmem:s11], [sflag:$0x3], $0x8000, $0x38;
	[tilespmem:$0x18400] =	vst v63  }
0xdd: {  	_ =	swait.ge [sflag:s12], $0x8000  }
0xde: {  	[sflag:s12] =	ssyncset.done $0x0  }
0xdf: {  	[sflag:s12] =	ssyncadd.s32 $0xFFFF8000  }
0xe0: {  	v60 =	vld [tilespmem:$0x60]  }
0xe1: {  	v61 =	vld [tilespmem:$0x70];
	_ =	sdelay $0x3  }
0xe2: {  	v62 =	vshll.u32 v60, $0x3  }
0xe3: {  	v63 =	vand.u32 $0x7F, v60;
	v20 =	vshll.u32 v61, $0x3;
	v14 =	vand.u32 $0xFFFFFC00, v62  }
0xe4: {  	v21 =	vand.u32 $0x7F, v61;
	v16 =	vand.u32 $0xFFFFFC00, v20;
	v14 =	vor.u32 v63, v14  }
0xe5: {  	v15 =	vor.u32 v21, v16;
	v14 =	vadd.s32 v2, v14  }
0xe6: {  	vm2 =	veq.s32 v60, $0x0;
	vm3 =	veq.s32 v60, $0x2;
	v15 =	vadd.s32 v3, v15  }
0xe7: {  	vm12 =	veq.s32 v60, $0x1;
	v22 =	vsel vm3, $0x0, v0;
	vm3 =	veq.s32 v61, $0x2  }
0xe8: {  	vm13 =	veq.s32 v61, $0x1;
	v12 =	vsel vm12, $0x3F000000, v22;
	v23 =	vsel vm3, $0x0, v0  }
0xe9: {  	v12 =	vsel vm2, $0x3F800000, v12;
	vm2 =	veq.s32 v61, $0x0;
	v24 =	vsel vm13, $0x3F000000, v23  }
0xea: {  	v25 =	vsel vm2, $0x3F800000, v24;
	[tilespmem:v14+s9+$0x0] =	vst.idx.msk $0xffff, v12  }
0xeb: {  	[tilespmem:v15+s9+$0x0] =	vst.idx.msk $0xffff, v25  }
0xec: {  	v12 =	vld [tilespmem:$0xC0]  }
0xed: {  	v26 =	vld [tilespmem:$0xD0];
	_ =	sdelay $0x3  }
0xee: {  	v27 =	vshll.u32 v12, $0x3  }
0xef: {  	v12 =	vand.u32 $0x7F, v12;
	v28 =	vshll.u32 v26, $0x3;
	v14 =	vand.u32 $0xFFFFFC00, v27  }
0xf0: {  	v13 =	vand.u32 $0x7F, v26;
	v29 =	vand.u32 $0xFFFFFC00, v28;
	v12 =	vor.u32 v12, v14  }
0xf1: {  	v13 =	vor.u32 v13, v29;
	v12 =	vadd.s32 v2, v12  }
0xf2: {  	v13 =	vadd.s32 v3, v13;
	_ =	sdelay $0x3  }
0xf3: {  	[tilespmem:v12+s9+$0x0] =	vst.idx.msk $0xffff, v8  }
0xf4: {  	s20 =	rddreg [dreg:$0x9];
	[tilespmem:v13+s9+$0x0] =	vst.idx.msk $0xffff, v8  }
0xf5: {  	[hbm4b:s20+s2] =	stream.linear.scatter [tilespmem:s9], [sflag:$0x1], $0x8000, $0x38;
	[tilespmem:$0x18400] =	vst v63  }
0xf6: {  	_ =	swait.ge [sflag:s13], $0x8000  }
0xf7: {  	[sflag:s13] =	ssyncset.done $0x0  }
0xf8: {  	[sflag:s13] =	ssyncadd.s32 $0xFFFF8000  }
0xf9: {  	v30 =	vld [tilespmem:$0x80]  }
0xfa: {  	v31 =	vld [tilespmem:$0x90];
	_ =	sdelay $0x3  }
0xfb: {  	v32 =	vshll.u32 v30, $0x3  }
0xfc: {  	v33 =	vand.u32 $0x7F, v30;
	v34 =	vshll.u32 v31, $0x3;
	v14 =	vand.u32 $0xFFFFFC00, v32  }
0xfd: {  	v35 =	vand.u32 $0x7F, v31;
	v16 =	vand.u32 $0xFFFFFC00, v34;
	v14 =	vor.u32 v33, v14  }
0xfe: {  	v15 =	vor.u32 v35, v16;
	v14 =	vadd.s32 v4, v14  }
0xff: {  	vm2 =	veq.s32 v30, $0x0;
	vm3 =	veq.s32 v30, $0x2;
	v15 =	vadd.s32 v5, v15  }
0x100: {  	vm14 =	veq.s32 v30, $0x1;
	v36 =	vsel vm3, $0x0, v0;
	vm3 =	veq.s32 v31, $0x2  }
0x101: {  	vm15 =	veq.s32 v31, $0x1;
	v12 =	vsel vm14, $0x3F000000, v36;
	v37 =	vsel vm3, $0x0, v0  }
0x102: {  	v12 =	vsel vm2, $0x3F800000, v12;
	vm2 =	veq.s32 v31, $0x0;
	v38 =	vsel vm15, $0x3F000000, v37  }
0x103: {  	v39 =	vsel vm2, $0x3F800000, v38;
	[tilespmem:v14+s9+$0x0] =	vst.idx.msk $0xffff, v12  }
0x104: {  	[tilespmem:v15+s9+$0x0] =	vst.idx.msk $0xffff, v39  }
0x105: {  	v12 =	vld [tilespmem:$0xE0]  }
0x106: {  	v40 =	vld [tilespmem:$0xF0];
	_ =	sdelay $0x3  }
0x107: {  	v41 =	vshll.u32 v12, $0x3  }
0x108: {  	v12 =	vand.u32 $0x7F, v12;
	v42 =	vshll.u32 v40, $0x3;
	v14 =	vand.u32 $0xFFFFFC00, v41  }
0x109: {  	v13 =	vand.u32 $0x7F, v40;
	v43 =	vand.u32 $0xFFFFFC00, v42;
	v12 =	vor.u32 v12, v14  }
0x10a: {  	v13 =	vor.u32 v13, v43;
	v12 =	vadd.s32 v4, v12  }
0x10b: {  	v13 =	vadd.s32 v5, v13;
	_ =	sdelay $0x3  }
0x10c: {  	[tilespmem:v12+s9+$0x0] =	vst.idx.msk $0xffff, v8  }
0x10d: {  	s21 =	rddreg [dreg:$0xa];
	[tilespmem:v13+s9+$0x0] =	vst.idx.msk $0xffff, v8  }
0x10e: {  	[hbm4b:s21+s2] =	stream.linear.scatter [tilespmem:s10], [sflag:$0x2], $0x8000, $0x38;
	[tilespmem:$0x18400] =	vst v63  }
0x10f: {  	_ =	swait.ge [sflag:s14], $0x8000  }
0x110: {  	[sflag:s14] =	ssyncset.done $0x0  }
0x111: {  	[sflag:s14] =	ssyncadd.s32 $0xFFFF8000  }
0x112: {  	v44 =	vld [tilespmem:$0xA0]  }
0x113: {  	v45 =	vld [tilespmem:$0xB0];
	_ =	sdelay $0x3  }
0x114: {  	v46 =	vshll.u32 v44, $0x3  }
0x115: {  	v47 =	vand.u32 $0x7F, v44;
	v48 =	vshll.u32 v45, $0x3;
	v14 =	vand.u32 $0xFFFFFC00, v46  }
0x116: {  	v49 =	vand.u32 $0x7F, v45;
	v16 =	vand.u32 $0xFFFFFC00, v48;
	v14 =	vor.u32 v47, v14  }
0x117: {  	v15 =	vor.u32 v49, v16;
	v14 =	vadd.s32 v6, v14  }
0x118: {  	vm2 =	veq.s32 v44, $0x0;
	vm3 =	veq.s32 v44, $0x2;
	v15 =	vadd.s32 v7, v15  }
0x119: {  	vm8 =	veq.s32 v44, $0x1;
	v50 =	vsel vm3, $0x0, v0;
	vm3 =	veq.s32 v45, $0x2  }
0x11a: {  	vm9 =	veq.s32 v45, $0x1;
	v12 =	vsel vm8, $0x3F000000, v50;
	v51 =	vsel vm3, $0x0, v0  }
0x11b: {  	v12 =	vsel vm2, $0x3F800000, v12;
	vm2 =	veq.s32 v45, $0x0;
	v52 =	vsel vm9, $0x3F000000, v51  }
0x11c: {  	v53 =	vsel vm2, $0x3F800000, v52;
	[tilespmem:v14+s9+$0x0] =	vst.idx.msk $0xffff, v12  }
0x11d: {  	[tilespmem:v15+s9+$0x0] =	vst.idx.msk $0xffff, v53  }
0x11e: {  	v12 =	vld [tilespmem:$0x100]  }
0x11f: {  	v54 =	vld [tilespmem:$0x110];
	_ =	sdelay $0x3  }
0x120: {  	v55 =	vshll.u32 v12, $0x3  }
0x121: {  	v12 =	vand.u32 $0x7F, v12;
	v56 =	vshll.u32 v54, $0x3;
	v14 =	vand.u32 $0xFFFFFC00, v55  }
0x122: {  	v13 =	vand.u32 $0x7F, v54;
	v57 =	vand.u32 $0xFFFFFC00, v56;
	v12 =	vor.u32 v12, v14  }
0x123: {  	v13 =	vor.u32 v13, v57;
	v12 =	vadd.s32 v6, v12  }
0x124: {  	v13 =	vadd.s32 v7, v13;
	_ =	sdelay $0x3  }
0x125: {  	[tilespmem:v12+s9+$0x0] =	vst.idx.msk $0xffff, v8  }
0x126: {  	s17 =	rddreg [dreg:$0xb];
	[tilespmem:v13+s9+$0x0] =	vst.idx.msk $0xffff, v8  }
0x127: {  	[hbm4b:s17+s2] =	stream.linear.scatter [tilespmem:s11], [sflag:$0x3], $0x8000, $0x38;
	[tilespmem:$0x18400] =	vst v63  }
0x128: {  	_ =	swait.ge [sflag:s12], $0x8000  }
0x129: {  	[sflag:s12] =	ssyncset.done $0x0  }
0x12a: {  	[sflag:s12] =	ssyncadd.s32 $0xFFFF8000  }
0x12b: {  	v58 =	vld [tilespmem:$0xC0]  }
0x12c: {  	v59 =	vld [tilespmem:$0xD0];
	_ =	sdelay $0x3  }
0x12d: {  	v60 =	vshll.u32 v58, $0x3  }
0x12e: {  	v61 =	vand.u32 $0x7F, v58;
	v62 =	vshll.u32 v59, $0x3;
	v14 =	vand.u32 $0xFFFFFC00, v60  }
0x12f: {  	v63 =	vand.u32 $0x7F, v59;
	v16 =	vand.u32 $0xFFFFFC00, v62;
	v14 =	vor.u32 v61, v14  }
0x130: {  	v15 =	vor.u32 v63, v16;
	v14 =	vadd.s32 v2, v14  }
0x131: {  	vm2 =	veq.s32 v58, $0x0;
	vm3 =	veq.s32 v58, $0x2;
	v15 =	vadd.s32 v3, v15  }
0x132: {  	vm10 =	veq.s32 v58, $0x1;
	v20 =	vsel vm3, $0x0, v0;
	vm3 =	veq.s32 v59, $0x2  }
0x133: {  	vm11 =	veq.s32 v59, $0x1;
	v12 =	vsel vm10, $0x3F000000, v20;
	v21 =	vsel vm3, $0x0, v0  }
0x134: {  	v12 =	vsel vm2, $0x3F800000, v12;
	vm2 =	veq.s32 v59, $0x0;
	v22 =	vsel vm11, $0x3F000000, v21  }
0x135: {  	v23 =	vsel vm2, $0x3F800000, v22;
	[tilespmem:v14+s9+$0x0] =	vst.idx.msk $0xffff, v12  }
0x136: {  	[tilespmem:v15+s9+$0x0] =	vst.idx.msk $0xffff, v23  }
0x137: {  	v12 =	vld [tilespmem:$0x120]  }
0x138: {  	v24 =	vld [tilespmem:$0x130];
	_ =	sdelay $0x3  }
0x139: {  	v25 =	vshll.u32 v12, $0x3  }
0x13a: {  	v12 =	vand.u32 $0x7F, v12;
	v26 =	vshll.u32 v24, $0x3;
	v14 =	vand.u32 $0xFFFFFC00, v25  }
0x13b: {  	v13 =	vand.u32 $0x7F, v24;
	v27 =	vand.u32 $0xFFFFFC00, v26;
	v12 =	vor.u32 v12, v14  }
0x13c: {  	v13 =	vor.u32 v13, v27;
	v12 =	vadd.s32 v2, v12  }
0x13d: {  	v13 =	vadd.s32 v3, v13;
	_ =	sdelay $0x3  }
0x13e: {  	[tilespmem:v12+s9+$0x0] =	vst.idx.msk $0xffff, v8  }
0x13f: {  	s18 =	rddreg [dreg:$0xc];
	[tilespmem:v13+s9+$0x0] =	vst.idx.msk $0xffff, v8  }
0x140: {  	[hbm4b:s18+s2] =	stream.linear.scatter [tilespmem:s9], [sflag:$0x1], $0x8000, $0x38;
	[tilespmem:$0x18400] =	vst v63  }
0x141: {  	_ =	swait.ge [sflag:s13], $0x8000  }
0x142: {  	[sflag:s13] =	ssyncset.done $0x0  }
0x143: {  	[sflag:s13] =	ssyncadd.s32 $0xFFFF8000  }
0x144: {  	v28 =	vld [tilespmem:$0xE0]  }
0x145: {  	v29 =	vld [tilespmem:$0xF0];
	_ =	sdelay $0x3  }
0x146: {  	v30 =	vshll.u32 v28, $0x3  }
0x147: {  	v31 =	vand.u32 $0x7F, v28;
	v32 =	vshll.u32 v29, $0x3;
	v14 =	vand.u32 $0xFFFFFC00, v30  }
0x148: {  	v33 =	vand.u32 $0x7F, v29;
	v16 =	vand.u32 $0xFFFFFC00, v32;
	v14 =	vor.u32 v31, v14  }
0x149: {  	v15 =	vor.u32 v33, v16;
	v14 =	vadd.s32 v4, v14  }
0x14a: {  	vm2 =	veq.s32 v28, $0x0;
	vm3 =	veq.s32 v28, $0x2;
	v15 =	vadd.s32 v5, v15  }
0x14b: {  	vm12 =	veq.s32 v28, $0x1;
	v34 =	vsel vm3, $0x0, v0;
	vm3 =	veq.s32 v29, $0x2  }
0x14c: {  	vm13 =	veq.s32 v29, $0x1;
	v12 =	vsel vm12, $0x3F000000, v34;
	v35 =	vsel vm3, $0x0, v0  }
0x14d: {  	v12 =	vsel vm2, $0x3F800000, v12;
	vm2 =	veq.s32 v29, $0x0;
	v36 =	vsel vm13, $0x3F000000, v35  }
0x14e: {  	v37 =	vsel vm2, $0x3F800000, v36;
	[tilespmem:v14+s9+$0x0] =	vst.idx.msk $0xffff, v12  }
0x14f: {  	[tilespmem:v15+s9+$0x0] =	vst.idx.msk $0xffff, v37  }
0x150: {  	v12 =	vld [tilespmem:$0x140]  }
0x151: {  	v38 =	vld [tilespmem:$0x150];
	_ =	sdelay $0x3  }
0x152: {  	v39 =	vshll.u32 v12, $0x3  }
0x153: {  	v12 =	vand.u32 $0x7F, v12;
	v40 =	vshll.u32 v38, $0x3;
	v14 =	vand.u32 $0xFFFFFC00, v39  }
0x154: {  	v13 =	vand.u32 $0x7F, v38;
	v41 =	vand.u32 $0xFFFFFC00, v40;
	v12 =	vor.u32 v12, v14  }
0x155: {  	v13 =	vor.u32 v13, v41;
	v12 =	vadd.s32 v4, v12  }
0x156: {  	v13 =	vadd.s32 v5, v13;
	_ =	sdelay $0x3  }
0x157: {  	[tilespmem:v12+s9+$0x0] =	vst.idx.msk $0xffff, v8  }
0x158: {  	s19 =	rddreg [dreg:$0xd];
	[tilespmem:v13+s9+$0x0] =	vst.idx.msk $0xffff, v8  }
0x159: {  	[hbm4b:s19+s2] =	stream.linear.scatter [tilespmem:s10], [sflag:$0x2], $0x8000, $0x38;
	[tilespmem:$0x18400] =	vst v63  }
0x15a: {  	_ =	swait.ge [sflag:s14], $0x8000  }
0x15b: {  	[sflag:s14] =	ssyncset.done $0x0  }
0x15c: {  	[sflag:s14] =	ssyncadd.s32 $0xFFFF8000  }
0x15d: {  	v42 =	vld [tilespmem:$0x100]  }
0x15e: {  	v43 =	vld [tilespmem:$0x110];
	_ =	sdelay $0x3  }
0x15f: {  	v44 =	vshll.u32 v42, $0x3  }
0x160: {  	v45 =	vand.u32 $0x7F, v42;
	v46 =	vshll.u32 v43, $0x3;
	v14 =	vand.u32 $0xFFFFFC00, v44  }
0x161: {  	v47 =	vand.u32 $0x7F, v43;
	v16 =	vand.u32 $0xFFFFFC00, v46;
	v14 =	vor.u32 v45, v14  }
0x162: {  	v15 =	vor.u32 v47, v16;
	v14 =	vadd.s32 v6, v14  }
0x163: {  	vm2 =	veq.s32 v42, $0x0;
	vm3 =	veq.s32 v42, $0x2;
	v15 =	vadd.s32 v7, v15  }
0x164: {  	vm14 =	veq.s32 v42, $0x1;
	v48 =	vsel vm3, $0x0, v0;
	vm3 =	veq.s32 v43, $0x2  }
0x165: {  	vm15 =	veq.s32 v43, $0x1;
	v12 =	vsel vm14, $0x3F000000, v48;
	v49 =	vsel vm3, $0x0, v0  }
0x166: {  	v12 =	vsel vm2, $0x3F800000, v12;
	vm2 =	veq.s32 v43, $0x0;
	v50 =	vsel vm15, $0x3F000000, v49  }
0x167: {  	v51 =	vsel vm2, $0x3F800000, v50;
	[tilespmem:v14+s9+$0x0] =	vst.idx.msk $0xffff, v12  }
0x168: {  	[tilespmem:v15+s9+$0x0] =	vst.idx.msk $0xffff, v51  }
0x169: {  	v12 =	vld [tilespmem:$0x160]  }
0x16a: {  	v52 =	vld [tilespmem:$0x170];
	_ =	sdelay $0x3  }
0x16b: {  	v53 =	vshll.u32 v12, $0x3  }
0x16c: {  	v12 =	vand.u32 $0x7F, v12;
	v54 =	vshll.u32 v52, $0x3;
	v14 =	vand.u32 $0xFFFFFC00, v53  }
0x16d: {  	v13 =	vand.u32 $0x7F, v52;
	v55 =	vand.u32 $0xFFFFFC00, v54;
	v12 =	vor.u32 v12, v14  }
0x16e: {  	v13 =	vor.u32 v13, v55;
	v12 =	vadd.s32 v6, v12  }
0x16f: {  	v13 =	vadd.s32 v7, v13;
	_ =	sdelay $0x3  }
0x170: {  	[tilespmem:v12+s9+$0x0] =	vst.idx.msk $0xffff, v8  }
0x171: {  	s20 =	rddreg [dreg:$0xe];
	[tilespmem:v13+s9+$0x0] =	vst.idx.msk $0xffff, v8  }
0x172: {  	[hbm4b:s20+s2] =	stream.linear.scatter [tilespmem:s11], [sflag:$0x3], $0x8000, $0x38;
	[tilespmem:$0x18400] =	vst v63  }
0x173: {  	_ =	swait.ge [sflag:s12], $0x8000  }
0x174: {  	[sflag:s12] =	ssyncset.done $0x0  }
0x175: {  	[sflag:s12] =	ssyncadd.s32 $0xFFFF8000  }
0x176: {  	v56 =	vld [tilespmem:$0x120]  }
0x177: {  	v57 =	vld [tilespmem:$0x130];
	_ =	sdelay $0x3  }
0x178: {  	v58 =	vshll.u32 v56, $0x3  }
0x179: {  	v59 =	vand.u32 $0x7F, v56;
	v60 =	vshll.u32 v57, $0x3;
	v14 =	vand.u32 $0xFFFFFC00, v58  }
0x17a: {  	v61 =	vand.u32 $0x7F, v57;
	v16 =	vand.u32 $0xFFFFFC00, v60;
	v14 =	vor.u32 v59, v14  }
0x17b: {  	v15 =	vor.u32 v61, v16;
	v14 =	vadd.s32 v2, v14  }
0x17c: {  	vm2 =	veq.s32 v56, $0x0;
	vm3 =	veq.s32 v56, $0x2;
	v15 =	vadd.s32 v3, v15  }
0x17d: {  	vm8 =	veq.s32 v56, $0x1;
	v62 =	vsel vm3, $0x0, v0;
	vm3 =	veq.s32 v57, $0x2  }
0x17e: {  	vm9 =	veq.s32 v57, $0x1;
	v12 =	vsel vm8, $0x3F000000, v62;
	v63 =	vsel vm3, $0x0, v0  }
0x17f: {  	v12 =	vsel vm2, $0x3F800000, v12;
	vm2 =	veq.s32 v57, $0x0;
	v19 =	vsel vm9, $0x3F000000, v63  }
0x180: {  	v20 =	vsel vm2, $0x3F800000, v19;
	[tilespmem:v14+s9+$0x0] =	vst.idx.msk $0xffff, v12  }
0x181: {  	[tilespmem:v15+s9+$0x0] =	vst.idx.msk $0xffff, v20  }
0x182: {  	v12 =	vld [tilespmem:$0x180]  }
0x183: {  	v21 =	vld [tilespmem:$0x190];
	_ =	sdelay $0x3  }
0x184: {  	v22 =	vshll.u32 v12, $0x3  }
0x185: {  	v12 =	vand.u32 $0x7F, v12;
	v23 =	vshll.u32 v21, $0x3;
	v14 =	vand.u32 $0xFFFFFC00, v22  }
0x186: {  	v13 =	vand.u32 $0x7F, v21;
	v24 =	vand.u32 $0xFFFFFC00, v23;
	v12 =	vor.u32 v12, v14  }
0x187: {  	v13 =	vor.u32 v13, v24;
	v12 =	vadd.s32 v2, v12  }
0x188: {  	v13 =	vadd.s32 v3, v13;
	_ =	sdelay $0x3  }
0x189: {  	[tilespmem:v12+s9+$0x0] =	vst.idx.msk $0xffff, v8  }
0x18a: {  	s21 =	rddreg [dreg:$0xf];
	[tilespmem:v13+s9+$0x0] =	vst.idx.msk $0xffff, v8  }
0x18b: {  	[hbm4b:s21+s2] =	stream.linear.scatter [tilespmem:s9], [sflag:$0x1], $0x8000, $0x38;
	[tilespmem:$0x18400] =	vst v63  }
0x18c: {  	_ =	swait.ge [sflag:s13], $0x8000  }
0x18d: {  	[sflag:s13] =	ssyncset.done $0x0  }
0x18e: {  	[sflag:s13] =	ssyncadd.s32 $0xFFFF8000  }
0x18f: {  	v25 =	vld [tilespmem:$0x140]  }
0x190: {  	v26 =	vld [tilespmem:$0x150];
	_ =	sdelay $0x3  }
0x191: {  	v27 =	vshll.u32 v25, $0x3  }
0x192: {  	v28 =	vand.u32 $0x7F, v25;
	v29 =	vshll.u32 v26, $0x3;
	v14 =	vand.u32 $0xFFFFFC00, v27  }
0x193: {  	v30 =	vand.u32 $0x7F, v26;
	v16 =	vand.u32 $0xFFFFFC00, v29;
	v14 =	vor.u32 v28, v14  }
0x194: {  	v15 =	vor.u32 v30, v16;
	v14 =	vadd.s32 v4, v14  }
0x195: {  	vm2 =	veq.s32 v25, $0x0;
	vm3 =	veq.s32 v25, $0x2;
	v15 =	vadd.s32 v5, v15  }
0x196: {  	vm10 =	veq.s32 v25, $0x1;
	v31 =	vsel vm3, $0x0, v0;
	vm3 =	veq.s32 v26, $0x2  }
0x197: {  	vm11 =	veq.s32 v26, $0x1;
	v12 =	vsel vm10, $0x3F000000, v31;
	v32 =	vsel vm3, $0x0, v0  }
0x198: {  	v12 =	vsel vm2, $0x3F800000, v12;
	vm2 =	veq.s32 v26, $0x0;
	v33 =	vsel vm11, $0x3F000000, v32  }
0x199: {  	v34 =	vsel vm2, $0x3F800000, v33;
	[tilespmem:v14+s9+$0x0] =	vst.idx.msk $0xffff, v12  }
0x19a: {  	[tilespmem:v15+s9+$0x0] =	vst.idx.msk $0xffff, v34  }
0x19b: {  	v12 =	vld [tilespmem:$0x1A0]  }
0x19c: {  	v35 =	vld [tilespmem:$0x1B0];
	_ =	sdelay $0x3  }
0x19d: {  	v36 =	vshll.u32 v12, $0x3  }
0x19e: {  	v12 =	vand.u32 $0x7F, v12;
	v37 =	vshll.u32 v35, $0x3;
	v14 =	vand.u32 $0xFFFFFC00, v36  }
0x19f: {  	v13 =	vand.u32 $0x7F, v35;
	v38 =	vand.u32 $0xFFFFFC00, v37;
	v12 =	vor.u32 v12, v14  }
0x1a0: {  	v13 =	vor.u32 v13, v38;
	v12 =	vadd.s32 v4, v12  }
0x1a1: {  	v13 =	vadd.s32 v5, v13;
	_ =	sdelay $0x3  }
0x1a2: {  	[tilespmem:v12+s9+$0x0] =	vst.idx.msk $0xffff, v8  }
0x1a3: {  	s17 =	rddreg [dreg:$0x10];
	[tilespmem:v13+s9+$0x0] =	vst.idx.msk $0xffff, v8  }
0x1a4: {  	[hbm4b:s17+s2] =	stream.linear.scatter [tilespmem:s10], [sflag:$0x2], $0x8000, $0x38;
	[tilespmem:$0x18400] =	vst v63  }
0x1a5: {  	_ =	swait.ge [sflag:s14], $0x8000  }
0x1a6: {  	[sflag:s14] =	ssyncset.done $0x0  }
0x1a7: {  	[sflag:s14] =	ssyncadd.s32 $0xFFFF8000  }
0x1a8: {  	v39 =	vld [tilespmem:$0x160]  }
0x1a9: {  	v40 =	vld [tilespmem:$0x170];
	_ =	sdelay $0x3  }
0x1aa: {  	v41 =	vshll.u32 v39, $0x3  }
0x1ab: {  	v42 =	vand.u32 $0x7F, v39;
	v43 =	vshll.u32 v40, $0x3;
	v14 =	vand.u32 $0xFFFFFC00, v41  }
0x1ac: {  	v44 =	vand.u32 $0x7F, v40;
	v16 =	vand.u32 $0xFFFFFC00, v43;
	v14 =	vor.u32 v42, v14  }
0x1ad: {  	v15 =	vor.u32 v44, v16;
	v14 =	vadd.s32 v6, v14  }
0x1ae: {  	vm2 =	veq.s32 v39, $0x0;
	vm3 =	veq.s32 v39, $0x2;
	v15 =	vadd.s32 v7, v15  }
0x1af: {  	vm12 =	veq.s32 v39, $0x1;
	v45 =	vsel vm3, $0x0, v0;
	vm3 =	veq.s32 v40, $0x2  }
0x1b0: {  	vm13 =	veq.s32 v40, $0x1;
	v12 =	vsel vm12, $0x3F000000, v45;
	v46 =	vsel vm3, $0x0, v0  }
0x1b1: {  	v12 =	vsel vm2, $0x3F800000, v12;
	vm2 =	veq.s32 v40, $0x0;
	v47 =	vsel vm13, $0x3F000000, v46  }
0x1b2: {  	v48 =	vsel vm2, $0x3F800000, v47;
	[tilespmem:v14+s9+$0x0] =	vst.idx.msk $0xffff, v12  }
0x1b3: {  	[tilespmem:v15+s9+$0x0] =	vst.idx.msk $0xffff, v48  }
0x1b4: {  	v12 =	vld [tilespmem:$0x1C0]  }
0x1b5: {  	v49 =	vld [tilespmem:$0x1D0];
	_ =	sdelay $0x3  }
0x1b6: {  	v50 =	vshll.u32 v12, $0x3  }
0x1b7: {  	v12 =	vand.u32 $0x7F, v12;
	v51 =	vshll.u32 v49, $0x3;
	v14 =	vand.u32 $0xFFFFFC00, v50  }
0x1b8: {  	v13 =	vand.u32 $0x7F, v49;
	v52 =	vand.u32 $0xFFFFFC00, v51;
	v12 =	vor.u32 v12, v14  }
0x1b9: {  	v13 =	vor.u32 v13, v52;
	v12 =	vadd.s32 v6, v12  }
0x1ba: {  	v13 =	vadd.s32 v7, v13;
	_ =	sdelay $0x3  }
0x1bb: {  	[tilespmem:v12+s9+$0x0] =	vst.idx.msk $0xffff, v8  }
0x1bc: {  	s18 =	rddreg [dreg:$0x11];
	[tilespmem:v13+s9+$0x0] =	vst.idx.msk $0xffff, v8  }
0x1bd: {  	[hbm4b:s18+s2] =	stream.linear.scatter [tilespmem:s11], [sflag:$0x3], $0x8000, $0x38;
	[tilespmem:$0x18400] =	vst v63  }
0x1be: {  	_ =	swait.ge [sflag:s12], $0x8000  }
0x1bf: {  	[sflag:s12] =	ssyncset.done $0x0  }
0x1c0: {  	[sflag:s12] =	ssyncadd.s32 $0xFFFF8000  }
0x1c1: {  	v53 =	vld [tilespmem:$0x180]  }
0x1c2: {  	v54 =	vld [tilespmem:$0x190];
	_ =	sdelay $0x3  }
0x1c3: {  	v55 =	vshll.u32 v53, $0x3  }
0x1c4: {  	v56 =	vand.u32 $0x7F, v53;
	v57 =	vshll.u32 v54, $0x3;
	v14 =	vand.u32 $0xFFFFFC00, v55  }
0x1c5: {  	v58 =	vand.u32 $0x7F, v54;
	v16 =	vand.u32 $0xFFFFFC00, v57;
	v14 =	vor.u32 v56, v14  }
0x1c6: {  	v15 =	vor.u32 v58, v16;
	v14 =	vadd.s32 v2, v14  }
0x1c7: {  	vm2 =	veq.s32 v53, $0x0;
	vm3 =	veq.s32 v53, $0x2;
	v15 =	vadd.s32 v3, v15  }
0x1c8: {  	vm14 =	veq.s32 v53, $0x1;
	v59 =	vsel vm3, $0x0, v0;
	vm3 =	veq.s32 v54, $0x2  }
0x1c9: {  	vm15 =	veq.s32 v54, $0x1;
	v12 =	vsel vm14, $0x3F000000, v59;
	v60 =	vsel vm3, $0x0, v0  }
0x1ca: {  	v12 =	vsel vm2, $0x3F800000, v12;
	vm2 =	veq.s32 v54, $0x0;
	v61 =	vsel vm15, $0x3F000000, v60  }
0x1cb: {  	v62 =	vsel vm2, $0x3F800000, v61;
	[tilespmem:v14+s9+$0x0] =	vst.idx.msk $0xffff, v12  }
0x1cc: {  	[tilespmem:v15+s9+$0x0] =	vst.idx.msk $0xffff, v62  }
0x1cd: {  	v12 =	vld [tilespmem:$0x1E0]  }
0x1ce: {  	v63 =	vld [tilespmem:$0x1F0];
	_ =	sdelay $0x3  }
0x1cf: {  	v17 =	vshll.u32 v12, $0x3  }
0x1d0: {  	v12 =	vand.u32 $0x7F, v12;
	v18 =	vshll.u32 v63, $0x3;
	v14 =	vand.u32 $0xFFFFFC00, v17  }
0x1d1: {  	v13 =	vand.u32 $0x7F, v63;
	v19 =	vand.u32 $0xFFFFFC00, v18;
	v12 =	vor.u32 v12, v14  }
0x1d2: {  	v13 =	vor.u32 v13, v19;
	v12 =	vadd.s32 v2, v12  }
0x1d3: {  	v13 =	vadd.s32 v3, v13;
	_ =	sdelay $0x3  }
0x1d4: {  	[tilespmem:v12+s9+$0x0] =	vst.idx.msk $0xffff, v8  }
0x1d5: {  	s19 =	rddreg [dreg:$0x12];
	[tilespmem:v13+s9+$0x0] =	vst.idx.msk $0xffff, v8  }
0x1d6: {  	[hbm4b:s19+s2] =	stream.linear.scatter [tilespmem:s9], [sflag:$0x1], $0x8000, $0x38;
	[tilespmem:$0x18400] =	vst v63  }
0x1d7: {  	_ =	swait.ge [sflag:s13], $0x8000  }
0x1d8: {  	[sflag:s13] =	ssyncset.done $0x0  }
0x1d9: {  	[sflag:s13] =	ssyncadd.s32 $0xFFFF8000  }
0x1da: {  	v20 =	vld [tilespmem:$0x1A0]  }
0x1db: {  	v21 =	vld [tilespmem:$0x1B0];
	_ =	sdelay $0x3  }
0x1dc: {  	v22 =	vshll.u32 v20, $0x3  }
0x1dd: {  	v23 =	vand.u32 $0x7F, v20;
	v24 =	vshll.u32 v21, $0x3;
	v14 =	vand.u32 $0xFFFFFC00, v22  }
0x1de: {  	v25 =	vand.u32 $0x7F, v21;
	v16 =	vand.u32 $0xFFFFFC00, v24;
	v14 =	vor.u32 v23, v14  }
0x1df: {  	v15 =	vor.u32 v25, v16;
	v14 =	vadd.s32 v4, v14  }
0x1e0: {  	vm2 =	veq.s32 v20, $0x0;
	vm3 =	veq.s32 v20, $0x2;
	v15 =	vadd.s32 v5, v15  }
0x1e1: {  	vm8 =	veq.s32 v20, $0x1;
	v26 =	vsel vm3, $0x0, v0;
	vm3 =	veq.s32 v21, $0x2  }
0x1e2: {  	vm9 =	veq.s32 v21, $0x1;
	v12 =	vsel vm8, $0x3F000000, v26;
	v27 =	vsel vm3, $0x0, v0  }
0x1e3: {  	v12 =	vsel vm2, $0x3F800000, v12;
	vm2 =	veq.s32 v21, $0x0;
	v28 =	vsel vm9, $0x3F000000, v27  }
0x1e4: {  	v29 =	vsel vm2, $0x3F800000, v28;
	[tilespmem:v14+s9+$0x0] =	vst.idx.msk $0xffff, v12  }
0x1e5: {  	[tilespmem:v15+s9+$0x0] =	vst.idx.msk $0xffff, v29  }
0x1e6: {  	v12 =	vld [tilespmem:$0x200]  }
0x1e7: {  	v30 =	vld [tilespmem:$0x210];
	_ =	sdelay $0x3  }
0x1e8: {  	v31 =	vshll.u32 v12, $0x3  }
0x1e9: {  	v12 =	vand.u32 $0x7F, v12;
	v32 =	vshll.u32 v30, $0x3;
	v14 =	vand.u32 $0xFFFFFC00, v31  }
0x1ea: {  	v13 =	vand.u32 $0x7F, v30;
	v33 =	vand.u32 $0xFFFFFC00, v32;
	v12 =	vor.u32 v12, v14  }
0x1eb: {  	v13 =	vor.u32 v13, v33;
	v12 =	vadd.s32 v4, v12  }
0x1ec: {  	v13 =	vadd.s32 v5, v13;
	_ =	sdelay $0x3  }
0x1ed: {  	[tilespmem:v12+s9+$0x0] =	vst.idx.msk $0xffff, v8  }
0x1ee: {  	s20 =	rddreg [dreg:$0x13];
	[tilespmem:v13+s9+$0x0] =	vst.idx.msk $0xffff, v8  }
0x1ef: {  	[hbm4b:s20+s2] =	stream.linear.scatter [tilespmem:s10], [sflag:$0x2], $0x8000, $0x38;
	[tilespmem:$0x18400] =	vst v63  }
0x1f0: {  	_ =	swait.ge [sflag:s14], $0x8000  }
0x1f1: {  	[sflag:s14] =	ssyncset.done $0x0  }
0x1f2: {  	[sflag:s14] =	ssyncadd.s32 $0xFFFF8000  }
0x1f3: {  	v34 =	vld [tilespmem:$0x1C0]  }
0x1f4: {  	v35 =	vld [tilespmem:$0x1D0];
	_ =	sdelay $0x3  }
0x1f5: {  	v36 =	vshll.u32 v34, $0x3  }
0x1f6: {  	v37 =	vand.u32 $0x7F, v34;
	v38 =	vshll.u32 v35, $0x3;
	v14 =	vand.u32 $0xFFFFFC00, v36  }
0x1f7: {  	v39 =	vand.u32 $0x7F, v35;
	v16 =	vand.u32 $0xFFFFFC00, v38;
	v14 =	vor.u32 v37, v14  }
0x1f8: {  	v15 =	vor.u32 v39, v16;
	v14 =	vadd.s32 v6, v14  }
0x1f9: {  	vm2 =	veq.s32 v34, $0x0;
	vm3 =	veq.s32 v34, $0x2;
	v15 =	vadd.s32 v7, v15  }
0x1fa: {  	vm10 =	veq.s32 v34, $0x1;
	v40 =	vsel vm3, $0x0, v0;
	vm3 =	veq.s32 v35, $0x2  }
0x1fb: {  	vm11 =	veq.s32 v35, $0x1;
	v12 =	vsel vm10, $0x3F000000, v40;
	v41 =	vsel vm3, $0x0, v0  }
0x1fc: {  	v12 =	vsel vm2, $0x3F800000, v12;
	vm2 =	veq.s32 v35, $0x0;
	v42 =	vsel vm11, $0x3F000000, v41  }
0x1fd: {  	v43 =	vsel vm2, $0x3F800000, v42;
	[tilespmem:v14+s9+$0x0] =	vst.idx.msk $0xffff, v12  }
0x1fe: {  	[tilespmem:v15+s9+$0x0] =	vst.idx.msk $0xffff, v43  }
0x1ff: {  	v12 =	vld [tilespmem:$0x220]  }
0x200: {  	v44 =	vld [tilespmem:$0x230];
	_ =	sdelay $0x3  }
0x201: {  	v45 =	vshll.u32 v12, $0x3  }
0x202: {  	v12 =	vand.u32 $0x7F, v12;
	v46 =	vshll.u32 v44, $0x3;
	v14 =	vand.u32 $0xFFFFFC00, v45  }
0x203: {  	v13 =	vand.u32 $0x7F, v44;
	v47 =	vand.u32 $0xFFFFFC00, v46;
	v12 =	vor.u32 v12, v14  }
0x204: {  	v13 =	vor.u32 v13, v47;
	v12 =	vadd.s32 v6, v12  }
0x205: {  	v13 =	vadd.s32 v7, v13;
	_ =	sdelay $0x3  }
0x206: {  	[tilespmem:v12+s9+$0x0] =	vst.idx.msk $0xffff, v8  }
0x207: {  	s21 =	rddreg [dreg:$0x14];
	[tilespmem:v13+s9+$0x0] =	vst.idx.msk $0xffff, v8  }
0x208: {  	[hbm4b:s21+s2] =	stream.linear.scatter [tilespmem:s11], [sflag:$0x3], $0x8000, $0x38;
	[tilespmem:$0x18400] =	vst v63  }
0x209: {  	_ =	swait.ge [sflag:s12], $0x8000  }
0x20a: {  	[sflag:s12] =	ssyncset.done $0x0  }
0x20b: {  	[sflag:s12] =	ssyncadd.s32 $0xFFFF8000  }
0x20c: {  	v48 =	vld [tilespmem:$0x1E0]  }
0x20d: {  	v49 =	vld [tilespmem:$0x1F0];
	_ =	sdelay $0x3  }
0x20e: {  	v50 =	vshll.u32 v48, $0x3  }
0x20f: {  	v51 =	vand.u32 $0x7F, v48;
	v52 =	vshll.u32 v49, $0x3;
	v14 =	vand.u32 $0xFFFFFC00, v50  }
0x210: {  	v53 =	vand.u32 $0x7F, v49;
	v16 =	vand.u32 $0xFFFFFC00, v52;
	v14 =	vor.u32 v51, v14  }
0x211: {  	v15 =	vor.u32 v53, v16;
	v14 =	vadd.s32 v2, v14  }
0x212: {  	vm2 =	veq.s32 v48, $0x0;
	vm3 =	veq.s32 v48, $0x2;
	v15 =	vadd.s32 v3, v15  }
0x213: {  	vm12 =	veq.s32 v48, $0x1;
	v54 =	vsel vm3, $0x0, v0;
	vm3 =	veq.s32 v49, $0x2  }
0x214: {  	vm13 =	veq.s32 v49, $0x1;
	v12 =	vsel vm12, $0x3F000000, v54;
	v55 =	vsel vm3, $0x0, v0  }
0x215: {  	v12 =	vsel vm2, $0x3F800000, v12;
	vm2 =	veq.s32 v49, $0x0;
	v56 =	vsel vm13, $0x3F000000, v55  }
0x216: {  	v57 =	vsel vm2, $0x3F800000, v56;
	[tilespmem:v14+s9+$0x0] =	vst.idx.msk $0xffff, v12  }
0x217: {  	[tilespmem:v15+s9+$0x0] =	vst.idx.msk $0xffff, v57  }
0x218: {  	v12 =	vld [tilespmem:$0x240]  }
0x219: {  	v58 =	vld [tilespmem:$0x250];
	_ =	sdelay $0x3  }
0x21a: {  	v59 =	vshll.u32 v12, $0x3  }
0x21b: {  	v12 =	vand.u32 $0x7F, v12;
	v60 =	vshll.u32 v58, $0x3;
	v14 =	vand.u32 $0xFFFFFC00, v59  }
0x21c: {  	v13 =	vand.u32 $0x7F, v58;
	v61 =	vand.u32 $0xFFFFFC00, v60;
	v12 =	vor.u32 v12, v14  }
0x21d: {  	v13 =	vor.u32 v13, v61;
	v12 =	vadd.s32 v2, v12  }
0x21e: {  	v13 =	vadd.s32 v3, v13;
	_ =	sdelay $0x3  }
0x21f: {  	[tilespmem:v12+s9+$0x0] =	vst.idx.msk $0xffff, v8  }
0x220: {  	[tilespmem:v13+s9+$0x0] =	vst.idx.msk $0xffff, v8  }
0x221: {  	[hbm4b:s22+s2] =	stream.linear.scatter [tilespmem:s9], [sflag:$0x1], $0x8000, $0x38;
	[tilespmem:$0x18400] =	vst v63  }
0x222: {  	_ =	swait.ge [sflag:s13], $0x8000  }
0x223: {  	[sflag:s13] =	ssyncset.done $0x0  }
0x224: {  	[sflag:s13] =	ssyncadd.s32 $0xFFFF8000  }
0x225: {  	v62 =	vld [tilespmem:$0x200]  }
0x226: {  	v63 =	vld [tilespmem:$0x210];
	_ =	sdelay $0x3  }
0x227: {  	v20 =	vshll.u32 v62, $0x3  }
0x228: {  	v21 =	vand.u32 $0x7F, v62;
	v22 =	vshll.u32 v63, $0x3;
	v14 =	vand.u32 $0xFFFFFC00, v20  }
0x229: {  	v23 =	vand.u32 $0x7F, v63;
	v16 =	vand.u32 $0xFFFFFC00, v22;
	v14 =	vor.u32 v21, v14  }
0x22a: {  	v15 =	vor.u32 v23, v16;
	v14 =	vadd.s32 v4, v14  }
0x22b: {  	vm2 =	veq.s32 v62, $0x0;
	vm3 =	veq.s32 v62, $0x2;
	v15 =	vadd.s32 v5, v15  }
0x22c: {  	vm14 =	veq.s32 v62, $0x1;
	v24 =	vsel vm3, $0x0, v0;
	vm3 =	veq.s32 v63, $0x2  }
0x22d: {  	vm15 =	veq.s32 v63, $0x1;
	v12 =	vsel vm14, $0x3F000000, v24;
	v25 =	vsel vm3, $0x0, v0  }
0x22e: {  	v12 =	vsel vm2, $0x3F800000, v12;
	vm2 =	veq.s32 v63, $0x0;
	v26 =	vsel vm15, $0x3F000000, v25  }
0x22f: {  	v27 =	vsel vm2, $0x3F800000, v26;
	[tilespmem:v14+s9+$0x0] =	vst.idx.msk $0xffff, v12  }
0x230: {  	[tilespmem:v15+s9+$0x0] =	vst.idx.msk $0xffff, v27  }
0x231: {  	v12 =	vld [tilespmem:$0x260]  }
0x232: {  	v28 =	vld [tilespmem:$0x270];
	_ =	sdelay $0x3  }
0x233: {  	v29 =	vshll.u32 v12, $0x3  }
0x234: {  	v12 =	vand.u32 $0x7F, v12;
	v30 =	vshll.u32 v28, $0x3;
	v14 =	vand.u32 $0xFFFFFC00, v29  }
0x235: {  	v13 =	vand.u32 $0x7F, v28;
	v31 =	vand.u32 $0xFFFFFC00, v30;
	v12 =	vor.u32 v12, v14  }
0x236: {  	v13 =	vor.u32 v13, v31;
	v12 =	vadd.s32 v4, v12  }
0x237: {  	v13 =	vadd.s32 v5, v13;
	_ =	sdelay $0x3  }
0x238: {  	[tilespmem:v12+s9+$0x0] =	vst.idx.msk $0xffff, v8  }
0x239: {  	[tilespmem:v13+s9+$0x0] =	vst.idx.msk $0xffff, v8  }
0x23a: {  	[hbm4b:s23+s2] =	stream.linear.scatter [tilespmem:s10], [sflag:$0x2], $0x8000, $0x38;
	[tilespmem:$0x18400] =	vst v63  }
0x23b: {  	_ =	swait.ge [sflag:s14], $0x8000  }
0x23c: {  	[sflag:s14] =	ssyncset.done $0x0  }
0x23d: {  	[sflag:s14] =	ssyncadd.s32 $0xFFFF8000  }
0x23e: {  	v32 =	vld [tilespmem:$0x220]  }
0x23f: {  	v33 =	vld [tilespmem:$0x230];
	_ =	sdelay $0x3  }
0x240: {  	v34 =	vshll.u32 v32, $0x3  }
0x241: {  	v35 =	vand.u32 $0x7F, v32;
	v36 =	vshll.u32 v33, $0x3;
	v14 =	vand.u32 $0xFFFFFC00, v34  }
0x242: {  	v37 =	vand.u32 $0x7F, v33;
	v16 =	vand.u32 $0xFFFFFC00, v36;
	v14 =	vor.u32 v35, v14  }
0x243: {  	v15 =	vor.u32 v37, v16;
	v14 =	vadd.s32 v6, v14  }
0x244: {  	vm2 =	veq.s32 v32, $0x0;
	vm3 =	veq.s32 v32, $0x2;
	v15 =	vadd.s32 v7, v15  }
0x245: {  	vm8 =	veq.s32 v32, $0x1;
	v38 =	vsel vm3, $0x0, v0;
	vm3 =	veq.s32 v33, $0x2  }
0x246: {  	vm9 =	veq.s32 v33, $0x1;
	v12 =	vsel vm8, $0x3F000000, v38;
	v39 =	vsel vm3, $0x0, v0  }
0x247: {  	v12 =	vsel vm2, $0x3F800000, v12;
	vm2 =	veq.s32 v33, $0x0;
	v40 =	vsel vm9, $0x3F000000, v39  }
0x248: {  	v41 =	vsel vm2, $0x3F800000, v40;
	[tilespmem:v14+s9+$0x0] =	vst.idx.msk $0xffff, v12  }
0x249: {  	[tilespmem:v15+s9+$0x0] =	vst.idx.msk $0xffff, v41  }
0x24a: {  	v12 =	vld [tilespmem:$0x280]  }
0x24b: {  	v42 =	vld [tilespmem:$0x290];
	_ =	sdelay $0x3  }
0x24c: {  	v43 =	vshll.u32 v12, $0x3  }
0x24d: {  	v12 =	vand.u32 $0x7F, v12;
	v44 =	vshll.u32 v42, $0x3;
	v14 =	vand.u32 $0xFFFFFC00, v43  }
0x24e: {  	v13 =	vand.u32 $0x7F, v42;
	v45 =	vand.u32 $0xFFFFFC00, v44;
	v12 =	vor.u32 v12, v14  }
0x24f: {  	v13 =	vor.u32 v13, v45;
	v12 =	vadd.s32 v6, v12  }
0x250: {  	v13 =	vadd.s32 v7, v13;
	_ =	sdelay $0x3  }
0x251: {  	[tilespmem:v12+s9+$0x0] =	vst.idx.msk $0xffff, v8  }
0x252: {  	[tilespmem:v13+s9+$0x0] =	vst.idx.msk $0xffff, v8  }
0x253: {  	[hbm4b:s24+s2] =	stream.linear.scatter [tilespmem:s11], [sflag:$0x3], $0x8000, $0x38;
	[tilespmem:$0x18400] =	vst v63  }
0x254: {  	_ =	swait.ge [sflag:s12], $0x8000  }
0x255: {  	[sflag:s12] =	ssyncset.done $0x0  }
0x256: {  	[sflag:s12] =	ssyncadd.s32 $0xFFFF8000  }
0x257: {  	v46 =	vld [tilespmem:$0x240]  }
0x258: {  	v47 =	vld [tilespmem:$0x250];
	_ =	sdelay $0x3  }
0x259: {  	v48 =	vshll.u32 v46, $0x3  }
0x25a: {  	v49 =	vand.u32 $0x7F, v46;
	v50 =	vshll.u32 v47, $0x3;
	v14 =	vand.u32 $0xFFFFFC00, v48  }
0x25b: {  	v51 =	vand.u32 $0x7F, v47;
	v16 =	vand.u32 $0xFFFFFC00, v50;
	v14 =	vor.u32 v49, v14  }
0x25c: {  	v15 =	vor.u32 v51, v16;
	v14 =	vadd.s32 v2, v14  }
0x25d: {  	vm2 =	veq.s32 v46, $0x0;
	vm3 =	veq.s32 v46, $0x2;
	v15 =	vadd.s32 v3, v15  }
0x25e: {  	vm10 =	veq.s32 v46, $0x1;
	v52 =	vsel vm3, $0x0, v0;
	vm3 =	veq.s32 v47, $0x2  }
0x25f: {  	vm11 =	veq.s32 v47, $0x1;
	v12 =	vsel vm10, $0x3F000000, v52;
	v53 =	vsel vm3, $0x0, v0  }
0x260: {  	v12 =	vsel vm2, $0x3F800000, v12;
	vm2 =	veq.s32 v47, $0x0;
	v54 =	vsel vm11, $0x3F000000, v53  }
0x261: {  	v55 =	vsel vm2, $0x3F800000, v54;
	[tilespmem:v14+s9+$0x0] =	vst.idx.msk $0xffff, v12  }
0x262: {  	[tilespmem:v15+s9+$0x0] =	vst.idx.msk $0xffff, v55  }
0x263: {  	v12 =	vld [tilespmem:$0x2A0]  }
0x264: {  	v56 =	vld [tilespmem:$0x2B0];
	_ =	sdelay $0x3  }
0x265: {  	v57 =	vshll.u32 v12, $0x3  }
0x266: {  	v12 =	vand.u32 $0x7F, v12;
	v58 =	vshll.u32 v56, $0x3;
	v14 =	vand.u32 $0xFFFFFC00, v57  }
0x267: {  	v13 =	vand.u32 $0x7F, v56;
	v59 =	vand.u32 $0xFFFFFC00, v58;
	v12 =	vor.u32 v12, v14  }
0x268: {  	v13 =	vor.u32 v13, v59;
	v12 =	vadd.s32 v2, v12  }
0x269: {  	v13 =	vadd.s32 v3, v13;
	_ =	sdelay $0x3  }
0x26a: {  	[tilespmem:v12+s9+$0x0] =	vst.idx.msk $0xffff, v8  }
0x26b: {  	[tilespmem:v13+s9+$0x0] =	vst.idx.msk $0xffff, v8  }
0x26c: {  	[hbm4b:s26+s2] =	stream.linear.scatter [tilespmem:s9], [sflag:$0x1], $0x8000, $0x38;
	[tilespmem:$0x18400] =	vst v63  }
0x26d: {  	_ =	swait.ge [sflag:s13], $0x8000  }
0x26e: {  	[sflag:s13] =	ssyncset.done $0x0  }
0x26f: {  	[sflag:s13] =	ssyncadd.s32 $0xFFFF8000  }
0x270: {  	v60 =	vld [tilespmem:$0x260]  }
0x271: {  	v61 =	vld [tilespmem:$0x270];
	_ =	sdelay $0x3  }
0x272: {  	v62 =	vshll.u32 v60, $0x3  }
0x273: {  	v63 =	vand.u32 $0x7F, v60;
	v20 =	vshll.u32 v61, $0x3;
	v14 =	vand.u32 $0xFFFFFC00, v62  }
0x274: {  	v21 =	vand.u32 $0x7F, v61;
	v16 =	vand.u32 $0xFFFFFC00, v20;
	v14 =	vor.u32 v63, v14  }
0x275: {  	v15 =	vor.u32 v21, v16;
	v14 =	vadd.s32 v4, v14  }
0x276: {  	vm2 =	veq.s32 v60, $0x0;
	vm3 =	veq.s32 v60, $0x2;
	v15 =	vadd.s32 v5, v15  }
0x277: {  	vm12 =	veq.s32 v60, $0x1;
	v22 =	vsel vm3, $0x0, v0;
	vm3 =	veq.s32 v61, $0x2  }
0x278: {  	vm13 =	veq.s32 v61, $0x1;
	v12 =	vsel vm12, $0x3F000000, v22;
	v23 =	vsel vm3, $0x0, v0  }
0x279: {  	v12 =	vsel vm2, $0x3F800000, v12;
	vm2 =	veq.s32 v61, $0x0;
	v24 =	vsel vm13, $0x3F000000, v23  }
0x27a: {  	v25 =	vsel vm2, $0x3F800000, v24;
	[tilespmem:v14+s9+$0x0] =	vst.idx.msk $0xffff, v12  }
0x27b: {  	[tilespmem:v15+s9+$0x0] =	vst.idx.msk $0xffff, v25  }
0x27c: {  	v12 =	vld [tilespmem:$0x2C0]  }
0x27d: {  	v26 =	vld [tilespmem:$0x2D0];
	_ =	sdelay $0x3  }
0x27e: {  	v27 =	vshll.u32 v12, $0x3  }
0x27f: {  	v12 =	vand.u32 $0x7F, v12;
	v28 =	vshll.u32 v26, $0x3;
	v14 =	vand.u32 $0xFFFFFC00, v27  }
0x280: {  	v13 =	vand.u32 $0x7F, v26;
	v29 =	vand.u32 $0xFFFFFC00, v28;
	v12 =	vor.u32 v12, v14  }
0x281: {  	v13 =	vor.u32 v13, v29;
	v12 =	vadd.s32 v4, v12  }
0x282: {  	v13 =	vadd.s32 v5, v13;
	_ =	sdelay $0x3  }
0x283: {  	[tilespmem:v12+s9+$0x0] =	vst.idx.msk $0xffff, v8  }
0x284: {  	[tilespmem:v13+s9+$0x0] =	vst.idx.msk $0xffff, v8  }
0x285: {  	[hbm4b:s28+s2] =	stream.linear.scatter [tilespmem:s10], [sflag:$0x2], $0x8000, $0x38;
	[tilespmem:$0x18400] =	vst v63  }
0x286: {  	_ =	swait.ge [sflag:s14], $0x8000  }
0x287: {  	[sflag:s14] =	ssyncset.done $0x0  }
0x288: {  	[sflag:s14] =	ssyncadd.s32 $0xFFFF8000  }
0x289: {  	v30 =	vld [tilespmem:$0x280]  }
0x28a: {  	v31 =	vld [tilespmem:$0x290];
	_ =	sdelay $0x3  }
0x28b: {  	v32 =	vshll.u32 v30, $0x3  }
0x28c: {  	v33 =	vand.u32 $0x7F, v30;
	v34 =	vshll.u32 v31, $0x3;
	v14 =	vand.u32 $0xFFFFFC00, v32  }
0x28d: {  	v35 =	vand.u32 $0x7F, v31;
	v16 =	vand.u32 $0xFFFFFC00, v34;
	v14 =	vor.u32 v33, v14  }
0x28e: {  	v15 =	vor.u32 v35, v16;
	v14 =	vadd.s32 v6, v14  }
0x28f: {  	vm2 =	veq.s32 v30, $0x0;
	vm3 =	veq.s32 v30, $0x2;
	v15 =	vadd.s32 v7, v15  }
0x290: {  	vm14 =	veq.s32 v30, $0x1;
	v36 =	vsel vm3, $0x0, v0;
	vm3 =	veq.s32 v31, $0x2  }
0x291: {  	vm15 =	veq.s32 v31, $0x1;
	v12 =	vsel vm14, $0x3F000000, v36;
	v37 =	vsel vm3, $0x0, v0  }
0x292: {  	v12 =	vsel vm2, $0x3F800000, v12;
	vm2 =	veq.s32 v31, $0x0;
	v38 =	vsel vm15, $0x3F000000, v37  }
0x293: {  	v39 =	vsel vm2, $0x3F800000, v38;
	[tilespmem:v14+s9+$0x0] =	vst.idx.msk $0xffff, v12  }
0x294: {  	[tilespmem:v15+s9+$0x0] =	vst.idx.msk $0xffff, v39  }
0x295: {  	v12 =	vld [tilespmem:$0x2E0]  }
0x296: {  	v40 =	vld [tilespmem:$0x2F0];
	_ =	sdelay $0x3  }
0x297: {  	v41 =	vshll.u32 v12, $0x3  }
0x298: {  	v12 =	vand.u32 $0x7F, v12;
	v42 =	vshll.u32 v40, $0x3;
	v14 =	vand.u32 $0xFFFFFC00, v41  }
0x299: {  	v13 =	vand.u32 $0x7F, v40;
	v43 =	vand.u32 $0xFFFFFC00, v42;
	v12 =	vor.u32 v12, v14  }
0x29a: {  	v13 =	vor.u32 v13, v43;
	v12 =	vadd.s32 v6, v12  }
0x29b: {  	v13 =	vadd.s32 v7, v13;
	_ =	sdelay $0x3  }
0x29c: {  	[tilespmem:v12+s9+$0x0] =	vst.idx.msk $0xffff, v8  }
0x29d: {  	[tilespmem:v13+s9+$0x0] =	vst.idx.msk $0xffff, v8  }
0x29e: {  	[hbm4b:s29+s2] =	stream.linear.scatter [tilespmem:s11], [sflag:$0x3], $0x8000, $0x38;
	[tilespmem:$0x18400] =	vst v63  }
0x29f: {  	_ =	swait.ge [sflag:s12], $0x8000  }
0x2a0: {  	[sflag:s12] =	ssyncset.done $0x0  }
0x2a1: {  	[sflag:s12] =	ssyncadd.s32 $0xFFFF8000  }
0x2a2: {  	v44 =	vld [tilespmem:$0x2A0]  }
0x2a3: {  	v45 =	vld [tilespmem:$0x2B0];
	_ =	sdelay $0x3  }
0x2a4: {  	v46 =	vshll.u32 v44, $0x3  }
0x2a5: {  	v47 =	vand.u32 $0x7F, v44;
	v48 =	vshll.u32 v45, $0x3;
	v14 =	vand.u32 $0xFFFFFC00, v46  }
0x2a6: {  	v49 =	vand.u32 $0x7F, v45;
	v16 =	vand.u32 $0xFFFFFC00, v48;
	v14 =	vor.u32 v47, v14  }
0x2a7: {  	v15 =	vor.u32 v49, v16;
	v14 =	vadd.s32 v2, v14  }
0x2a8: {  	vm2 =	veq.s32 v44, $0x0;
	vm3 =	veq.s32 v44, $0x2;
	v15 =	vadd.s32 v3, v15  }
0x2a9: {  	vm8 =	veq.s32 v44, $0x1;
	v50 =	vsel vm3, $0x0, v0;
	vm3 =	veq.s32 v45, $0x2  }
0x2aa: {  	vm9 =	veq.s32 v45, $0x1;
	v12 =	vsel vm8, $0x3F000000, v50;
	v51 =	vsel vm3, $0x0, v0  }
0x2ab: {  	v12 =	vsel vm2, $0x3F800000, v12;
	vm2 =	veq.s32 v45, $0x0;
	v52 =	vsel vm9, $0x3F000000, v51  }
0x2ac: {  	v53 =	vsel vm2, $0x3F800000, v52;
	[tilespmem:v14+s9+$0x0] =	vst.idx.msk $0xffff, v12  }
0x2ad: {  	[tilespmem:v15+s9+$0x0] =	vst.idx.msk $0xffff, v53  }
0x2ae: {  	v12 =	vld [tilespmem:$0x300]  }
0x2af: {  	v54 =	vld [tilespmem:$0x310];
	_ =	sdelay $0x3  }
0x2b0: {  	v55 =	vshll.u32 v12, $0x3  }
0x2b1: {  	v12 =	vand.u32 $0x7F, v12;
	v56 =	vshll.u32 v54, $0x3;
	v14 =	vand.u32 $0xFFFFFC00, v55  }
0x2b2: {  	v13 =	vand.u32 $0x7F, v54;
	v57 =	vand.u32 $0xFFFFFC00, v56;
	v12 =	vor.u32 v12, v14  }
0x2b3: {  	v13 =	vor.u32 v13, v57;
	v12 =	vadd.s32 v2, v12  }
0x2b4: {  	v13 =	vadd.s32 v3, v13;
	_ =	sdelay $0x3  }
0x2b5: {  	[tilespmem:v12+s9+$0x0] =	vst.idx.msk $0xffff, v8  }
0x2b6: {  	[tilespmem:v13+s9+$0x0] =	vst.idx.msk $0xffff, v8  }
0x2b7: {  	[hbm4b:s30+s2] =	stream.linear.scatter [tilespmem:s9], [sflag:$0x1], $0x8000, $0x38;
	[tilespmem:$0x18400] =	vst v63  }
0x2b8: {  	_ =	swait.ge [sflag:s13], $0x8000  }
0x2b9: {  	[sflag:s13] =	ssyncset.done $0x0  }
0x2ba: {  	[sflag:s13] =	ssyncadd.s32 $0xFFFF8000  }
0x2bb: {  	v58 =	vld [tilespmem:$0x2C0]  }
0x2bc: {  	v59 =	vld [tilespmem:$0x2D0];
	_ =	sdelay $0x3  }
0x2bd: {  	v60 =	vshll.u32 v58, $0x3  }
0x2be: {  	v61 =	vand.u32 $0x7F, v58;
	v62 =	vshll.u32 v59, $0x3;
	v14 =	vand.u32 $0xFFFFFC00, v60  }
0x2bf: {  	v63 =	vand.u32 $0x7F, v59;
	v16 =	vand.u32 $0xFFFFFC00, v62;
	v14 =	vor.u32 v61, v14  }
0x2c0: {  	v15 =	vor.u32 v63, v16;
	v14 =	vadd.s32 v4, v14  }
0x2c1: {  	vm2 =	veq.s32 v58, $0x0;
	vm3 =	veq.s32 v58, $0x2;
	v15 =	vadd.s32 v5, v15  }
0x2c2: {  	vm10 =	veq.s32 v58, $0x1;
	v20 =	vsel vm3, $0x0, v0;
	vm3 =	veq.s32 v59, $0x2  }
0x2c3: {  	vm11 =	veq.s32 v59, $0x1;
	v12 =	vsel vm10, $0x3F000000, v20;
	v21 =	vsel vm3, $0x0, v0  }
0x2c4: {  	v12 =	vsel vm2, $0x3F800000, v12;
	vm2 =	veq.s32 v59, $0x0;
	v22 =	vsel vm11, $0x3F000000, v21  }
0x2c5: {  	v23 =	vsel vm2, $0x3F800000, v22;
	[tilespmem:v14+s9+$0x0] =	vst.idx.msk $0xffff, v12  }
0x2c6: {  	[tilespmem:v15+s9+$0x0] =	vst.idx.msk $0xffff, v23  }
0x2c7: {  	v12 =	vld [tilespmem:$0x320]  }
0x2c8: {  	v24 =	vld [tilespmem:$0x330];
	_ =	sdelay $0x3  }
0x2c9: {  	v25 =	vshll.u32 v12, $0x3  }
0x2ca: {  	v12 =	vand.u32 $0x7F, v12;
	v26 =	vshll.u32 v24, $0x3;
	v14 =	vand.u32 $0xFFFFFC00, v25  }
0x2cb: {  	v13 =	vand.u32 $0x7F, v24;
	v27 =	vand.u32 $0xFFFFFC00, v26;
	v12 =	vor.u32 v12, v14  }
0x2cc: {  	v13 =	vor.u32 v13, v27;
	v12 =	vadd.s32 v4, v12  }
0x2cd: {  	v13 =	vadd.s32 v5, v13;
	_ =	sdelay $0x3  }
0x2ce: {  	[tilespmem:v12+s9+$0x0] =	vst.idx.msk $0xffff, v8  }
0x2cf: {  	[tilespmem:v13+s9+$0x0] =	vst.idx.msk $0xffff, v8  }
0x2d0: {  	[hbm4b:s31+s2] =	stream.linear.scatter [tilespmem:s10], [sflag:$0x2], $0x8000, $0x38;
	[tilespmem:$0x18400] =	vst v63  }
0x2d1: {  	_ =	swait.ge [sflag:s14], $0x8000  }
0x2d2: {  	[sflag:s14] =	ssyncset.done $0x0  }
0x2d3: {  	[sflag:s14] =	ssyncadd.s32 $0xFFFF8000  }
0x2d4: {  	v28 =	vld [tilespmem:$0x2E0]  }
0x2d5: {  	v29 =	vld [tilespmem:$0x2F0];
	_ =	sdelay $0x3  }
0x2d6: {  	v30 =	vshll.u32 v28, $0x3  }
0x2d7: {  	v31 =	vand.u32 $0x7F, v28;
	v32 =	vshll.u32 v29, $0x3;
	v14 =	vand.u32 $0xFFFFFC00, v30  }
0x2d8: {  	v33 =	vand.u32 $0x7F, v29;
	v16 =	vand.u32 $0xFFFFFC00, v32;
	v14 =	vor.u32 v31, v14  }
0x2d9: {  	v15 =	vor.u32 v33, v16;
	v14 =	vadd.s32 v6, v14  }
0x2da: {  	vm2 =	veq.s32 v28, $0x0;
	vm3 =	veq.s32 v28, $0x2;
	v15 =	vadd.s32 v7, v15  }
0x2db: {  	vm12 =	veq.s32 v28, $0x1;
	v34 =	vsel vm3, $0x0, v0;
	vm3 =	veq.s32 v29, $0x2  }
0x2dc: {  	vm13 =	veq.s32 v29, $0x1;
	v12 =	vsel vm12, $0x3F000000, v34;
	v35 =	vsel vm3, $0x0, v0  }
0x2dd: {  	v12 =	vsel vm2, $0x3F800000, v12;
	vm2 =	veq.s32 v29, $0x0;
	v36 =	vsel vm13, $0x3F000000, v35  }
0x2de: {  	v37 =	vsel vm2, $0x3F800000, v36;
	[tilespmem:v14+s9+$0x0] =	vst.idx.msk $0xffff, v12  }
0x2df: {  	[tilespmem:v15+s9+$0x0] =	vst.idx.msk $0xffff, v37  }
0x2e0: {  	v12 =	vld [tilespmem:$0x340]  }
0x2e1: {  	v38 =	vld [tilespmem:$0x350];
	_ =	sdelay $0x3  }
0x2e2: {  	v39 =	vshll.u32 v12, $0x3  }
0x2e3: {  	v12 =	vand.u32 $0x7F, v12;
	v40 =	vshll.u32 v38, $0x3;
	v14 =	vand.u32 $0xFFFFFC00, v39  }
0x2e4: {  	v13 =	vand.u32 $0x7F, v38;
	v41 =	vand.u32 $0xFFFFFC00, v40;
	v12 =	vor.u32 v12, v14  }
0x2e5: {  	v13 =	vor.u32 v13, v41;
	v12 =	vadd.s32 v6, v12  }
0x2e6: {  	v13 =	vadd.s32 v7, v13;
	_ =	sdelay $0x3  }
0x2e7: {  	[tilespmem:v12+s9+$0x0] =	vst.idx.msk $0xffff, v8  }
0x2e8: {  	[tilespmem:v13+s9+$0x0] =	vst.idx.msk $0xffff, v8  }
0x2e9: {  	[hbm4b:s0+s2] =	stream.linear.scatter [tilespmem:s11], [sflag:$0x3], $0x8000, $0x38;
	[tilespmem:$0x18400] =	vst v63  }
0x2ea: {  	_ =	swait.ge [sflag:s12], $0x8000  }
0x2eb: {  	[sflag:s12] =	ssyncset.done $0x0  }
0x2ec: {  	[sflag:s12] =	ssyncadd.s32 $0xFFFF8000  }
0x2ed: {  	v42 =	vld [tilespmem:$0x300]  }
0x2ee: {  	v43 =	vld [tilespmem:$0x310];
	_ =	sdelay $0x3  }
0x2ef: {  	v44 =	vshll.u32 v42, $0x3  }
0x2f0: {  	v45 =	vand.u32 $0x7F, v42;
	v46 =	vshll.u32 v43, $0x3;
	v14 =	vand.u32 $0xFFFFFC00, v44  }
0x2f1: {  	v47 =	vand.u32 $0x7F, v43;
	v16 =	vand.u32 $0xFFFFFC00, v46;
	v14 =	vor.u32 v45, v14  }
0x2f2: {  	v15 =	vor.u32 v47, v16;
	v14 =	vadd.s32 v2, v14  }
0x2f3: {  	vm2 =	veq.s32 v42, $0x0;
	vm3 =	veq.s32 v42, $0x2;
	v15 =	vadd.s32 v3, v15  }
0x2f4: {  	vm14 =	veq.s32 v42, $0x1;
	v48 =	vsel vm3, $0x0, v0;
	vm3 =	veq.s32 v43, $0x2  }
0x2f5: {  	vm15 =	veq.s32 v43, $0x1;
	v12 =	vsel vm14, $0x3F000000, v48;
	v49 =	vsel vm3, $0x0, v0  }
0x2f6: {  	v12 =	vsel vm2, $0x3F800000, v12;
	vm2 =	veq.s32 v43, $0x0;
	v50 =	vsel vm15, $0x3F000000, v49  }
0x2f7: {  	v51 =	vsel vm2, $0x3F800000, v50;
	[tilespmem:v14+s9+$0x0] =	vst.idx.msk $0xffff, v12  }
0x2f8: {  	[tilespmem:v15+s9+$0x0] =	vst.idx.msk $0xffff, v51  }
0x2f9: {  	v12 =	vld [tilespmem:$0x360]  }
0x2fa: {  	v52 =	vld [tilespmem:$0x370];
	_ =	sdelay $0x3  }
0x2fb: {  	v53 =	vshll.u32 v12, $0x3  }
0x2fc: {  	v12 =	vand.u32 $0x7F, v12;
	v54 =	vshll.u32 v52, $0x3;
	v14 =	vand.u32 $0xFFFFFC00, v53  }
0x2fd: {  	v13 =	vand.u32 $0x7F, v52;
	v55 =	vand.u32 $0xFFFFFC00, v54;
	v12 =	vor.u32 v12, v14  }
0x2fe: {  	v13 =	vor.u32 v13, v55;
	v12 =	vadd.s32 v2, v12  }
0x2ff: {  	v13 =	vadd.s32 v3, v13;
	_ =	sdelay $0x3  }
0x300: {  	[tilespmem:v12+s9+$0x0] =	vst.idx.msk $0xffff, v8  }
0x301: {  	[tilespmem:v13+s9+$0x0] =	vst.idx.msk $0xffff, v8  }
0x302: {  	[hbm4b:s1+s2] =	stream.linear.scatter [tilespmem:s9], [sflag:$0x1], $0x8000, $0x38;
	[tilespmem:$0x18400] =	vst v63  }
0x303: {  	_ =	swait.ge [sflag:s13], $0x8000  }
0x304: {  	[sflag:s13] =	ssyncset.done $0x0  }
0x305: {  	[sflag:s13] =	ssyncadd.s32 $0xFFFF8000  }
0x306: {  	v56 =	vld [tilespmem:$0x320]  }
0x307: {  	v57 =	vld [tilespmem:$0x330];
	_ =	sdelay $0x3  }
0x308: {  	v58 =	vshll.u32 v56, $0x3  }
0x309: {  	v59 =	vand.u32 $0x7F, v56;
	v60 =	vshll.u32 v57, $0x3;
	v14 =	vand.u32 $0xFFFFFC00, v58  }
0x30a: {  	v61 =	vand.u32 $0x7F, v57;
	v16 =	vand.u32 $0xFFFFFC00, v60;
	v14 =	vor.u32 v59, v14  }
0x30b: {  	v15 =	vor.u32 v61, v16;
	v14 =	vadd.s32 v4, v14  }
0x30c: {  	vm2 =	veq.s32 v56, $0x0;
	vm3 =	veq.s32 v56, $0x2;
	v15 =	vadd.s32 v5, v15  }
0x30d: {  	vm8 =	veq.s32 v56, $0x1;
	v62 =	vsel vm3, $0x0, v0;
	vm3 =	veq.s32 v57, $0x2  }
0x30e: {  	vm9 =	veq.s32 v57, $0x1;
	v12 =	vsel vm8, $0x3F000000, v62;
	v63 =	vsel vm3, $0x0, v0  }
0x30f: {  	v12 =	vsel vm2, $0x3F800000, v12;
	vm2 =	veq.s32 v57, $0x0;
	v16 =	vsel vm9, $0x3F000000, v63  }
0x310: {  	v17 =	vsel vm2, $0x3F800000, v16;
	[tilespmem:v14+s9+$0x0] =	vst.idx.msk $0xffff, v12  }
0x311: {  	[tilespmem:v15+s9+$0x0] =	vst.idx.msk $0xffff, v17  }
0x312: {  	v12 =	vld [tilespmem:$0x380]  }
0x313: {  	v18 =	vld [tilespmem:$0x390];
	_ =	sdelay $0x3  }
0x314: {  	v19 =	vshll.u32 v12, $0x3  }
0x315: {  	v12 =	vand.u32 $0x7F, v12;
	v20 =	vshll.u32 v18, $0x3;
	v14 =	vand.u32 $0xFFFFFC00, v19  }
0x316: {  	v13 =	vand.u32 $0x7F, v18;
	v21 =	vand.u32 $0xFFFFFC00, v20;
	v12 =	vor.u32 v12, v14  }
0x317: {  	v13 =	vor.u32 v13, v21;
	v12 =	vadd.s32 v4, v12  }
0x318: {  	v13 =	vadd.s32 v5, v13;
	_ =	sdelay $0x3  }
0x319: {  	[tilespmem:v12+s9+$0x0] =	vst.idx.msk $0xffff, v8  }
0x31a: {  	[tilespmem:v13+s9+$0x0] =	vst.idx.msk $0xffff, v8  }
0x31b: {  	[hbm4b:s4+s2] =	stream.linear.scatter [tilespmem:s10], [sflag:$0x2], $0x8000, $0x38;
	[tilespmem:$0x18400] =	vst v63  }
0x31c: {  	_ =	swait.ge [sflag:s14], $0x8000  }
0x31d: {  	[sflag:s14] =	ssyncset.done $0x0  }
0x31e: {  	[sflag:s14] =	ssyncadd.s32 $0xFFFF8000  }
0x31f: {  	v22 =	vld [tilespmem:$0x340]  }
0x320: {  	v23 =	vld [tilespmem:$0x350];
	_ =	sdelay $0x3  }
0x321: {  	v24 =	vshll.u32 v22, $0x3  }
0x322: {  	v25 =	vand.u32 $0x7F, v22;
	v26 =	vshll.u32 v23, $0x3;
	v14 =	vand.u32 $0xFFFFFC00, v24  }
0x323: {  	v27 =	vand.u32 $0x7F, v23;
	v16 =	vand.u32 $0xFFFFFC00, v26;
	v14 =	vor.u32 v25, v14  }
0x324: {  	v15 =	vor.u32 v27, v16;
	v14 =	vadd.s32 v6, v14  }
0x325: {  	vm2 =	veq.s32 v22, $0x0;
	vm3 =	veq.s32 v22, $0x2;
	v15 =	vadd.s32 v7, v15  }
0x326: {  	vm10 =	veq.s32 v22, $0x1;
	v28 =	vsel vm3, $0x0, v0;
	vm3 =	veq.s32 v23, $0x2  }
0x327: {  	vm11 =	veq.s32 v23, $0x1;
	v12 =	vsel vm10, $0x3F000000, v28;
	v29 =	vsel vm3, $0x0, v0  }
0x328: {  	v12 =	vsel vm2, $0x3F800000, v12;
	vm2 =	veq.s32 v23, $0x0;
	v30 =	vsel vm11, $0x3F000000, v29  }
0x329: {  	v31 =	vsel vm2, $0x3F800000, v30;
	[tilespmem:v14+s9+$0x0] =	vst.idx.msk $0xffff, v12  }
0x32a: {  	[tilespmem:v15+s9+$0x0] =	vst.idx.msk $0xffff, v31  }
0x32b: {  	v12 =	vld [tilespmem:$0x3A0]  }
0x32c: {  	v32 =	vld [tilespmem:$0x3B0];
	_ =	sdelay $0x3  }
0x32d: {  	v33 =	vshll.u32 v12, $0x3  }
0x32e: {  	v12 =	vand.u32 $0x7F, v12;
	v34 =	vshll.u32 v32, $0x3;
	v14 =	vand.u32 $0xFFFFFC00, v33  }
0x32f: {  	v13 =	vand.u32 $0x7F, v32;
	v35 =	vand.u32 $0xFFFFFC00, v34;
	v12 =	vor.u32 v12, v14  }
0x330: {  	v13 =	vor.u32 v13, v35;
	v12 =	vadd.s32 v6, v12  }
0x331: {  	v13 =	vadd.s32 v7, v13;
	_ =	sdelay $0x3  }
0x332: {  	[tilespmem:v12+s9+$0x0] =	vst.idx.msk $0xffff, v8  }
0x333: {  	[tilespmem:v13+s9+$0x0] =	vst.idx.msk $0xffff, v8  }
0x334: {  	[hbm4b:s5+s2] =	stream.linear.scatter [tilespmem:s11], [sflag:$0x3], $0x8000, $0x38;
	[tilespmem:$0x18400] =	vst v63  }
0x335: {  	_ =	swait.ge [sflag:s12], $0x8000  }
0x336: {  	[sflag:s12] =	ssyncset.done $0x0  }
0x337: {  	[sflag:s12] =	ssyncadd.s32 $0xFFFF8000  }
0x338: {  	v36 =	vld [tilespmem:$0x360]  }
0x339: {  	v37 =	vld [tilespmem:$0x370];
	_ =	sdelay $0x3  }
0x33a: {  	v38 =	vshll.u32 v36, $0x3  }
0x33b: {  	v39 =	vand.u32 $0x7F, v36;
	v40 =	vshll.u32 v37, $0x3;
	v14 =	vand.u32 $0xFFFFFC00, v38  }
0x33c: {  	v41 =	vand.u32 $0x7F, v37;
	v16 =	vand.u32 $0xFFFFFC00, v40;
	v14 =	vor.u32 v39, v14  }
0x33d: {  	v15 =	vor.u32 v41, v16;
	v14 =	vadd.s32 v2, v14  }
0x33e: {  	vm2 =	veq.s32 v36, $0x0;
	vm3 =	veq.s32 v36, $0x2;
	v15 =	vadd.s32 v3, v15  }
0x33f: {  	vm12 =	veq.s32 v36, $0x1;
	v42 =	vsel vm3, $0x0, v0;
	vm3 =	veq.s32 v37, $0x2  }
0x340: {  	vm13 =	veq.s32 v37, $0x1;
	v12 =	vsel vm12, $0x3F000000, v42;
	v43 =	vsel vm3, $0x0, v0  }
0x341: {  	v12 =	vsel vm2, $0x3F800000, v12;
	vm2 =	veq.s32 v37, $0x0;
	v44 =	vsel vm13, $0x3F000000, v43  }
0x342: {  	v45 =	vsel vm2, $0x3F800000, v44;
	[tilespmem:v14+s9+$0x0] =	vst.idx.msk $0xffff, v12  }
0x343: {  	[tilespmem:v15+s9+$0x0] =	vst.idx.msk $0xffff, v45  }
0x344: {  	v12 =	vld [tilespmem:$0x3C0]  }
0x345: {  	v46 =	vld [tilespmem:$0x3D0];
	_ =	sdelay $0x3  }
0x346: {  	v47 =	vshll.u32 v12, $0x3  }
0x347: {  	v12 =	vand.u32 $0x7F, v12;
	v48 =	vshll.u32 v46, $0x3;
	v14 =	vand.u32 $0xFFFFFC00, v47  }
0x348: {  	v13 =	vand.u32 $0x7F, v46;
	v49 =	vand.u32 $0xFFFFFC00, v48;
	v12 =	vor.u32 v12, v14  }
0x349: {  	v13 =	vor.u32 v13, v49;
	v12 =	vadd.s32 v2, v12  }
0x34a: {  	v13 =	vadd.s32 v3, v13;
	_ =	sdelay $0x3  }
0x34b: {  	[tilespmem:v12+s9+$0x0] =	vst.idx.msk $0xffff, v8  }
0x34c: {  	[tilespmem:v13+s9+$0x0] =	vst.idx.msk $0xffff, v8  }
0x34d: {  	[hbm4b:s6+s2] =	stream.linear.scatter [tilespmem:s9], [sflag:$0x1], $0x8000, $0x38;
	[tilespmem:$0x18400] =	vst v63  }
0x34e: {  	_ =	swait.ge [sflag:s13], $0x8000  }
0x34f: {  	[sflag:s13] =	ssyncset.done $0x0  }
0x350: {  	[sflag:s13] =	ssyncadd.s32 $0xFFFF8000  }
0x351: {  	v50 =	vld [tilespmem:$0x380]  }
0x352: {  	v51 =	vld [tilespmem:$0x390];
	_ =	sdelay $0x3  }
0x353: {  	v52 =	vshll.u32 v50, $0x3  }
0x354: {  	v53 =	vand.u32 $0x7F, v50;
	v54 =	vshll.u32 v51, $0x3;
	v14 =	vand.u32 $0xFFFFFC00, v52  }
0x355: {  	v55 =	vand.u32 $0x7F, v51;
	v16 =	vand.u32 $0xFFFFFC00, v54;
	v14 =	vor.u32 v53, v14  }
0x356: {  	v15 =	vor.u32 v55, v16;
	v14 =	vadd.s32 v4, v14  }
0x357: {  	vm2 =	veq.s32 v50, $0x0;
	vm3 =	veq.s32 v50, $0x2;
	v15 =	vadd.s32 v5, v15  }
0x358: {  	vm14 =	veq.s32 v50, $0x1;
	v56 =	vsel vm3, $0x0, v0;
	vm3 =	veq.s32 v51, $0x2  }
0x359: {  	vm15 =	veq.s32 v51, $0x1;
	v12 =	vsel vm14, $0x3F000000, v56;
	v57 =	vsel vm3, $0x0, v0  }
0x35a: {  	vm3 =	veq.s32 v51, $0x0;
	v12 =	vsel vm2, $0x3F800000, v12;
	v58 =	vsel vm15, $0x3F000000, v57  }
0x35b: {  	v59 =	vsel vm3, $0x3F800000, v58;
	[tilespmem:v14+s9+$0x0] =	vst.idx.msk $0xffff, v12  }
0x35c: {  	[tilespmem:v15+s9+$0x0] =	vst.idx.msk $0xffff, v59  }
0x35d: {  	v12 =	vld [tilespmem:$0x3E0]  }
0x35e: {  	v60 =	vld [tilespmem:$0x3F0];
	_ =	sdelay $0x4  }
0x35f: {  	v13 =	vsel vm1, $0x3FF, v60;
	v61 =	vshll.u32 v12, $0x3  }
0x360: {  	v12 =	vand.u32 $0x7F, v12;
	v14 =	vand.u32 $0xFFFFFC00, v61;
	v62 =	vshll.u32 v13, $0x3  }
0x361: {  	v13 =	vand.u32 $0x7F, v13;
	v12 =	vor.u32 v12, v14;
	v63 =	vand.u32 $0xFFFFFC00, v62  }
0x362: {  	v12 =	vadd.s32 v4, v12;
	v13 =	vor.u32 v13, v63  }
0x363: {  	v13 =	vadd.s32 v5, v13;
	_ =	sdelay $0x3  }
0x364: {  	[tilespmem:v12+s9+$0x0] =	vst.idx.msk $0xffff, v8  }
0x365: {  	[tilespmem:v13+s9+$0x0] =	vst.idx.msk $0xffff, v10  }
0x366: {  	[tilespmem:v11+s9+$0x0] =	vst.idx.msk vm0, v9  }
0x367: {  	[hbm4b:s7+s2] =	stream.linear.scatter [tilespmem:s10], [sflag:$0x2], $0x8000, $0x38;
	[tilespmem:$0x18400] =	vst v63  }
0x368: {  	_ =	swait.ge [sflag:s14], $0x8000  }
0x369: {  	[sflag:s14] =	ssyncset.done $0x0  }
0x36a: {  	s15 =	sadd.s32 $0x1, s15;
	[sflag:s14] =	ssyncadd.s32 $0xFFFF8000  }
0x36b: {  	p0 =	sne.s32 s15, s25;
	_ =	swait.ge [sflag:s12], $0x8000  }
.Ltmp1:
0x36c: {  	[sflag:s12] =	ssyncset.done $0x0;
	(pc) =	sbr.rel @p0 .LBB2_1-.Ltmp1, $4  }
0x36d: {  	[sflag:s12] =	ssyncadd.s32 $0xFFFF8000  }
0x36e: {  	_ =	swait.ge [sflag:s13], $0x8000  }
0x36f: {  	[sflag:s13] =	ssyncset.done $0x0  }
0x370: {  	[sflag:s13] =	ssyncadd.s32 $0xFFFF8000  }
0x371: {  	_ =	sfence.sel $0x180000  }
0x372: {  	[bflag:$0x0] =	sbarrier.arrive $0xFFFF  }
0x373: {  	_ =	strace $0x90000047  }
0x374: {  	s0 =	stileid.u32;
	[bflag:$0x2] =	sbarrier.arrive $0xFFFF  }
0x375: {  	p0 =	sne.s32 s0, $0x0;
	s0 =	rddreg [dreg:$0x2]  }
0x376: {  	s0 =	sadd.s32 @!p0 $0x100000, s0  }
0x377: {  	[sflag:s0] =	ssyncadd.tile.s32 @!p0 $0x1;
	_ =	shalt  }
.Lfunc_end2:
_tile_overlayer_lowered:
.L_overlay_start_2:
0x378: {  	(tag) =	ssettag $0x2  }
0x379: {  	s0 =	rddreg [dreg:$0x0];
	s2 =	stileid.u32  }
0x37a: {  	s1 =	rddreg [dreg:$0x1];
	p0 =	sne.s32 s2, $0x0  }
0x37b: {  	s3 =	rddreg [dreg:$0x2];
	[bflag:$0x3] =	sbarrier.arrive $0xFFFF;
	s2 =	simm.s32 @!p0 $0x1C04  }
0x37c: {  	[timem:s3], [sflag:s2] =	dma.local @!p0 [hbm:s0], s1  }
0x37d: {  	s0 =	simm.s32 @!p0 $0x4  }
0x37e: {  	_ =	swait.ge @!p0 [sflag:s0], s1  }
0x37f: {  	s1 =	ssub.s32 @!p0 $0x0, s1;
	[sflag:s0] =	ssyncset.done @!p0 $0x0  }
0x380: {  	[sflag:s0] =	ssyncadd.s32 @!p0 s1  }
0x381: {  	[bflag:$0x3] =	sbarrier.arrive $0xFFFF  }
0x382: {  	_ =	shalt  }

</sc_bundles>
